<compile_context>
chip_gen: v7x
topology: tpu7x:2x2x1
jax: 0.10.2.dev20260603
libtpu: 0.0.44.dev20260713+nightly
codegen_flags: <defaults>
</compile_context>

<pallas_src>
import jax
import jax.numpy as jnp
from jax import lax
from jax.experimental import pallas as pl
from jax.experimental.pallas import tpu as pltpu
from jax.experimental.pallas import tpu_sc as plsc

_N = 10000
_E = 320000
_HID = 256
_ROWS_BLK = 2000

_NSC = 2
_NT = 16
_NR = 20480
_RT = _NR // _NT
_K = 128
_NCHT = 158
_EPAD = _NT * _NCHT * _K - _E
_SB = 128


def _sc_fused_body(xs, pk1, pk2, s_out, t_out, acc, hist, pkA, pkB, rowsA,
                   rowsB, sb, histv, onesv, semA, semB):
    c = lax.axis_index("c")
    s = lax.axis_index("s")
    r0 = s * _RT
    cb = (c * _NT + s) * _NCHT
    z16 = jnp.zeros((16,), jnp.float32)
    one16 = jnp.ones((16,), jnp.float32)
    n_strips = _RT // _SB
    lane_splats = [jnp.full((16, 1), r, jnp.int32) for r in range(16)]
    _gd = lax.GatherDimensionNumbers(
        offset_dims=(), collapsed_slice_dims=(0,), start_index_map=(0,))

    def _zero_acc_hist():
        def _zstrip(st, carry):
            pltpu.sync_copy(rowsA.at[pl.ds(0, _SB)],
                            acc.at[pl.ds(r0 + st * _SB, _SB)])
            return carry
        lax.fori_loop(0, n_strips, _zstrip, 0)
        pltpu.sync_copy(histv, hist.at[pl.ds(r0, _RT)])

    def _edge_loop(table, pk):
        pltpu.sync_copy(pk.at[cb], pkA)
        pltpu.async_copy(table.at[pkA.at[0]], rowsA, semA)
        pltpu.sync_copy(pk.at[cb + 1], pkB)
        pltpu.async_copy(table.at[pkB.at[0]], rowsB, semB)

        def _pair(p, carry):
            a = 2 * p
            pltpu.make_async_copy(table.at[pl.ds(0, _K)], rowsA, semA).wait()
            pltpu.sync_copy(rowsA, acc.at[pkA.at[1]], add=True)
            pltpu.sync_copy(onesv, hist.at[pkA.at[1]], add=True)

            @pl.when(a + 2 < _NCHT)
            def _():
                pltpu.sync_copy(pk.at[cb + a + 2], pkA)
                pltpu.async_copy(table.at[pkA.at[0]], rowsA, semA)

            pltpu.make_async_copy(table.at[pl.ds(0, _K)], rowsB, semB).wait()
            pltpu.sync_copy(rowsB, acc.at[pkB.at[1]], add=True)
            pltpu.sync_copy(onesv, hist.at[pkB.at[1]], add=True)

            @pl.when(a + 3 < _NCHT)
            def _():
                pltpu.sync_copy(pk.at[cb + a + 3], pkB)
                pltpu.async_copy(table.at[pkB.at[0]], rowsB, semB)
            return carry
        lax.fori_loop(0, _NCHT // 2, _pair, 0)

    def _finalize(dst, rezero):
        if rezero:
            def _rz(i, carry):
                for j in range(4):
                    rowsA[i, pl.ds(j * 16, 16)] = z16
                return carry
            lax.fori_loop(0, _SB, _rz, 0)
        pltpu.sync_copy(hist.at[pl.ds(r0, _RT)], histv)

        def _inv(g, carry):
            hv = histv[pl.ds(g * 16, 16)]
            histv[pl.ds(g * 16, 16)] = jnp.where(hv > 0.0, 1.0 / hv, 0.0)
            return carry
        lax.fori_loop(0, _RT // 16, _inv, 0)

        def _fstrip(st, carry):
            pltpu.sync_copy(acc.at[pl.ds(r0 + st * _SB, _SB)], sb)

            def _grp(g, carry2):
                inv16 = histv[pl.ds(st * _SB + g * 16, 16)]
                for r in range(16):
                    splat = lax.gather(
                        inv16, lane_splats[r], _gd, slice_sizes=(1,),
                        mode=lax.GatherScatterMode.PROMISE_IN_BOUNDS)
                    row = g * 16 + r
                    for j in range(4):
                        sb[row, pl.ds(j * 16, 16)] = sb[row, pl.ds(j * 16, 16)] * splat
                return carry2
            lax.fori_loop(0, _SB // 16, _grp, 0)
            pltpu.sync_copy(sb, dst.at[pl.ds(c * _NR + r0 + st * _SB, _SB)])
            if rezero:
                pltpu.sync_copy(rowsA.at[pl.ds(0, _SB)],
                                acc.at[pl.ds(r0 + st * _SB, _SB)])
            return carry
        lax.fori_loop(0, n_strips, _fstrip, 0)
        if rezero:
            def _zh(g, carry):
                histv[pl.ds(g * 16, 16)] = z16
                return carry
            lax.fori_loop(0, _RT // 16, _zh, 0)
            pltpu.sync_copy(histv, hist.at[pl.ds(r0, _RT)])

    def _zrow(i, carry):
        for j in range(4):
            rowsA[i, pl.ds(j * 16, 16)] = z16
        return carry
    lax.fori_loop(0, _K, _zrow, 0)

    def _zhist(i, carry):
        histv[pl.ds(i * 16, 16)] = z16
        return carry
    lax.fori_loop(0, _RT // 16, _zhist, 0)
    for j in range(_K // 16):
        onesv[pl.ds(j * 16, 16)] = one16
    _zero_acc_hist()
    plsc.subcore_barrier()

    _edge_loop(xs, pk1)
    plsc.subcore_barrier()
    _finalize(t_out, rezero=True)
    plsc.subcore_barrier()

    _edge_loop(t_out, pk2)
    plsc.subcore_barrier()
    _finalize(s_out, rezero=False)


def _sc_fused(xs, pk1, pk2):
    mesh = plsc.VectorSubcoreMesh(core_axis_name="c", subcore_axis_name="s")
    f = pl.kernel(
        _sc_fused_body,
        mesh=mesh,
        out_type=[
            jax.ShapeDtypeStruct((_NSC * _NR, 64), jnp.float32),
            jax.ShapeDtypeStruct((_NSC * _NR, 64), jnp.float32),
        ],
        scratch_types=[
            pltpu.VMEM_SHARED((_NR, 64), jnp.float32),
            pltpu.VMEM_SHARED((_NR,), jnp.float32),
            pltpu.VMEM((2, _K), jnp.int32),
            pltpu.VMEM((2, _K), jnp.int32),
            pltpu.VMEM((_K, 64), jnp.float32),
            pltpu.VMEM((_K, 64), jnp.float32),
            pltpu.VMEM((_SB, 64), jnp.float32),
            pltpu.VMEM((_RT,), jnp.float32),
            pltpu.VMEM((_K,), jnp.float32),
            pltpu.SemaphoreType.DMA,
            pltpu.SemaphoreType.DMA,
        ],
        compiler_params=pltpu.CompilerParams(use_tc_tiling_on_sc=False),
    )
    return f(xs, pk1, pk2)


def _dense_body(s_ref, W2_ref, b2_ref, mixW_ref, mixb_ref,
                Wih_ref, bih_ref, bhh_ref, roW_ref, rob_ref, h_ref, o_ref):
    s = s_ref[...]
    u = jnp.dot(s, W2_ref[...], preferred_element_type=jnp.float32) + b2_ref[...]
    h = jnp.maximum(
        jnp.dot(u, mixW_ref[...], preferred_element_type=jnp.float32) + mixb_ref[...],
        0.0)
    gi = jnp.dot(h, Wih_ref[...], preferred_element_type=jnp.float32) + bih_ref[...]
    bhh = bhh_ref[...]
    r = jax.nn.sigmoid(gi[:, 0:_HID] + bhh[:, 0:_HID])
    z = jax.nn.sigmoid(gi[:, _HID:2 * _HID] + bhh[:, _HID:2 * _HID])
    n = jnp.tanh(gi[:, 2 * _HID:] + r * bhh[:, 2 * _HID:])
    hn = (1.0 - z) * n
    h_ref[...] = hn
    o_ref[...] = jnp.dot(hn, roW_ref[...], preferred_element_type=jnp.float32) + rob_ref[...]


def _dense_stage(s_cat, W2, b2, mix_W, mix_b, Wih, bih, bhh, ro_W, ro_b):
    grid = (_N // _ROWS_BLK,)
    full = lambda shape: pl.BlockSpec(shape, lambda i: (0, 0))
    return pl.pallas_call(
        _dense_body,
        grid=grid,
        in_specs=[
            pl.BlockSpec((_ROWS_BLK, 256), lambda i: (i, 0)),
            full((256, 512)),
            full((1, 512)),
            full((512, 256)),
            full((1, 256)),
            full((256, 768)),
            full((1, 768)),
            full((1, 768)),
            full((256, 256)),
            full((1, 256)),
        ],
        out_specs=[
            pl.BlockSpec((_ROWS_BLK, 256), lambda i: (i, 0)),
            pl.BlockSpec((_ROWS_BLK, 256), lambda i: (i, 0)),
        ],
        out_shape=[
            jax.ShapeDtypeStruct((_N, 256), jnp.float32),
            jax.ShapeDtypeStruct((_N, 256), jnp.float32),
        ],
    )(s_cat, W2, b2, mix_W, mix_b, Wih, bih, bhh, ro_W, ro_b)


def kernel(x, edge_index, edge_attr, W0, b0, W1, b1, mix_W, mix_b,
           gru_Wih, gru_Whh, gru_bih, gru_bhh, ro_W, ro_b):
    del gru_Whh
    src = edge_index[0]
    dst = edge_index[1]
    ety = edge_attr

    cdst = dst + _N * ety
    csrc = src + _N * ety

    def _pack(g, sidx, goff1):
        gp = jnp.concatenate(
            [g, jnp.arange(_EPAD, dtype=jnp.int32) % _N])
        sp = jnp.concatenate(
            [sidx, 2 * _N + jnp.arange(_EPAD, dtype=jnp.int32) % (_NR - 2 * _N)])
        g2 = jnp.stack([gp, gp + goff1]).reshape(2, _NT * _NCHT, 1, _K)
        s2 = jnp.broadcast_to(
            sp.reshape(1, _NT * _NCHT, 1, _K), (2, _NT * _NCHT, 1, _K))
        return jnp.concatenate([g2, s2], axis=2).reshape(-1, 2, _K)

    pk1 = _pack(src, cdst, _N)
    pk2 = _pack(cdst, csrc, _NR)

    xs = jnp.concatenate([x[:, :64], x[:, 64:]], axis=0)

    s, _t = _sc_fused(xs, pk1, pk2)

    s_cat = jnp.concatenate(
        [s[0:_N], s[_NR:_NR + _N], s[_N:2 * _N], s[_NR + _N:_NR + 2 * _N]],
        axis=1)

    W2 = jnp.zeros((256, 512), jnp.float32)
    W2 = W2.at[:128, :256].set(W0).at[128:, 256:].set(W1)
    b2 = jnp.concatenate([b0, b1])[None, :]

    h_next, o = _dense_stage(
        s_cat, W2, b2, mix_W, mix_b[None, :], gru_Wih, gru_bih[None, :],
        gru_bhh[None, :], ro_W, ro_b[None, :])
    return (h_next, o[:, :3])

# --- scband reference (transcript-rebuilt; emitter-appended) ---
"""Pipeline reference for scband-dyn-growing-hnn-14422500180293 (READ-ONLY COPY).

The authoritative reference and input builder live on the scoring server;
editing this copy changes nothing except your own understanding.
"""

import jax, jax.numpy as jnp
import numpy as np

N = 10000
E = 320000
IN_DIM = 128
HID = 256
OUT_DIM = 256
NUM_ETYPES = 2


def _hconv(x, ei, W, b, w):
    # PyG HypergraphConv (heads=1): X' = D^{-1} H W_e B^{-1} H^T (X Theta) + bias
    xl = x @ W
    src = ei[0]  # node indices
    dst = ei[1]  # hyperedge indices (node ids reused as hyperedge ids)
    D = jax.ops.segment_sum(w, src, num_segments=N)
    D = jnp.where(D > 0, 1.0 / D, 0.0)
    B = jax.ops.segment_sum(w, dst, num_segments=N)
    B = jnp.where(B > 0, 1.0 / B, 0.0)
    e_out = B[:, None] * jax.ops.segment_sum(w[:, None] * xl[src], dst, num_segments=N)
    n_out = D[:, None] * jax.ops.segment_sum(w[:, None] * e_out[dst], src, num_segments=N)
    return n_out + b


def setup_inputs(seed: int = 0):
    key = jax.random.key(seed)
    ks = jax.random.split(key, 16)
    x = jax.random.normal(ks[0], (N, IN_DIM), dtype=jnp.float32)
    edge_index = jax.random.randint(ks[1], (2, E), 0, N, dtype=jnp.int32)
    edge_attr = jax.random.randint(ks[2], (E,), 0, NUM_ETYPES, dtype=jnp.int32)

    def p(k, shape):
        return jax.random.normal(k, shape, dtype=jnp.float32) * 0.05

    return {
        "x": x,
        "edge_index": edge_index,
        "edge_attr": edge_attr,
        "W0": p(ks[3], (IN_DIM, HID)),
        "b0": p(ks[4], (HID,)),
        "W1": p(ks[5], (IN_DIM, HID)),
        "b1": p(ks[6], (HID,)),
        "mix_W": p(ks[7], (NUM_ETYPES * HID, HID)),
        "mix_b": p(ks[8], (HID,)),
        "gru_Wih": p(ks[9], (HID, 3 * HID)),
        "gru_Whh": p(ks[10], (HID, 3 * HID)),
        "gru_bih": p(ks[11], (3 * HID,)),
        "gru_bhh": p(ks[12], (3 * HID,)),
        "ro_W": p(ks[13], (HID, OUT_DIM)),
        "ro_b": p(ks[14], (OUT_DIM,)),
    }


def reference(x, edge_index, edge_attr, W0, b0, W1, b1, mix_W, mix_b,
              gru_Wih, gru_Whh, gru_bih, gru_bhh, ro_W, ro_b):
    convs = [(W0, b0), (W1, b1)]
    outs = []
    for etype in range(NUM_ETYPES):
        w = (edge_attr == etype).astype(jnp.float32)
        outs.append(_hconv(x, edge_index, convs[etype][0], convs[etype][1], w))
    h = jax.nn.relu(jnp.concatenate(outs, axis=1) @ mix_W + mix_b)
    # GRUCell with zero initial hidden state (state_prev=None)
    h_prev = jnp.zeros((h.shape[0], HID), dtype=jnp.float32)
    gi = h @ gru_Wih + gru_bih
    gh = h_prev @ gru_Whh + gru_bhh
    i_r, i_z, i_n = jnp.split(gi, 3, axis=1)
    h_r, h_z, h_n = jnp.split(gh, 3, axis=1)
    r = jax.nn.sigmoid(i_r + h_r)
    z = jax.nn.sigmoid(i_z + h_z)
    n = jnp.tanh(i_n + r * h_n)
    h_next = (1.0 - z) * n + z * h_prev
    out = (h_next @ ro_W + ro_b)[:, :3]
    return (h_next, out)

if __name__ == "__main__":
    import jax
    _d = setup_inputs()
    print(jax.jit(kernel)(*tuple(_d.values())))

</pallas_src>

<mosaic_0001>
#map = affine_map<(d0, d1) -> (0, 0)>
#map1 = affine_map<(d0, d1) -> (0, 0, 0)>
module attributes {stable_mosaic.version = 14 : i64} {
  func.func @_sc_fused_body(%arg0: i32, %arg1: i32, %arg2: memref<20000x64xf32, #tpu.memory_space<hbm>>, %arg3: memref<5056x2x128xi32, #tpu.memory_space<hbm>>, %arg4: memref<5056x2x128xi32, #tpu.memory_space<hbm>>, %arg5: memref<40960x64xf32, #tpu.memory_space<hbm>>, %arg6: memref<40960x64xf32, #tpu.memory_space<hbm>>, %arg7: memref<20480x64xf32, #tpu.memory_space<vmem_shared>>, %arg8: memref<20480xf32, #tpu.memory_space<vmem_shared>>, %arg9: memref<2x128xi32, #tpu.memory_space<vmem>>, %arg10: memref<2x128xi32, #tpu.memory_space<vmem>>, %arg11: memref<128x64xf32, #tpu.memory_space<vmem>>, %arg12: memref<128x64xf32, #tpu.memory_space<vmem>>, %arg13: memref<128x64xf32, #tpu.memory_space<vmem>>, %arg14: memref<1280xf32, #tpu.memory_space<vmem>>, %arg15: memref<128xf32, #tpu.memory_space<vmem>>, %arg16: memref<!tpu.dma_semaphore, #tpu.memory_space<semaphore_mem>>, %arg17: memref<!tpu.dma_semaphore, #tpu.memory_space<semaphore_mem>>) attributes {dimension_semantics = [#tpu.dimension_semantics<core_parallel>, #tpu.dimension_semantics<subcore_parallel>], iteration_bounds = array<i64: 2, 16>, scalar_prefetch = 0 : i64, scratch_operands = 11 : i64, tpu.core_type = #tpu.core_type<sc_vector_subcore>, window_params = [{transform_indices = #map}, {transform_indices = #map1}, {transform_indices = #map1}, {transform_indices = #map}, {transform_indices = #map}]} {
    %mul3A = arith.constant 1280 : i32
    %mul3A_0 = arith.muli %arg1, %mul3A : i32
    %mul3A_1 = arith.constant 16 : i32
    %mul3A_2 = arith.muli %arg0, %mul3A_1 : i32
    %add3A = arith.addi %mul3A_2, %arg1 : i32
    %mul3A_3 = arith.constant 158 : i32
    %mul3A_4 = arith.muli %add3A, %mul3A_3 : i32
    %broadcast_in_dim3A = arith.constant 0.000000e+00 : f32
    %broadcast_in_dim3A_5 = vector.broadcast %broadcast_in_dim3A : f32 to vector<16xf32>
    %broadcast_in_dim3A_6 = arith.constant 1.000000e+00 : f32
    %broadcast_in_dim3A_7 = vector.broadcast %broadcast_in_dim3A_6 : f32 to vector<16xf32>
    %broadcast_in_dim3A_8 = arith.constant 0 : i32
    %broadcast_in_dim3A_9 = vector.broadcast %broadcast_in_dim3A_8 : i32 to vector<16x1xi32>
    %broadcast_in_dim3A_10 = arith.constant 1 : i32
    %broadcast_in_dim3A_11 = vector.broadcast %broadcast_in_dim3A_10 : i32 to vector<16x1xi32>
    %broadcast_in_dim3A_12 = arith.constant 2 : i32
    %broadcast_in_dim3A_13 = vector.broadcast %broadcast_in_dim3A_12 : i32 to vector<16x1xi32>
    %broadcast_in_dim3A_14 = arith.constant 3 : i32
    %broadcast_in_dim3A_15 = vector.broadcast %broadcast_in_dim3A_14 : i32 to vector<16x1xi32>
    %broadcast_in_dim3A_16 = arith.constant 4 : i32
    %broadcast_in_dim3A_17 = vector.broadcast %broadcast_in_dim3A_16 : i32 to vector<16x1xi32>
    %broadcast_in_dim3A_18 = arith.constant 5 : i32
    %broadcast_in_dim3A_19 = vector.broadcast %broadcast_in_dim3A_18 : i32 to vector<16x1xi32>
    %broadcast_in_dim3A_20 = arith.constant 6 : i32
    %broadcast_in_dim3A_21 = vector.broadcast %broadcast_in_dim3A_20 : i32 to vector<16x1xi32>
    %broadcast_in_dim3A_22 = arith.constant 7 : i32
    %broadcast_in_dim3A_23 = vector.broadcast %broadcast_in_dim3A_22 : i32 to vector<16x1xi32>
    %broadcast_in_dim3A_24 = arith.constant 8 : i32
    %broadcast_in_dim3A_25 = vector.broadcast %broadcast_in_dim3A_24 : i32 to vector<16x1xi32>
    %broadcast_in_dim3A_26 = arith.constant 9 : i32
    %broadcast_in_dim3A_27 = vector.broadcast %broadcast_in_dim3A_26 : i32 to vector<16x1xi32>
    %broadcast_in_dim3A_28 = arith.constant 10 : i32
    %broadcast_in_dim3A_29 = vector.broadcast %broadcast_in_dim3A_28 : i32 to vector<16x1xi32>
    %broadcast_in_dim3A_30 = arith.constant 11 : i32
    %broadcast_in_dim3A_31 = vector.broadcast %broadcast_in_dim3A_30 : i32 to vector<16x1xi32>
    %broadcast_in_dim3A_32 = arith.constant 12 : i32
    %broadcast_in_dim3A_33 = vector.broadcast %broadcast_in_dim3A_32 : i32 to vector<16x1xi32>
    %broadcast_in_dim3A_34 = arith.constant 13 : i32
    %broadcast_in_dim3A_35 = vector.broadcast %broadcast_in_dim3A_34 : i32 to vector<16x1xi32>
    %broadcast_in_dim3A_36 = arith.constant 14 : i32
    %broadcast_in_dim3A_37 = vector.broadcast %broadcast_in_dim3A_36 : i32 to vector<16x1xi32>
    %broadcast_in_dim3A_38 = arith.constant 15 : i32
    %broadcast_in_dim3A_39 = vector.broadcast %broadcast_in_dim3A_38 : i32 to vector<16x1xi32>
    %scan3A = arith.constant 0 : i32
    %scan3A_40 = arith.constant 0 : i32
    %scan3A_41 = arith.constant 128 : i32
    %scan3A_42 = arith.addi %scan3A_40, %scan3A_41 : i32
    %scan3A_43 = arith.constant 1 : i32
    scf.for %scan3A_170 = %scan3A_40 to %scan3A_42 step %scan3A_43  : i32 {
      %swap3A_171 = arith.index_cast %scan3A_170 : i32 to index
      %swap3A_172 = arith.constant 0 : index
      %swap3A_173 = tpu.vector_load %arg11[%swap3A_171, %swap3A_172] {strides = array<i32>} : memref<128x64xf32, #tpu.memory_space<vmem>>, vector<1x16xf32>,
      %swap3A_174 = vector.shape_cast %swap3A_173 : vector<1x16xf32> to vector<16xf32>
      %swap3A_175 = vector.shape_cast %broadcast_in_dim3A_5 : vector<16xf32> to vector<1x16xf32>
      tpu.vector_store %arg11[%swap3A_171, %swap3A_172], %swap3A_175 {strides = array<i32>} : memref<128x64xf32, #tpu.memory_space<vmem>>, vector<1x16xf32>,
      %swap3A_176 = arith.index_cast %scan3A_170 : i32 to index
      %swap3A_177 = arith.constant 16 : index
      %swap3A_178 = tpu.vector_load %arg11[%swap3A_176, %swap3A_177] {strides = array<i32>} : memref<128x64xf32, #tpu.memory_space<vmem>>, vector<1x16xf32>,
      %swap3A_179 = vector.shape_cast %swap3A_178 : vector<1x16xf32> to vector<16xf32>
      %swap3A_180 = vector.shape_cast %broadcast_in_dim3A_5 : vector<16xf32> to vector<1x16xf32>
      tpu.vector_store %arg11[%swap3A_176, %swap3A_177], %swap3A_180 {strides = array<i32>} : memref<128x64xf32, #tpu.memory_space<vmem>>, vector<1x16xf32>,
      %swap3A_181 = arith.index_cast %scan3A_170 : i32 to index
      %swap3A_182 = arith.constant 32 : index
      %swap3A_183 = tpu.vector_load %arg11[%swap3A_181, %swap3A_182] {strides = array<i32>} : memref<128x64xf32, #tpu.memory_space<vmem>>, vector<1x16xf32>,
      %swap3A_184 = vector.shape_cast %swap3A_183 : vector<1x16xf32> to vector<16xf32>
      %swap3A_185 = vector.shape_cast %broadcast_in_dim3A_5 : vector<16xf32> to vector<1x16xf32>
      tpu.vector_store %arg11[%swap3A_181, %swap3A_182], %swap3A_185 {strides = array<i32>} : memref<128x64xf32, #tpu.memory_space<vmem>>, vector<1x16xf32>,
      %swap3A_186 = arith.index_cast %scan3A_170 : i32 to index
      %swap3A_187 = arith.constant 48 : index
      %swap3A_188 = tpu.vector_load %arg11[%swap3A_186, %swap3A_187] {strides = array<i32>} : memref<128x64xf32, #tpu.memory_space<vmem>>, vector<1x16xf32>,
      %swap3A_189 = vector.shape_cast %swap3A_188 : vector<1x16xf32> to vector<16xf32>
      %swap3A_190 = vector.shape_cast %broadcast_in_dim3A_5 : vector<16xf32> to vector<1x16xf32>
      tpu.vector_store %arg11[%swap3A_186, %swap3A_187], %swap3A_190 {strides = array<i32>} : memref<128x64xf32, #tpu.memory_space<vmem>>, vector<1x16xf32>,
    }
    %scan3A_44 = arith.constant 128 : i32
    %scan3A_45 = arith.constant 0 : i32
    %scan3A_46 = arith.constant 0 : i32
    %scan3A_47 = arith.constant 80 : i32
    %scan3A_48 = arith.addi %scan3A_46, %scan3A_47 : i32
    %scan3A_49 = arith.constant 1 : i32
    scf.for %scan3A_170 = %scan3A_46 to %scan3A_48 step %scan3A_49  : i32 {
      %mul3A_171 = arith.constant 16 : i32
      %mul3A_172 = arith.muli %scan3A_170, %mul3A_171 : i32
      %swap3A_173 = arith.index_cast %mul3A_172 : i32 to index
      %swap3A_174 = tpu.vector_load %arg14[%swap3A_173] {strides = array<i32>} : memref<1280xf32, #tpu.memory_space<vmem>>, vector<16xf32>,
      %swap3A_175 = vector.shape_cast %swap3A_174 : vector<16xf32> to vector<16xf32>
      %swap3A_176 = vector.shape_cast %broadcast_in_dim3A_5 : vector<16xf32> to vector<16xf32>
      tpu.vector_store %arg14[%swap3A_173], %swap3A_176 {strides = array<i32>} : memref<1280xf32, #tpu.memory_space<vmem>>, vector<16xf32>,
    }
    %scan3A_50 = arith.constant 80 : i32
    %swap3A = arith.constant 0 : index
    %swap3A_51 = tpu.vector_load %arg15[%swap3A] {strides = array<i32>} : memref<128xf32, #tpu.memory_space<vmem>>, vector<16xf32>,
    %swap3A_52 = vector.shape_cast %swap3A_51 : vector<16xf32> to vector<16xf32>
    %swap3A_53 = vector.shape_cast %broadcast_in_dim3A_7 : vector<16xf32> to vector<16xf32>
    tpu.vector_store %arg15[%swap3A], %swap3A_53 {strides = array<i32>} : memref<128xf32, #tpu.memory_space<vmem>>, vector<16xf32>,
    %swap3A_54 = arith.constant 16 : index
    %swap3A_55 = tpu.vector_load %arg15[%swap3A_54] {strides = array<i32>} : memref<128xf32, #tpu.memory_space<vmem>>, vector<16xf32>,
    %swap3A_56 = vector.shape_cast %swap3A_55 : vector<16xf32> to vector<16xf32>
    %swap3A_57 = vector.shape_cast %broadcast_in_dim3A_7 : vector<16xf32> to vector<16xf32>
    tpu.vector_store %arg15[%swap3A_54], %swap3A_57 {strides = array<i32>} : memref<128xf32, #tpu.memory_space<vmem>>, vector<16xf32>,
    %swap3A_58 = arith.constant 32 : index
    %swap3A_59 = tpu.vector_load %arg15[%swap3A_58] {strides = array<i32>} : memref<128xf32, #tpu.memory_space<vmem>>, vector<16xf32>,
    %swap3A_60 = vector.shape_cast %swap3A_59 : vector<16xf32> to vector<16xf32>
    %swap3A_61 = vector.shape_cast %broadcast_in_dim3A_7 : vector<16xf32> to vector<16xf32>
    tpu.vector_store %arg15[%swap3A_58], %swap3A_61 {strides = array<i32>} : memref<128xf32, #tpu.memory_space<vmem>>, vector<16xf32>,
    %swap3A_62 = arith.constant 48 : index
    %swap3A_63 = tpu.vector_load %arg15[%swap3A_62] {strides = array<i32>} : memref<128xf32, #tpu.memory_space<vmem>>, vector<16xf32>,
    %swap3A_64 = vector.shape_cast %swap3A_63 : vector<16xf32> to vector<16xf32>
    %swap3A_65 = vector.shape_cast %broadcast_in_dim3A_7 : vector<16xf32> to vector<16xf32>
    tpu.vector_store %arg15[%swap3A_62], %swap3A_65 {strides = array<i32>} : memref<128xf32, #tpu.memory_space<vmem>>, vector<16xf32>,
    %swap3A_66 = arith.constant 64 : index
    %swap3A_67 = tpu.vector_load %arg15[%swap3A_66] {strides = array<i32>} : memref<128xf32, #tpu.memory_space<vmem>>, vector<16xf32>,
    %swap3A_68 = vector.shape_cast %swap3A_67 : vector<16xf32> to vector<16xf32>
    %swap3A_69 = vector.shape_cast %broadcast_in_dim3A_7 : vector<16xf32> to vector<16xf32>
    tpu.vector_store %arg15[%swap3A_66], %swap3A_69 {strides = array<i32>} : memref<128xf32, #tpu.memory_space<vmem>>, vector<16xf32>,
    %swap3A_70 = arith.constant 80 : index
    %swap3A_71 = tpu.vector_load %arg15[%swap3A_70] {strides = array<i32>} : memref<128xf32, #tpu.memory_space<vmem>>, vector<16xf32>,
    %swap3A_72 = vector.shape_cast %swap3A_71 : vector<16xf32> to vector<16xf32>
    %swap3A_73 = vector.shape_cast %broadcast_in_dim3A_7 : vector<16xf32> to vector<16xf32>
    tpu.vector_store %arg15[%swap3A_70], %swap3A_73 {strides = array<i32>} : memref<128xf32, #tpu.memory_space<vmem>>, vector<16xf32>,
    %swap3A_74 = arith.constant 96 : index
    %swap3A_75 = tpu.vector_load %arg15[%swap3A_74] {strides = array<i32>} : memref<128xf32, #tpu.memory_space<vmem>>, vector<16xf32>,
    %swap3A_76 = vector.shape_cast %swap3A_75 : vector<16xf32> to vector<16xf32>
    %swap3A_77 = vector.shape_cast %broadcast_in_dim3A_7 : vector<16xf32> to vector<16xf32>
    tpu.vector_store %arg15[%swap3A_74], %swap3A_77 {strides = array<i32>} : memref<128xf32, #tpu.memory_space<vmem>>, vector<16xf32>,
    %swap3A_78 = arith.constant 112 : index
    %swap3A_79 = tpu.vector_load %arg15[%swap3A_78] {strides = array<i32>} : memref<128xf32, #tpu.memory_space<vmem>>, vector<16xf32>,
    %swap3A_80 = vector.shape_cast %swap3A_79 : vector<16xf32> to vector<16xf32>
    %swap3A_81 = vector.shape_cast %broadcast_in_dim3A_7 : vector<16xf32> to vector<16xf32>
    tpu.vector_store %arg15[%swap3A_78], %swap3A_81 {strides = array<i32>} : memref<128xf32, #tpu.memory_space<vmem>>, vector<16xf32>,
    %scan3A_82 = arith.constant 0 : i32
    %scan3A_83 = arith.constant 0 : i32
    %scan3A_84 = arith.constant 10 : i32
    %scan3A_85 = arith.addi %scan3A_83, %scan3A_84 : i32
    %scan3A_86 = arith.constant 1 : i32
    scf.for %scan3A_170 = %scan3A_83 to %scan3A_85 step %scan3A_86  : i32 {
      %mul3A_171 = arith.constant 128 : i32
      %mul3A_172 = arith.muli %scan3A_170, %mul3A_171 : i32
      %add3A_173 = arith.addi %mul3A_0, %mul3A_172 : i32
      "tpu.region"() ({
        %run_scoped3A = tpu.sem_alloc : memref<!tpu.dma_semaphore, #tpu.memory_space<semaphore_mem>>
        %dma_start3A_174 = arith.constant 0 : i32
        %dma_start3A_175 = arith.constant 0 : i32
        %dma_start3A_176 = tpu.memref_slice %arg11[%dma_start3A_174, %dma_start3A_175] : memref<128x64xf32, #tpu.memory_space<vmem>> -> memref<128x64xf32, #tpu.memory_space<vmem>>
        %dma_start3A_177 = arith.constant 0 : i32
        %dma_start3A_178 = tpu.memref_slice %arg7[%add3A_173, %dma_start3A_177] : memref<20480x64xf32, #tpu.memory_space<vmem_shared>> -> memref<128x64xf32, #tpu.memory_space<vmem_shared>>
        %dma_start3A_179 = arith.constant 0 : i32
        %dma_start3A_180 = tpu.memref_slice %arg7[%add3A_173, %dma_start3A_179] : memref<20480x64xf32, #tpu.memory_space<vmem_shared>> -> memref<128x64xf32, #tpu.memory_space<vmem_shared>>
        %dma_start3A_181 = arith.constant 0 : i32
        %dma_start3A_182 = arith.constant 0 : i32
        %dma_start3A_183 = tpu.memref_slice %arg11[%dma_start3A_181, %dma_start3A_182] : memref<128x64xf32, #tpu.memory_space<vmem>> -> memref<128x64xf32, #tpu.memory_space<vmem>>
        tpu.enqueue_dma source(%dma_start3A_183 : memref<128x64xf32, #tpu.memory_space<vmem>>) target(%dma_start3A_180 : memref<128x64xf32, #tpu.memory_space<vmem_shared>>) target_semaphore(%run_scoped3A : memref<!tpu.dma_semaphore, #tpu.memory_space<semaphore_mem>>)
        %dma_wait3A = arith.constant 0 : i32
        %dma_wait3A_184 = arith.constant 0 : i32
        %dma_wait3A_185 = tpu.memref_slice %arg11[%dma_wait3A, %dma_wait3A_184] : memref<128x64xf32, #tpu.memory_space<vmem>> -> memref<128x64xf32, #tpu.memory_space<vmem>>
        %dma_wait3A_186 = arith.constant 0 : i32
        %dma_wait3A_187 = tpu.memref_slice %arg7[%add3A_173, %dma_wait3A_186] : memref<20480x64xf32, #tpu.memory_space<vmem_shared>> -> memref<128x64xf32, #tpu.memory_space<vmem_shared>>
        %dma_wait3A_188 = arith.constant 0 : i32
        %dma_wait3A_189 = tpu.memref_slice %arg7[%add3A_173, %dma_wait3A_188] : memref<20480x64xf32, #tpu.memory_space<vmem_shared>> -> memref<128x64xf32, #tpu.memory_space<vmem_shared>>
        %dma_wait3A_190 = arith.constant 0 : i32
        %dma_wait3A_191 = arith.constant 0 : i32
        %dma_wait3A_192 = tpu.memref_slice %arg11[%dma_wait3A_190, %dma_wait3A_191] : memref<128x64xf32, #tpu.memory_space<vmem>> -> memref<128x64xf32, #tpu.memory_space<vmem>>
        tpu.wait_dma2 semaphore(%run_scoped3A : memref<!tpu.dma_semaphore, #tpu.memory_space<semaphore_mem>>) src(%dma_wait3A_192 : memref<128x64xf32, #tpu.memory_space<vmem>>) dst(%dma_wait3A_189 : memref<128x64xf32, #tpu.memory_space<vmem_shared>>)
        tpu.yield
      }) : () -> ()
    }
    %scan3A_87 = arith.constant 10 : i32
    "tpu.region"() ({
      %run_scoped3A = tpu.sem_alloc : memref<!tpu.dma_semaphore, #tpu.memory_space<semaphore_mem>>
      %dma_start3A_170 = tpu.memref_slice %arg8[%mul3A_0] : memref<20480xf32, #tpu.memory_space<vmem_shared>> -> memref<1280xf32, #tpu.memory_space<vmem_shared>>
      %dma_start3A_171 = tpu.memref_slice %arg8[%mul3A_0] : memref<20480xf32, #tpu.memory_space<vmem_shared>> -> memref<1280xf32, #tpu.memory_space<vmem_shared>>
      tpu.enqueue_dma source(%arg14 : memref<1280xf32, #tpu.memory_space<vmem>>) target(%dma_start3A_171 : memref<1280xf32, #tpu.memory_space<vmem_shared>>) target_semaphore(%run_scoped3A : memref<!tpu.dma_semaphore, #tpu.memory_space<semaphore_mem>>)
      %dma_wait3A = tpu.memref_slice %arg8[%mul3A_0] : memref<20480xf32, #tpu.memory_space<vmem_shared>> -> memref<1280xf32, #tpu.memory_space<vmem_shared>>
      %dma_wait3A_172 = tpu.memref_slice %arg8[%mul3A_0] : memref<20480xf32, #tpu.memory_space<vmem_shared>> -> memref<1280xf32, #tpu.memory_space<vmem_shared>>
      tpu.wait_dma2 semaphore(%run_scoped3A : memref<!tpu.dma_semaphore, #tpu.memory_space<semaphore_mem>>) src(%arg14 : memref<1280xf32, #tpu.memory_space<vmem>>) dst(%dma_wait3A_172 : memref<1280xf32, #tpu.memory_space<vmem_shared>>)
      tpu.yield
    }) : () -> ()
    %barrier3A = arith.constant 0 : index
    tpu.barrier barrier_id(%barrier3A)
    "tpu.region"() ({
      %run_scoped3A = tpu.sem_alloc : memref<!tpu.dma_semaphore, #tpu.memory_space<semaphore_mem>>
      %dma_start3A_170 = arith.constant 0 : i32
      %dma_start3A_171 = arith.constant 0 : i32
      %dma_start3A_172 = tpu.memref_slice %arg3[%mul3A_4, %dma_start3A_170, %dma_start3A_171] : memref<5056x2x128xi32, #tpu.memory_space<hbm>> -> memref<1x2x128xi32, #tpu.memory_space<hbm>>
      %dma_start3A_173 = tpu.memref_squeeze %dma_start3A_172 : memref<1x2x128xi32, #tpu.memory_space<hbm>> -> memref<2x128xi32, #tpu.memory_space<hbm>>
      %dma_start3A_174 = arith.constant 0 : i32
      %dma_start3A_175 = arith.constant 0 : i32
      %dma_start3A_176 = tpu.memref_slice %arg3[%mul3A_4, %dma_start3A_174, %dma_start3A_175] : memref<5056x2x128xi32, #tpu.memory_space<hbm>> -> memref<1x2x128xi32, #tpu.memory_space<hbm>>
      %dma_start3A_177 = tpu.memref_squeeze %dma_start3A_176 : memref<1x2x128xi32, #tpu.memory_space<hbm>> -> memref<2x128xi32, #tpu.memory_space<hbm>>
      tpu.enqueue_dma source(%dma_start3A_177 : memref<2x128xi32, #tpu.memory_space<hbm>>) target(%arg9 : memref<2x128xi32, #tpu.memory_space<vmem>>) target_semaphore(%run_scoped3A : memref<!tpu.dma_semaphore, #tpu.memory_space<semaphore_mem>>)
      %dma_wait3A = arith.constant 0 : i32
      %dma_wait3A_178 = arith.constant 0 : i32
      %dma_wait3A_179 = tpu.memref_slice %arg3[%mul3A_4, %dma_wait3A, %dma_wait3A_178] : memref<5056x2x128xi32, #tpu.memory_space<hbm>> -> memref<1x2x128xi32, #tpu.memory_space<hbm>>
      %dma_wait3A_180 = tpu.memref_squeeze %dma_wait3A_179 : memref<1x2x128xi32, #tpu.memory_space<hbm>> -> memref<2x128xi32, #tpu.memory_space<hbm>>
      %dma_wait3A_181 = arith.constant 0 : i32
      %dma_wait3A_182 = arith.constant 0 : i32
      %dma_wait3A_183 = tpu.memref_slice %arg3[%mul3A_4, %dma_wait3A_181, %dma_wait3A_182] : memref<5056x2x128xi32, #tpu.memory_space<hbm>> -> memref<1x2x128xi32, #tpu.memory_space<hbm>>
      %dma_wait3A_184 = tpu.memref_squeeze %dma_wait3A_183 : memref<1x2x128xi32, #tpu.memory_space<hbm>> -> memref<2x128xi32, #tpu.memory_space<hbm>>
      tpu.wait_dma2 semaphore(%run_scoped3A : memref<!tpu.dma_semaphore, #tpu.memory_space<semaphore_mem>>) src(%dma_wait3A_184 : memref<2x128xi32, #tpu.memory_space<hbm>>) dst(%arg9 : memref<2x128xi32, #tpu.memory_space<vmem>>)
      tpu.yield
    }) : () -> ()
    %dma_start3A = arith.constant 0 : i32
    %dma_start3A_88 = arith.constant 0 : i32
    %dma_start3A_89 = tpu.memref_slice %arg9[%dma_start3A, %dma_start3A_88] : memref<2x128xi32, #tpu.memory_space<vmem>> -> memref<1x128xi32, #tpu.memory_space<vmem>>
    %dma_start3A_90 = tpu.memref_squeeze %dma_start3A_89 : memref<1x128xi32, #tpu.memory_space<vmem>> -> memref<128xi32, #tpu.memory_space<vmem>>
    %dma_start3A_91 = arith.constant 0 : i32
    %dma_start3A_92 = arith.constant 0 : i32
    %dma_start3A_93 = tpu.memref_slice %arg2[%dma_start3A_91, %dma_start3A_92] : memref<20000x64xf32, #tpu.memory_space<hbm>> -> memref<20000x64xf32, #tpu.memory_space<hbm>>
    tpu.enqueue_indirect_dma source(%dma_start3A_93 : memref<20000x64xf32, #tpu.memory_space<hbm>>) target(%arg11 : memref<128x64xf32, #tpu.memory_space<vmem>>) offsets(%dma_start3A_90 : memref<128xi32, #tpu.memory_space<vmem>>) semaphore(%arg16 : memref<!tpu.dma_semaphore, #tpu.memory_space<semaphore_mem>>)
    %add3A_94 = arith.constant 1 : i32
    %add3A_95 = arith.addi %mul3A_4, %add3A_94 : i32
    "tpu.region"() ({
      %run_scoped3A = tpu.sem_alloc : memref<!tpu.dma_semaphore, #tpu.memory_space<semaphore_mem>>
      %dma_start3A_170 = arith.constant 0 : i32
      %dma_start3A_171 = arith.constant 0 : i32
      %dma_start3A_172 = tpu.memref_slice %arg3[%add3A_95, %dma_start3A_170, %dma_start3A_171] : memref<5056x2x128xi32, #tpu.memory_space<hbm>> -> memref<1x2x128xi32, #tpu.memory_space<hbm>>
      %dma_start3A_173 = tpu.memref_squeeze %dma_start3A_172 : memref<1x2x128xi32, #tpu.memory_space<hbm>> -> memref<2x128xi32, #tpu.memory_space<hbm>>
      %dma_start3A_174 = arith.constant 0 : i32
      %dma_start3A_175 = arith.constant 0 : i32
      %dma_start3A_176 = tpu.memref_slice %arg3[%add3A_95, %dma_start3A_174, %dma_start3A_175] : memref<5056x2x128xi32, #tpu.memory_space<hbm>> -> memref<1x2x128xi32, #tpu.memory_space<hbm>>
      %dma_start3A_177 = tpu.memref_squeeze %dma_start3A_176 : memref<1x2x128xi32, #tpu.memory_space<hbm>> -> memref<2x128xi32, #tpu.memory_space<hbm>>
      tpu.enqueue_dma source(%dma_start3A_177 : memref<2x128xi32, #tpu.memory_space<hbm>>) target(%arg10 : memref<2x128xi32, #tpu.memory_space<vmem>>) target_semaphore(%run_scoped3A : memref<!tpu.dma_semaphore, #tpu.memory_space<semaphore_mem>>)
      %dma_wait3A = arith.constant 0 : i32
      %dma_wait3A_178 = arith.constant 0 : i32
      %dma_wait3A_179 = tpu.memref_slice %arg3[%add3A_95, %dma_wait3A, %dma_wait3A_178] : memref<5056x2x128xi32, #tpu.memory_space<hbm>> -> memref<1x2x128xi32, #tpu.memory_space<hbm>>
      %dma_wait3A_180 = tpu.memref_squeeze %dma_wait3A_179 : memref<1x2x128xi32, #tpu.memory_space<hbm>> -> memref<2x128xi32, #tpu.memory_space<hbm>>
      %dma_wait3A_181 = arith.constant 0 : i32
      %dma_wait3A_182 = arith.constant 0 : i32
      %dma_wait3A_183 = tpu.memref_slice %arg3[%add3A_95, %dma_wait3A_181, %dma_wait3A_182] : memref<5056x2x128xi32, #tpu.memory_space<hbm>> -> memref<1x2x128xi32, #tpu.memory_space<hbm>>
      %dma_wait3A_184 = tpu.memref_squeeze %dma_wait3A_183 : memref<1x2x128xi32, #tpu.memory_space<hbm>> -> memref<2x128xi32, #tpu.memory_space<hbm>>
      tpu.wait_dma2 semaphore(%run_scoped3A : memref<!tpu.dma_semaphore, #tpu.memory_space<semaphore_mem>>) src(%dma_wait3A_184 : memref<2x128xi32, #tpu.memory_space<hbm>>) dst(%arg10 : memref<2x128xi32, #tpu.memory_space<vmem>>)
      tpu.yield
    }) : () -> ()
    %dma_start3A_96 = arith.constant 0 : i32
    %dma_start3A_97 = arith.constant 0 : i32
    %dma_start3A_98 = tpu.memref_slice %arg10[%dma_start3A_96, %dma_start3A_97] : memref<2x128xi32, #tpu.memory_space<vmem>> -> memref<1x128xi32, #tpu.memory_space<vmem>>
    %dma_start3A_99 = tpu.memref_squeeze %dma_start3A_98 : memref<1x128xi32, #tpu.memory_space<vmem>> -> memref<128xi32, #tpu.memory_space<vmem>>
    %dma_start3A_100 = arith.constant 0 : i32
    %dma_start3A_101 = arith.constant 0 : i32
    %dma_start3A_102 = tpu.memref_slice %arg2[%dma_start3A_100, %dma_start3A_101] : memref<20000x64xf32, #tpu.memory_space<hbm>> -> memref<20000x64xf32, #tpu.memory_space<hbm>>
    tpu.enqueue_indirect_dma source(%dma_start3A_102 : memref<20000x64xf32, #tpu.memory_space<hbm>>) target(%arg12 : memref<128x64xf32, #tpu.memory_space<vmem>>) offsets(%dma_start3A_99 : memref<128xi32, #tpu.memory_space<vmem>>) semaphore(%arg17 : memref<!tpu.dma_semaphore, #tpu.memory_space<semaphore_mem>>)
    %scan3A_103 = arith.constant 0 : i32
    %scan3A_104 = arith.constant 0 : i32
    %scan3A_105 = arith.constant 79 : i32
    %scan3A_106 = arith.addi %scan3A_104, %scan3A_105 : i32
    %scan3A_107 = arith.constant 1 : i32
    scf.for %scan3A_170 = %scan3A_104 to %scan3A_106 step %scan3A_107  : i32 {
      %mul3A_171 = arith.constant 2 : i32
      %mul3A_172 = arith.muli %mul3A_171, %scan3A_170 : i32
      %dma_wait3A = arith.constant 0 : i32
      %dma_wait3A_173 = arith.constant 0 : i32
      %dma_wait3A_174 = tpu.memref_slice %arg2[%dma_wait3A, %dma_wait3A_173] : memref<20000x64xf32, #tpu.memory_space<hbm>> -> memref<128x64xf32, #tpu.memory_space<hbm>>
      %dma_wait3A_175 = arith.constant 0 : i32
      %dma_wait3A_176 = arith.constant 0 : i32
      %dma_wait3A_177 = tpu.memref_slice %arg2[%dma_wait3A_175, %dma_wait3A_176] : memref<20000x64xf32, #tpu.memory_space<hbm>> -> memref<128x64xf32, #tpu.memory_space<hbm>>
      tpu.wait_dma2 semaphore(%arg16 : memref<!tpu.dma_semaphore, #tpu.memory_space<semaphore_mem>>) src(%dma_wait3A_177 : memref<128x64xf32, #tpu.memory_space<hbm>>) dst(%arg11 : memref<128x64xf32, #tpu.memory_space<vmem>>)
      %run_scoped3A = arith.constant 1 : i32
      "tpu.region"() ({
        %run_scoped3A_198 = tpu.sem_alloc : memref<!tpu.dma_semaphore, #tpu.memory_space<semaphore_mem>>
        %dma_start3A_199 = arith.constant 0 : i32
        %dma_start3A_200 = tpu.memref_slice %arg9[%run_scoped3A, %dma_start3A_199] : memref<2x128xi32, #tpu.memory_space<vmem>> -> memref<1x128xi32, #tpu.memory_space<vmem>>
        %dma_start3A_201 = tpu.memref_squeeze %dma_start3A_200 : memref<1x128xi32, #tpu.memory_space<vmem>> -> memref<128xi32, #tpu.memory_space<vmem>>
        %dma_start3A_202 = arith.constant 0 : i32
        %dma_start3A_203 = arith.constant 0 : i32
        %dma_start3A_204 = tpu.memref_slice %arg7[%dma_start3A_202, %dma_start3A_203] : memref<20480x64xf32, #tpu.memory_space<vmem_shared>> -> memref<20480x64xf32, #tpu.memory_space<vmem_shared>>
        tpu.enqueue_indirect_dma source(%arg11 : memref<128x64xf32, #tpu.memory_space<vmem>>) target(%dma_start3A_204 : memref<20480x64xf32, #tpu.memory_space<vmem_shared>>) offsets(%dma_start3A_201 : memref<128xi32, #tpu.memory_space<vmem>>) semaphore(%run_scoped3A_198 : memref<!tpu.dma_semaphore, #tpu.memory_space<semaphore_mem>>) {add = true}
        %dma_wait3A_205 = arith.constant 0 : i32
        %dma_wait3A_206 = tpu.memref_slice %arg9[%run_scoped3A, %dma_wait3A_205] : memref<2x128xi32, #tpu.memory_space<vmem>> -> memref<1x128xi32, #tpu.memory_space<vmem>>
        %dma_wait3A_207 = tpu.memref_squeeze %dma_wait3A_206 : memref<1x128xi32, #tpu.memory_space<vmem>> -> memref<128xi32, #tpu.memory_space<vmem>>
        %dma_wait3A_208 = arith.constant 0 : i32
        %dma_wait3A_209 = arith.constant 0 : i32
        %dma_wait3A_210 = tpu.memref_slice %arg7[%dma_wait3A_208, %dma_wait3A_209] : memref<20480x64xf32, #tpu.memory_space<vmem_shared>> -> memref<20480x64xf32, #tpu.memory_space<vmem_shared>>
        tpu.wait_indirect_dma semaphore(%run_scoped3A_198 : memref<!tpu.dma_semaphore, #tpu.memory_space<semaphore_mem>>) src(%arg11 : memref<128x64xf32, #tpu.memory_space<vmem>>) dst(%dma_wait3A_210 : memref<20480x64xf32, #tpu.memory_space<vmem_shared>>)
        tpu.yield
      }) : () -> ()
      %run_scoped3A_178 = arith.constant 1 : i32
      "tpu.region"() ({
        %run_scoped3A_198 = tpu.sem_alloc : memref<!tpu.dma_semaphore, #tpu.memory_space<semaphore_mem>>
        %dma_start3A_199 = arith.constant 0 : i32
        %dma_start3A_200 = tpu.memref_slice %arg9[%run_scoped3A_178, %dma_start3A_199] : memref<2x128xi32, #tpu.memory_space<vmem>> -> memref<1x128xi32, #tpu.memory_space<vmem>>
        %dma_start3A_201 = tpu.memref_squeeze %dma_start3A_200 : memref<1x128xi32, #tpu.memory_space<vmem>> -> memref<128xi32, #tpu.memory_space<vmem>>
        %dma_start3A_202 = arith.constant 0 : i32
        %dma_start3A_203 = tpu.memref_slice %arg8[%dma_start3A_202] : memref<20480xf32, #tpu.memory_space<vmem_shared>> -> memref<20480xf32, #tpu.memory_space<vmem_shared>>
        tpu.enqueue_indirect_dma source(%arg15 : memref<128xf32, #tpu.memory_space<vmem>>) target(%dma_start3A_203 : memref<20480xf32, #tpu.memory_space<vmem_shared>>) offsets(%dma_start3A_201 : memref<128xi32, #tpu.memory_space<vmem>>) semaphore(%run_scoped3A_198 : memref<!tpu.dma_semaphore, #tpu.memory_space<semaphore_mem>>) {add = true}
        %dma_wait3A_204 = arith.constant 0 : i32
        %dma_wait3A_205 = tpu.memref_slice %arg9[%run_scoped3A_178, %dma_wait3A_204] : memref<2x128xi32, #tpu.memory_space<vmem>> -> memref<1x128xi32, #tpu.memory_space<vmem>>
        %dma_wait3A_206 = tpu.memref_squeeze %dma_wait3A_205 : memref<1x128xi32, #tpu.memory_space<vmem>> -> memref<128xi32, #tpu.memory_space<vmem>>
        %dma_wait3A_207 = arith.constant 0 : i32
        %dma_wait3A_208 = tpu.memref_slice %arg8[%dma_wait3A_207] : memref<20480xf32, #tpu.memory_space<vmem_shared>> -> memref<20480xf32, #tpu.memory_space<vmem_shared>>
        tpu.wait_indirect_dma semaphore(%run_scoped3A_198 : memref<!tpu.dma_semaphore, #tpu.memory_space<semaphore_mem>>) src(%arg15 : memref<128xf32, #tpu.memory_space<vmem>>) dst(%dma_wait3A_208 : memref<20480xf32, #tpu.memory_space<vmem_shared>>)
        tpu.yield
      }) : () -> ()
      %add3A_179 = arith.constant 2 : i32
      %add3A_180 = arith.addi %mul3A_172, %add3A_179 : i32
      %lt3A = arith.constant 158 : i32
      %lt3A_181 = arith.cmpi slt, %add3A_180, %lt3A : i32
      %convert_element_type3A = arith.extui %lt3A_181 : i1 to i32
      %cond3A = arith.constant 0 : i32
      %cond3A_182 = arith.cmpi ne, %convert_element_type3A, %cond3A : i32
      scf.if %cond3A_182 {
        %add3A_198 = arith.addi %mul3A_4, %mul3A_172 : i32
        %add3A_199 = arith.constant 2 : i32
        %add3A_200 = arith.addi %add3A_198, %add3A_199 : i32
        "tpu.region"() ({
          %run_scoped3A_208 = tpu.sem_alloc : memref<!tpu.dma_semaphore, #tpu.memory_space<semaphore_mem>>
          %dma_start3A_209 = arith.constant 0 : i32
          %dma_start3A_210 = arith.constant 0 : i32
          %dma_start3A_211 = tpu.memref_slice %arg3[%add3A_200, %dma_start3A_209, %dma_start3A_210] : memref<5056x2x128xi32, #tpu.memory_space<hbm>> -> memref<1x2x128xi32, #tpu.memory_space<hbm>>
          %dma_start3A_212 = tpu.memref_squeeze %dma_start3A_211 : memref<1x2x128xi32, #tpu.memory_space<hbm>> -> memref<2x128xi32, #tpu.memory_space<hbm>>
          %dma_start3A_213 = arith.constant 0 : i32
          %dma_start3A_214 = arith.constant 0 : i32
          %dma_start3A_215 = tpu.memref_slice %arg3[%add3A_200, %dma_start3A_213, %dma_start3A_214] : memref<5056x2x128xi32, #tpu.memory_space<hbm>> -> memref<1x2x128xi32, #tpu.memory_space<hbm>>
          %dma_start3A_216 = tpu.memref_squeeze %dma_start3A_215 : memref<1x2x128xi32, #tpu.memory_space<hbm>> -> memref<2x128xi32, #tpu.memory_space<hbm>>
          tpu.enqueue_dma source(%dma_start3A_216 : memref<2x128xi32, #tpu.memory_space<hbm>>) target(%arg9 : memref<2x128xi32, #tpu.memory_space<vmem>>) target_semaphore(%run_scoped3A_208 : memref<!tpu.dma_semaphore, #tpu.memory_space<semaphore_mem>>)
          %dma_wait3A_217 = arith.constant 0 : i32
          %dma_wait3A_218 = arith.constant 0 : i32
          %dma_wait3A_219 = tpu.memref_slice %arg3[%add3A_200, %dma_wait3A_217, %dma_wait3A_218] : memref<5056x2x128xi32, #tpu.memory_space<hbm>> -> memref<1x2x128xi32, #tpu.memory_space<hbm>>
          %dma_wait3A_220 = tpu.memref_squeeze %dma_wait3A_219 : memref<1x2x128xi32, #tpu.memory_space<hbm>> -> memref<2x128xi32, #tpu.memory_space<hbm>>
          %dma_wait3A_221 = arith.constant 0 : i32
          %dma_wait3A_222 = arith.constant 0 : i32
          %dma_wait3A_223 = tpu.memref_slice %arg3[%add3A_200, %dma_wait3A_221, %dma_wait3A_222] : memref<5056x2x128xi32, #tpu.memory_space<hbm>> -> memref<1x2x128xi32, #tpu.memory_space<hbm>>
          %dma_wait3A_224 = tpu.memref_squeeze %dma_wait3A_223 : memref<1x2x128xi32, #tpu.memory_space<hbm>> -> memref<2x128xi32, #tpu.memory_space<hbm>>
          tpu.wait_dma2 semaphore(%run_scoped3A_208 : memref<!tpu.dma_semaphore, #tpu.memory_space<semaphore_mem>>) src(%dma_wait3A_224 : memref<2x128xi32, #tpu.memory_space<hbm>>) dst(%arg9 : memref<2x128xi32, #tpu.memory_space<vmem>>)
          tpu.yield
        }) : () -> ()
        %dma_start3A_201 = arith.constant 0 : i32
        %dma_start3A_202 = arith.constant 0 : i32
        %dma_start3A_203 = tpu.memref_slice %arg9[%dma_start3A_201, %dma_start3A_202] : memref<2x128xi32, #tpu.memory_space<vmem>> -> memref<1x128xi32, #tpu.memory_space<vmem>>
        %dma_start3A_204 = tpu.memref_squeeze %dma_start3A_203 : memref<1x128xi32, #tpu.memory_space<vmem>> -> memref<128xi32, #tpu.memory_space<vmem>>
        %dma_start3A_205 = arith.constant 0 : i32
        %dma_start3A_206 = arith.constant 0 : i32
        %dma_start3A_207 = tpu.memref_slice %arg2[%dma_start3A_205, %dma_start3A_206] : memref<20000x64xf32, #tpu.memory_space<hbm>> -> memref<20000x64xf32, #tpu.memory_space<hbm>>
        tpu.enqueue_indirect_dma source(%dma_start3A_207 : memref<20000x64xf32, #tpu.memory_space<hbm>>) target(%arg11 : memref<128x64xf32, #tpu.memory_space<vmem>>) offsets(%dma_start3A_204 : memref<128xi32, #tpu.memory_space<vmem>>) semaphore(%arg16 : memref<!tpu.dma_semaphore, #tpu.memory_space<semaphore_mem>>)
      } else {
      }
      %dma_wait3A_183 = arith.constant 0 : i32
      %dma_wait3A_184 = arith.constant 0 : i32
      %dma_wait3A_185 = tpu.memref_slice %arg2[%dma_wait3A_183, %dma_wait3A_184] : memref<20000x64xf32, #tpu.memory_space<hbm>> -> memref<128x64xf32, #tpu.memory_space<hbm>>
      %dma_wait3A_186 = arith.constant 0 : i32
      %dma_wait3A_187 = arith.constant 0 : i32
      %dma_wait3A_188 = tpu.memref_slice %arg2[%dma_wait3A_186, %dma_wait3A_187] : memref<20000x64xf32, #tpu.memory_space<hbm>> -> memref<128x64xf32, #tpu.memory_space<hbm>>
      tpu.wait_dma2 semaphore(%arg17 : memref<!tpu.dma_semaphore, #tpu.memory_space<semaphore_mem>>) src(%dma_wait3A_188 : memref<128x64xf32, #tpu.memory_space<hbm>>) dst(%arg12 : memref<128x64xf32, #tpu.memory_space<vmem>>)
      %run_scoped3A_189 = arith.constant 1 : i32
      "tpu.region"() ({
        %run_scoped3A_198 = tpu.sem_alloc : memref<!tpu.dma_semaphore, #tpu.memory_space<semaphore_mem>>
        %dma_start3A_199 = arith.constant 0 : i32
        %dma_start3A_200 = tpu.memref_slice %arg10[%run_scoped3A_189, %dma_start3A_199] : memref<2x128xi32, #tpu.memory_space<vmem>> -> memref<1x128xi32, #tpu.memory_space<vmem>>
        %dma_start3A_201 = tpu.memref_squeeze %dma_start3A_200 : memref<1x128xi32, #tpu.memory_space<vmem>> -> memref<128xi32, #tpu.memory_space<vmem>>
        %dma_start3A_202 = arith.constant 0 : i32
        %dma_start3A_203 = arith.constant 0 : i32
        %dma_start3A_204 = tpu.memref_slice %arg7[%dma_start3A_202, %dma_start3A_203] : memref<20480x64xf32, #tpu.memory_space<vmem_shared>> -> memref<20480x64xf32, #tpu.memory_space<vmem_shared>>
        tpu.enqueue_indirect_dma source(%arg12 : memref<128x64xf32, #tpu.memory_space<vmem>>) target(%dma_start3A_204 : memref<20480x64xf32, #tpu.memory_space<vmem_shared>>) offsets(%dma_start3A_201 : memref<128xi32, #tpu.memory_space<vmem>>) semaphore(%run_scoped3A_198 : memref<!tpu.dma_semaphore, #tpu.memory_space<semaphore_mem>>) {add = true}
        %dma_wait3A_205 = arith.constant 0 : i32
        %dma_wait3A_206 = tpu.memref_slice %arg10[%run_scoped3A_189, %dma_wait3A_205] : memref<2x128xi32, #tpu.memory_space<vmem>> -> memref<1x128xi32, #tpu.memory_space<vmem>>
        %dma_wait3A_207 = tpu.memref_squeeze %dma_wait3A_206 : memref<1x128xi32, #tpu.memory_space<vmem>> -> memref<128xi32, #tpu.memory_space<vmem>>
        %dma_wait3A_208 = arith.constant 0 : i32
        %dma_wait3A_209 = arith.constant 0 : i32
        %dma_wait3A_210 = tpu.memref_slice %arg7[%dma_wait3A_208, %dma_wait3A_209] : memref<20480x64xf32, #tpu.memory_space<vmem_shared>> -> memref<20480x64xf32, #tpu.memory_space<vmem_shared>>
        tpu.wait_indirect_dma semaphore(%run_scoped3A_198 : memref<!tpu.dma_semaphore, #tpu.memory_space<semaphore_mem>>) src(%arg12 : memref<128x64xf32, #tpu.memory_space<vmem>>) dst(%dma_wait3A_210 : memref<20480x64xf32, #tpu.memory_space<vmem_shared>>)
        tpu.yield
      }) : () -> ()
      %run_scoped3A_190 = arith.constant 1 : i32
      "tpu.region"() ({
        %run_scoped3A_198 = tpu.sem_alloc : memref<!tpu.dma_semaphore, #tpu.memory_space<semaphore_mem>>
        %dma_start3A_199 = arith.constant 0 : i32
        %dma_start3A_200 = tpu.memref_slice %arg10[%run_scoped3A_190, %dma_start3A_199] : memref<2x128xi32, #tpu.memory_space<vmem>> -> memref<1x128xi32, #tpu.memory_space<vmem>>
        %dma_start3A_201 = tpu.memref_squeeze %dma_start3A_200 : memref<1x128xi32, #tpu.memory_space<vmem>> -> memref<128xi32, #tpu.memory_space<vmem>>
        %dma_start3A_202 = arith.constant 0 : i32
        %dma_start3A_203 = tpu.memref_slice %arg8[%dma_start3A_202] : memref<20480xf32, #tpu.memory_space<vmem_shared>> -> memref<20480xf32, #tpu.memory_space<vmem_shared>>
        tpu.enqueue_indirect_dma source(%arg15 : memref<128xf32, #tpu.memory_space<vmem>>) target(%dma_start3A_203 : memref<20480xf32, #tpu.memory_space<vmem_shared>>) offsets(%dma_start3A_201 : memref<128xi32, #tpu.memory_space<vmem>>) semaphore(%run_scoped3A_198 : memref<!tpu.dma_semaphore, #tpu.memory_space<semaphore_mem>>) {add = true}
        %dma_wait3A_204 = arith.constant 0 : i32
        %dma_wait3A_205 = tpu.memref_slice %arg10[%run_scoped3A_190, %dma_wait3A_204] : memref<2x128xi32, #tpu.memory_space<vmem>> -> memref<1x128xi32, #tpu.memory_space<vmem>>
        %dma_wait3A_206 = tpu.memref_squeeze %dma_wait3A_205 : memref<1x128xi32, #tpu.memory_space<vmem>> -> memref<128xi32, #tpu.memory_space<vmem>>
        %dma_wait3A_207 = arith.constant 0 : i32
        %dma_wait3A_208 = tpu.memref_slice %arg8[%dma_wait3A_207] : memref<20480xf32, #tpu.memory_space<vmem_shared>> -> memref<20480xf32, #tpu.memory_space<vmem_shared>>
        tpu.wait_indirect_dma semaphore(%run_scoped3A_198 : memref<!tpu.dma_semaphore, #tpu.memory_space<semaphore_mem>>) src(%arg15 : memref<128xf32, #tpu.memory_space<vmem>>) dst(%dma_wait3A_208 : memref<20480xf32, #tpu.memory_space<vmem_shared>>)
        tpu.yield
      }) : () -> ()
      %add3A_191 = arith.constant 3 : i32
      %add3A_192 = arith.addi %mul3A_172, %add3A_191 : i32
      %lt3A_193 = arith.constant 158 : i32
      %lt3A_194 = arith.cmpi slt, %add3A_192, %lt3A_193 : i32
      %convert_element_type3A_195 = arith.extui %lt3A_194 : i1 to i32
      %cond3A_196 = arith.constant 0 : i32
      %cond3A_197 = arith.cmpi ne, %convert_element_type3A_195, %cond3A_196 : i32
      scf.if %cond3A_197 {
        %add3A_198 = arith.addi %mul3A_4, %mul3A_172 : i32
        %add3A_199 = arith.constant 3 : i32
        %add3A_200 = arith.addi %add3A_198, %add3A_199 : i32
        "tpu.region"() ({
          %run_scoped3A_208 = tpu.sem_alloc : memref<!tpu.dma_semaphore, #tpu.memory_space<semaphore_mem>>
          %dma_start3A_209 = arith.constant 0 : i32
          %dma_start3A_210 = arith.constant 0 : i32
          %dma_start3A_211 = tpu.memref_slice %arg3[%add3A_200, %dma_start3A_209, %dma_start3A_210] : memref<5056x2x128xi32, #tpu.memory_space<hbm>> -> memref<1x2x128xi32, #tpu.memory_space<hbm>>
          %dma_start3A_212 = tpu.memref_squeeze %dma_start3A_211 : memref<1x2x128xi32, #tpu.memory_space<hbm>> -> memref<2x128xi32, #tpu.memory_space<hbm>>
          %dma_start3A_213 = arith.constant 0 : i32
          %dma_start3A_214 = arith.constant 0 : i32
          %dma_start3A_215 = tpu.memref_slice %arg3[%add3A_200, %dma_start3A_213, %dma_start3A_214] : memref<5056x2x128xi32, #tpu.memory_space<hbm>> -> memref<1x2x128xi32, #tpu.memory_space<hbm>>
          %dma_start3A_216 = tpu.memref_squeeze %dma_start3A_215 : memref<1x2x128xi32, #tpu.memory_space<hbm>> -> memref<2x128xi32, #tpu.memory_space<hbm>>
          tpu.enqueue_dma source(%dma_start3A_216 : memref<2x128xi32, #tpu.memory_space<hbm>>) target(%arg10 : memref<2x128xi32, #tpu.memory_space<vmem>>) target_semaphore(%run_scoped3A_208 : memref<!tpu.dma_semaphore, #tpu.memory_space<semaphore_mem>>)
          %dma_wait3A_217 = arith.constant 0 : i32
          %dma_wait3A_218 = arith.constant 0 : i32
          %dma_wait3A_219 = tpu.memref_slice %arg3[%add3A_200, %dma_wait3A_217, %dma_wait3A_218] : memref<5056x2x128xi32, #tpu.memory_space<hbm>> -> memref<1x2x128xi32, #tpu.memory_space<hbm>>
          %dma_wait3A_220 = tpu.memref_squeeze %dma_wait3A_219 : memref<1x2x128xi32, #tpu.memory_space<hbm>> -> memref<2x128xi32, #tpu.memory_space<hbm>>
          %dma_wait3A_221 = arith.constant 0 : i32
          %dma_wait3A_222 = arith.constant 0 : i32
          %dma_wait3A_223 = tpu.memref_slice %arg3[%add3A_200, %dma_wait3A_221, %dma_wait3A_222] : memref<5056x2x128xi32, #tpu.memory_space<hbm>> -> memref<1x2x128xi32, #tpu.memory_space<hbm>>
          %dma_wait3A_224 = tpu.memref_squeeze %dma_wait3A_223 : memref<1x2x128xi32, #tpu.memory_space<hbm>> -> memref<2x128xi32, #tpu.memory_space<hbm>>
          tpu.wait_dma2 semaphore(%run_scoped3A_208 : memref<!tpu.dma_semaphore, #tpu.memory_space<semaphore_mem>>) src(%dma_wait3A_224 : memref<2x128xi32, #tpu.memory_space<hbm>>) dst(%arg10 : memref<2x128xi32, #tpu.memory_space<vmem>>)
          tpu.yield
        }) : () -> ()
        %dma_start3A_201 = arith.constant 0 : i32
        %dma_start3A_202 = arith.constant 0 : i32
        %dma_start3A_203 = tpu.memref_slice %arg10[%dma_start3A_201, %dma_start3A_202] : memref<2x128xi32, #tpu.memory_space<vmem>> -> memref<1x128xi32, #tpu.memory_space<vmem>>
        %dma_start3A_204 = tpu.memref_squeeze %dma_start3A_203 : memref<1x128xi32, #tpu.memory_space<vmem>> -> memref<128xi32, #tpu.memory_space<vmem>>
        %dma_start3A_205 = arith.constant 0 : i32
        %dma_start3A_206 = arith.constant 0 : i32
        %dma_start3A_207 = tpu.memref_slice %arg2[%dma_start3A_205, %dma_start3A_206] : memref<20000x64xf32, #tpu.memory_space<hbm>> -> memref<20000x64xf32, #tpu.memory_space<hbm>>
        tpu.enqueue_indirect_dma source(%dma_start3A_207 : memref<20000x64xf32, #tpu.memory_space<hbm>>) target(%arg12 : memref<128x64xf32, #tpu.memory_space<vmem>>) offsets(%dma_start3A_204 : memref<128xi32, #tpu.memory_space<vmem>>) semaphore(%arg17 : memref<!tpu.dma_semaphore, #tpu.memory_space<semaphore_mem>>)
      } else {
      }
    }
    %scan3A_108 = arith.constant 79 : i32
    %barrier3A_109 = arith.constant 0 : index
    tpu.barrier barrier_id(%barrier3A_109)
    %scan3A_110 = arith.constant 0 : i32
    %scan3A_111 = arith.constant 0 : i32
    %scan3A_112 = arith.constant 128 : i32
    %scan3A_113 = arith.addi %scan3A_111, %scan3A_112 : i32
    %scan3A_114 = arith.constant 1 : i32
    scf.for %scan3A_170 = %scan3A_111 to %scan3A_113 step %scan3A_114  : i32 {
      %swap3A_171 = arith.index_cast %scan3A_170 : i32 to index
      %swap3A_172 = arith.constant 0 : index
      %swap3A_173 = tpu.vector_load %arg11[%swap3A_171, %swap3A_172] {strides = array<i32>} : memref<128x64xf32, #tpu.memory_space<vmem>>, vector<1x16xf32>,
      %swap3A_174 = vector.shape_cast %swap3A_173 : vector<1x16xf32> to vector<16xf32>
      %swap3A_175 = vector.shape_cast %broadcast_in_dim3A_5 : vector<16xf32> to vector<1x16xf32>
      tpu.vector_store %arg11[%swap3A_171, %swap3A_172], %swap3A_175 {strides = array<i32>} : memref<128x64xf32, #tpu.memory_space<vmem>>, vector<1x16xf32>,
      %swap3A_176 = arith.index_cast %scan3A_170 : i32 to index
      %swap3A_177 = arith.constant 16 : index
      %swap3A_178 = tpu.vector_load %arg11[%swap3A_176, %swap3A_177] {strides = array<i32>} : memref<128x64xf32, #tpu.memory_space<vmem>>, vector<1x16xf32>,
      %swap3A_179 = vector.shape_cast %swap3A_178 : vector<1x16xf32> to vector<16xf32>
      %swap3A_180 = vector.shape_cast %broadcast_in_dim3A_5 : vector<16xf32> to vector<1x16xf32>
      tpu.vector_store %arg11[%swap3A_176, %swap3A_177], %swap3A_180 {strides = array<i32>} : memref<128x64xf32, #tpu.memory_space<vmem>>, vector<1x16xf32>,
      %swap3A_181 = arith.index_cast %scan3A_170 : i32 to index
      %swap3A_182 = arith.constant 32 : index
      %swap3A_183 = tpu.vector_load %arg11[%swap3A_181, %swap3A_182] {strides = array<i32>} : memref<128x64xf32, #tpu.memory_space<vmem>>, vector<1x16xf32>,
      %swap3A_184 = vector.shape_cast %swap3A_183 : vector<1x16xf32> to vector<16xf32>
      %swap3A_185 = vector.shape_cast %broadcast_in_dim3A_5 : vector<16xf32> to vector<1x16xf32>
      tpu.vector_store %arg11[%swap3A_181, %swap3A_182], %swap3A_185 {strides = array<i32>} : memref<128x64xf32, #tpu.memory_space<vmem>>, vector<1x16xf32>,
      %swap3A_186 = arith.index_cast %scan3A_170 : i32 to index
      %swap3A_187 = arith.constant 48 : index
      %swap3A_188 = tpu.vector_load %arg11[%swap3A_186, %swap3A_187] {strides = array<i32>} : memref<128x64xf32, #tpu.memory_space<vmem>>, vector<1x16xf32>,
      %swap3A_189 = vector.shape_cast %swap3A_188 : vector<1x16xf32> to vector<16xf32>
      %swap3A_190 = vector.shape_cast %broadcast_in_dim3A_5 : vector<16xf32> to vector<1x16xf32>
      tpu.vector_store %arg11[%swap3A_186, %swap3A_187], %swap3A_190 {strides = array<i32>} : memref<128x64xf32, #tpu.memory_space<vmem>>, vector<1x16xf32>,
    }
    %scan3A_115 = arith.constant 128 : i32
    "tpu.region"() ({
      %run_scoped3A = tpu.sem_alloc : memref<!tpu.dma_semaphore, #tpu.memory_space<semaphore_mem>>
      %dma_start3A_170 = tpu.memref_slice %arg8[%mul3A_0] : memref<20480xf32, #tpu.memory_space<vmem_shared>> -> memref<1280xf32, #tpu.memory_space<vmem_shared>>
      %dma_start3A_171 = tpu.memref_slice %arg8[%mul3A_0] : memref<20480xf32, #tpu.memory_space<vmem_shared>> -> memref<1280xf32, #tpu.memory_space<vmem_shared>>
      tpu.enqueue_dma source(%dma_start3A_171 : memref<1280xf32, #tpu.memory_space<vmem_shared>>) target(%arg14 : memref<1280xf32, #tpu.memory_space<vmem>>) target_semaphore(%run_scoped3A : memref<!tpu.dma_semaphore, #tpu.memory_space<semaphore_mem>>)
      %dma_wait3A = tpu.memref_slice %arg8[%mul3A_0] : memref<20480xf32, #tpu.memory_space<vmem_shared>> -> memref<1280xf32, #tpu.memory_space<vmem_shared>>
      %dma_wait3A_172 = tpu.memref_slice %arg8[%mul3A_0] : memref<20480xf32, #tpu.memory_space<vmem_shared>> -> memref<1280xf32, #tpu.memory_space<vmem_shared>>
      tpu.wait_dma2 semaphore(%run_scoped3A : memref<!tpu.dma_semaphore, #tpu.memory_space<semaphore_mem>>) src(%dma_wait3A_172 : memref<1280xf32, #tpu.memory_space<vmem_shared>>) dst(%arg14 : memref<1280xf32, #tpu.memory_space<vmem>>)
      tpu.yield
    }) : () -> ()
    %scan3A_116 = arith.constant 0 : i32
    %scan3A_117 = arith.constant 0 : i32
    %scan3A_118 = arith.constant 80 : i32
    %scan3A_119 = arith.addi %scan3A_117, %scan3A_118 : i32
    %scan3A_120 = arith.constant 1 : i32
    scf.for %scan3A_170 = %scan3A_117 to %scan3A_119 step %scan3A_120  : i32 {
      %mul3A_171 = arith.constant 16 : i32
      %mul3A_172 = arith.muli %scan3A_170, %mul3A_171 : i32
      %get3A = arith.index_cast %mul3A_172 : i32 to index
      %get3A_173 = tpu.vector_load %arg14[%get3A] {strides = array<i32>} : memref<1280xf32, #tpu.memory_space<vmem>>, vector<16xf32>,
      %get3A_174 = vector.shape_cast %get3A_173 : vector<16xf32> to vector<16xf32>
      %gt3A = arith.constant 0.000000e+00 : f32
      %gt3A_175 = vector.broadcast %gt3A : f32 to vector<16xf32>
      %gt3A_176 = arith.cmpf ogt, %get3A_174, %gt3A_175 : vector<16xf32>
      %div3A = arith.constant 1.000000e+00 : f32
      %div3A_177 = vector.broadcast %div3A : f32 to vector<16xf32>
      %div3A_178 = arith.divf %div3A_177, %get3A_174 : vector<16xf32>
      %jit3A = arith.constant 0.000000e+00 : f32
      %broadcast_in_dim3A_179 = vector.broadcast %jit3A : f32 to vector<16xf32>
      %select_n3A = arith.select %gt3A_176, %div3A_178, %broadcast_in_dim3A_179 : vector<16xi1>, vector<16xf32>
      %mul3A_180 = arith.constant 16 : i32
      %mul3A_181 = arith.muli %scan3A_170, %mul3A_180 : i32
      %swap3A_182 = arith.index_cast %mul3A_181 : i32 to index
      %swap3A_183 = tpu.vector_load %arg14[%swap3A_182] {strides = array<i32>} : memref<1280xf32, #tpu.memory_space<vmem>>, vector<16xf32>,
      %swap3A_184 = vector.shape_cast %swap3A_183 : vector<16xf32> to vector<16xf32>
      %swap3A_185 = vector.shape_cast %select_n3A : vector<16xf32> to vector<16xf32>
      tpu.vector_store %arg14[%swap3A_182], %swap3A_185 {strides = array<i32>} : memref<1280xf32, #tpu.memory_space<vmem>>, vector<16xf32>,
    }
    %scan3A_121 = arith.constant 80 : i32
    %scan3A_122 = arith.constant 0 : i32
    %scan3A_123 = arith.constant 0 : i32
    %scan3A_124 = arith.constant 10 : i32
    %scan3A_125 = arith.addi %scan3A_123, %scan3A_124 : i32
    %scan3A_126 = arith.constant 1 : i32
    scf.for %scan3A_170 = %scan3A_123 to %scan3A_125 step %scan3A_126  : i32 {
      %mul3A_171 = arith.constant 128 : i32
      %mul3A_172 = arith.muli %scan3A_170, %mul3A_171 : i32
      %add3A_173 = arith.addi %mul3A_0, %mul3A_172 : i32
      "tpu.region"() ({
        %run_scoped3A = tpu.sem_alloc : memref<!tpu.dma_semaphore, #tpu.memory_space<semaphore_mem>>
        %dma_start3A_189 = arith.constant 0 : i32
        %dma_start3A_190 = tpu.memref_slice %arg7[%add3A_173, %dma_start3A_189] : memref<20480x64xf32, #tpu.memory_space<vmem_shared>> -> memref<128x64xf32, #tpu.memory_space<vmem_shared>>
        %dma_start3A_191 = arith.constant 0 : i32
        %dma_start3A_192 = tpu.memref_slice %arg7[%add3A_173, %dma_start3A_191] : memref<20480x64xf32, #tpu.memory_space<vmem_shared>> -> memref<128x64xf32, #tpu.memory_space<vmem_shared>>
        tpu.enqueue_dma source(%dma_start3A_192 : memref<128x64xf32, #tpu.memory_space<vmem_shared>>) target(%arg13 : memref<128x64xf32, #tpu.memory_space<vmem>>) target_semaphore(%run_scoped3A : memref<!tpu.dma_semaphore, #tpu.memory_space<semaphore_mem>>)
        %dma_wait3A = arith.constant 0 : i32
        %dma_wait3A_193 = tpu.memref_slice %arg7[%add3A_173, %dma_wait3A] : memref<20480x64xf32, #tpu.memory_space<vmem_shared>> -> memref<128x64xf32, #tpu.memory_space<vmem_shared>>
        %dma_wait3A_194 = arith.constant 0 : i32
        %dma_wait3A_195 = tpu.memref_slice %arg7[%add3A_173, %dma_wait3A_194] : memref<20480x64xf32, #tpu.memory_space<vmem_shared>> -> memref<128x64xf32, #tpu.memory_space<vmem_shared>>
        tpu.wait_dma2 semaphore(%run_scoped3A : memref<!tpu.dma_semaphore, #tpu.memory_space<semaphore_mem>>) src(%dma_wait3A_195 : memref<128x64xf32, #tpu.memory_space<vmem_shared>>) dst(%arg13 : memref<128x64xf32, #tpu.memory_space<vmem>>)
        tpu.yield
      }) : () -> ()
      %scan3A_174 = arith.constant 0 : i32
      %scan3A_175 = arith.constant 0 : i32
      %scan3A_176 = arith.constant 8 : i32
      %scan3A_177 = arith.addi %scan3A_175, %scan3A_176 : i32
      %scan3A_178 = arith.constant 1 : i32
      scf.for %scan3A_189 = %scan3A_175 to %scan3A_177 step %scan3A_178  : i32 {
        %mul3A_190 = arith.constant 128 : i32
        %mul3A_191 = arith.muli %scan3A_170, %mul3A_190 : i32
        %mul3A_192 = arith.constant 16 : i32
        %mul3A_193 = arith.muli %scan3A_189, %mul3A_192 : i32
        %add3A_194 = arith.addi %mul3A_191, %mul3A_193 : i32
        %get3A = arith.index_cast %add3A_194 : i32 to index
        %get3A_195 = tpu.vector_load %arg14[%get3A] {strides = array<i32>} : memref<1280xf32, #tpu.memory_space<vmem>>, vector<16xf32>,
        %get3A_196 = vector.shape_cast %get3A_195 : vector<16xf32> to vector<16xf32>
        %gather3A = vector.shape_cast %broadcast_in_dim3A_9 : vector<16x1xi32> to vector<16xi32>
        %gather3A_197 = tpu.dynamic_gather %get3A_196[%gather3A] in [0] : vector<16xf32>, vector<16xi32> -> vector<16xf32>
        %mul3A_198 = arith.constant 16 : i32
        %mul3A_199 = arith.muli %scan3A_189, %mul3A_198 : i32
        %add3A_200 = arith.constant 0 : i32
        %add3A_201 = arith.addi %mul3A_199, %add3A_200 : i32
        %get3A_202 = arith.index_cast %add3A_201 : i32 to index
        %get3A_203 = arith.constant 0 : index
        %get3A_204 = tpu.vector_load %arg13[%get3A_202, %get3A_203] {strides = array<i32>} : memref<128x64xf32, #tpu.memory_space<vmem>>, vector<1x16xf32>,
        %get3A_205 = vector.shape_cast %get3A_204 : vector<1x16xf32> to vector<16xf32>
        %mul3A_206 = arith.mulf %get3A_205, %gather3A_197 : vector<16xf32>
        %swap3A_207 = arith.index_cast %add3A_201 : i32 to index
        %swap3A_208 = arith.constant 0 : index
        %swap3A_209 = tpu.vector_load %arg13[%swap3A_207, %swap3A_208] {strides = array<i32>} : memref<128x64xf32, #tpu.memory_space<vmem>>, vector<1x16xf32>,
        %swap3A_210 = vector.shape_cast %swap3A_209 : vector<1x16xf32> to vector<16xf32>
        %swap3A_211 = vector.shape_cast %mul3A_206 : vector<16xf32> to vector<1x16xf32>
        tpu.vector_store %arg13[%swap3A_207, %swap3A_208], %swap3A_211 {strides = array<i32>} : memref<128x64xf32, #tpu.memory_space<vmem>>, vector<1x16xf32>,
        %get3A_212 = arith.index_cast %add3A_201 : i32 to index
        %get3A_213 = arith.constant 16 : index
        %get3A_214 = tpu.vector_load %arg13[%get3A_212, %get3A_213] {strides = array<i32>} : memref<128x64xf32, #tpu.memory_space<vmem>>, vector<1x16xf32>,
        %get3A_215 = vector.shape_cast %get3A_214 : vector<1x16xf32> to vector<16xf32>
        %mul3A_216 = arith.mulf %get3A_215, %gather3A_197 : vector<16xf32>
        %swap3A_217 = arith.index_cast %add3A_201 : i32 to index
        %swap3A_218 = arith.constant 16 : index
        %swap3A_219 = tpu.vector_load %arg13[%swap3A_217, %swap3A_218] {strides = array<i32>} : memref<128x64xf32, #tpu.memory_space<vmem>>, vector<1x16xf32>,
        %swap3A_220 = vector.shape_cast %swap3A_219 : vector<1x16xf32> to vector<16xf32>
        %swap3A_221 = vector.shape_cast %mul3A_216 : vector<16xf32> to vector<1x16xf32>
        tpu.vector_store %arg13[%swap3A_217, %swap3A_218], %swap3A_221 {strides = array<i32>} : memref<128x64xf32, #tpu.memory_space<vmem>>, vector<1x16xf32>,
        %get3A_222 = arith.index_cast %add3A_201 : i32 to index
        %get3A_223 = arith.constant 32 : index
        %get3A_224 = tpu.vector_load %arg13[%get3A_222, %get3A_223] {strides = array<i32>} : memref<128x64xf32, #tpu.memory_space<vmem>>, vector<1x16xf32>,
        %get3A_225 = vector.shape_cast %get3A_224 : vector<1x16xf32> to vector<16xf32>
        %mul3A_226 = arith.mulf %get3A_225, %gather3A_197 : vector<16xf32>
        %swap3A_227 = arith.index_cast %add3A_201 : i32 to index
        %swap3A_228 = arith.constant 32 : index
        %swap3A_229 = tpu.vector_load %arg13[%swap3A_227, %swap3A_228] {strides = array<i32>} : memref<128x64xf32, #tpu.memory_space<vmem>>, vector<1x16xf32>,
        %swap3A_230 = vector.shape_cast %swap3A_229 : vector<1x16xf32> to vector<16xf32>
        %swap3A_231 = vector.shape_cast %mul3A_226 : vector<16xf32> to vector<1x16xf32>
        tpu.vector_store %arg13[%swap3A_227, %swap3A_228], %swap3A_231 {strides = array<i32>} : memref<128x64xf32, #tpu.memory_space<vmem>>, vector<1x16xf32>,
        %get3A_232 = arith.index_cast %add3A_201 : i32 to index
        %get3A_233 = arith.constant 48 : index
        %get3A_234 = tpu.vector_load %arg13[%get3A_232, %get3A_233] {strides = array<i32>} : memref<128x64xf32, #tpu.memory_space<vmem>>, vector<1x16xf32>,
        %get3A_235 = vector.shape_cast %get3A_234 : vector<1x16xf32> to vector<16xf32>
        %mul3A_236 = arith.mulf %get3A_235, %gather3A_197 : vector<16xf32>
        %swap3A_237 = arith.index_cast %add3A_201 : i32 to index
        %swap3A_238 = arith.constant 48 : index
        %swap3A_239 = tpu.vector_load %arg13[%swap3A_237, %swap3A_238] {strides = array<i32>} : memref<128x64xf32, #tpu.memory_space<vmem>>, vector<1x16xf32>,
        %swap3A_240 = vector.shape_cast %swap3A_239 : vector<1x16xf32> to vector<16xf32>
        %swap3A_241 = vector.shape_cast %mul3A_236 : vector<16xf32> to vector<1x16xf32>
        tpu.vector_store %arg13[%swap3A_237, %swap3A_238], %swap3A_241 {strides = array<i32>} : memref<128x64xf32, #tpu.memory_space<vmem>>, vector<1x16xf32>,
        %gather3A_242 = vector.shape_cast %broadcast_in_dim3A_11 : vector<16x1xi32> to vector<16xi32>
        %gather3A_243 = tpu.dynamic_gather %get3A_196[%gather3A_242] in [0] : vector<16xf32>, vector<16xi32> -> vector<16xf32>
        %mul3A_244 = arith.constant 16 : i32
        %mul3A_245 = arith.muli %scan3A_189, %mul3A_244 : i32
        %add3A_246 = arith.constant 1 : i32
        %add3A_247 = arith.addi %mul3A_245, %add3A_246 : i32
        %get3A_248 = arith.index_cast %add3A_247 : i32 to index
        %get3A_249 = arith.constant 0 : index
        %get3A_250 = tpu.vector_load %arg13[%get3A_248, %get3A_249] {strides = array<i32>} : memref<128x64xf32, #tpu.memory_space<vmem>>, vector<1x16xf32>,
        %get3A_251 = vector.shape_cast %get3A_250 : vector<1x16xf32> to vector<16xf32>
        %mul3A_252 = arith.mulf %get3A_251, %gather3A_243 : vector<16xf32>
        %swap3A_253 = arith.index_cast %add3A_247 : i32 to index
        %swap3A_254 = arith.constant 0 : index
        %swap3A_255 = tpu.vector_load %arg13[%swap3A_253, %swap3A_254] {strides = array<i32>} : memref<128x64xf32, #tpu.memory_space<vmem>>, vector<1x16xf32>,
        %swap3A_256 = vector.shape_cast %swap3A_255 : vector<1x16xf32> to vector<16xf32>
        %swap3A_257 = vector.shape_cast %mul3A_252 : vector<16xf32> to vector<1x16xf32>
        tpu.vector_store %arg13[%swap3A_253, %swap3A_254], %swap3A_257 {strides = array<i32>} : memref<128x64xf32, #tpu.memory_space<vmem>>, vector<1x16xf32>,
        %get3A_258 = arith.index_cast %add3A_247 : i32 to index
        %get3A_259 = arith.constant 16 : index
        %get3A_260 = tpu.vector_load %arg13[%get3A_258, %get3A_259] {strides = array<i32>} : memref<128x64xf32, #tpu.memory_space<vmem>>, vector<1x16xf32>,
        %get3A_261 = vector.shape_cast %get3A_260 : vector<1x16xf32> to vector<16xf32>
        %mul3A_262 = arith.mulf %get3A_261, %gather3A_243 : vector<16xf32>
        %swap3A_263 = arith.index_cast %add3A_247 : i32 to index
        %swap3A_264 = arith.constant 16 : index
        %swap3A_265 = tpu.vector_load %arg13[%swap3A_263, %swap3A_264] {strides = array<i32>} : memref<128x64xf32, #tpu.memory_space<vmem>>, vector<1x16xf32>,
        %swap3A_266 = vector.shape_cast %swap3A_265 : vector<1x16xf32> to vector<16xf32>
        %swap3A_267 = vector.shape_cast %mul3A_262 : vector<16xf32> to vector<1x16xf32>
        tpu.vector_store %arg13[%swap3A_263, %swap3A_264], %swap3A_267 {strides = array<i32>} : memref<128x64xf32, #tpu.memory_space<vmem>>, vector<1x16xf32>,
        %get3A_268 = arith.index_cast %add3A_247 : i32 to index
        %get3A_269 = arith.constant 32 : index
        %get3A_270 = tpu.vector_load %arg13[%get3A_268, %get3A_269] {strides = array<i32>} : memref<128x64xf32, #tpu.memory_space<vmem>>, vector<1x16xf32>,
        %get3A_271 = vector.shape_cast %get3A_270 : vector<1x16xf32> to vector<16xf32>
        %mul3A_272 = arith.mulf %get3A_271, %gather3A_243 : vector<16xf32>
        %swap3A_273 = arith.index_cast %add3A_247 : i32 to index
        %swap3A_274 = arith.constant 32 : index
        %swap3A_275 = tpu.vector_load %arg13[%swap3A_273, %swap3A_274] {strides = array<i32>} : memref<128x64xf32, #tpu.memory_space<vmem>>, vector<1x16xf32>,
        %swap3A_276 = vector.shape_cast %swap3A_275 : vector<1x16xf32> to vector<16xf32>
        %swap3A_277 = vector.shape_cast %mul3A_272 : vector<16xf32> to vector<1x16xf32>
        tpu.vector_store %arg13[%swap3A_273, %swap3A_274], %swap3A_277 {strides = array<i32>} : memref<128x64xf32, #tpu.memory_space<vmem>>, vector<1x16xf32>,
        %get3A_278 = arith.index_cast %add3A_247 : i32 to index
        %get3A_279 = arith.constant 48 : index
        %get3A_280 = tpu.vector_load %arg13[%get3A_278, %get3A_279] {strides = array<i32>} : memref<128x64xf32, #tpu.memory_space<vmem>>, vector<1x16xf32>,
        %get3A_281 = vector.shape_cast %get3A_280 : vector<1x16xf32> to vector<16xf32>
        %mul3A_282 = arith.mulf %get3A_281, %gather3A_243 : vector<16xf32>
        %swap3A_283 = arith.index_cast %add3A_247 : i32 to index
        %swap3A_284 = arith.constant 48 : index
        %swap3A_285 = tpu.vector_load %arg13[%swap3A_283, %swap3A_284] {strides = array<i32>} : memref<128x64xf32, #tpu.memory_space<vmem>>, vector<1x16xf32>,
        %swap3A_286 = vector.shape_cast %swap3A_285 : vector<1x16xf32> to vector<16xf32>
        %swap3A_287 = vector.shape_cast %mul3A_282 : vector<16xf32> to vector<1x16xf32>
        tpu.vector_store %arg13[%swap3A_283, %swap3A_284], %swap3A_287 {strides = array<i32>} : memref<128x64xf32, #tpu.memory_space<vmem>>, vector<1x16xf32>,
        %gather3A_288 = vector.shape_cast %broadcast_in_dim3A_13 : vector<16x1xi32> to vector<16xi32>
        %gather3A_289 = tpu.dynamic_gather %get3A_196[%gather3A_288] in [0] : vector<16xf32>, vector<16xi32> -> vector<16xf32>
        %mul3A_290 = arith.constant 16 : i32
        %mul3A_291 = arith.muli %scan3A_189, %mul3A_290 : i32
        %add3A_292 = arith.constant 2 : i32
        %add3A_293 = arith.addi %mul3A_291, %add3A_292 : i32
        %get3A_294 = arith.index_cast %add3A_293 : i32 to index
        %get3A_295 = arith.constant 0 : index
        %get3A_296 = tpu.vector_load %arg13[%get3A_294, %get3A_295] {strides = array<i32>} : memref<128x64xf32, #tpu.memory_space<vmem>>, vector<1x16xf32>,
        %get3A_297 = vector.shape_cast %get3A_296 : vector<1x16xf32> to vector<16xf32>
        %mul3A_298 = arith.mulf %get3A_297, %gather3A_289 : vector<16xf32>
        %swap3A_299 = arith.index_cast %add3A_293 : i32 to index
        %swap3A_300 = arith.constant 0 : index
        %swap3A_301 = tpu.vector_load %arg13[%swap3A_299, %swap3A_300] {strides = array<i32>} : memref<128x64xf32, #tpu.memory_space<vmem>>, vector<1x16xf32>,
        %swap3A_302 = vector.shape_cast %swap3A_301 : vector<1x16xf32> to vector<16xf32>
        %swap3A_303 = vector.shape_cast %mul3A_298 : vector<16xf32> to vector<1x16xf32>
        tpu.vector_store %arg13[%swap3A_299, %swap3A_300], %swap3A_303 {strides = array<i32>} : memref<128x64xf32, #tpu.memory_space<vmem>>, vector<1x16xf32>,
        %get3A_304 = arith.index_cast %add3A_293 : i32 to index
        %get3A_305 = arith.constant 16 : index
        %get3A_306 = tpu.vector_load %arg13[%get3A_304, %get3A_305] {strides = array<i32>} : memref<128x64xf32, #tpu.memory_space<vmem>>, vector<1x16xf32>,
        %get3A_307 = vector.shape_cast %get3A_306 : vector<1x16xf32> to vector<16xf32>
        %mul3A_308 = arith.mulf %get3A_307, %gather3A_289 : vector<16xf32>
        %swap3A_309 = arith.index_cast %add3A_293 : i32 to index
        %swap3A_310 = arith.constant 16 : index
        %swap3A_311 = tpu.vector_load %arg13[%swap3A_309, %swap3A_310] {strides = array<i32>} : memref<128x64xf32, #tpu.memory_space<vmem>>, vector<1x16xf32>,
        %swap3A_312 = vector.shape_cast %swap3A_311 : vector<1x16xf32> to vector<16xf32>
        %swap3A_313 = vector.shape_cast %mul3A_308 : vector<16xf32> to vector<1x16xf32>
        tpu.vector_store %arg13[%swap3A_309, %swap3A_310], %swap3A_313 {strides = array<i32>} : memref<128x64xf32, #tpu.memory_space<vmem>>, vector<1x16xf32>,
        %get3A_314 = arith.index_cast %add3A_293 : i32 to index
        %get3A_315 = arith.constant 32 : index
        %get3A_316 = tpu.vector_load %arg13[%get3A_314, %get3A_315] {strides = array<i32>} : memref<128x64xf32, #tpu.memory_space<vmem>>, vector<1x16xf32>,
        %get3A_317 = vector.shape_cast %get3A_316 : vector<1x16xf32> to vector<16xf32>
        %mul3A_318 = arith.mulf %get3A_317, %gather3A_289 : vector<16xf32>
        %swap3A_319 = arith.index_cast %add3A_293 : i32 to index
        %swap3A_320 = arith.constant 32 : index
        %swap3A_321 = tpu.vector_load %arg13[%swap3A_319, %swap3A_320] {strides = array<i32>} : memref<128x64xf32, #tpu.memory_space<vmem>>, vector<1x16xf32>,
        %swap3A_322 = vector.shape_cast %swap3A_321 : vector<1x16xf32> to vector<16xf32>
        %swap3A_323 = vector.shape_cast %mul3A_318 : vector<16xf32> to vector<1x16xf32>
        tpu.vector_store %arg13[%swap3A_319, %swap3A_320], %swap3A_323 {strides = array<i32>} : memref<128x64xf32, #tpu.memory_space<vmem>>, vector<1x16xf32>,
        %get3A_324 = arith.index_cast %add3A_293 : i32 to index
        %get3A_325 = arith.constant 48 : index
        %get3A_326 = tpu.vector_load %arg13[%get3A_324, %get3A_325] {strides = array<i32>} : memref<128x64xf32, #tpu.memory_space<vmem>>, vector<1x16xf32>,
        %get3A_327 = vector.shape_cast %get3A_326 : vector<1x16xf32> to vector<16xf32>
        %mul3A_328 = arith.mulf %get3A_327, %gather3A_289 : vector<16xf32>
        %swap3A_329 = arith.index_cast %add3A_293 : i32 to index
        %swap3A_330 = arith.constant 48 : index
        %swap3A_331 = tpu.vector_load %arg13[%swap3A_329, %swap3A_330] {strides = array<i32>} : memref<128x64xf32, #tpu.memory_space<vmem>>, vector<1x16xf32>,
        %swap3A_332 = vector.shape_cast %swap3A_331 : vector<1x16xf32> to vector<16xf32>
        %swap3A_333 = vector.shape_cast %mul3A_328 : vector<16xf32> to vector<1x16xf32>
        tpu.vector_store %arg13[%swap3A_329, %swap3A_330], %swap3A_333 {strides = array<i32>} : memref<128x64xf32, #tpu.memory_space<vmem>>, vector<1x16xf32>,
        %gather3A_334 = vector.shape_cast %broadcast_in_dim3A_15 : vector<16x1xi32> to vector<16xi32>
        %gather3A_335 = tpu.dynamic_gather %get3A_196[%gather3A_334] in [0] : vector<16xf32>, vector<16xi32> -> vector<16xf32>
        %mul3A_336 = arith.constant 16 : i32
        %mul3A_337 = arith.muli %scan3A_189, %mul3A_336 : i32
        %add3A_338 = arith.constant 3 : i32
        %add3A_339 = arith.addi %mul3A_337, %add3A_338 : i32
        %get3A_340 = arith.index_cast %add3A_339 : i32 to index
        %get3A_341 = arith.constant 0 : index
        %get3A_342 = tpu.vector_load %arg13[%get3A_340, %get3A_341] {strides = array<i32>} : memref<128x64xf32, #tpu.memory_space<vmem>>, vector<1x16xf32>,
        %get3A_343 = vector.shape_cast %get3A_342 : vector<1x16xf32> to vector<16xf32>
        %mul3A_344 = arith.mulf %get3A_343, %gather3A_335 : vector<16xf32>
        %swap3A_345 = arith.index_cast %add3A_339 : i32 to index
        %swap3A_346 = arith.constant 0 : index
        %swap3A_347 = tpu.vector_load %arg13[%swap3A_345, %swap3A_346] {strides = array<i32>} : memref<128x64xf32, #tpu.memory_space<vmem>>, vector<1x16xf32>,
        %swap3A_348 = vector.shape_cast %swap3A_347 : vector<1x16xf32> to vector<16xf32>
        %swap3A_349 = vector.shape_cast %mul3A_344 : vector<16xf32> to vector<1x16xf32>
        tpu.vector_store %arg13[%swap3A_345, %swap3A_346], %swap3A_349 {strides = array<i32>} : memref<128x64xf32, #tpu.memory_space<vmem>>, vector<1x16xf32>,
        %get3A_350 = arith.index_cast %add3A_339 : i32 to index
        %get3A_351 = arith.constant 16 : index
        %get3A_352 = tpu.vector_load %arg13[%get3A_350, %get3A_351] {strides = array<i32>} : memref<128x64xf32, #tpu.memory_space<vmem>>, vector<1x16xf32>,
        %get3A_353 = vector.shape_cast %get3A_352 : vector<1x16xf32> to vector<16xf32>
        %mul3A_354 = arith.mulf %get3A_353, %gather3A_335 : vector<16xf32>
        %swap3A_355 = arith.index_cast %add3A_339 : i32 to index
        %swap3A_356 = arith.constant 16 : index
        %swap3A_357 = tpu.vector_load %arg13[%swap3A_355, %swap3A_356] {strides = array<i32>} : memref<128x64xf32, #tpu.memory_space<vmem>>, vector<1x16xf32>,
        %swap3A_358 = vector.shape_cast %swap3A_357 : vector<1x16xf32> to vector<16xf32>
        %swap3A_359 = vector.shape_cast %mul3A_354 : vector<16xf32> to vector<1x16xf32>
        tpu.vector_store %arg13[%swap3A_355, %swap3A_356], %swap3A_359 {strides = array<i32>} : memref<128x64xf32, #tpu.memory_space<vmem>>, vector<1x16xf32>,
        %get3A_360 = arith.index_cast %add3A_339 : i32 to index
        %get3A_361 = arith.constant 32 : index
        %get3A_362 = tpu.vector_load %arg13[%get3A_360, %get3A_361] {strides = array<i32>} : memref<128x64xf32, #tpu.memory_space<vmem>>, vector<1x16xf32>,
        %get3A_363 = vector.shape_cast %get3A_362 : vector<1x16xf32> to vector<16xf32>
        %mul3A_364 = arith.mulf %get3A_363, %gather3A_335 : vector<16xf32>
        %swap3A_365 = arith.index_cast %add3A_339 : i32 to index
        %swap3A_366 = arith.constant 32 : index
        %swap3A_367 = tpu.vector_load %arg13[%swap3A_365, %swap3A_366] {strides = array<i32>} : memref<128x64xf32, #tpu.memory_space<vmem>>, vector<1x16xf32>,
        %swap3A_368 = vector.shape_cast %swap3A_367 : vector<1x16xf32> to vector<16xf32>
        %swap3A_369 = vector.shape_cast %mul3A_364 : vector<16xf32> to vector<1x16xf32>
        tpu.vector_store %arg13[%swap3A_365, %swap3A_366], %swap3A_369 {strides = array<i32>} : memref<128x64xf32, #tpu.memory_space<vmem>>, vector<1x16xf32>,
        %get3A_370 = arith.index_cast %add3A_339 : i32 to index
        %get3A_371 = arith.constant 48 : index
        %get3A_372 = tpu.vector_load %arg13[%get3A_370, %get3A_371] {strides = array<i32>} : memref<128x64xf32, #tpu.memory_space<vmem>>, vector<1x16xf32>,
        %get3A_373 = vector.shape_cast %get3A_372 : vector<1x16xf32> to vector<16xf32>
        %mul3A_374 = arith.mulf %get3A_373, %gather3A_335 : vector<16xf32>
        %swap3A_375 = arith.index_cast %add3A_339 : i32 to index
        %swap3A_376 = arith.constant 48 : index
        %swap3A_377 = tpu.vector_load %arg13[%swap3A_375, %swap3A_376] {strides = array<i32>} : memref<128x64xf32, #tpu.memory_space<vmem>>, vector<1x16xf32>,
        %swap3A_378 = vector.shape_cast %swap3A_377 : vector<1x16xf32> to vector<16xf32>
        %swap3A_379 = vector.shape_cast %mul3A_374 : vector<16xf32> to vector<1x16xf32>
        tpu.vector_store %arg13[%swap3A_375, %swap3A_376], %swap3A_379 {strides = array<i32>} : memref<128x64xf32, #tpu.memory_space<vmem>>, vector<1x16xf32>,
        %gather3A_380 = vector.shape_cast %broadcast_in_dim3A_17 : vector<16x1xi32> to vector<16xi32>
        %gather3A_381 = tpu.dynamic_gather %get3A_196[%gather3A_380] in [0] : vector<16xf32>, vector<16xi32> -> vector<16xf32>
        %mul3A_382 = arith.constant 16 : i32
        %mul3A_383 = arith.muli %scan3A_189, %mul3A_382 : i32
        %add3A_384 = arith.constant 4 : i32
        %add3A_385 = arith.addi %mul3A_383, %add3A_384 : i32
        %get3A_386 = arith.index_cast %add3A_385 : i32 to index
        %get3A_387 = arith.constant 0 : index
        %get3A_388 = tpu.vector_load %arg13[%get3A_386, %get3A_387] {strides = array<i32>} : memref<128x64xf32, #tpu.memory_space<vmem>>, vector<1x16xf32>,
        %get3A_389 = vector.shape_cast %get3A_388 : vector<1x16xf32> to vector<16xf32>
        %mul3A_390 = arith.mulf %get3A_389, %gather3A_381 : vector<16xf32>
        %swap3A_391 = arith.index_cast %add3A_385 : i32 to index
        %swap3A_392 = arith.constant 0 : index
        %swap3A_393 = tpu.vector_load %arg13[%swap3A_391, %swap3A_392] {strides = array<i32>} : memref<128x64xf32, #tpu.memory_space<vmem>>, vector<1x16xf32>,
        %swap3A_394 = vector.shape_cast %swap3A_393 : vector<1x16xf32> to vector<16xf32>
        %swap3A_395 = vector.shape_cast %mul3A_390 : vector<16xf32> to vector<1x16xf32>
        tpu.vector_store %arg13[%swap3A_391, %swap3A_392], %swap3A_395 {strides = array<i32>} : memref<128x64xf32, #tpu.memory_space<vmem>>, vector<1x16xf32>,
        %get3A_396 = arith.index_cast %add3A_385 : i32 to index
        %get3A_397 = arith.constant 16 : index
        %get3A_398 = tpu.vector_load %arg13[%get3A_396, %get3A_397] {strides = array<i32>} : memref<128x64xf32, #tpu.memory_space<vmem>>, vector<1x16xf32>,
        %get3A_399 = vector.shape_cast %get3A_398 : vector<1x16xf32> to vector<16xf32>
        %mul3A_400 = arith.mulf %get3A_399, %gather3A_381 : vector<16xf32>
        %swap3A_401 = arith.index_cast %add3A_385 : i32 to index
        %swap3A_402 = arith.constant 16 : index
        %swap3A_403 = tpu.vector_load %arg13[%swap3A_401, %swap3A_402] {strides = array<i32>} : memref<128x64xf32, #tpu.memory_space<vmem>>, vector<1x16xf32>,
        %swap3A_404 = vector.shape_cast %swap3A_403 : vector<1x16xf32> to vector<16xf32>
        %swap3A_405 = vector.shape_cast %mul3A_400 : vector<16xf32> to vector<1x16xf32>
        tpu.vector_store %arg13[%swap3A_401, %swap3A_402], %swap3A_405 {strides = array<i32>} : memref<128x64xf32, #tpu.memory_space<vmem>>, vector<1x16xf32>,
        %get3A_406 = arith.index_cast %add3A_385 : i32 to index
        %get3A_407 = arith.constant 32 : index
        %get3A_408 = tpu.vector_load %arg13[%get3A_406, %get3A_407] {strides = array<i32>} : memref<128x64xf32, #tpu.memory_space<vmem>>, vector<1x16xf32>,
        %get3A_409 = vector.shape_cast %get3A_408 : vector<1x16xf32> to vector<16xf32>
        %mul3A_410 = arith.mulf %get3A_409, %gather3A_381 : vector<16xf32>
        %swap3A_411 = arith.index_cast %add3A_385 : i32 to index
        %swap3A_412 = arith.constant 32 : index
        %swap3A_413 = tpu.vector_load %arg13[%swap3A_411, %swap3A_412] {strides = array<i32>} : memref<128x64xf32, #tpu.memory_space<vmem>>, vector<1x16xf32>,
        %swap3A_414 = vector.shape_cast %swap3A_413 : vector<1x16xf32> to vector<16xf32>
        %swap3A_415 = vector.shape_cast %mul3A_410 : vector<16xf32> to vector<1x16xf32>
        tpu.vector_store %arg13[%swap3A_411, %swap3A_412], %swap3A_415 {strides = array<i32>} : memref<128x64xf32, #tpu.memory_space<vmem>>, vector<1x16xf32>,
        %get3A_416 = arith.index_cast %add3A_385 : i32 to index
        %get3A_417 = arith.constant 48 : index
        %get3A_418 = tpu.vector_load %arg13[%get3A_416, %get3A_417] {strides = array<i32>} : memref<128x64xf32, #tpu.memory_space<vmem>>, vector<1x16xf32>,
        %get3A_419 = vector.shape_cast %get3A_418 : vector<1x16xf32> to vector<16xf32>
        %mul3A_420 = arith.mulf %get3A_419, %gather3A_381 : vector<16xf32>
        %swap3A_421 = arith.index_cast %add3A_385 : i32 to index
        %swap3A_422 = arith.constant 48 : index
        %swap3A_423 = tpu.vector_load %arg13[%swap3A_421, %swap3A_422] {strides = array<i32>} : memref<128x64xf32, #tpu.memory_space<vmem>>, vector<1x16xf32>,
        %swap3A_424 = vector.shape_cast %swap3A_423 : vector<1x16xf32> to vector<16xf32>
        %swap3A_425 = vector.shape_cast %mul3A_420 : vector<16xf32> to vector<1x16xf32>
        tpu.vector_store %arg13[%swap3A_421, %swap3A_422], %swap3A_425 {strides = array<i32>} : memref<128x64xf32, #tpu.memory_space<vmem>>, vector<1x16xf32>,
        %gather3A_426 = vector.shape_cast %broadcast_in_dim3A_19 : vector<16x1xi32> to vector<16xi32>
        %gather3A_427 = tpu.dynamic_gather %get3A_196[%gather3A_426] in [0] : vector<16xf32>, vector<16xi32> -> vector<16xf32>
        %mul3A_428 = arith.constant 16 : i32
        %mul3A_429 = arith.muli %scan3A_189, %mul3A_428 : i32
        %add3A_430 = arith.constant 5 : i32
        %add3A_431 = arith.addi %mul3A_429, %add3A_430 : i32
        %get3A_432 = arith.index_cast %add3A_431 : i32 to index
        %get3A_433 = arith.constant 0 : index
        %get3A_434 = tpu.vector_load %arg13[%get3A_432, %get3A_433] {strides = array<i32>} : memref<128x64xf32, #tpu.memory_space<vmem>>, vector<1x16xf32>,
        %get3A_435 = vector.shape_cast %get3A_434 : vector<1x16xf32> to vector<16xf32>
        %mul3A_436 = arith.mulf %get3A_435, %gather3A_427 : vector<16xf32>
        %swap3A_437 = arith.index_cast %add3A_431 : i32 to index
        %swap3A_438 = arith.constant 0 : index
        %swap3A_439 = tpu.vector_load %arg13[%swap3A_437, %swap3A_438] {strides = array<i32>} : memref<128x64xf32, #tpu.memory_space<vmem>>, vector<1x16xf32>,
        %swap3A_440 = vector.shape_cast %swap3A_439 : vector<1x16xf32> to vector<16xf32>
        %swap3A_441 = vector.shape_cast %mul3A_436 : vector<16xf32> to vector<1x16xf32>
        tpu.vector_store %arg13[%swap3A_437, %swap3A_438], %swap3A_441 {strides = array<i32>} : memref<128x64xf32, #tpu.memory_space<vmem>>, vector<1x16xf32>,
        %get3A_442 = arith.index_cast %add3A_431 : i32 to index
        %get3A_443 = arith.constant 16 : index
        %get3A_444 = tpu.vector_load %arg13[%get3A_442, %get3A_443] {strides = array<i32>} : memref<128x64xf32, #tpu.memory_space<vmem>>, vector<1x16xf32>,
        %get3A_445 = vector.shape_cast %get3A_444 : vector<1x16xf32> to vector<16xf32>
        %mul3A_446 = arith.mulf %get3A_445, %gather3A_427 : vector<16xf32>
        %swap3A_447 = arith.index_cast %add3A_431 : i32 to index
        %swap3A_448 = arith.constant 16 : index
        %swap3A_449 = tpu.vector_load %arg13[%swap3A_447, %swap3A_448] {strides = array<i32>} : memref<128x64xf32, #tpu.memory_space<vmem>>, vector<1x16xf32>,
        %swap3A_450 = vector.shape_cast %swap3A_449 : vector<1x16xf32> to vector<16xf32>
        %swap3A_451 = vector.shape_cast %mul3A_446 : vector<16xf32> to vector<1x16xf32>
        tpu.vector_store %arg13[%swap3A_447, %swap3A_448], %swap3A_451 {strides = array<i32>} : memref<128x64xf32, #tpu.memory_space<vmem>>, vector<1x16xf32>,
        %get3A_452 = arith.index_cast %add3A_431 : i32 to index
        %get3A_453 = arith.constant 32 : index
        %get3A_454 = tpu.vector_load %arg13[%get3A_452, %get3A_453] {strides = array<i32>} : memref<128x64xf32, #tpu.memory_space<vmem>>, vector<1x16xf32>,
        %get3A_455 = vector.shape_cast %get3A_454 : vector<1x16xf32> to vector<16xf32>
        %mul3A_456 = arith.mulf %get3A_455, %gather3A_427 : vector<16xf32>
        %swap3A_457 = arith.index_cast %add3A_431 : i32 to index
        %swap3A_458 = arith.constant 32 : index
        %swap3A_459 = tpu.vector_load %arg13[%swap3A_457, %swap3A_458] {strides = array<i32>} : memref<128x64xf32, #tpu.memory_space<vmem>>, vector<1x16xf32>,
        %swap3A_460 = vector.shape_cast %swap3A_459 : vector<1x16xf32> to vector<16xf32>
        %swap3A_461 = vector.shape_cast %mul3A_456 : vector<16xf32> to vector<1x16xf32>
        tpu.vector_store %arg13[%swap3A_457, %swap3A_458], %swap3A_461 {strides = array<i32>} : memref<128x64xf32, #tpu.memory_space<vmem>>, vector<1x16xf32>,
        %get3A_462 = arith.index_cast %add3A_431 : i32 to index
        %get3A_463 = arith.constant 48 : index
        %get3A_464 = tpu.vector_load %arg13[%get3A_462, %get3A_463] {strides = array<i32>} : memref<128x64xf32, #tpu.memory_space<vmem>>, vector<1x16xf32>,
        %get3A_465 = vector.shape_cast %get3A_464 : vector<1x16xf32> to vector<16xf32>
        %mul3A_466 = arith.mulf %get3A_465, %gather3A_427 : vector<16xf32>
        %swap3A_467 = arith.index_cast %add3A_431 : i32 to index
        %swap3A_468 = arith.constant 48 : index
        %swap3A_469 = tpu.vector_load %arg13[%swap3A_467, %swap3A_468] {strides = array<i32>} : memref<128x64xf32, #tpu.memory_space<vmem>>, vector<1x16xf32>,
        %swap3A_470 = vector.shape_cast %swap3A_469 : vector<1x16xf32> to vector<16xf32>
        %swap3A_471 = vector.shape_cast %mul3A_466 : vector<16xf32> to vector<1x16xf32>
        tpu.vector_store %arg13[%swap3A_467, %swap3A_468], %swap3A_471 {strides = array<i32>} : memref<128x64xf32, #tpu.memory_space<vmem>>, vector<1x16xf32>,
        %gather3A_472 = vector.shape_cast %broadcast_in_dim3A_21 : vector<16x1xi32> to vector<16xi32>
        %gather3A_473 = tpu.dynamic_gather %get3A_196[%gather3A_472] in [0] : vector<16xf32>, vector<16xi32> -> vector<16xf32>
        %mul3A_474 = arith.constant 16 : i32
        %mul3A_475 = arith.muli %scan3A_189, %mul3A_474 : i32
        %add3A_476 = arith.constant 6 : i32
        %add3A_477 = arith.addi %mul3A_475, %add3A_476 : i32
        %get3A_478 = arith.index_cast %add3A_477 : i32 to index
        %get3A_479 = arith.constant 0 : index
        %get3A_480 = tpu.vector_load %arg13[%get3A_478, %get3A_479] {strides = array<i32>} : memref<128x64xf32, #tpu.memory_space<vmem>>, vector<1x16xf32>,
        %get3A_481 = vector.shape_cast %get3A_480 : vector<1x16xf32> to vector<16xf32>
        %mul3A_482 = arith.mulf %get3A_481, %gather3A_473 : vector<16xf32>
        %swap3A_483 = arith.index_cast %add3A_477 : i32 to index
        %swap3A_484 = arith.constant 0 : index
        %swap3A_485 = tpu.vector_load %arg13[%swap3A_483, %swap3A_484] {strides = array<i32>} : memref<128x64xf32, #tpu.memory_space<vmem>>, vector<1x16xf32>,
        %swap3A_486 = vector.shape_cast %swap3A_485 : vector<1x16xf32> to vector<16xf32>
        %swap3A_487 = vector.shape_cast %mul3A_482 : vector<16xf32> to vector<1x16xf32>
        tpu.vector_store %arg13[%swap3A_483, %swap3A_484], %swap3A_487 {strides = array<i32>} : memref<128x64xf32, #tpu.memory_space<vmem>>, vector<1x16xf32>,
        %get3A_488 = arith.index_cast %add3A_477 : i32 to index
        %get3A_489 = arith.constant 16 : index
        %get3A_490 = tpu.vector_load %arg13[%get3A_488, %get3A_489] {strides = array<i32>} : memref<128x64xf32, #tpu.memory_space<vmem>>, vector<1x16xf32>,
        %get3A_491 = vector.shape_cast %get3A_490 : vector<1x16xf32> to vector<16xf32>
        %mul3A_492 = arith.mulf %get3A_491, %gather3A_473 : vector<16xf32>
        %swap3A_493 = arith.index_cast %add3A_477 : i32 to index
        %swap3A_494 = arith.constant 16 : index
        %swap3A_495 = tpu.vector_load %arg13[%swap3A_493, %swap3A_494] {strides = array<i32>} : memref<128x64xf32, #tpu.memory_space<vmem>>, vector<1x16xf32>,
        %swap3A_496 = vector.shape_cast %swap3A_495 : vector<1x16xf32> to vector<16xf32>
        %swap3A_497 = vector.shape_cast %mul3A_492 : vector<16xf32> to vector<1x16xf32>
        tpu.vector_store %arg13[%swap3A_493, %swap3A_494], %swap3A_497 {strides = array<i32>} : memref<128x64xf32, #tpu.memory_space<vmem>>, vector<1x16xf32>,
        %get3A_498 = arith.index_cast %add3A_477 : i32 to index
        %get3A_499 = arith.constant 32 : index
        %get3A_500 = tpu.vector_load %arg13[%get3A_498, %get3A_499] {strides = array<i32>} : memref<128x64xf32, #tpu.memory_space<vmem>>, vector<1x16xf32>,
        %get3A_501 = vector.shape_cast %get3A_500 : vector<1x16xf32> to vector<16xf32>
        %mul3A_502 = arith.mulf %get3A_501, %gather3A_473 : vector<16xf32>
        %swap3A_503 = arith.index_cast %add3A_477 : i32 to index
        %swap3A_504 = arith.constant 32 : index
        %swap3A_505 = tpu.vector_load %arg13[%swap3A_503, %swap3A_504] {strides = array<i32>} : memref<128x64xf32, #tpu.memory_space<vmem>>, vector<1x16xf32>,
        %swap3A_506 = vector.shape_cast %swap3A_505 : vector<1x16xf32> to vector<16xf32>
        %swap3A_507 = vector.shape_cast %mul3A_502 : vector<16xf32> to vector<1x16xf32>
        tpu.vector_store %arg13[%swap3A_503, %swap3A_504], %swap3A_507 {strides = array<i32>} : memref<128x64xf32, #tpu.memory_space<vmem>>, vector<1x16xf32>,
        %get3A_508 = arith.index_cast %add3A_477 : i32 to index
        %get3A_509 = arith.constant 48 : index
        %get3A_510 = tpu.vector_load %arg13[%get3A_508, %get3A_509] {strides = array<i32>} : memref<128x64xf32, #tpu.memory_space<vmem>>, vector<1x16xf32>,
        %get3A_511 = vector.shape_cast %get3A_510 : vector<1x16xf32> to vector<16xf32>
        %mul3A_512 = arith.mulf %get3A_511, %gather3A_473 : vector<16xf32>
        %swap3A_513 = arith.index_cast %add3A_477 : i32 to index
        %swap3A_514 = arith.constant 48 : index
        %swap3A_515 = tpu.vector_load %arg13[%swap3A_513, %swap3A_514] {strides = array<i32>} : memref<128x64xf32, #tpu.memory_space<vmem>>, vector<1x16xf32>,
        %swap3A_516 = vector.shape_cast %swap3A_515 : vector<1x16xf32> to vector<16xf32>
        %swap3A_517 = vector.shape_cast %mul3A_512 : vector<16xf32> to vector<1x16xf32>
        tpu.vector_store %arg13[%swap3A_513, %swap3A_514], %swap3A_517 {strides = array<i32>} : memref<128x64xf32, #tpu.memory_space<vmem>>, vector<1x16xf32>,
        %gather3A_518 = vector.shape_cast %broadcast_in_dim3A_23 : vector<16x1xi32> to vector<16xi32>
        %gather3A_519 = tpu.dynamic_gather %get3A_196[%gather3A_518] in [0] : vector<16xf32>, vector<16xi32> -> vector<16xf32>
        %mul3A_520 = arith.constant 16 : i32
        %mul3A_521 = arith.muli %scan3A_189, %mul3A_520 : i32
        %add3A_522 = arith.constant 7 : i32
        %add3A_523 = arith.addi %mul3A_521, %add3A_522 : i32
        %get3A_524 = arith.index_cast %add3A_523 : i32 to index
        %get3A_525 = arith.constant 0 : index
        %get3A_526 = tpu.vector_load %arg13[%get3A_524, %get3A_525] {strides = array<i32>} : memref<128x64xf32, #tpu.memory_space<vmem>>, vector<1x16xf32>,
        %get3A_527 = vector.shape_cast %get3A_526 : vector<1x16xf32> to vector<16xf32>
        %mul3A_528 = arith.mulf %get3A_527, %gather3A_519 : vector<16xf32>
        %swap3A_529 = arith.index_cast %add3A_523 : i32 to index
        %swap3A_530 = arith.constant 0 : index
        %swap3A_531 = tpu.vector_load %arg13[%swap3A_529, %swap3A_530] {strides = array<i32>} : memref<128x64xf32, #tpu.memory_space<vmem>>, vector<1x16xf32>,
        %swap3A_532 = vector.shape_cast %swap3A_531 : vector<1x16xf32> to vector<16xf32>
        %swap3A_533 = vector.shape_cast %mul3A_528 : vector<16xf32> to vector<1x16xf32>
        tpu.vector_store %arg13[%swap3A_529, %swap3A_530], %swap3A_533 {strides = array<i32>} : memref<128x64xf32, #tpu.memory_space<vmem>>, vector<1x16xf32>,
        %get3A_534 = arith.index_cast %add3A_523 : i32 to index
        %get3A_535 = arith.constant 16 : index
        %get3A_536 = tpu.vector_load %arg13[%get3A_534, %get3A_535] {strides = array<i32>} : memref<128x64xf32, #tpu.memory_space<vmem>>, vector<1x16xf32>,
        %get3A_537 = vector.shape_cast %get3A_536 : vector<1x16xf32> to vector<16xf32>
        %mul3A_538 = arith.mulf %get3A_537, %gather3A_519 : vector<16xf32>
        %swap3A_539 = arith.index_cast %add3A_523 : i32 to index
        %swap3A_540 = arith.constant 16 : index
        %swap3A_541 = tpu.vector_load %arg13[%swap3A_539, %swap3A_540] {strides = array<i32>} : memref<128x64xf32, #tpu.memory_space<vmem>>, vector<1x16xf32>,
        %swap3A_542 = vector.shape_cast %swap3A_541 : vector<1x16xf32> to vector<16xf32>
        %swap3A_543 = vector.shape_cast %mul3A_538 : vector<16xf32> to vector<1x16xf32>
        tpu.vector_store %arg13[%swap3A_539, %swap3A_540], %swap3A_543 {strides = array<i32>} : memref<128x64xf32, #tpu.memory_space<vmem>>, vector<1x16xf32>,
        %get3A_544 = arith.index_cast %add3A_523 : i32 to index
        %get3A_545 = arith.constant 32 : index
        %get3A_546 = tpu.vector_load %arg13[%get3A_544, %get3A_545] {strides = array<i32>} : memref<128x64xf32, #tpu.memory_space<vmem>>, vector<1x16xf32>,
        %get3A_547 = vector.shape_cast %get3A_546 : vector<1x16xf32> to vector<16xf32>
        %mul3A_548 = arith.mulf %get3A_547, %gather3A_519 : vector<16xf32>
        %swap3A_549 = arith.index_cast %add3A_523 : i32 to index
        %swap3A_550 = arith.constant 32 : index
        %swap3A_551 = tpu.vector_load %arg13[%swap3A_549, %swap3A_550] {strides = array<i32>} : memref<128x64xf32, #tpu.memory_space<vmem>>, vector<1x16xf32>,
        %swap3A_552 = vector.shape_cast %swap3A_551 : vector<1x16xf32> to vector<16xf32>
        %swap3A_553 = vector.shape_cast %mul3A_548 : vector<16xf32> to vector<1x16xf32>
        tpu.vector_store %arg13[%swap3A_549, %swap3A_550], %swap3A_553 {strides = array<i32>} : memref<128x64xf32, #tpu.memory_space<vmem>>, vector<1x16xf32>,
        %get3A_554 = arith.index_cast %add3A_523 : i32 to index
        %get3A_555 = arith.constant 48 : index
        %get3A_556 = tpu.vector_load %arg13[%get3A_554, %get3A_555] {strides = array<i32>} : memref<128x64xf32, #tpu.memory_space<vmem>>, vector<1x16xf32>,
        %get3A_557 = vector.shape_cast %get3A_556 : vector<1x16xf32> to vector<16xf32>
        %mul3A_558 = arith.mulf %get3A_557, %gather3A_519 : vector<16xf32>
        %swap3A_559 = arith.index_cast %add3A_523 : i32 to index
        %swap3A_560 = arith.constant 48 : index
        %swap3A_561 = tpu.vector_load %arg13[%swap3A_559, %swap3A_560] {strides = array<i32>} : memref<128x64xf32, #tpu.memory_space<vmem>>, vector<1x16xf32>,
        %swap3A_562 = vector.shape_cast %swap3A_561 : vector<1x16xf32> to vector<16xf32>
        %swap3A_563 = vector.shape_cast %mul3A_558 : vector<16xf32> to vector<1x16xf32>
        tpu.vector_store %arg13[%swap3A_559, %swap3A_560], %swap3A_563 {strides = array<i32>} : memref<128x64xf32, #tpu.memory_space<vmem>>, vector<1x16xf32>,
        %gather3A_564 = vector.shape_cast %broadcast_in_dim3A_25 : vector<16x1xi32> to vector<16xi32>
        %gather3A_565 = tpu.dynamic_gather %get3A_196[%gather3A_564] in [0] : vector<16xf32>, vector<16xi32> -> vector<16xf32>
        %mul3A_566 = arith.constant 16 : i32
        %mul3A_567 = arith.muli %scan3A_189, %mul3A_566 : i32
        %add3A_568 = arith.constant 8 : i32
        %add3A_569 = arith.addi %mul3A_567, %add3A_568 : i32
        %get3A_570 = arith.index_cast %add3A_569 : i32 to index
        %get3A_571 = arith.constant 0 : index
        %get3A_572 = tpu.vector_load %arg13[%get3A_570, %get3A_571] {strides = array<i32>} : memref<128x64xf32, #tpu.memory_space<vmem>>, vector<1x16xf32>,
        %get3A_573 = vector.shape_cast %get3A_572 : vector<1x16xf32> to vector<16xf32>
        %mul3A_574 = arith.mulf %get3A_573, %gather3A_565 : vector<16xf32>
        %swap3A_575 = arith.index_cast %add3A_569 : i32 to index
        %swap3A_576 = arith.constant 0 : index
        %swap3A_577 = tpu.vector_load %arg13[%swap3A_575, %swap3A_576] {strides = array<i32>} : memref<128x64xf32, #tpu.memory_space<vmem>>, vector<1x16xf32>,
        %swap3A_578 = vector.shape_cast %swap3A_577 : vector<1x16xf32> to vector<16xf32>
        %swap3A_579 = vector.shape_cast %mul3A_574 : vector<16xf32> to vector<1x16xf32>
        tpu.vector_store %arg13[%swap3A_575, %swap3A_576], %swap3A_579 {strides = array<i32>} : memref<128x64xf32, #tpu.memory_space<vmem>>, vector<1x16xf32>,
        %get3A_580 = arith.index_cast %add3A_569 : i32 to index
        %get3A_581 = arith.constant 16 : index
        %get3A_582 = tpu.vector_load %arg13[%get3A_580, %get3A_581] {strides = array<i32>} : memref<128x64xf32, #tpu.memory_space<vmem>>, vector<1x16xf32>,
        %get3A_583 = vector.shape_cast %get3A_582 : vector<1x16xf32> to vector<16xf32>
        %mul3A_584 = arith.mulf %get3A_583, %gather3A_565 : vector<16xf32>
        %swap3A_585 = arith.index_cast %add3A_569 : i32 to index
        %swap3A_586 = arith.constant 16 : index
        %swap3A_587 = tpu.vector_load %arg13[%swap3A_585, %swap3A_586] {strides = array<i32>} : memref<128x64xf32, #tpu.memory_space<vmem>>, vector<1x16xf32>,
        %swap3A_588 = vector.shape_cast %swap3A_587 : vector<1x16xf32> to vector<16xf32>
        %swap3A_589 = vector.shape_cast %mul3A_584 : vector<16xf32> to vector<1x16xf32>
        tpu.vector_store %arg13[%swap3A_585, %swap3A_586], %swap3A_589 {strides = array<i32>} : memref<128x64xf32, #tpu.memory_space<vmem>>, vector<1x16xf32>,
        %get3A_590 = arith.index_cast %add3A_569 : i32 to index
        %get3A_591 = arith.constant 32 : index
        %get3A_592 = tpu.vector_load %arg13[%get3A_590, %get3A_591] {strides = array<i32>} : memref<128x64xf32, #tpu.memory_space<vmem>>, vector<1x16xf32>,
        %get3A_593 = vector.shape_cast %get3A_592 : vector<1x16xf32> to vector<16xf32>
        %mul3A_594 = arith.mulf %get3A_593, %gather3A_565 : vector<16xf32>
        %swap3A_595 = arith.index_cast %add3A_569 : i32 to index
        %swap3A_596 = arith.constant 32 : index
        %swap3A_597 = tpu.vector_load %arg13[%swap3A_595, %swap3A_596] {strides = array<i32>} : memref<128x64xf32, #tpu.memory_space<vmem>>, vector<1x16xf32>,
        %swap3A_598 = vector.shape_cast %swap3A_597 : vector<1x16xf32> to vector<16xf32>
        %swap3A_599 = vector.shape_cast %mul3A_594 : vector<16xf32> to vector<1x16xf32>
        tpu.vector_store %arg13[%swap3A_595, %swap3A_596], %swap3A_599 {strides = array<i32>} : memref<128x64xf32, #tpu.memory_space<vmem>>, vector<1x16xf32>,
        %get3A_600 = arith.index_cast %add3A_569 : i32 to index
        %get3A_601 = arith.constant 48 : index
        %get3A_602 = tpu.vector_load %arg13[%get3A_600, %get3A_601] {strides = array<i32>} : memref<128x64xf32, #tpu.memory_space<vmem>>, vector<1x16xf32>,
        %get3A_603 = vector.shape_cast %get3A_602 : vector<1x16xf32> to vector<16xf32>
        %mul3A_604 = arith.mulf %get3A_603, %gather3A_565 : vector<16xf32>
        %swap3A_605 = arith.index_cast %add3A_569 : i32 to index
        %swap3A_606 = arith.constant 48 : index
        %swap3A_607 = tpu.vector_load %arg13[%swap3A_605, %swap3A_606] {strides = array<i32>} : memref<128x64xf32, #tpu.memory_space<vmem>>, vector<1x16xf32>,
        %swap3A_608 = vector.shape_cast %swap3A_607 : vector<1x16xf32> to vector<16xf32>
        %swap3A_609 = vector.shape_cast %mul3A_604 : vector<16xf32> to vector<1x16xf32>
        tpu.vector_store %arg13[%swap3A_605, %swap3A_606], %swap3A_609 {strides = array<i32>} : memref<128x64xf32, #tpu.memory_space<vmem>>, vector<1x16xf32>,
        %gather3A_610 = vector.shape_cast %broadcast_in_dim3A_27 : vector<16x1xi32> to vector<16xi32>
        %gather3A_611 = tpu.dynamic_gather %get3A_196[%gather3A_610] in [0] : vector<16xf32>, vector<16xi32> -> vector<16xf32>
        %mul3A_612 = arith.constant 16 : i32
        %mul3A_613 = arith.muli %scan3A_189, %mul3A_612 : i32
        %add3A_614 = arith.constant 9 : i32
        %add3A_615 = arith.addi %mul3A_613, %add3A_614 : i32
        %get3A_616 = arith.index_cast %add3A_615 : i32 to index
        %get3A_617 = arith.constant 0 : index
        %get3A_618 = tpu.vector_load %arg13[%get3A_616, %get3A_617] {strides = array<i32>} : memref<128x64xf32, #tpu.memory_space<vmem>>, vector<1x16xf32>,
        %get3A_619 = vector.shape_cast %get3A_618 : vector<1x16xf32> to vector<16xf32>
        %mul3A_620 = arith.mulf %get3A_619, %gather3A_611 : vector<16xf32>
        %swap3A_621 = arith.index_cast %add3A_615 : i32 to index
        %swap3A_622 = arith.constant 0 : index
        %swap3A_623 = tpu.vector_load %arg13[%swap3A_621, %swap3A_622] {strides = array<i32>} : memref<128x64xf32, #tpu.memory_space<vmem>>, vector<1x16xf32>,
        %swap3A_624 = vector.shape_cast %swap3A_623 : vector<1x16xf32> to vector<16xf32>
        %swap3A_625 = vector.shape_cast %mul3A_620 : vector<16xf32> to vector<1x16xf32>
        tpu.vector_store %arg13[%swap3A_621, %swap3A_622], %swap3A_625 {strides = array<i32>} : memref<128x64xf32, #tpu.memory_space<vmem>>, vector<1x16xf32>,
        %get3A_626 = arith.index_cast %add3A_615 : i32 to index
        %get3A_627 = arith.constant 16 : index
        %get3A_628 = tpu.vector_load %arg13[%get3A_626, %get3A_627] {strides = array<i32>} : memref<128x64xf32, #tpu.memory_space<vmem>>, vector<1x16xf32>,
        %get3A_629 = vector.shape_cast %get3A_628 : vector<1x16xf32> to vector<16xf32>
        %mul3A_630 = arith.mulf %get3A_629, %gather3A_611 : vector<16xf32>
        %swap3A_631 = arith.index_cast %add3A_615 : i32 to index
        %swap3A_632 = arith.constant 16 : index
        %swap3A_633 = tpu.vector_load %arg13[%swap3A_631, %swap3A_632] {strides = array<i32>} : memref<128x64xf32, #tpu.memory_space<vmem>>, vector<1x16xf32>,
        %swap3A_634 = vector.shape_cast %swap3A_633 : vector<1x16xf32> to vector<16xf32>
        %swap3A_635 = vector.shape_cast %mul3A_630 : vector<16xf32> to vector<1x16xf32>
        tpu.vector_store %arg13[%swap3A_631, %swap3A_632], %swap3A_635 {strides = array<i32>} : memref<128x64xf32, #tpu.memory_space<vmem>>, vector<1x16xf32>,
        %get3A_636 = arith.index_cast %add3A_615 : i32 to index
        %get3A_637 = arith.constant 32 : index
        %get3A_638 = tpu.vector_load %arg13[%get3A_636, %get3A_637] {strides = array<i32>} : memref<128x64xf32, #tpu.memory_space<vmem>>, vector<1x16xf32>,
        %get3A_639 = vector.shape_cast %get3A_638 : vector<1x16xf32> to vector<16xf32>
        %mul3A_640 = arith.mulf %get3A_639, %gather3A_611 : vector<16xf32>
        %swap3A_641 = arith.index_cast %add3A_615 : i32 to index
        %swap3A_642 = arith.constant 32 : index
        %swap3A_643 = tpu.vector_load %arg13[%swap3A_641, %swap3A_642] {strides = array<i32>} : memref<128x64xf32, #tpu.memory_space<vmem>>, vector<1x16xf32>,
        %swap3A_644 = vector.shape_cast %swap3A_643 : vector<1x16xf32> to vector<16xf32>
        %swap3A_645 = vector.shape_cast %mul3A_640 : vector<16xf32> to vector<1x16xf32>
        tpu.vector_store %arg13[%swap3A_641, %swap3A_642], %swap3A_645 {strides = array<i32>} : memref<128x64xf32, #tpu.memory_space<vmem>>, vector<1x16xf32>,
        %get3A_646 = arith.index_cast %add3A_615 : i32 to index
        %get3A_647 = arith.constant 48 : index
        %get3A_648 = tpu.vector_load %arg13[%get3A_646, %get3A_647] {strides = array<i32>} : memref<128x64xf32, #tpu.memory_space<vmem>>, vector<1x16xf32>,
        %get3A_649 = vector.shape_cast %get3A_648 : vector<1x16xf32> to vector<16xf32>
        %mul3A_650 = arith.mulf %get3A_649, %gather3A_611 : vector<16xf32>
        %swap3A_651 = arith.index_cast %add3A_615 : i32 to index
        %swap3A_652 = arith.constant 48 : index
        %swap3A_653 = tpu.vector_load %arg13[%swap3A_651, %swap3A_652] {strides = array<i32>} : memref<128x64xf32, #tpu.memory_space<vmem>>, vector<1x16xf32>,
        %swap3A_654 = vector.shape_cast %swap3A_653 : vector<1x16xf32> to vector<16xf32>
        %swap3A_655 = vector.shape_cast %mul3A_650 : vector<16xf32> to vector<1x16xf32>
        tpu.vector_store %arg13[%swap3A_651, %swap3A_652], %swap3A_655 {strides = array<i32>} : memref<128x64xf32, #tpu.memory_space<vmem>>, vector<1x16xf32>,
        %gather3A_656 = vector.shape_cast %broadcast_in_dim3A_29 : vector<16x1xi32> to vector<16xi32>
        %gather3A_657 = tpu.dynamic_gather %get3A_196[%gather3A_656] in [0] : vector<16xf32>, vector<16xi32> -> vector<16xf32>
        %mul3A_658 = arith.constant 16 : i32
        %mul3A_659 = arith.muli %scan3A_189, %mul3A_658 : i32
        %add3A_660 = arith.constant 10 : i32
        %add3A_661 = arith.addi %mul3A_659, %add3A_660 : i32
        %get3A_662 = arith.index_cast %add3A_661 : i32 to index
        %get3A_663 = arith.constant 0 : index
        %get3A_664 = tpu.vector_load %arg13[%get3A_662, %get3A_663] {strides = array<i32>} : memref<128x64xf32, #tpu.memory_space<vmem>>, vector<1x16xf32>,
        %get3A_665 = vector.shape_cast %get3A_664 : vector<1x16xf32> to vector<16xf32>
        %mul3A_666 = arith.mulf %get3A_665, %gather3A_657 : vector<16xf32>
        %swap3A_667 = arith.index_cast %add3A_661 : i32 to index
        %swap3A_668 = arith.constant 0 : index
        %swap3A_669 = tpu.vector_load %arg13[%swap3A_667, %swap3A_668] {strides = array<i32>} : memref<128x64xf32, #tpu.memory_space<vmem>>, vector<1x16xf32>,
        %swap3A_670 = vector.shape_cast %swap3A_669 : vector<1x16xf32> to vector<16xf32>
        %swap3A_671 = vector.shape_cast %mul3A_666 : vector<16xf32> to vector<1x16xf32>
        tpu.vector_store %arg13[%swap3A_667, %swap3A_668], %swap3A_671 {strides = array<i32>} : memref<128x64xf32, #tpu.memory_space<vmem>>, vector<1x16xf32>,
        %get3A_672 = arith.index_cast %add3A_661 : i32 to index
        %get3A_673 = arith.constant 16 : index
        %get3A_674 = tpu.vector_load %arg13[%get3A_672, %get3A_673] {strides = array<i32>} : memref<128x64xf32, #tpu.memory_space<vmem>>, vector<1x16xf32>,
        %get3A_675 = vector.shape_cast %get3A_674 : vector<1x16xf32> to vector<16xf32>
        %mul3A_676 = arith.mulf %get3A_675, %gather3A_657 : vector<16xf32>
        %swap3A_677 = arith.index_cast %add3A_661 : i32 to index
        %swap3A_678 = arith.constant 16 : index
        %swap3A_679 = tpu.vector_load %arg13[%swap3A_677, %swap3A_678] {strides = array<i32>} : memref<128x64xf32, #tpu.memory_space<vmem>>, vector<1x16xf32>,
        %swap3A_680 = vector.shape_cast %swap3A_679 : vector<1x16xf32> to vector<16xf32>
        %swap3A_681 = vector.shape_cast %mul3A_676 : vector<16xf32> to vector<1x16xf32>
        tpu.vector_store %arg13[%swap3A_677, %swap3A_678], %swap3A_681 {strides = array<i32>} : memref<128x64xf32, #tpu.memory_space<vmem>>, vector<1x16xf32>,
        %get3A_682 = arith.index_cast %add3A_661 : i32 to index
        %get3A_683 = arith.constant 32 : index
        %get3A_684 = tpu.vector_load %arg13[%get3A_682, %get3A_683] {strides = array<i32>} : memref<128x64xf32, #tpu.memory_space<vmem>>, vector<1x16xf32>,
        %get3A_685 = vector.shape_cast %get3A_684 : vector<1x16xf32> to vector<16xf32>
        %mul3A_686 = arith.mulf %get3A_685, %gather3A_657 : vector<16xf32>
        %swap3A_687 = arith.index_cast %add3A_661 : i32 to index
        %swap3A_688 = arith.constant 32 : index
        %swap3A_689 = tpu.vector_load %arg13[%swap3A_687, %swap3A_688] {strides = array<i32>} : memref<128x64xf32, #tpu.memory_space<vmem>>, vector<1x16xf32>,
        %swap3A_690 = vector.shape_cast %swap3A_689 : vector<1x16xf32> to vector<16xf32>
        %swap3A_691 = vector.shape_cast %mul3A_686 : vector<16xf32> to vector<1x16xf32>
        tpu.vector_store %arg13[%swap3A_687, %swap3A_688], %swap3A_691 {strides = array<i32>} : memref<128x64xf32, #tpu.memory_space<vmem>>, vector<1x16xf32>,
        %get3A_692 = arith.index_cast %add3A_661 : i32 to index
        %get3A_693 = arith.constant 48 : index
        %get3A_694 = tpu.vector_load %arg13[%get3A_692, %get3A_693] {strides = array<i32>} : memref<128x64xf32, #tpu.memory_space<vmem>>, vector<1x16xf32>,
        %get3A_695 = vector.shape_cast %get3A_694 : vector<1x16xf32> to vector<16xf32>
        %mul3A_696 = arith.mulf %get3A_695, %gather3A_657 : vector<16xf32>
        %swap3A_697 = arith.index_cast %add3A_661 : i32 to index
        %swap3A_698 = arith.constant 48 : index
        %swap3A_699 = tpu.vector_load %arg13[%swap3A_697, %swap3A_698] {strides = array<i32>} : memref<128x64xf32, #tpu.memory_space<vmem>>, vector<1x16xf32>,
        %swap3A_700 = vector.shape_cast %swap3A_699 : vector<1x16xf32> to vector<16xf32>
        %swap3A_701 = vector.shape_cast %mul3A_696 : vector<16xf32> to vector<1x16xf32>
        tpu.vector_store %arg13[%swap3A_697, %swap3A_698], %swap3A_701 {strides = array<i32>} : memref<128x64xf32, #tpu.memory_space<vmem>>, vector<1x16xf32>,
        %gather3A_702 = vector.shape_cast %broadcast_in_dim3A_31 : vector<16x1xi32> to vector<16xi32>
        %gather3A_703 = tpu.dynamic_gather %get3A_196[%gather3A_702] in [0] : vector<16xf32>, vector<16xi32> -> vector<16xf32>
        %mul3A_704 = arith.constant 16 : i32
        %mul3A_705 = arith.muli %scan3A_189, %mul3A_704 : i32
        %add3A_706 = arith.constant 11 : i32
        %add3A_707 = arith.addi %mul3A_705, %add3A_706 : i32
        %get3A_708 = arith.index_cast %add3A_707 : i32 to index
        %get3A_709 = arith.constant 0 : index
        %get3A_710 = tpu.vector_load %arg13[%get3A_708, %get3A_709] {strides = array<i32>} : memref<128x64xf32, #tpu.memory_space<vmem>>, vector<1x16xf32>,
        %get3A_711 = vector.shape_cast %get3A_710 : vector<1x16xf32> to vector<16xf32>
        %mul3A_712 = arith.mulf %get3A_711, %gather3A_703 : vector<16xf32>
        %swap3A_713 = arith.index_cast %add3A_707 : i32 to index
        %swap3A_714 = arith.constant 0 : index
        %swap3A_715 = tpu.vector_load %arg13[%swap3A_713, %swap3A_714] {strides = array<i32>} : memref<128x64xf32, #tpu.memory_space<vmem>>, vector<1x16xf32>,
        %swap3A_716 = vector.shape_cast %swap3A_715 : vector<1x16xf32> to vector<16xf32>
        %swap3A_717 = vector.shape_cast %mul3A_712 : vector<16xf32> to vector<1x16xf32>
        tpu.vector_store %arg13[%swap3A_713, %swap3A_714], %swap3A_717 {strides = array<i32>} : memref<128x64xf32, #tpu.memory_space<vmem>>, vector<1x16xf32>,
        %get3A_718 = arith.index_cast %add3A_707 : i32 to index
        %get3A_719 = arith.constant 16 : index
        %get3A_720 = tpu.vector_load %arg13[%get3A_718, %get3A_719] {strides = array<i32>} : memref<128x64xf32, #tpu.memory_space<vmem>>, vector<1x16xf32>,
        %get3A_721 = vector.shape_cast %get3A_720 : vector<1x16xf32> to vector<16xf32>
        %mul3A_722 = arith.mulf %get3A_721, %gather3A_703 : vector<16xf32>
        %swap3A_723 = arith.index_cast %add3A_707 : i32 to index
        %swap3A_724 = arith.constant 16 : index
        %swap3A_725 = tpu.vector_load %arg13[%swap3A_723, %swap3A_724] {strides = array<i32>} : memref<128x64xf32, #tpu.memory_space<vmem>>, vector<1x16xf32>,
        %swap3A_726 = vector.shape_cast %swap3A_725 : vector<1x16xf32> to vector<16xf32>
        %swap3A_727 = vector.shape_cast %mul3A_722 : vector<16xf32> to vector<1x16xf32>
        tpu.vector_store %arg13[%swap3A_723, %swap3A_724], %swap3A_727 {strides = array<i32>} : memref<128x64xf32, #tpu.memory_space<vmem>>, vector<1x16xf32>,
        %get3A_728 = arith.index_cast %add3A_707 : i32 to index
        %get3A_729 = arith.constant 32 : index
        %get3A_730 = tpu.vector_load %arg13[%get3A_728, %get3A_729] {strides = array<i32>} : memref<128x64xf32, #tpu.memory_space<vmem>>, vector<1x16xf32>,
        %get3A_731 = vector.shape_cast %get3A_730 : vector<1x16xf32> to vector<16xf32>
        %mul3A_732 = arith.mulf %get3A_731, %gather3A_703 : vector<16xf32>
        %swap3A_733 = arith.index_cast %add3A_707 : i32 to index
        %swap3A_734 = arith.constant 32 : index
        %swap3A_735 = tpu.vector_load %arg13[%swap3A_733, %swap3A_734] {strides = array<i32>} : memref<128x64xf32, #tpu.memory_space<vmem>>, vector<1x16xf32>,
        %swap3A_736 = vector.shape_cast %swap3A_735 : vector<1x16xf32> to vector<16xf32>
        %swap3A_737 = vector.shape_cast %mul3A_732 : vector<16xf32> to vector<1x16xf32>
        tpu.vector_store %arg13[%swap3A_733, %swap3A_734], %swap3A_737 {strides = array<i32>} : memref<128x64xf32, #tpu.memory_space<vmem>>, vector<1x16xf32>,
        %get3A_738 = arith.index_cast %add3A_707 : i32 to index
        %get3A_739 = arith.constant 48 : index
        %get3A_740 = tpu.vector_load %arg13[%get3A_738, %get3A_739] {strides = array<i32>} : memref<128x64xf32, #tpu.memory_space<vmem>>, vector<1x16xf32>,
        %get3A_741 = vector.shape_cast %get3A_740 : vector<1x16xf32> to vector<16xf32>
        %mul3A_742 = arith.mulf %get3A_741, %gather3A_703 : vector<16xf32>
        %swap3A_743 = arith.index_cast %add3A_707 : i32 to index
        %swap3A_744 = arith.constant 48 : index
        %swap3A_745 = tpu.vector_load %arg13[%swap3A_743, %swap3A_744] {strides = array<i32>} : memref<128x64xf32, #tpu.memory_space<vmem>>, vector<1x16xf32>,
        %swap3A_746 = vector.shape_cast %swap3A_745 : vector<1x16xf32> to vector<16xf32>
        %swap3A_747 = vector.shape_cast %mul3A_742 : vector<16xf32> to vector<1x16xf32>
        tpu.vector_store %arg13[%swap3A_743, %swap3A_744], %swap3A_747 {strides = array<i32>} : memref<128x64xf32, #tpu.memory_space<vmem>>, vector<1x16xf32>,
        %gather3A_748 = vector.shape_cast %broadcast_in_dim3A_33 : vector<16x1xi32> to vector<16xi32>
        %gather3A_749 = tpu.dynamic_gather %get3A_196[%gather3A_748] in [0] : vector<16xf32>, vector<16xi32> -> vector<16xf32>
        %mul3A_750 = arith.constant 16 : i32
        %mul3A_751 = arith.muli %scan3A_189, %mul3A_750 : i32
        %add3A_752 = arith.constant 12 : i32
        %add3A_753 = arith.addi %mul3A_751, %add3A_752 : i32
        %get3A_754 = arith.index_cast %add3A_753 : i32 to index
        %get3A_755 = arith.constant 0 : index
        %get3A_756 = tpu.vector_load %arg13[%get3A_754, %get3A_755] {strides = array<i32>} : memref<128x64xf32, #tpu.memory_space<vmem>>, vector<1x16xf32>,
        %get3A_757 = vector.shape_cast %get3A_756 : vector<1x16xf32> to vector<16xf32>
        %mul3A_758 = arith.mulf %get3A_757, %gather3A_749 : vector<16xf32>
        %swap3A_759 = arith.index_cast %add3A_753 : i32 to index
        %swap3A_760 = arith.constant 0 : index
        %swap3A_761 = tpu.vector_load %arg13[%swap3A_759, %swap3A_760] {strides = array<i32>} : memref<128x64xf32, #tpu.memory_space<vmem>>, vector<1x16xf32>,
        %swap3A_762 = vector.shape_cast %swap3A_761 : vector<1x16xf32> to vector<16xf32>
        %swap3A_763 = vector.shape_cast %mul3A_758 : vector<16xf32> to vector<1x16xf32>
        tpu.vector_store %arg13[%swap3A_759, %swap3A_760], %swap3A_763 {strides = array<i32>} : memref<128x64xf32, #tpu.memory_space<vmem>>, vector<1x16xf32>,
        %get3A_764 = arith.index_cast %add3A_753 : i32 to index
        %get3A_765 = arith.constant 16 : index
        %get3A_766 = tpu.vector_load %arg13[%get3A_764, %get3A_765] {strides = array<i32>} : memref<128x64xf32, #tpu.memory_space<vmem>>, vector<1x16xf32>,
        %get3A_767 = vector.shape_cast %get3A_766 : vector<1x16xf32> to vector<16xf32>
        %mul3A_768 = arith.mulf %get3A_767, %gather3A_749 : vector<16xf32>
        %swap3A_769 = arith.index_cast %add3A_753 : i32 to index
        %swap3A_770 = arith.constant 16 : index
        %swap3A_771 = tpu.vector_load %arg13[%swap3A_769, %swap3A_770] {strides = array<i32>} : memref<128x64xf32, #tpu.memory_space<vmem>>, vector<1x16xf32>,
        %swap3A_772 = vector.shape_cast %swap3A_771 : vector<1x16xf32> to vector<16xf32>
        %swap3A_773 = vector.shape_cast %mul3A_768 : vector<16xf32> to vector<1x16xf32>
        tpu.vector_store %arg13[%swap3A_769, %swap3A_770], %swap3A_773 {strides = array<i32>} : memref<128x64xf32, #tpu.memory_space<vmem>>, vector<1x16xf32>,
        %get3A_774 = arith.index_cast %add3A_753 : i32 to index
        %get3A_775 = arith.constant 32 : index
        %get3A_776 = tpu.vector_load %arg13[%get3A_774, %get3A_775] {strides = array<i32>} : memref<128x64xf32, #tpu.memory_space<vmem>>, vector<1x16xf32>,
        %get3A_777 = vector.shape_cast %get3A_776 : vector<1x16xf32> to vector<16xf32>
        %mul3A_778 = arith.mulf %get3A_777, %gather3A_749 : vector<16xf32>
        %swap3A_779 = arith.index_cast %add3A_753 : i32 to index
        %swap3A_780 = arith.constant 32 : index
        %swap3A_781 = tpu.vector_load %arg13[%swap3A_779, %swap3A_780] {strides = array<i32>} : memref<128x64xf32, #tpu.memory_space<vmem>>, vector<1x16xf32>,
        %swap3A_782 = vector.shape_cast %swap3A_781 : vector<1x16xf32> to vector<16xf32>
        %swap3A_783 = vector.shape_cast %mul3A_778 : vector<16xf32> to vector<1x16xf32>
        tpu.vector_store %arg13[%swap3A_779, %swap3A_780], %swap3A_783 {strides = array<i32>} : memref<128x64xf32, #tpu.memory_space<vmem>>, vector<1x16xf32>,
        %get3A_784 = arith.index_cast %add3A_753 : i32 to index
        %get3A_785 = arith.constant 48 : index
        %get3A_786 = tpu.vector_load %arg13[%get3A_784, %get3A_785] {strides = array<i32>} : memref<128x64xf32, #tpu.memory_space<vmem>>, vector<1x16xf32>,
        %get3A_787 = vector.shape_cast %get3A_786 : vector<1x16xf32> to vector<16xf32>
        %mul3A_788 = arith.mulf %get3A_787, %gather3A_749 : vector<16xf32>
        %swap3A_789 = arith.index_cast %add3A_753 : i32 to index
        %swap3A_790 = arith.constant 48 : index
        %swap3A_791 = tpu.vector_load %arg13[%swap3A_789, %swap3A_790] {strides = array<i32>} : memref<128x64xf32, #tpu.memory_space<vmem>>, vector<1x16xf32>,
        %swap3A_792 = vector.shape_cast %swap3A_791 : vector<1x16xf32> to vector<16xf32>
        %swap3A_793 = vector.shape_cast %mul3A_788 : vector<16xf32> to vector<1x16xf32>
        tpu.vector_store %arg13[%swap3A_789, %swap3A_790], %swap3A_793 {strides = array<i32>} : memref<128x64xf32, #tpu.memory_space<vmem>>, vector<1x16xf32>,
        %gather3A_794 = vector.shape_cast %broadcast_in_dim3A_35 : vector<16x1xi32> to vector<16xi32>
        %gather3A_795 = tpu.dynamic_gather %get3A_196[%gather3A_794] in [0] : vector<16xf32>, vector<16xi32> -> vector<16xf32>
        %mul3A_796 = arith.constant 16 : i32
        %mul3A_797 = arith.muli %scan3A_189, %mul3A_796 : i32
        %add3A_798 = arith.constant 13 : i32
        %add3A_799 = arith.addi %mul3A_797, %add3A_798 : i32
        %get3A_800 = arith.index_cast %add3A_799 : i32 to index
        %get3A_801 = arith.constant 0 : index
        %get3A_802 = tpu.vector_load %arg13[%get3A_800, %get3A_801] {strides = array<i32>} : memref<128x64xf32, #tpu.memory_space<vmem>>, vector<1x16xf32>,
        %get3A_803 = vector.shape_cast %get3A_802 : vector<1x16xf32> to vector<16xf32>
        %mul3A_804 = arith.mulf %get3A_803, %gather3A_795 : vector<16xf32>
        %swap3A_805 = arith.index_cast %add3A_799 : i32 to index
        %swap3A_806 = arith.constant 0 : index
        %swap3A_807 = tpu.vector_load %arg13[%swap3A_805, %swap3A_806] {strides = array<i32>} : memref<128x64xf32, #tpu.memory_space<vmem>>, vector<1x16xf32>,
        %swap3A_808 = vector.shape_cast %swap3A_807 : vector<1x16xf32> to vector<16xf32>
        %swap3A_809 = vector.shape_cast %mul3A_804 : vector<16xf32> to vector<1x16xf32>
        tpu.vector_store %arg13[%swap3A_805, %swap3A_806], %swap3A_809 {strides = array<i32>} : memref<128x64xf32, #tpu.memory_space<vmem>>, vector<1x16xf32>,
        %get3A_810 = arith.index_cast %add3A_799 : i32 to index
        %get3A_811 = arith.constant 16 : index
        %get3A_812 = tpu.vector_load %arg13[%get3A_810, %get3A_811] {strides = array<i32>} : memref<128x64xf32, #tpu.memory_space<vmem>>, vector<1x16xf32>,
        %get3A_813 = vector.shape_cast %get3A_812 : vector<1x16xf32> to vector<16xf32>
        %mul3A_814 = arith.mulf %get3A_813, %gather3A_795 : vector<16xf32>
        %swap3A_815 = arith.index_cast %add3A_799 : i32 to index
        %swap3A_816 = arith.constant 16 : index
        %swap3A_817 = tpu.vector_load %arg13[%swap3A_815, %swap3A_816] {strides = array<i32>} : memref<128x64xf32, #tpu.memory_space<vmem>>, vector<1x16xf32>,
        %swap3A_818 = vector.shape_cast %swap3A_817 : vector<1x16xf32> to vector<16xf32>
        %swap3A_819 = vector.shape_cast %mul3A_814 : vector<16xf32> to vector<1x16xf32>
        tpu.vector_store %arg13[%swap3A_815, %swap3A_816], %swap3A_819 {strides = array<i32>} : memref<128x64xf32, #tpu.memory_space<vmem>>, vector<1x16xf32>,
        %get3A_820 = arith.index_cast %add3A_799 : i32 to index
        %get3A_821 = arith.constant 32 : index
        %get3A_822 = tpu.vector_load %arg13[%get3A_820, %get3A_821] {strides = array<i32>} : memref<128x64xf32, #tpu.memory_space<vmem>>, vector<1x16xf32>,
        %get3A_823 = vector.shape_cast %get3A_822 : vector<1x16xf32> to vector<16xf32>
        %mul3A_824 = arith.mulf %get3A_823, %gather3A_795 : vector<16xf32>
        %swap3A_825 = arith.index_cast %add3A_799 : i32 to index
        %swap3A_826 = arith.constant 32 : index
        %swap3A_827 = tpu.vector_load %arg13[%swap3A_825, %swap3A_826] {strides = array<i32>} : memref<128x64xf32, #tpu.memory_space<vmem>>, vector<1x16xf32>,
        %swap3A_828 = vector.shape_cast %swap3A_827 : vector<1x16xf32> to vector<16xf32>
        %swap3A_829 = vector.shape_cast %mul3A_824 : vector<16xf32> to vector<1x16xf32>
        tpu.vector_store %arg13[%swap3A_825, %swap3A_826], %swap3A_829 {strides = array<i32>} : memref<128x64xf32, #tpu.memory_space<vmem>>, vector<1x16xf32>,
        %get3A_830 = arith.index_cast %add3A_799 : i32 to index
        %get3A_831 = arith.constant 48 : index
        %get3A_832 = tpu.vector_load %arg13[%get3A_830, %get3A_831] {strides = array<i32>} : memref<128x64xf32, #tpu.memory_space<vmem>>, vector<1x16xf32>,
        %get3A_833 = vector.shape_cast %get3A_832 : vector<1x16xf32> to vector<16xf32>
        %mul3A_834 = arith.mulf %get3A_833, %gather3A_795 : vector<16xf32>
        %swap3A_835 = arith.index_cast %add3A_799 : i32 to index
        %swap3A_836 = arith.constant 48 : index
        %swap3A_837 = tpu.vector_load %arg13[%swap3A_835, %swap3A_836] {strides = array<i32>} : memref<128x64xf32, #tpu.memory_space<vmem>>, vector<1x16xf32>,
        %swap3A_838 = vector.shape_cast %swap3A_837 : vector<1x16xf32> to vector<16xf32>
        %swap3A_839 = vector.shape_cast %mul3A_834 : vector<16xf32> to vector<1x16xf32>
        tpu.vector_store %arg13[%swap3A_835, %swap3A_836], %swap3A_839 {strides = array<i32>} : memref<128x64xf32, #tpu.memory_space<vmem>>, vector<1x16xf32>,
        %gather3A_840 = vector.shape_cast %broadcast_in_dim3A_37 : vector<16x1xi32> to vector<16xi32>
        %gather3A_841 = tpu.dynamic_gather %get3A_196[%gather3A_840] in [0] : vector<16xf32>, vector<16xi32> -> vector<16xf32>
        %mul3A_842 = arith.constant 16 : i32
        %mul3A_843 = arith.muli %scan3A_189, %mul3A_842 : i32
        %add3A_844 = arith.constant 14 : i32
        %add3A_845 = arith.addi %mul3A_843, %add3A_844 : i32
        %get3A_846 = arith.index_cast %add3A_845 : i32 to index
        %get3A_847 = arith.constant 0 : index
        %get3A_848 = tpu.vector_load %arg13[%get3A_846, %get3A_847] {strides = array<i32>} : memref<128x64xf32, #tpu.memory_space<vmem>>, vector<1x16xf32>,
        %get3A_849 = vector.shape_cast %get3A_848 : vector<1x16xf32> to vector<16xf32>
        %mul3A_850 = arith.mulf %get3A_849, %gather3A_841 : vector<16xf32>
        %swap3A_851 = arith.index_cast %add3A_845 : i32 to index
        %swap3A_852 = arith.constant 0 : index
        %swap3A_853 = tpu.vector_load %arg13[%swap3A_851, %swap3A_852] {strides = array<i32>} : memref<128x64xf32, #tpu.memory_space<vmem>>, vector<1x16xf32>,
        %swap3A_854 = vector.shape_cast %swap3A_853 : vector<1x16xf32> to vector<16xf32>
        %swap3A_855 = vector.shape_cast %mul3A_850 : vector<16xf32> to vector<1x16xf32>
        tpu.vector_store %arg13[%swap3A_851, %swap3A_852], %swap3A_855 {strides = array<i32>} : memref<128x64xf32, #tpu.memory_space<vmem>>, vector<1x16xf32>,
        %get3A_856 = arith.index_cast %add3A_845 : i32 to index
        %get3A_857 = arith.constant 16 : index
        %get3A_858 = tpu.vector_load %arg13[%get3A_856, %get3A_857] {strides = array<i32>} : memref<128x64xf32, #tpu.memory_space<vmem>>, vector<1x16xf32>,
        %get3A_859 = vector.shape_cast %get3A_858 : vector<1x16xf32> to vector<16xf32>
        %mul3A_860 = arith.mulf %get3A_859, %gather3A_841 : vector<16xf32>
        %swap3A_861 = arith.index_cast %add3A_845 : i32 to index
        %swap3A_862 = arith.constant 16 : index
        %swap3A_863 = tpu.vector_load %arg13[%swap3A_861, %swap3A_862] {strides = array<i32>} : memref<128x64xf32, #tpu.memory_space<vmem>>, vector<1x16xf32>,
        %swap3A_864 = vector.shape_cast %swap3A_863 : vector<1x16xf32> to vector<16xf32>
        %swap3A_865 = vector.shape_cast %mul3A_860 : vector<16xf32> to vector<1x16xf32>
        tpu.vector_store %arg13[%swap3A_861, %swap3A_862], %swap3A_865 {strides = array<i32>} : memref<128x64xf32, #tpu.memory_space<vmem>>, vector<1x16xf32>,
        %get3A_866 = arith.index_cast %add3A_845 : i32 to index
        %get3A_867 = arith.constant 32 : index
        %get3A_868 = tpu.vector_load %arg13[%get3A_866, %get3A_867] {strides = array<i32>} : memref<128x64xf32, #tpu.memory_space<vmem>>, vector<1x16xf32>,
        %get3A_869 = vector.shape_cast %get3A_868 : vector<1x16xf32> to vector<16xf32>
        %mul3A_870 = arith.mulf %get3A_869, %gather3A_841 : vector<16xf32>
        %swap3A_871 = arith.index_cast %add3A_845 : i32 to index
        %swap3A_872 = arith.constant 32 : index
        %swap3A_873 = tpu.vector_load %arg13[%swap3A_871, %swap3A_872] {strides = array<i32>} : memref<128x64xf32, #tpu.memory_space<vmem>>, vector<1x16xf32>,
        %swap3A_874 = vector.shape_cast %swap3A_873 : vector<1x16xf32> to vector<16xf32>
        %swap3A_875 = vector.shape_cast %mul3A_870 : vector<16xf32> to vector<1x16xf32>
        tpu.vector_store %arg13[%swap3A_871, %swap3A_872], %swap3A_875 {strides = array<i32>} : memref<128x64xf32, #tpu.memory_space<vmem>>, vector<1x16xf32>,
        %get3A_876 = arith.index_cast %add3A_845 : i32 to index
        %get3A_877 = arith.constant 48 : index
        %get3A_878 = tpu.vector_load %arg13[%get3A_876, %get3A_877] {strides = array<i32>} : memref<128x64xf32, #tpu.memory_space<vmem>>, vector<1x16xf32>,
        %get3A_879 = vector.shape_cast %get3A_878 : vector<1x16xf32> to vector<16xf32>
        %mul3A_880 = arith.mulf %get3A_879, %gather3A_841 : vector<16xf32>
        %swap3A_881 = arith.index_cast %add3A_845 : i32 to index
        %swap3A_882 = arith.constant 48 : index
        %swap3A_883 = tpu.vector_load %arg13[%swap3A_881, %swap3A_882] {strides = array<i32>} : memref<128x64xf32, #tpu.memory_space<vmem>>, vector<1x16xf32>,
        %swap3A_884 = vector.shape_cast %swap3A_883 : vector<1x16xf32> to vector<16xf32>
        %swap3A_885 = vector.shape_cast %mul3A_880 : vector<16xf32> to vector<1x16xf32>
        tpu.vector_store %arg13[%swap3A_881, %swap3A_882], %swap3A_885 {strides = array<i32>} : memref<128x64xf32, #tpu.memory_space<vmem>>, vector<1x16xf32>,
        %gather3A_886 = vector.shape_cast %broadcast_in_dim3A_39 : vector<16x1xi32> to vector<16xi32>
        %gather3A_887 = tpu.dynamic_gather %get3A_196[%gather3A_886] in [0] : vector<16xf32>, vector<16xi32> -> vector<16xf32>
        %mul3A_888 = arith.constant 16 : i32
        %mul3A_889 = arith.muli %scan3A_189, %mul3A_888 : i32
        %add3A_890 = arith.constant 15 : i32
        %add3A_891 = arith.addi %mul3A_889, %add3A_890 : i32
        %get3A_892 = arith.index_cast %add3A_891 : i32 to index
        %get3A_893 = arith.constant 0 : index
        %get3A_894 = tpu.vector_load %arg13[%get3A_892, %get3A_893] {strides = array<i32>} : memref<128x64xf32, #tpu.memory_space<vmem>>, vector<1x16xf32>,
        %get3A_895 = vector.shape_cast %get3A_894 : vector<1x16xf32> to vector<16xf32>
        %mul3A_896 = arith.mulf %get3A_895, %gather3A_887 : vector<16xf32>
        %swap3A_897 = arith.index_cast %add3A_891 : i32 to index
        %swap3A_898 = arith.constant 0 : index
        %swap3A_899 = tpu.vector_load %arg13[%swap3A_897, %swap3A_898] {strides = array<i32>} : memref<128x64xf32, #tpu.memory_space<vmem>>, vector<1x16xf32>,
        %swap3A_900 = vector.shape_cast %swap3A_899 : vector<1x16xf32> to vector<16xf32>
        %swap3A_901 = vector.shape_cast %mul3A_896 : vector<16xf32> to vector<1x16xf32>
        tpu.vector_store %arg13[%swap3A_897, %swap3A_898], %swap3A_901 {strides = array<i32>} : memref<128x64xf32, #tpu.memory_space<vmem>>, vector<1x16xf32>,
        %get3A_902 = arith.index_cast %add3A_891 : i32 to index
        %get3A_903 = arith.constant 16 : index
        %get3A_904 = tpu.vector_load %arg13[%get3A_902, %get3A_903] {strides = array<i32>} : memref<128x64xf32, #tpu.memory_space<vmem>>, vector<1x16xf32>,
        %get3A_905 = vector.shape_cast %get3A_904 : vector<1x16xf32> to vector<16xf32>
        %mul3A_906 = arith.mulf %get3A_905, %gather3A_887 : vector<16xf32>
        %swap3A_907 = arith.index_cast %add3A_891 : i32 to index
        %swap3A_908 = arith.constant 16 : index
        %swap3A_909 = tpu.vector_load %arg13[%swap3A_907, %swap3A_908] {strides = array<i32>} : memref<128x64xf32, #tpu.memory_space<vmem>>, vector<1x16xf32>,
        %swap3A_910 = vector.shape_cast %swap3A_909 : vector<1x16xf32> to vector<16xf32>
        %swap3A_911 = vector.shape_cast %mul3A_906 : vector<16xf32> to vector<1x16xf32>
        tpu.vector_store %arg13[%swap3A_907, %swap3A_908], %swap3A_911 {strides = array<i32>} : memref<128x64xf32, #tpu.memory_space<vmem>>, vector<1x16xf32>,
        %get3A_912 = arith.index_cast %add3A_891 : i32 to index
        %get3A_913 = arith.constant 32 : index
        %get3A_914 = tpu.vector_load %arg13[%get3A_912, %get3A_913] {strides = array<i32>} : memref<128x64xf32, #tpu.memory_space<vmem>>, vector<1x16xf32>,
        %get3A_915 = vector.shape_cast %get3A_914 : vector<1x16xf32> to vector<16xf32>
        %mul3A_916 = arith.mulf %get3A_915, %gather3A_887 : vector<16xf32>
        %swap3A_917 = arith.index_cast %add3A_891 : i32 to index
        %swap3A_918 = arith.constant 32 : index
        %swap3A_919 = tpu.vector_load %arg13[%swap3A_917, %swap3A_918] {strides = array<i32>} : memref<128x64xf32, #tpu.memory_space<vmem>>, vector<1x16xf32>,
        %swap3A_920 = vector.shape_cast %swap3A_919 : vector<1x16xf32> to vector<16xf32>
        %swap3A_921 = vector.shape_cast %mul3A_916 : vector<16xf32> to vector<1x16xf32>
        tpu.vector_store %arg13[%swap3A_917, %swap3A_918], %swap3A_921 {strides = array<i32>} : memref<128x64xf32, #tpu.memory_space<vmem>>, vector<1x16xf32>,
        %get3A_922 = arith.index_cast %add3A_891 : i32 to index
        %get3A_923 = arith.constant 48 : index
        %get3A_924 = tpu.vector_load %arg13[%get3A_922, %get3A_923] {strides = array<i32>} : memref<128x64xf32, #tpu.memory_space<vmem>>, vector<1x16xf32>,
        %get3A_925 = vector.shape_cast %get3A_924 : vector<1x16xf32> to vector<16xf32>
        %mul3A_926 = arith.mulf %get3A_925, %gather3A_887 : vector<16xf32>
        %swap3A_927 = arith.index_cast %add3A_891 : i32 to index
        %swap3A_928 = arith.constant 48 : index
        %swap3A_929 = tpu.vector_load %arg13[%swap3A_927, %swap3A_928] {strides = array<i32>} : memref<128x64xf32, #tpu.memory_space<vmem>>, vector<1x16xf32>,
        %swap3A_930 = vector.shape_cast %swap3A_929 : vector<1x16xf32> to vector<16xf32>
        %swap3A_931 = vector.shape_cast %mul3A_926 : vector<16xf32> to vector<1x16xf32>
        tpu.vector_store %arg13[%swap3A_927, %swap3A_928], %swap3A_931 {strides = array<i32>} : memref<128x64xf32, #tpu.memory_space<vmem>>, vector<1x16xf32>,
      }
      %scan3A_179 = arith.constant 8 : i32
      %mul3A_180 = arith.constant 20480 : i32
      %mul3A_181 = arith.muli %arg0, %mul3A_180 : i32
      %add3A_182 = arith.addi %mul3A_181, %mul3A_0 : i32
      %mul3A_183 = arith.constant 128 : i32
      %mul3A_184 = arith.muli %scan3A_170, %mul3A_183 : i32
      %add3A_185 = arith.addi %add3A_182, %mul3A_184 : i32
      "tpu.region"() ({
        %run_scoped3A = tpu.sem_alloc : memref<!tpu.dma_semaphore, #tpu.memory_space<semaphore_mem>>
        %dma_start3A_189 = arith.constant 0 : i32
        %dma_start3A_190 = tpu.memref_slice %arg6[%add3A_185, %dma_start3A_189] : memref<40960x64xf32, #tpu.memory_space<hbm>> -> memref<128x64xf32, #tpu.memory_space<hbm>>
        %dma_start3A_191 = arith.constant 0 : i32
        %dma_start3A_192 = tpu.memref_slice %arg6[%add3A_185, %dma_start3A_191] : memref<40960x64xf32, #tpu.memory_space<hbm>> -> memref<128x64xf32, #tpu.memory_space<hbm>>
        tpu.enqueue_dma source(%arg13 : memref<128x64xf32, #tpu.memory_space<vmem>>) target(%dma_start3A_192 : memref<128x64xf32, #tpu.memory_space<hbm>>) target_semaphore(%run_scoped3A : memref<!tpu.dma_semaphore, #tpu.memory_space<semaphore_mem>>)
        %dma_wait3A = arith.constant 0 : i32
        %dma_wait3A_193 = tpu.memref_slice %arg6[%add3A_185, %dma_wait3A] : memref<40960x64xf32, #tpu.memory_space<hbm>> -> memref<128x64xf32, #tpu.memory_space<hbm>>
        %dma_wait3A_194 = arith.constant 0 : i32
        %dma_wait3A_195 = tpu.memref_slice %arg6[%add3A_185, %dma_wait3A_194] : memref<40960x64xf32, #tpu.memory_space<hbm>> -> memref<128x64xf32, #tpu.memory_space<hbm>>
        tpu.wait_dma2 semaphore(%run_scoped3A : memref<!tpu.dma_semaphore, #tpu.memory_space<semaphore_mem>>) src(%arg13 : memref<128x64xf32, #tpu.memory_space<vmem>>) dst(%dma_wait3A_195 : memref<128x64xf32, #tpu.memory_space<hbm>>)
        tpu.yield
      }) : () -> ()
      %mul3A_186 = arith.constant 128 : i32
      %mul3A_187 = arith.muli %scan3A_170, %mul3A_186 : i32
      %add3A_188 = arith.addi %mul3A_0, %mul3A_187 : i32
      "tpu.region"() ({
        %run_scoped3A = tpu.sem_alloc : memref<!tpu.dma_semaphore, #tpu.memory_space<semaphore_mem>>
        %dma_start3A_189 = arith.constant 0 : i32
        %dma_start3A_190 = arith.constant 0 : i32
        %dma_start3A_191 = tpu.memref_slice %arg11[%dma_start3A_189, %dma_start3A_190] : memref<128x64xf32, #tpu.memory_space<vmem>> -> memref<128x64xf32, #tpu.memory_space<vmem>>
        %dma_start3A_192 = arith.constant 0 : i32
        %dma_start3A_193 = tpu.memref_slice %arg7[%add3A_188, %dma_start3A_192] : memref<20480x64xf32, #tpu.memory_space<vmem_shared>> -> memref<128x64xf32, #tpu.memory_space<vmem_shared>>
        %dma_start3A_194 = arith.constant 0 : i32
        %dma_start3A_195 = tpu.memref_slice %arg7[%add3A_188, %dma_start3A_194] : memref<20480x64xf32, #tpu.memory_space<vmem_shared>> -> memref<128x64xf32, #tpu.memory_space<vmem_shared>>
        %dma_start3A_196 = arith.constant 0 : i32
        %dma_start3A_197 = arith.constant 0 : i32
        %dma_start3A_198 = tpu.memref_slice %arg11[%dma_start3A_196, %dma_start3A_197] : memref<128x64xf32, #tpu.memory_space<vmem>> -> memref<128x64xf32, #tpu.memory_space<vmem>>
        tpu.enqueue_dma source(%dma_start3A_198 : memref<128x64xf32, #tpu.memory_space<vmem>>) target(%dma_start3A_195 : memref<128x64xf32, #tpu.memory_space<vmem_shared>>) target_semaphore(%run_scoped3A : memref<!tpu.dma_semaphore, #tpu.memory_space<semaphore_mem>>)
        %dma_wait3A = arith.constant 0 : i32
        %dma_wait3A_199 = arith.constant 0 : i32
        %dma_wait3A_200 = tpu.memref_slice %arg11[%dma_wait3A, %dma_wait3A_199] : memref<128x64xf32, #tpu.memory_space<vmem>> -> memref<128x64xf32, #tpu.memory_space<vmem>>
        %dma_wait3A_201 = arith.constant 0 : i32
        %dma_wait3A_202 = tpu.memref_slice %arg7[%add3A_188, %dma_wait3A_201] : memref<20480x64xf32, #tpu.memory_space<vmem_shared>> -> memref<128x64xf32, #tpu.memory_space<vmem_shared>>
        %dma_wait3A_203 = arith.constant 0 : i32
        %dma_wait3A_204 = tpu.memref_slice %arg7[%add3A_188, %dma_wait3A_203] : memref<20480x64xf32, #tpu.memory_space<vmem_shared>> -> memref<128x64xf32, #tpu.memory_space<vmem_shared>>
        %dma_wait3A_205 = arith.constant 0 : i32
        %dma_wait3A_206 = arith.constant 0 : i32
        %dma_wait3A_207 = tpu.memref_slice %arg11[%dma_wait3A_205, %dma_wait3A_206] : memref<128x64xf32, #tpu.memory_space<vmem>> -> memref<128x64xf32, #tpu.memory_space<vmem>>
        tpu.wait_dma2 semaphore(%run_scoped3A : memref<!tpu.dma_semaphore, #tpu.memory_space<semaphore_mem>>) src(%dma_wait3A_207 : memref<128x64xf32, #tpu.memory_space<vmem>>) dst(%dma_wait3A_204 : memref<128x64xf32, #tpu.memory_space<vmem_shared>>)
        tpu.yield
      }) : () -> ()
    }
    %scan3A_127 = arith.constant 10 : i32
    %scan3A_128 = arith.constant 0 : i32
    %scan3A_129 = arith.constant 0 : i32
    %scan3A_130 = arith.constant 80 : i32
    %scan3A_131 = arith.addi %scan3A_129, %scan3A_130 : i32
    %scan3A_132 = arith.constant 1 : i32
    scf.for %scan3A_170 = %scan3A_129 to %scan3A_131 step %scan3A_132  : i32 {
      %mul3A_171 = arith.constant 16 : i32
      %mul3A_172 = arith.muli %scan3A_170, %mul3A_171 : i32
      %swap3A_173 = arith.index_cast %mul3A_172 : i32 to index
      %swap3A_174 = tpu.vector_load %arg14[%swap3A_173] {strides = array<i32>} : memref<1280xf32, #tpu.memory_space<vmem>>, vector<16xf32>,
      %swap3A_175 = vector.shape_cast %swap3A_174 : vector<16xf32> to vector<16xf32>
      %swap3A_176 = vector.shape_cast %broadcast_in_dim3A_5 : vector<16xf32> to vector<16xf32>
      tpu.vector_store %arg14[%swap3A_173], %swap3A_176 {strides = array<i32>} : memref<1280xf32, #tpu.memory_space<vmem>>, vector<16xf32>,
    }
    %scan3A_133 = arith.constant 80 : i32
    "tpu.region"() ({
      %run_scoped3A = tpu.sem_alloc : memref<!tpu.dma_semaphore, #tpu.memory_space<semaphore_mem>>
      %dma_start3A_170 = tpu.memref_slice %arg8[%mul3A_0] : memref<20480xf32, #tpu.memory_space<vmem_shared>> -> memref<1280xf32, #tpu.memory_space<vmem_shared>>
      %dma_start3A_171 = tpu.memref_slice %arg8[%mul3A_0] : memref<20480xf32, #tpu.memory_space<vmem_shared>> -> memref<1280xf32, #tpu.memory_space<vmem_shared>>
      tpu.enqueue_dma source(%arg14 : memref<1280xf32, #tpu.memory_space<vmem>>) target(%dma_start3A_171 : memref<1280xf32, #tpu.memory_space<vmem_shared>>) target_semaphore(%run_scoped3A : memref<!tpu.dma_semaphore, #tpu.memory_space<semaphore_mem>>)
      %dma_wait3A = tpu.memref_slice %arg8[%mul3A_0] : memref<20480xf32, #tpu.memory_space<vmem_shared>> -> memref<1280xf32, #tpu.memory_space<vmem_shared>>
      %dma_wait3A_172 = tpu.memref_slice %arg8[%mul3A_0] : memref<20480xf32, #tpu.memory_space<vmem_shared>> -> memref<1280xf32, #tpu.memory_space<vmem_shared>>
      tpu.wait_dma2 semaphore(%run_scoped3A : memref<!tpu.dma_semaphore, #tpu.memory_space<semaphore_mem>>) src(%arg14 : memref<1280xf32, #tpu.memory_space<vmem>>) dst(%dma_wait3A_172 : memref<1280xf32, #tpu.memory_space<vmem_shared>>)
      tpu.yield
    }) : () -> ()
    %barrier3A_134 = arith.constant 0 : index
    tpu.barrier barrier_id(%barrier3A_134)
    "tpu.region"() ({
      %run_scoped3A = tpu.sem_alloc : memref<!tpu.dma_semaphore, #tpu.memory_space<semaphore_mem>>
      %dma_start3A_170 = arith.constant 0 : i32
      %dma_start3A_171 = arith.constant 0 : i32
      %dma_start3A_172 = tpu.memref_slice %arg4[%mul3A_4, %dma_start3A_170, %dma_start3A_171] : memref<5056x2x128xi32, #tpu.memory_space<hbm>> -> memref<1x2x128xi32, #tpu.memory_space<hbm>>
      %dma_start3A_173 = tpu.memref_squeeze %dma_start3A_172 : memref<1x2x128xi32, #tpu.memory_space<hbm>> -> memref<2x128xi32, #tpu.memory_space<hbm>>
      %dma_start3A_174 = arith.constant 0 : i32
      %dma_start3A_175 = arith.constant 0 : i32
      %dma_start3A_176 = tpu.memref_slice %arg4[%mul3A_4, %dma_start3A_174, %dma_start3A_175] : memref<5056x2x128xi32, #tpu.memory_space<hbm>> -> memref<1x2x128xi32, #tpu.memory_space<hbm>>
      %dma_start3A_177 = tpu.memref_squeeze %dma_start3A_176 : memref<1x2x128xi32, #tpu.memory_space<hbm>> -> memref<2x128xi32, #tpu.memory_space<hbm>>
      tpu.enqueue_dma source(%dma_start3A_177 : memref<2x128xi32, #tpu.memory_space<hbm>>) target(%arg9 : memref<2x128xi32, #tpu.memory_space<vmem>>) target_semaphore(%run_scoped3A : memref<!tpu.dma_semaphore, #tpu.memory_space<semaphore_mem>>)
      %dma_wait3A = arith.constant 0 : i32
      %dma_wait3A_178 = arith.constant 0 : i32
      %dma_wait3A_179 = tpu.memref_slice %arg4[%mul3A_4, %dma_wait3A, %dma_wait3A_178] : memref<5056x2x128xi32, #tpu.memory_space<hbm>> -> memref<1x2x128xi32, #tpu.memory_space<hbm>>
      %dma_wait3A_180 = tpu.memref_squeeze %dma_wait3A_179 : memref<1x2x128xi32, #tpu.memory_space<hbm>> -> memref<2x128xi32, #tpu.memory_space<hbm>>
      %dma_wait3A_181 = arith.constant 0 : i32
      %dma_wait3A_182 = arith.constant 0 : i32
      %dma_wait3A_183 = tpu.memref_slice %arg4[%mul3A_4, %dma_wait3A_181, %dma_wait3A_182] : memref<5056x2x128xi32, #tpu.memory_space<hbm>> -> memref<1x2x128xi32, #tpu.memory_space<hbm>>
      %dma_wait3A_184 = tpu.memref_squeeze %dma_wait3A_183 : memref<1x2x128xi32, #tpu.memory_space<hbm>> -> memref<2x128xi32, #tpu.memory_space<hbm>>
      tpu.wait_dma2 semaphore(%run_scoped3A : memref<!tpu.dma_semaphore, #tpu.memory_space<semaphore_mem>>) src(%dma_wait3A_184 : memref<2x128xi32, #tpu.memory_space<hbm>>) dst(%arg9 : memref<2x128xi32, #tpu.memory_space<vmem>>)
      tpu.yield
    }) : () -> ()
    %dma_start3A_135 = arith.constant 0 : i32
    %dma_start3A_136 = arith.constant 0 : i32
    %dma_start3A_137 = tpu.memref_slice %arg9[%dma_start3A_135, %dma_start3A_136] : memref<2x128xi32, #tpu.memory_space<vmem>> -> memref<1x128xi32, #tpu.memory_space<vmem>>
    %dma_start3A_138 = tpu.memref_squeeze %dma_start3A_137 : memref<1x128xi32, #tpu.memory_space<vmem>> -> memref<128xi32, #tpu.memory_space<vmem>>
    %dma_start3A_139 = arith.constant 0 : i32
    %dma_start3A_140 = arith.constant 0 : i32
    %dma_start3A_141 = tpu.memref_slice %arg6[%dma_start3A_139, %dma_start3A_140] : memref<40960x64xf32, #tpu.memory_space<hbm>> -> memref<40960x64xf32, #tpu.memory_space<hbm>>
    tpu.enqueue_indirect_dma source(%dma_start3A_141 : memref<40960x64xf32, #tpu.memory_space<hbm>>) target(%arg11 : memref<128x64xf32, #tpu.memory_space<vmem>>) offsets(%dma_start3A_138 : memref<128xi32, #tpu.memory_space<vmem>>) semaphore(%arg16 : memref<!tpu.dma_semaphore, #tpu.memory_space<semaphore_mem>>)
    %add3A_142 = arith.constant 1 : i32
    %add3A_143 = arith.addi %mul3A_4, %add3A_142 : i32
    "tpu.region"() ({
      %run_scoped3A = tpu.sem_alloc : memref<!tpu.dma_semaphore, #tpu.memory_space<semaphore_mem>>
      %dma_start3A_170 = arith.constant 0 : i32
      %dma_start3A_171 = arith.constant 0 : i32
      %dma_start3A_172 = tpu.memref_slice %arg4[%add3A_143, %dma_start3A_170, %dma_start3A_171] : memref<5056x2x128xi32, #tpu.memory_space<hbm>> -> memref<1x2x128xi32, #tpu.memory_space<hbm>>
      %dma_start3A_173 = tpu.memref_squeeze %dma_start3A_172 : memref<1x2x128xi32, #tpu.memory_space<hbm>> -> memref<2x128xi32, #tpu.memory_space<hbm>>
      %dma_start3A_174 = arith.constant 0 : i32
      %dma_start3A_175 = arith.constant 0 : i32
      %dma_start3A_176 = tpu.memref_slice %arg4[%add3A_143, %dma_start3A_174, %dma_start3A_175] : memref<5056x2x128xi32, #tpu.memory_space<hbm>> -> memref<1x2x128xi32, #tpu.memory_space<hbm>>
      %dma_start3A_177 = tpu.memref_squeeze %dma_start3A_176 : memref<1x2x128xi32, #tpu.memory_space<hbm>> -> memref<2x128xi32, #tpu.memory_space<hbm>>
      tpu.enqueue_dma source(%dma_start3A_177 : memref<2x128xi32, #tpu.memory_space<hbm>>) target(%arg10 : memref<2x128xi32, #tpu.memory_space<vmem>>) target_semaphore(%run_scoped3A : memref<!tpu.dma_semaphore, #tpu.memory_space<semaphore_mem>>)
      %dma_wait3A = arith.constant 0 : i32
      %dma_wait3A_178 = arith.constant 0 : i32
      %dma_wait3A_179 = tpu.memref_slice %arg4[%add3A_143, %dma_wait3A, %dma_wait3A_178] : memref<5056x2x128xi32, #tpu.memory_space<hbm>> -> memref<1x2x128xi32, #tpu.memory_space<hbm>>
      %dma_wait3A_180 = tpu.memref_squeeze %dma_wait3A_179 : memref<1x2x128xi32, #tpu.memory_space<hbm>> -> memref<2x128xi32, #tpu.memory_space<hbm>>
      %dma_wait3A_181 = arith.constant 0 : i32
      %dma_wait3A_182 = arith.constant 0 : i32
      %dma_wait3A_183 = tpu.memref_slice %arg4[%add3A_143, %dma_wait3A_181, %dma_wait3A_182] : memref<5056x2x128xi32, #tpu.memory_space<hbm>> -> memref<1x2x128xi32, #tpu.memory_space<hbm>>
      %dma_wait3A_184 = tpu.memref_squeeze %dma_wait3A_183 : memref<1x2x128xi32, #tpu.memory_space<hbm>> -> memref<2x128xi32, #tpu.memory_space<hbm>>
      tpu.wait_dma2 semaphore(%run_scoped3A : memref<!tpu.dma_semaphore, #tpu.memory_space<semaphore_mem>>) src(%dma_wait3A_184 : memref<2x128xi32, #tpu.memory_space<hbm>>) dst(%arg10 : memref<2x128xi32, #tpu.memory_space<vmem>>)
      tpu.yield
    }) : () -> ()
    %dma_start3A_144 = arith.constant 0 : i32
    %dma_start3A_145 = arith.constant 0 : i32
    %dma_start3A_146 = tpu.memref_slice %arg10[%dma_start3A_144, %dma_start3A_145] : memref<2x128xi32, #tpu.memory_space<vmem>> -> memref<1x128xi32, #tpu.memory_space<vmem>>
    %dma_start3A_147 = tpu.memref_squeeze %dma_start3A_146 : memref<1x128xi32, #tpu.memory_space<vmem>> -> memref<128xi32, #tpu.memory_space<vmem>>
    %dma_start3A_148 = arith.constant 0 : i32
    %dma_start3A_149 = arith.constant 0 : i32
    %dma_start3A_150 = tpu.memref_slice %arg6[%dma_start3A_148, %dma_start3A_149] : memref<40960x64xf32, #tpu.memory_space<hbm>> -> memref<40960x64xf32, #tpu.memory_space<hbm>>
    tpu.enqueue_indirect_dma source(%dma_start3A_150 : memref<40960x64xf32, #tpu.memory_space<hbm>>) target(%arg12 : memref<128x64xf32, #tpu.memory_space<vmem>>) offsets(%dma_start3A_147 : memref<128xi32, #tpu.memory_space<vmem>>) semaphore(%arg17 : memref<!tpu.dma_semaphore, #tpu.memory_space<semaphore_mem>>)
    %scan3A_151 = arith.constant 0 : i32
    %scan3A_152 = arith.constant 0 : i32
    %scan3A_153 = arith.constant 79 : i32
    %scan3A_154 = arith.addi %scan3A_152, %scan3A_153 : i32
    %scan3A_155 = arith.constant 1 : i32
    scf.for %scan3A_170 = %scan3A_152 to %scan3A_154 step %scan3A_155  : i32 {
      %mul3A_171 = arith.constant 2 : i32
      %mul3A_172 = arith.muli %mul3A_171, %scan3A_170 : i32
      %dma_wait3A = arith.constant 0 : i32
      %dma_wait3A_173 = arith.constant 0 : i32
      %dma_wait3A_174 = tpu.memref_slice %arg6[%dma_wait3A, %dma_wait3A_173] : memref<40960x64xf32, #tpu.memory_space<hbm>> -> memref<128x64xf32, #tpu.memory_space<hbm>>
      %dma_wait3A_175 = arith.constant 0 : i32
      %dma_wait3A_176 = arith.constant 0 : i32
      %dma_wait3A_177 = tpu.memref_slice %arg6[%dma_wait3A_175, %dma_wait3A_176] : memref<40960x64xf32, #tpu.memory_space<hbm>> -> memref<128x64xf32, #tpu.memory_space<hbm>>
      tpu.wait_dma2 semaphore(%arg16 : memref<!tpu.dma_semaphore, #tpu.memory_space<semaphore_mem>>) src(%dma_wait3A_177 : memref<128x64xf32, #tpu.memory_space<hbm>>) dst(%arg11 : memref<128x64xf32, #tpu.memory_space<vmem>>)
      %run_scoped3A = arith.constant 1 : i32
      "tpu.region"() ({
        %run_scoped3A_198 = tpu.sem_alloc : memref<!tpu.dma_semaphore, #tpu.memory_space<semaphore_mem>>
        %dma_start3A_199 = arith.constant 0 : i32
        %dma_start3A_200 = tpu.memref_slice %arg9[%run_scoped3A, %dma_start3A_199] : memref<2x128xi32, #tpu.memory_space<vmem>> -> memref<1x128xi32, #tpu.memory_space<vmem>>
        %dma_start3A_201 = tpu.memref_squeeze %dma_start3A_200 : memref<1x128xi32, #tpu.memory_space<vmem>> -> memref<128xi32, #tpu.memory_space<vmem>>
        %dma_start3A_202 = arith.constant 0 : i32
        %dma_start3A_203 = arith.constant 0 : i32
        %dma_start3A_204 = tpu.memref_slice %arg7[%dma_start3A_202, %dma_start3A_203] : memref<20480x64xf32, #tpu.memory_space<vmem_shared>> -> memref<20480x64xf32, #tpu.memory_space<vmem_shared>>
        tpu.enqueue_indirect_dma source(%arg11 : memref<128x64xf32, #tpu.memory_space<vmem>>) target(%dma_start3A_204 : memref<20480x64xf32, #tpu.memory_space<vmem_shared>>) offsets(%dma_start3A_201 : memref<128xi32, #tpu.memory_space<vmem>>) semaphore(%run_scoped3A_198 : memref<!tpu.dma_semaphore, #tpu.memory_space<semaphore_mem>>) {add = true}
        %dma_wait3A_205 = arith.constant 0 : i32
        %dma_wait3A_206 = tpu.memref_slice %arg9[%run_scoped3A, %dma_wait3A_205] : memref<2x128xi32, #tpu.memory_space<vmem>> -> memref<1x128xi32, #tpu.memory_space<vmem>>
        %dma_wait3A_207 = tpu.memref_squeeze %dma_wait3A_206 : memref<1x128xi32, #tpu.memory_space<vmem>> -> memref<128xi32, #tpu.memory_space<vmem>>
        %dma_wait3A_208 = arith.constant 0 : i32
        %dma_wait3A_209 = arith.constant 0 : i32
        %dma_wait3A_210 = tpu.memref_slice %arg7[%dma_wait3A_208, %dma_wait3A_209] : memref<20480x64xf32, #tpu.memory_space<vmem_shared>> -> memref<20480x64xf32, #tpu.memory_space<vmem_shared>>
        tpu.wait_indirect_dma semaphore(%run_scoped3A_198 : memref<!tpu.dma_semaphore, #tpu.memory_space<semaphore_mem>>) src(%arg11 : memref<128x64xf32, #tpu.memory_space<vmem>>) dst(%dma_wait3A_210 : memref<20480x64xf32, #tpu.memory_space<vmem_shared>>)
        tpu.yield
      }) : () -> ()
      %run_scoped3A_178 = arith.constant 1 : i32
      "tpu.region"() ({
        %run_scoped3A_198 = tpu.sem_alloc : memref<!tpu.dma_semaphore, #tpu.memory_space<semaphore_mem>>
        %dma_start3A_199 = arith.constant 0 : i32
        %dma_start3A_200 = tpu.memref_slice %arg9[%run_scoped3A_178, %dma_start3A_199] : memref<2x128xi32, #tpu.memory_space<vmem>> -> memref<1x128xi32, #tpu.memory_space<vmem>>
        %dma_start3A_201 = tpu.memref_squeeze %dma_start3A_200 : memref<1x128xi32, #tpu.memory_space<vmem>> -> memref<128xi32, #tpu.memory_space<vmem>>
        %dma_start3A_202 = arith.constant 0 : i32
        %dma_start3A_203 = tpu.memref_slice %arg8[%dma_start3A_202] : memref<20480xf32, #tpu.memory_space<vmem_shared>> -> memref<20480xf32, #tpu.memory_space<vmem_shared>>
        tpu.enqueue_indirect_dma source(%arg15 : memref<128xf32, #tpu.memory_space<vmem>>) target(%dma_start3A_203 : memref<20480xf32, #tpu.memory_space<vmem_shared>>) offsets(%dma_start3A_201 : memref<128xi32, #tpu.memory_space<vmem>>) semaphore(%run_scoped3A_198 : memref<!tpu.dma_semaphore, #tpu.memory_space<semaphore_mem>>) {add = true}
        %dma_wait3A_204 = arith.constant 0 : i32
        %dma_wait3A_205 = tpu.memref_slice %arg9[%run_scoped3A_178, %dma_wait3A_204] : memref<2x128xi32, #tpu.memory_space<vmem>> -> memref<1x128xi32, #tpu.memory_space<vmem>>
        %dma_wait3A_206 = tpu.memref_squeeze %dma_wait3A_205 : memref<1x128xi32, #tpu.memory_space<vmem>> -> memref<128xi32, #tpu.memory_space<vmem>>
        %dma_wait3A_207 = arith.constant 0 : i32
        %dma_wait3A_208 = tpu.memref_slice %arg8[%dma_wait3A_207] : memref<20480xf32, #tpu.memory_space<vmem_shared>> -> memref<20480xf32, #tpu.memory_space<vmem_shared>>
        tpu.wait_indirect_dma semaphore(%run_scoped3A_198 : memref<!tpu.dma_semaphore, #tpu.memory_space<semaphore_mem>>) src(%arg15 : memref<128xf32, #tpu.memory_space<vmem>>) dst(%dma_wait3A_208 : memref<20480xf32, #tpu.memory_space<vmem_shared>>)
        tpu.yield
      }) : () -> ()
      %add3A_179 = arith.constant 2 : i32
      %add3A_180 = arith.addi %mul3A_172, %add3A_179 : i32
      %lt3A = arith.constant 158 : i32
      %lt3A_181 = arith.cmpi slt, %add3A_180, %lt3A : i32
      %convert_element_type3A = arith.extui %lt3A_181 : i1 to i32
      %cond3A = arith.constant 0 : i32
      %cond3A_182 = arith.cmpi ne, %convert_element_type3A, %cond3A : i32
      scf.if %cond3A_182 {
        %add3A_198 = arith.addi %mul3A_4, %mul3A_172 : i32
        %add3A_199 = arith.constant 2 : i32
        %add3A_200 = arith.addi %add3A_198, %add3A_199 : i32
        "tpu.region"() ({
          %run_scoped3A_208 = tpu.sem_alloc : memref<!tpu.dma_semaphore, #tpu.memory_space<semaphore_mem>>
          %dma_start3A_209 = arith.constant 0 : i32
          %dma_start3A_210 = arith.constant 0 : i32
          %dma_start3A_211 = tpu.memref_slice %arg4[%add3A_200, %dma_start3A_209, %dma_start3A_210] : memref<5056x2x128xi32, #tpu.memory_space<hbm>> -> memref<1x2x128xi32, #tpu.memory_space<hbm>>
          %dma_start3A_212 = tpu.memref_squeeze %dma_start3A_211 : memref<1x2x128xi32, #tpu.memory_space<hbm>> -> memref<2x128xi32, #tpu.memory_space<hbm>>
          %dma_start3A_213 = arith.constant 0 : i32
          %dma_start3A_214 = arith.constant 0 : i32
          %dma_start3A_215 = tpu.memref_slice %arg4[%add3A_200, %dma_start3A_213, %dma_start3A_214] : memref<5056x2x128xi32, #tpu.memory_space<hbm>> -> memref<1x2x128xi32, #tpu.memory_space<hbm>>
          %dma_start3A_216 = tpu.memref_squeeze %dma_start3A_215 : memref<1x2x128xi32, #tpu.memory_space<hbm>> -> memref<2x128xi32, #tpu.memory_space<hbm>>
          tpu.enqueue_dma source(%dma_start3A_216 : memref<2x128xi32, #tpu.memory_space<hbm>>) target(%arg9 : memref<2x128xi32, #tpu.memory_space<vmem>>) target_semaphore(%run_scoped3A_208 : memref<!tpu.dma_semaphore, #tpu.memory_space<semaphore_mem>>)
          %dma_wait3A_217 = arith.constant 0 : i32
          %dma_wait3A_218 = arith.constant 0 : i32
          %dma_wait3A_219 = tpu.memref_slice %arg4[%add3A_200, %dma_wait3A_217, %dma_wait3A_218] : memref<5056x2x128xi32, #tpu.memory_space<hbm>> -> memref<1x2x128xi32, #tpu.memory_space<hbm>>
          %dma_wait3A_220 = tpu.memref_squeeze %dma_wait3A_219 : memref<1x2x128xi32, #tpu.memory_space<hbm>> -> memref<2x128xi32, #tpu.memory_space<hbm>>
          %dma_wait3A_221 = arith.constant 0 : i32
          %dma_wait3A_222 = arith.constant 0 : i32
          %dma_wait3A_223 = tpu.memref_slice %arg4[%add3A_200, %dma_wait3A_221, %dma_wait3A_222] : memref<5056x2x128xi32, #tpu.memory_space<hbm>> -> memref<1x2x128xi32, #tpu.memory_space<hbm>>
          %dma_wait3A_224 = tpu.memref_squeeze %dma_wait3A_223 : memref<1x2x128xi32, #tpu.memory_space<hbm>> -> memref<2x128xi32, #tpu.memory_space<hbm>>
          tpu.wait_dma2 semaphore(%run_scoped3A_208 : memref<!tpu.dma_semaphore, #tpu.memory_space<semaphore_mem>>) src(%dma_wait3A_224 : memref<2x128xi32, #tpu.memory_space<hbm>>) dst(%arg9 : memref<2x128xi32, #tpu.memory_space<vmem>>)
          tpu.yield
        }) : () -> ()
        %dma_start3A_201 = arith.constant 0 : i32
        %dma_start3A_202 = arith.constant 0 : i32
        %dma_start3A_203 = tpu.memref_slice %arg9[%dma_start3A_201, %dma_start3A_202] : memref<2x128xi32, #tpu.memory_space<vmem>> -> memref<1x128xi32, #tpu.memory_space<vmem>>
        %dma_start3A_204 = tpu.memref_squeeze %dma_start3A_203 : memref<1x128xi32, #tpu.memory_space<vmem>> -> memref<128xi32, #tpu.memory_space<vmem>>
        %dma_start3A_205 = arith.constant 0 : i32
        %dma_start3A_206 = arith.constant 0 : i32
        %dma_start3A_207 = tpu.memref_slice %arg6[%dma_start3A_205, %dma_start3A_206] : memref<40960x64xf32, #tpu.memory_space<hbm>> -> memref<40960x64xf32, #tpu.memory_space<hbm>>
        tpu.enqueue_indirect_dma source(%dma_start3A_207 : memref<40960x64xf32, #tpu.memory_space<hbm>>) target(%arg11 : memref<128x64xf32, #tpu.memory_space<vmem>>) offsets(%dma_start3A_204 : memref<128xi32, #tpu.memory_space<vmem>>) semaphore(%arg16 : memref<!tpu.dma_semaphore, #tpu.memory_space<semaphore_mem>>)
      } else {
      }
      %dma_wait3A_183 = arith.constant 0 : i32
      %dma_wait3A_184 = arith.constant 0 : i32
      %dma_wait3A_185 = tpu.memref_slice %arg6[%dma_wait3A_183, %dma_wait3A_184] : memref<40960x64xf32, #tpu.memory_space<hbm>> -> memref<128x64xf32, #tpu.memory_space<hbm>>
      %dma_wait3A_186 = arith.constant 0 : i32
      %dma_wait3A_187 = arith.constant 0 : i32
      %dma_wait3A_188 = tpu.memref_slice %arg6[%dma_wait3A_186, %dma_wait3A_187] : memref<40960x64xf32, #tpu.memory_space<hbm>> -> memref<128x64xf32, #tpu.memory_space<hbm>>
      tpu.wait_dma2 semaphore(%arg17 : memref<!tpu.dma_semaphore, #tpu.memory_space<semaphore_mem>>) src(%dma_wait3A_188 : memref<128x64xf32, #tpu.memory_space<hbm>>) dst(%arg12 : memref<128x64xf32, #tpu.memory_space<vmem>>)
      %run_scoped3A_189 = arith.constant 1 : i32
      "tpu.region"() ({
        %run_scoped3A_198 = tpu.sem_alloc : memref<!tpu.dma_semaphore, #tpu.memory_space<semaphore_mem>>
        %dma_start3A_199 = arith.constant 0 : i32
        %dma_start3A_200 = tpu.memref_slice %arg10[%run_scoped3A_189, %dma_start3A_199] : memref<2x128xi32, #tpu.memory_space<vmem>> -> memref<1x128xi32, #tpu.memory_space<vmem>>
        %dma_start3A_201 = tpu.memref_squeeze %dma_start3A_200 : memref<1x128xi32, #tpu.memory_space<vmem>> -> memref<128xi32, #tpu.memory_space<vmem>>
        %dma_start3A_202 = arith.constant 0 : i32
        %dma_start3A_203 = arith.constant 0 : i32
        %dma_start3A_204 = tpu.memref_slice %arg7[%dma_start3A_202, %dma_start3A_203] : memref<20480x64xf32, #tpu.memory_space<vmem_shared>> -> memref<20480x64xf32, #tpu.memory_space<vmem_shared>>
        tpu.enqueue_indirect_dma source(%arg12 : memref<128x64xf32, #tpu.memory_space<vmem>>) target(%dma_start3A_204 : memref<20480x64xf32, #tpu.memory_space<vmem_shared>>) offsets(%dma_start3A_201 : memref<128xi32, #tpu.memory_space<vmem>>) semaphore(%run_scoped3A_198 : memref<!tpu.dma_semaphore, #tpu.memory_space<semaphore_mem>>) {add = true}
        %dma_wait3A_205 = arith.constant 0 : i32
        %dma_wait3A_206 = tpu.memref_slice %arg10[%run_scoped3A_189, %dma_wait3A_205] : memref<2x128xi32, #tpu.memory_space<vmem>> -> memref<1x128xi32, #tpu.memory_space<vmem>>
        %dma_wait3A_207 = tpu.memref_squeeze %dma_wait3A_206 : memref<1x128xi32, #tpu.memory_space<vmem>> -> memref<128xi32, #tpu.memory_space<vmem>>
        %dma_wait3A_208 = arith.constant 0 : i32
        %dma_wait3A_209 = arith.constant 0 : i32
        %dma_wait3A_210 = tpu.memref_slice %arg7[%dma_wait3A_208, %dma_wait3A_209] : memref<20480x64xf32, #tpu.memory_space<vmem_shared>> -> memref<20480x64xf32, #tpu.memory_space<vmem_shared>>
        tpu.wait_indirect_dma semaphore(%run_scoped3A_198 : memref<!tpu.dma_semaphore, #tpu.memory_space<semaphore_mem>>) src(%arg12 : memref<128x64xf32, #tpu.memory_space<vmem>>) dst(%dma_wait3A_210 : memref<20480x64xf32, #tpu.memory_space<vmem_shared>>)
        tpu.yield
      }) : () -> ()
      %run_scoped3A_190 = arith.constant 1 : i32
      "tpu.region"() ({
        %run_scoped3A_198 = tpu.sem_alloc : memref<!tpu.dma_semaphore, #tpu.memory_space<semaphore_mem>>
        %dma_start3A_199 = arith.constant 0 : i32
        %dma_start3A_200 = tpu.memref_slice %arg10[%run_scoped3A_190, %dma_start3A_199] : memref<2x128xi32, #tpu.memory_space<vmem>> -> memref<1x128xi32, #tpu.memory_space<vmem>>
        %dma_start3A_201 = tpu.memref_squeeze %dma_start3A_200 : memref<1x128xi32, #tpu.memory_space<vmem>> -> memref<128xi32, #tpu.memory_space<vmem>>
        %dma_start3A_202 = arith.constant 0 : i32
        %dma_start3A_203 = tpu.memref_slice %arg8[%dma_start3A_202] : memref<20480xf32, #tpu.memory_space<vmem_shared>> -> memref<20480xf32, #tpu.memory_space<vmem_shared>>
        tpu.enqueue_indirect_dma source(%arg15 : memref<128xf32, #tpu.memory_space<vmem>>) target(%dma_start3A_203 : memref<20480xf32, #tpu.memory_space<vmem_shared>>) offsets(%dma_start3A_201 : memref<128xi32, #tpu.memory_space<vmem>>) semaphore(%run_scoped3A_198 : memref<!tpu.dma_semaphore, #tpu.memory_space<semaphore_mem>>) {add = true}
        %dma_wait3A_204 = arith.constant 0 : i32
        %dma_wait3A_205 = tpu.memref_slice %arg10[%run_scoped3A_190, %dma_wait3A_204] : memref<2x128xi32, #tpu.memory_space<vmem>> -> memref<1x128xi32, #tpu.memory_space<vmem>>
        %dma_wait3A_206 = tpu.memref_squeeze %dma_wait3A_205 : memref<1x128xi32, #tpu.memory_space<vmem>> -> memref<128xi32, #tpu.memory_space<vmem>>
        %dma_wait3A_207 = arith.constant 0 : i32
        %dma_wait3A_208 = tpu.memref_slice %arg8[%dma_wait3A_207] : memref<20480xf32, #tpu.memory_space<vmem_shared>> -> memref<20480xf32, #tpu.memory_space<vmem_shared>>
        tpu.wait_indirect_dma semaphore(%run_scoped3A_198 : memref<!tpu.dma_semaphore, #tpu.memory_space<semaphore_mem>>) src(%arg15 : memref<128xf32, #tpu.memory_space<vmem>>) dst(%dma_wait3A_208 : memref<20480xf32, #tpu.memory_space<vmem_shared>>)
        tpu.yield
      }) : () -> ()
      %add3A_191 = arith.constant 3 : i32
      %add3A_192 = arith.addi %mul3A_172, %add3A_191 : i32
      %lt3A_193 = arith.constant 158 : i32
      %lt3A_194 = arith.cmpi slt, %add3A_192, %lt3A_193 : i32
      %convert_element_type3A_195 = arith.extui %lt3A_194 : i1 to i32
      %cond3A_196 = arith.constant 0 : i32
      %cond3A_197 = arith.cmpi ne, %convert_element_type3A_195, %cond3A_196 : i32
      scf.if %cond3A_197 {
        %add3A_198 = arith.addi %mul3A_4, %mul3A_172 : i32
        %add3A_199 = arith.constant 3 : i32
        %add3A_200 = arith.addi %add3A_198, %add3A_199 : i32
        "tpu.region"() ({
          %run_scoped3A_208 = tpu.sem_alloc : memref<!tpu.dma_semaphore, #tpu.memory_space<semaphore_mem>>
          %dma_start3A_209 = arith.constant 0 : i32
          %dma_start3A_210 = arith.constant 0 : i32
          %dma_start3A_211 = tpu.memref_slice %arg4[%add3A_200, %dma_start3A_209, %dma_start3A_210] : memref<5056x2x128xi32, #tpu.memory_space<hbm>> -> memref<1x2x128xi32, #tpu.memory_space<hbm>>
          %dma_start3A_212 = tpu.memref_squeeze %dma_start3A_211 : memref<1x2x128xi32, #tpu.memory_space<hbm>> -> memref<2x128xi32, #tpu.memory_space<hbm>>
          %dma_start3A_213 = arith.constant 0 : i32
          %dma_start3A_214 = arith.constant 0 : i32
          %dma_start3A_215 = tpu.memref_slice %arg4[%add3A_200, %dma_start3A_213, %dma_start3A_214] : memref<5056x2x128xi32, #tpu.memory_space<hbm>> -> memref<1x2x128xi32, #tpu.memory_space<hbm>>
          %dma_start3A_216 = tpu.memref_squeeze %dma_start3A_215 : memref<1x2x128xi32, #tpu.memory_space<hbm>> -> memref<2x128xi32, #tpu.memory_space<hbm>>
          tpu.enqueue_dma source(%dma_start3A_216 : memref<2x128xi32, #tpu.memory_space<hbm>>) target(%arg10 : memref<2x128xi32, #tpu.memory_space<vmem>>) target_semaphore(%run_scoped3A_208 : memref<!tpu.dma_semaphore, #tpu.memory_space<semaphore_mem>>)
          %dma_wait3A_217 = arith.constant 0 : i32
          %dma_wait3A_218 = arith.constant 0 : i32
          %dma_wait3A_219 = tpu.memref_slice %arg4[%add3A_200, %dma_wait3A_217, %dma_wait3A_218] : memref<5056x2x128xi32, #tpu.memory_space<hbm>> -> memref<1x2x128xi32, #tpu.memory_space<hbm>>
          %dma_wait3A_220 = tpu.memref_squeeze %dma_wait3A_219 : memref<1x2x128xi32, #tpu.memory_space<hbm>> -> memref<2x128xi32, #tpu.memory_space<hbm>>
          %dma_wait3A_221 = arith.constant 0 : i32
          %dma_wait3A_222 = arith.constant 0 : i32
          %dma_wait3A_223 = tpu.memref_slice %arg4[%add3A_200, %dma_wait3A_221, %dma_wait3A_222] : memref<5056x2x128xi32, #tpu.memory_space<hbm>> -> memref<1x2x128xi32, #tpu.memory_space<hbm>>
          %dma_wait3A_224 = tpu.memref_squeeze %dma_wait3A_223 : memref<1x2x128xi32, #tpu.memory_space<hbm>> -> memref<2x128xi32, #tpu.memory_space<hbm>>
          tpu.wait_dma2 semaphore(%run_scoped3A_208 : memref<!tpu.dma_semaphore, #tpu.memory_space<semaphore_mem>>) src(%dma_wait3A_224 : memref<2x128xi32, #tpu.memory_space<hbm>>) dst(%arg10 : memref<2x128xi32, #tpu.memory_space<vmem>>)
          tpu.yield
        }) : () -> ()
        %dma_start3A_201 = arith.constant 0 : i32
        %dma_start3A_202 = arith.constant 0 : i32
        %dma_start3A_203 = tpu.memref_slice %arg10[%dma_start3A_201, %dma_start3A_202] : memref<2x128xi32, #tpu.memory_space<vmem>> -> memref<1x128xi32, #tpu.memory_space<vmem>>
        %dma_start3A_204 = tpu.memref_squeeze %dma_start3A_203 : memref<1x128xi32, #tpu.memory_space<vmem>> -> memref<128xi32, #tpu.memory_space<vmem>>
        %dma_start3A_205 = arith.constant 0 : i32
        %dma_start3A_206 = arith.constant 0 : i32
        %dma_start3A_207 = tpu.memref_slice %arg6[%dma_start3A_205, %dma_start3A_206] : memref<40960x64xf32, #tpu.memory_space<hbm>> -> memref<40960x64xf32, #tpu.memory_space<hbm>>
        tpu.enqueue_indirect_dma source(%dma_start3A_207 : memref<40960x64xf32, #tpu.memory_space<hbm>>) target(%arg12 : memref<128x64xf32, #tpu.memory_space<vmem>>) offsets(%dma_start3A_204 : memref<128xi32, #tpu.memory_space<vmem>>) semaphore(%arg17 : memref<!tpu.dma_semaphore, #tpu.memory_space<semaphore_mem>>)
      } else {
      }
    }
    %scan3A_156 = arith.constant 79 : i32
    %barrier3A_157 = arith.constant 0 : index
    tpu.barrier barrier_id(%barrier3A_157)
    "tpu.region"() ({
      %run_scoped3A = tpu.sem_alloc : memref<!tpu.dma_semaphore, #tpu.memory_space<semaphore_mem>>
      %dma_start3A_170 = tpu.memref_slice %arg8[%mul3A_0] : memref<20480xf32, #tpu.memory_space<vmem_shared>> -> memref<1280xf32, #tpu.memory_space<vmem_shared>>
      %dma_start3A_171 = tpu.memref_slice %arg8[%mul3A_0] : memref<20480xf32, #tpu.memory_space<vmem_shared>> -> memref<1280xf32, #tpu.memory_space<vmem_shared>>
      tpu.enqueue_dma source(%dma_start3A_171 : memref<1280xf32, #tpu.memory_space<vmem_shared>>) target(%arg14 : memref<1280xf32, #tpu.memory_space<vmem>>) target_semaphore(%run_scoped3A : memref<!tpu.dma_semaphore, #tpu.memory_space<semaphore_mem>>)
      %dma_wait3A = tpu.memref_slice %arg8[%mul3A_0] : memref<20480xf32, #tpu.memory_space<vmem_shared>> -> memref<1280xf32, #tpu.memory_space<vmem_shared>>
      %dma_wait3A_172 = tpu.memref_slice %arg8[%mul3A_0] : memref<20480xf32, #tpu.memory_space<vmem_shared>> -> memref<1280xf32, #tpu.memory_space<vmem_shared>>
      tpu.wait_dma2 semaphore(%run_scoped3A : memref<!tpu.dma_semaphore, #tpu.memory_space<semaphore_mem>>) src(%dma_wait3A_172 : memref<1280xf32, #tpu.memory_space<vmem_shared>>) dst(%arg14 : memref<1280xf32, #tpu.memory_space<vmem>>)
      tpu.yield
    }) : () -> ()
    %scan3A_158 = arith.constant 0 : i32
    %scan3A_159 = arith.constant 0 : i32
    %scan3A_160 = arith.constant 80 : i32
    %scan3A_161 = arith.addi %scan3A_159, %scan3A_160 : i32
    %scan3A_162 = arith.constant 1 : i32
    scf.for %scan3A_170 = %scan3A_159 to %scan3A_161 step %scan3A_162  : i32 {
      %mul3A_171 = arith.constant 16 : i32
      %mul3A_172 = arith.muli %scan3A_170, %mul3A_171 : i32
      %get3A = arith.index_cast %mul3A_172 : i32 to index
      %get3A_173 = tpu.vector_load %arg14[%get3A] {strides = array<i32>} : memref<1280xf32, #tpu.memory_space<vmem>>, vector<16xf32>,
      %get3A_174 = vector.shape_cast %get3A_173 : vector<16xf32> to vector<16xf32>
      %gt3A = arith.constant 0.000000e+00 : f32
      %gt3A_175 = vector.broadcast %gt3A : f32 to vector<16xf32>
      %gt3A_176 = arith.cmpf ogt, %get3A_174, %gt3A_175 : vector<16xf32>
      %div3A = arith.constant 1.000000e+00 : f32
      %div3A_177 = vector.broadcast %div3A : f32 to vector<16xf32>
      %div3A_178 = arith.divf %div3A_177, %get3A_174 : vector<16xf32>
      %jit3A = arith.constant 0.000000e+00 : f32
      %broadcast_in_dim3A_179 = vector.broadcast %jit3A : f32 to vector<16xf32>
      %select_n3A = arith.select %gt3A_176, %div3A_178, %broadcast_in_dim3A_179 : vector<16xi1>, vector<16xf32>
      %mul3A_180 = arith.constant 16 : i32
      %mul3A_181 = arith.muli %scan3A_170, %mul3A_180 : i32
      %swap3A_182 = arith.index_cast %mul3A_181 : i32 to index
      %swap3A_183 = tpu.vector_load %arg14[%swap3A_182] {strides = array<i32>} : memref<1280xf32, #tpu.memory_space<vmem>>, vector<16xf32>,
      %swap3A_184 = vector.shape_cast %swap3A_183 : vector<16xf32> to vector<16xf32>
      %swap3A_185 = vector.shape_cast %select_n3A : vector<16xf32> to vector<16xf32>
      tpu.vector_store %arg14[%swap3A_182], %swap3A_185 {strides = array<i32>} : memref<1280xf32, #tpu.memory_space<vmem>>, vector<16xf32>,
    }
    %scan3A_163 = arith.constant 80 : i32
    %scan3A_164 = arith.constant 0 : i32
    %scan3A_165 = arith.constant 0 : i32
    %scan3A_166 = arith.constant 10 : i32
    %scan3A_167 = arith.addi %scan3A_165, %scan3A_166 : i32
    %scan3A_168 = arith.constant 1 : i32
    scf.for %scan3A_170 = %scan3A_165 to %scan3A_167 step %scan3A_168  : i32 {
      %mul3A_171 = arith.constant 128 : i32
      %mul3A_172 = arith.muli %scan3A_170, %mul3A_171 : i32
      %add3A_173 = arith.addi %mul3A_0, %mul3A_172 : i32
      "tpu.region"() ({
        %run_scoped3A = tpu.sem_alloc : memref<!tpu.dma_semaphore, #tpu.memory_space<semaphore_mem>>
        %dma_start3A_186 = arith.constant 0 : i32
        %dma_start3A_187 = tpu.memref_slice %arg7[%add3A_173, %dma_start3A_186] : memref<20480x64xf32, #tpu.memory_space<vmem_shared>> -> memref<128x64xf32, #tpu.memory_space<vmem_shared>>
        %dma_start3A_188 = arith.constant 0 : i32
        %dma_start3A_189 = tpu.memref_slice %arg7[%add3A_173, %dma_start3A_188] : memref<20480x64xf32, #tpu.memory_space<vmem_shared>> -> memref<128x64xf32, #tpu.memory_space<vmem_shared>>
        tpu.enqueue_dma source(%dma_start3A_189 : memref<128x64xf32, #tpu.memory_space<vmem_shared>>) target(%arg13 : memref<128x64xf32, #tpu.memory_space<vmem>>) target_semaphore(%run_scoped3A : memref<!tpu.dma_semaphore, #tpu.memory_space<semaphore_mem>>)
        %dma_wait3A = arith.constant 0 : i32
        %dma_wait3A_190 = tpu.memref_slice %arg7[%add3A_173, %dma_wait3A] : memref<20480x64xf32, #tpu.memory_space<vmem_shared>> -> memref<128x64xf32, #tpu.memory_space<vmem_shared>>
        %dma_wait3A_191 = arith.constant 0 : i32
        %dma_wait3A_192 = tpu.memref_slice %arg7[%add3A_173, %dma_wait3A_191] : memref<20480x64xf32, #tpu.memory_space<vmem_shared>> -> memref<128x64xf32, #tpu.memory_space<vmem_shared>>
        tpu.wait_dma2 semaphore(%run_scoped3A : memref<!tpu.dma_semaphore, #tpu.memory_space<semaphore_mem>>) src(%dma_wait3A_192 : memref<128x64xf32, #tpu.memory_space<vmem_shared>>) dst(%arg13 : memref<128x64xf32, #tpu.memory_space<vmem>>)
        tpu.yield
      }) : () -> ()
      %scan3A_174 = arith.constant 0 : i32
      %scan3A_175 = arith.constant 0 : i32
      %scan3A_176 = arith.constant 8 : i32
      %scan3A_177 = arith.addi %scan3A_175, %scan3A_176 : i32
      %scan3A_178 = arith.constant 1 : i32
      scf.for %scan3A_186 = %scan3A_175 to %scan3A_177 step %scan3A_178  : i32 {
        %mul3A_187 = arith.constant 128 : i32
        %mul3A_188 = arith.muli %scan3A_170, %mul3A_187 : i32
        %mul3A_189 = arith.constant 16 : i32
        %mul3A_190 = arith.muli %scan3A_186, %mul3A_189 : i32
        %add3A_191 = arith.addi %mul3A_188, %mul3A_190 : i32
        %get3A = arith.index_cast %add3A_191 : i32 to index
        %get3A_192 = tpu.vector_load %arg14[%get3A] {strides = array<i32>} : memref<1280xf32, #tpu.memory_space<vmem>>, vector<16xf32>,
        %get3A_193 = vector.shape_cast %get3A_192 : vector<16xf32> to vector<16xf32>
        %gather3A = vector.shape_cast %broadcast_in_dim3A_9 : vector<16x1xi32> to vector<16xi32>
        %gather3A_194 = tpu.dynamic_gather %get3A_193[%gather3A] in [0] : vector<16xf32>, vector<16xi32> -> vector<16xf32>
        %mul3A_195 = arith.constant 16 : i32
        %mul3A_196 = arith.muli %scan3A_186, %mul3A_195 : i32
        %add3A_197 = arith.constant 0 : i32
        %add3A_198 = arith.addi %mul3A_196, %add3A_197 : i32
        %get3A_199 = arith.index_cast %add3A_198 : i32 to index
        %get3A_200 = arith.constant 0 : index
        %get3A_201 = tpu.vector_load %arg13[%get3A_199, %get3A_200] {strides = array<i32>} : memref<128x64xf32, #tpu.memory_space<vmem>>, vector<1x16xf32>,
        %get3A_202 = vector.shape_cast %get3A_201 : vector<1x16xf32> to vector<16xf32>
        %mul3A_203 = arith.mulf %get3A_202, %gather3A_194 : vector<16xf32>
        %swap3A_204 = arith.index_cast %add3A_198 : i32 to index
        %swap3A_205 = arith.constant 0 : index
        %swap3A_206 = tpu.vector_load %arg13[%swap3A_204, %swap3A_205] {strides = array<i32>} : memref<128x64xf32, #tpu.memory_space<vmem>>, vector<1x16xf32>,
        %swap3A_207 = vector.shape_cast %swap3A_206 : vector<1x16xf32> to vector<16xf32>
        %swap3A_208 = vector.shape_cast %mul3A_203 : vector<16xf32> to vector<1x16xf32>
        tpu.vector_store %arg13[%swap3A_204, %swap3A_205], %swap3A_208 {strides = array<i32>} : memref<128x64xf32, #tpu.memory_space<vmem>>, vector<1x16xf32>,
        %get3A_209 = arith.index_cast %add3A_198 : i32 to index
        %get3A_210 = arith.constant 16 : index
        %get3A_211 = tpu.vector_load %arg13[%get3A_209, %get3A_210] {strides = array<i32>} : memref<128x64xf32, #tpu.memory_space<vmem>>, vector<1x16xf32>,
        %get3A_212 = vector.shape_cast %get3A_211 : vector<1x16xf32> to vector<16xf32>
        %mul3A_213 = arith.mulf %get3A_212, %gather3A_194 : vector<16xf32>
        %swap3A_214 = arith.index_cast %add3A_198 : i32 to index
        %swap3A_215 = arith.constant 16 : index
        %swap3A_216 = tpu.vector_load %arg13[%swap3A_214, %swap3A_215] {strides = array<i32>} : memref<128x64xf32, #tpu.memory_space<vmem>>, vector<1x16xf32>,
        %swap3A_217 = vector.shape_cast %swap3A_216 : vector<1x16xf32> to vector<16xf32>
        %swap3A_218 = vector.shape_cast %mul3A_213 : vector<16xf32> to vector<1x16xf32>
        tpu.vector_store %arg13[%swap3A_214, %swap3A_215], %swap3A_218 {strides = array<i32>} : memref<128x64xf32, #tpu.memory_space<vmem>>, vector<1x16xf32>,
        %get3A_219 = arith.index_cast %add3A_198 : i32 to index
        %get3A_220 = arith.constant 32 : index
        %get3A_221 = tpu.vector_load %arg13[%get3A_219, %get3A_220] {strides = array<i32>} : memref<128x64xf32, #tpu.memory_space<vmem>>, vector<1x16xf32>,
        %get3A_222 = vector.shape_cast %get3A_221 : vector<1x16xf32> to vector<16xf32>
        %mul3A_223 = arith.mulf %get3A_222, %gather3A_194 : vector<16xf32>
        %swap3A_224 = arith.index_cast %add3A_198 : i32 to index
        %swap3A_225 = arith.constant 32 : index
        %swap3A_226 = tpu.vector_load %arg13[%swap3A_224, %swap3A_225] {strides = array<i32>} : memref<128x64xf32, #tpu.memory_space<vmem>>, vector<1x16xf32>,
        %swap3A_227 = vector.shape_cast %swap3A_226 : vector<1x16xf32> to vector<16xf32>
        %swap3A_228 = vector.shape_cast %mul3A_223 : vector<16xf32> to vector<1x16xf32>
        tpu.vector_store %arg13[%swap3A_224, %swap3A_225], %swap3A_228 {strides = array<i32>} : memref<128x64xf32, #tpu.memory_space<vmem>>, vector<1x16xf32>,
        %get3A_229 = arith.index_cast %add3A_198 : i32 to index
        %get3A_230 = arith.constant 48 : index
        %get3A_231 = tpu.vector_load %arg13[%get3A_229, %get3A_230] {strides = array<i32>} : memref<128x64xf32, #tpu.memory_space<vmem>>, vector<1x16xf32>,
        %get3A_232 = vector.shape_cast %get3A_231 : vector<1x16xf32> to vector<16xf32>
        %mul3A_233 = arith.mulf %get3A_232, %gather3A_194 : vector<16xf32>
        %swap3A_234 = arith.index_cast %add3A_198 : i32 to index
        %swap3A_235 = arith.constant 48 : index
        %swap3A_236 = tpu.vector_load %arg13[%swap3A_234, %swap3A_235] {strides = array<i32>} : memref<128x64xf32, #tpu.memory_space<vmem>>, vector<1x16xf32>,
        %swap3A_237 = vector.shape_cast %swap3A_236 : vector<1x16xf32> to vector<16xf32>
        %swap3A_238 = vector.shape_cast %mul3A_233 : vector<16xf32> to vector<1x16xf32>
        tpu.vector_store %arg13[%swap3A_234, %swap3A_235], %swap3A_238 {strides = array<i32>} : memref<128x64xf32, #tpu.memory_space<vmem>>, vector<1x16xf32>,
        %gather3A_239 = vector.shape_cast %broadcast_in_dim3A_11 : vector<16x1xi32> to vector<16xi32>
        %gather3A_240 = tpu.dynamic_gather %get3A_193[%gather3A_239] in [0] : vector<16xf32>, vector<16xi32> -> vector<16xf32>
        %mul3A_241 = arith.constant 16 : i32
        %mul3A_242 = arith.muli %scan3A_186, %mul3A_241 : i32
        %add3A_243 = arith.constant 1 : i32
        %add3A_244 = arith.addi %mul3A_242, %add3A_243 : i32
        %get3A_245 = arith.index_cast %add3A_244 : i32 to index
        %get3A_246 = arith.constant 0 : index
        %get3A_247 = tpu.vector_load %arg13[%get3A_245, %get3A_246] {strides = array<i32>} : memref<128x64xf32, #tpu.memory_space<vmem>>, vector<1x16xf32>,
        %get3A_248 = vector.shape_cast %get3A_247 : vector<1x16xf32> to vector<16xf32>
        %mul3A_249 = arith.mulf %get3A_248, %gather3A_240 : vector<16xf32>
        %swap3A_250 = arith.index_cast %add3A_244 : i32 to index
        %swap3A_251 = arith.constant 0 : index
        %swap3A_252 = tpu.vector_load %arg13[%swap3A_250, %swap3A_251] {strides = array<i32>} : memref<128x64xf32, #tpu.memory_space<vmem>>, vector<1x16xf32>,
        %swap3A_253 = vector.shape_cast %swap3A_252 : vector<1x16xf32> to vector<16xf32>
        %swap3A_254 = vector.shape_cast %mul3A_249 : vector<16xf32> to vector<1x16xf32>
        tpu.vector_store %arg13[%swap3A_250, %swap3A_251], %swap3A_254 {strides = array<i32>} : memref<128x64xf32, #tpu.memory_space<vmem>>, vector<1x16xf32>,
        %get3A_255 = arith.index_cast %add3A_244 : i32 to index
        %get3A_256 = arith.constant 16 : index
        %get3A_257 = tpu.vector_load %arg13[%get3A_255, %get3A_256] {strides = array<i32>} : memref<128x64xf32, #tpu.memory_space<vmem>>, vector<1x16xf32>,
        %get3A_258 = vector.shape_cast %get3A_257 : vector<1x16xf32> to vector<16xf32>
        %mul3A_259 = arith.mulf %get3A_258, %gather3A_240 : vector<16xf32>
        %swap3A_260 = arith.index_cast %add3A_244 : i32 to index
        %swap3A_261 = arith.constant 16 : index
        %swap3A_262 = tpu.vector_load %arg13[%swap3A_260, %swap3A_261] {strides = array<i32>} : memref<128x64xf32, #tpu.memory_space<vmem>>, vector<1x16xf32>,
        %swap3A_263 = vector.shape_cast %swap3A_262 : vector<1x16xf32> to vector<16xf32>
        %swap3A_264 = vector.shape_cast %mul3A_259 : vector<16xf32> to vector<1x16xf32>
        tpu.vector_store %arg13[%swap3A_260, %swap3A_261], %swap3A_264 {strides = array<i32>} : memref<128x64xf32, #tpu.memory_space<vmem>>, vector<1x16xf32>,
        %get3A_265 = arith.index_cast %add3A_244 : i32 to index
        %get3A_266 = arith.constant 32 : index
        %get3A_267 = tpu.vector_load %arg13[%get3A_265, %get3A_266] {strides = array<i32>} : memref<128x64xf32, #tpu.memory_space<vmem>>, vector<1x16xf32>,
        %get3A_268 = vector.shape_cast %get3A_267 : vector<1x16xf32> to vector<16xf32>
        %mul3A_269 = arith.mulf %get3A_268, %gather3A_240 : vector<16xf32>
        %swap3A_270 = arith.index_cast %add3A_244 : i32 to index
        %swap3A_271 = arith.constant 32 : index
        %swap3A_272 = tpu.vector_load %arg13[%swap3A_270, %swap3A_271] {strides = array<i32>} : memref<128x64xf32, #tpu.memory_space<vmem>>, vector<1x16xf32>,
        %swap3A_273 = vector.shape_cast %swap3A_272 : vector<1x16xf32> to vector<16xf32>
        %swap3A_274 = vector.shape_cast %mul3A_269 : vector<16xf32> to vector<1x16xf32>
        tpu.vector_store %arg13[%swap3A_270, %swap3A_271], %swap3A_274 {strides = array<i32>} : memref<128x64xf32, #tpu.memory_space<vmem>>, vector<1x16xf32>,
        %get3A_275 = arith.index_cast %add3A_244 : i32 to index
        %get3A_276 = arith.constant 48 : index
        %get3A_277 = tpu.vector_load %arg13[%get3A_275, %get3A_276] {strides = array<i32>} : memref<128x64xf32, #tpu.memory_space<vmem>>, vector<1x16xf32>,
        %get3A_278 = vector.shape_cast %get3A_277 : vector<1x16xf32> to vector<16xf32>
        %mul3A_279 = arith.mulf %get3A_278, %gather3A_240 : vector<16xf32>
        %swap3A_280 = arith.index_cast %add3A_244 : i32 to index
        %swap3A_281 = arith.constant 48 : index
        %swap3A_282 = tpu.vector_load %arg13[%swap3A_280, %swap3A_281] {strides = array<i32>} : memref<128x64xf32, #tpu.memory_space<vmem>>, vector<1x16xf32>,
        %swap3A_283 = vector.shape_cast %swap3A_282 : vector<1x16xf32> to vector<16xf32>
        %swap3A_284 = vector.shape_cast %mul3A_279 : vector<16xf32> to vector<1x16xf32>
        tpu.vector_store %arg13[%swap3A_280, %swap3A_281], %swap3A_284 {strides = array<i32>} : memref<128x64xf32, #tpu.memory_space<vmem>>, vector<1x16xf32>,
        %gather3A_285 = vector.shape_cast %broadcast_in_dim3A_13 : vector<16x1xi32> to vector<16xi32>
        %gather3A_286 = tpu.dynamic_gather %get3A_193[%gather3A_285] in [0] : vector<16xf32>, vector<16xi32> -> vector<16xf32>
        %mul3A_287 = arith.constant 16 : i32
        %mul3A_288 = arith.muli %scan3A_186, %mul3A_287 : i32
        %add3A_289 = arith.constant 2 : i32
        %add3A_290 = arith.addi %mul3A_288, %add3A_289 : i32
        %get3A_291 = arith.index_cast %add3A_290 : i32 to index
        %get3A_292 = arith.constant 0 : index
        %get3A_293 = tpu.vector_load %arg13[%get3A_291, %get3A_292] {strides = array<i32>} : memref<128x64xf32, #tpu.memory_space<vmem>>, vector<1x16xf32>,
        %get3A_294 = vector.shape_cast %get3A_293 : vector<1x16xf32> to vector<16xf32>
        %mul3A_295 = arith.mulf %get3A_294, %gather3A_286 : vector<16xf32>
        %swap3A_296 = arith.index_cast %add3A_290 : i32 to index
        %swap3A_297 = arith.constant 0 : index
        %swap3A_298 = tpu.vector_load %arg13[%swap3A_296, %swap3A_297] {strides = array<i32>} : memref<128x64xf32, #tpu.memory_space<vmem>>, vector<1x16xf32>,
        %swap3A_299 = vector.shape_cast %swap3A_298 : vector<1x16xf32> to vector<16xf32>
        %swap3A_300 = vector.shape_cast %mul3A_295 : vector<16xf32> to vector<1x16xf32>
        tpu.vector_store %arg13[%swap3A_296, %swap3A_297], %swap3A_300 {strides = array<i32>} : memref<128x64xf32, #tpu.memory_space<vmem>>, vector<1x16xf32>,
        %get3A_301 = arith.index_cast %add3A_290 : i32 to index
        %get3A_302 = arith.constant 16 : index
        %get3A_303 = tpu.vector_load %arg13[%get3A_301, %get3A_302] {strides = array<i32>} : memref<128x64xf32, #tpu.memory_space<vmem>>, vector<1x16xf32>,
        %get3A_304 = vector.shape_cast %get3A_303 : vector<1x16xf32> to vector<16xf32>
        %mul3A_305 = arith.mulf %get3A_304, %gather3A_286 : vector<16xf32>
        %swap3A_306 = arith.index_cast %add3A_290 : i32 to index
        %swap3A_307 = arith.constant 16 : index
        %swap3A_308 = tpu.vector_load %arg13[%swap3A_306, %swap3A_307] {strides = array<i32>} : memref<128x64xf32, #tpu.memory_space<vmem>>, vector<1x16xf32>,
        %swap3A_309 = vector.shape_cast %swap3A_308 : vector<1x16xf32> to vector<16xf32>
        %swap3A_310 = vector.shape_cast %mul3A_305 : vector<16xf32> to vector<1x16xf32>
        tpu.vector_store %arg13[%swap3A_306, %swap3A_307], %swap3A_310 {strides = array<i32>} : memref<128x64xf32, #tpu.memory_space<vmem>>, vector<1x16xf32>,
        %get3A_311 = arith.index_cast %add3A_290 : i32 to index
        %get3A_312 = arith.constant 32 : index
        %get3A_313 = tpu.vector_load %arg13[%get3A_311, %get3A_312] {strides = array<i32>} : memref<128x64xf32, #tpu.memory_space<vmem>>, vector<1x16xf32>,
        %get3A_314 = vector.shape_cast %get3A_313 : vector<1x16xf32> to vector<16xf32>
        %mul3A_315 = arith.mulf %get3A_314, %gather3A_286 : vector<16xf32>
        %swap3A_316 = arith.index_cast %add3A_290 : i32 to index
        %swap3A_317 = arith.constant 32 : index
        %swap3A_318 = tpu.vector_load %arg13[%swap3A_316, %swap3A_317] {strides = array<i32>} : memref<128x64xf32, #tpu.memory_space<vmem>>, vector<1x16xf32>,
        %swap3A_319 = vector.shape_cast %swap3A_318 : vector<1x16xf32> to vector<16xf32>
        %swap3A_320 = vector.shape_cast %mul3A_315 : vector<16xf32> to vector<1x16xf32>
        tpu.vector_store %arg13[%swap3A_316, %swap3A_317], %swap3A_320 {strides = array<i32>} : memref<128x64xf32, #tpu.memory_space<vmem>>, vector<1x16xf32>,
        %get3A_321 = arith.index_cast %add3A_290 : i32 to index
        %get3A_322 = arith.constant 48 : index
        %get3A_323 = tpu.vector_load %arg13[%get3A_321, %get3A_322] {strides = array<i32>} : memref<128x64xf32, #tpu.memory_space<vmem>>, vector<1x16xf32>,
        %get3A_324 = vector.shape_cast %get3A_323 : vector<1x16xf32> to vector<16xf32>
        %mul3A_325 = arith.mulf %get3A_324, %gather3A_286 : vector<16xf32>
        %swap3A_326 = arith.index_cast %add3A_290 : i32 to index
        %swap3A_327 = arith.constant 48 : index
        %swap3A_328 = tpu.vector_load %arg13[%swap3A_326, %swap3A_327] {strides = array<i32>} : memref<128x64xf32, #tpu.memory_space<vmem>>, vector<1x16xf32>,
        %swap3A_329 = vector.shape_cast %swap3A_328 : vector<1x16xf32> to vector<16xf32>
        %swap3A_330 = vector.shape_cast %mul3A_325 : vector<16xf32> to vector<1x16xf32>
        tpu.vector_store %arg13[%swap3A_326, %swap3A_327], %swap3A_330 {strides = array<i32>} : memref<128x64xf32, #tpu.memory_space<vmem>>, vector<1x16xf32>,
        %gather3A_331 = vector.shape_cast %broadcast_in_dim3A_15 : vector<16x1xi32> to vector<16xi32>
        %gather3A_332 = tpu.dynamic_gather %get3A_193[%gather3A_331] in [0] : vector<16xf32>, vector<16xi32> -> vector<16xf32>
        %mul3A_333 = arith.constant 16 : i32
        %mul3A_334 = arith.muli %scan3A_186, %mul3A_333 : i32
        %add3A_335 = arith.constant 3 : i32
        %add3A_336 = arith.addi %mul3A_334, %add3A_335 : i32
        %get3A_337 = arith.index_cast %add3A_336 : i32 to index
        %get3A_338 = arith.constant 0 : index
        %get3A_339 = tpu.vector_load %arg13[%get3A_337, %get3A_338] {strides = array<i32>} : memref<128x64xf32, #tpu.memory_space<vmem>>, vector<1x16xf32>,
        %get3A_340 = vector.shape_cast %get3A_339 : vector<1x16xf32> to vector<16xf32>
        %mul3A_341 = arith.mulf %get3A_340, %gather3A_332 : vector<16xf32>
        %swap3A_342 = arith.index_cast %add3A_336 : i32 to index
        %swap3A_343 = arith.constant 0 : index
        %swap3A_344 = tpu.vector_load %arg13[%swap3A_342, %swap3A_343] {strides = array<i32>} : memref<128x64xf32, #tpu.memory_space<vmem>>, vector<1x16xf32>,
        %swap3A_345 = vector.shape_cast %swap3A_344 : vector<1x16xf32> to vector<16xf32>
        %swap3A_346 = vector.shape_cast %mul3A_341 : vector<16xf32> to vector<1x16xf32>
        tpu.vector_store %arg13[%swap3A_342, %swap3A_343], %swap3A_346 {strides = array<i32>} : memref<128x64xf32, #tpu.memory_space<vmem>>, vector<1x16xf32>,
        %get3A_347 = arith.index_cast %add3A_336 : i32 to index
        %get3A_348 = arith.constant 16 : index
        %get3A_349 = tpu.vector_load %arg13[%get3A_347, %get3A_348] {strides = array<i32>} : memref<128x64xf32, #tpu.memory_space<vmem>>, vector<1x16xf32>,
        %get3A_350 = vector.shape_cast %get3A_349 : vector<1x16xf32> to vector<16xf32>
        %mul3A_351 = arith.mulf %get3A_350, %gather3A_332 : vector<16xf32>
        %swap3A_352 = arith.index_cast %add3A_336 : i32 to index
        %swap3A_353 = arith.constant 16 : index
        %swap3A_354 = tpu.vector_load %arg13[%swap3A_352, %swap3A_353] {strides = array<i32>} : memref<128x64xf32, #tpu.memory_space<vmem>>, vector<1x16xf32>,
        %swap3A_355 = vector.shape_cast %swap3A_354 : vector<1x16xf32> to vector<16xf32>
        %swap3A_356 = vector.shape_cast %mul3A_351 : vector<16xf32> to vector<1x16xf32>
        tpu.vector_store %arg13[%swap3A_352, %swap3A_353], %swap3A_356 {strides = array<i32>} : memref<128x64xf32, #tpu.memory_space<vmem>>, vector<1x16xf32>,
        %get3A_357 = arith.index_cast %add3A_336 : i32 to index
        %get3A_358 = arith.constant 32 : index
        %get3A_359 = tpu.vector_load %arg13[%get3A_357, %get3A_358] {strides = array<i32>} : memref<128x64xf32, #tpu.memory_space<vmem>>, vector<1x16xf32>,
        %get3A_360 = vector.shape_cast %get3A_359 : vector<1x16xf32> to vector<16xf32>
        %mul3A_361 = arith.mulf %get3A_360, %gather3A_332 : vector<16xf32>
        %swap3A_362 = arith.index_cast %add3A_336 : i32 to index
        %swap3A_363 = arith.constant 32 : index
        %swap3A_364 = tpu.vector_load %arg13[%swap3A_362, %swap3A_363] {strides = array<i32>} : memref<128x64xf32, #tpu.memory_space<vmem>>, vector<1x16xf32>,
        %swap3A_365 = vector.shape_cast %swap3A_364 : vector<1x16xf32> to vector<16xf32>
        %swap3A_366 = vector.shape_cast %mul3A_361 : vector<16xf32> to vector<1x16xf32>
        tpu.vector_store %arg13[%swap3A_362, %swap3A_363], %swap3A_366 {strides = array<i32>} : memref<128x64xf32, #tpu.memory_space<vmem>>, vector<1x16xf32>,
        %get3A_367 = arith.index_cast %add3A_336 : i32 to index
        %get3A_368 = arith.constant 48 : index
        %get3A_369 = tpu.vector_load %arg13[%get3A_367, %get3A_368] {strides = array<i32>} : memref<128x64xf32, #tpu.memory_space<vmem>>, vector<1x16xf32>,
        %get3A_370 = vector.shape_cast %get3A_369 : vector<1x16xf32> to vector<16xf32>
        %mul3A_371 = arith.mulf %get3A_370, %gather3A_332 : vector<16xf32>
        %swap3A_372 = arith.index_cast %add3A_336 : i32 to index
        %swap3A_373 = arith.constant 48 : index
        %swap3A_374 = tpu.vector_load %arg13[%swap3A_372, %swap3A_373] {strides = array<i32>} : memref<128x64xf32, #tpu.memory_space<vmem>>, vector<1x16xf32>,
        %swap3A_375 = vector.shape_cast %swap3A_374 : vector<1x16xf32> to vector<16xf32>
        %swap3A_376 = vector.shape_cast %mul3A_371 : vector<16xf32> to vector<1x16xf32>
        tpu.vector_store %arg13[%swap3A_372, %swap3A_373], %swap3A_376 {strides = array<i32>} : memref<128x64xf32, #tpu.memory_space<vmem>>, vector<1x16xf32>,
        %gather3A_377 = vector.shape_cast %broadcast_in_dim3A_17 : vector<16x1xi32> to vector<16xi32>
        %gather3A_378 = tpu.dynamic_gather %get3A_193[%gather3A_377] in [0] : vector<16xf32>, vector<16xi32> -> vector<16xf32>
        %mul3A_379 = arith.constant 16 : i32
        %mul3A_380 = arith.muli %scan3A_186, %mul3A_379 : i32
        %add3A_381 = arith.constant 4 : i32
        %add3A_382 = arith.addi %mul3A_380, %add3A_381 : i32
        %get3A_383 = arith.index_cast %add3A_382 : i32 to index
        %get3A_384 = arith.constant 0 : index
        %get3A_385 = tpu.vector_load %arg13[%get3A_383, %get3A_384] {strides = array<i32>} : memref<128x64xf32, #tpu.memory_space<vmem>>, vector<1x16xf32>,
        %get3A_386 = vector.shape_cast %get3A_385 : vector<1x16xf32> to vector<16xf32>
        %mul3A_387 = arith.mulf %get3A_386, %gather3A_378 : vector<16xf32>
        %swap3A_388 = arith.index_cast %add3A_382 : i32 to index
        %swap3A_389 = arith.constant 0 : index
        %swap3A_390 = tpu.vector_load %arg13[%swap3A_388, %swap3A_389] {strides = array<i32>} : memref<128x64xf32, #tpu.memory_space<vmem>>, vector<1x16xf32>,
        %swap3A_391 = vector.shape_cast %swap3A_390 : vector<1x16xf32> to vector<16xf32>
        %swap3A_392 = vector.shape_cast %mul3A_387 : vector<16xf32> to vector<1x16xf32>
        tpu.vector_store %arg13[%swap3A_388, %swap3A_389], %swap3A_392 {strides = array<i32>} : memref<128x64xf32, #tpu.memory_space<vmem>>, vector<1x16xf32>,
        %get3A_393 = arith.index_cast %add3A_382 : i32 to index
        %get3A_394 = arith.constant 16 : index
        %get3A_395 = tpu.vector_load %arg13[%get3A_393, %get3A_394] {strides = array<i32>} : memref<128x64xf32, #tpu.memory_space<vmem>>, vector<1x16xf32>,
        %get3A_396 = vector.shape_cast %get3A_395 : vector<1x16xf32> to vector<16xf32>
        %mul3A_397 = arith.mulf %get3A_396, %gather3A_378 : vector<16xf32>
        %swap3A_398 = arith.index_cast %add3A_382 : i32 to index
        %swap3A_399 = arith.constant 16 : index
        %swap3A_400 = tpu.vector_load %arg13[%swap3A_398, %swap3A_399] {strides = array<i32>} : memref<128x64xf32, #tpu.memory_space<vmem>>, vector<1x16xf32>,
        %swap3A_401 = vector.shape_cast %swap3A_400 : vector<1x16xf32> to vector<16xf32>
        %swap3A_402 = vector.shape_cast %mul3A_397 : vector<16xf32> to vector<1x16xf32>
        tpu.vector_store %arg13[%swap3A_398, %swap3A_399], %swap3A_402 {strides = array<i32>} : memref<128x64xf32, #tpu.memory_space<vmem>>, vector<1x16xf32>,
        %get3A_403 = arith.index_cast %add3A_382 : i32 to index
        %get3A_404 = arith.constant 32 : index
        %get3A_405 = tpu.vector_load %arg13[%get3A_403, %get3A_404] {strides = array<i32>} : memref<128x64xf32, #tpu.memory_space<vmem>>, vector<1x16xf32>,
        %get3A_406 = vector.shape_cast %get3A_405 : vector<1x16xf32> to vector<16xf32>
        %mul3A_407 = arith.mulf %get3A_406, %gather3A_378 : vector<16xf32>
        %swap3A_408 = arith.index_cast %add3A_382 : i32 to index
        %swap3A_409 = arith.constant 32 : index
        %swap3A_410 = tpu.vector_load %arg13[%swap3A_408, %swap3A_409] {strides = array<i32>} : memref<128x64xf32, #tpu.memory_space<vmem>>, vector<1x16xf32>,
        %swap3A_411 = vector.shape_cast %swap3A_410 : vector<1x16xf32> to vector<16xf32>
        %swap3A_412 = vector.shape_cast %mul3A_407 : vector<16xf32> to vector<1x16xf32>
        tpu.vector_store %arg13[%swap3A_408, %swap3A_409], %swap3A_412 {strides = array<i32>} : memref<128x64xf32, #tpu.memory_space<vmem>>, vector<1x16xf32>,
        %get3A_413 = arith.index_cast %add3A_382 : i32 to index
        %get3A_414 = arith.constant 48 : index
        %get3A_415 = tpu.vector_load %arg13[%get3A_413, %get3A_414] {strides = array<i32>} : memref<128x64xf32, #tpu.memory_space<vmem>>, vector<1x16xf32>,
        %get3A_416 = vector.shape_cast %get3A_415 : vector<1x16xf32> to vector<16xf32>
        %mul3A_417 = arith.mulf %get3A_416, %gather3A_378 : vector<16xf32>
        %swap3A_418 = arith.index_cast %add3A_382 : i32 to index
        %swap3A_419 = arith.constant 48 : index
        %swap3A_420 = tpu.vector_load %arg13[%swap3A_418, %swap3A_419] {strides = array<i32>} : memref<128x64xf32, #tpu.memory_space<vmem>>, vector<1x16xf32>,
        %swap3A_421 = vector.shape_cast %swap3A_420 : vector<1x16xf32> to vector<16xf32>
        %swap3A_422 = vector.shape_cast %mul3A_417 : vector<16xf32> to vector<1x16xf32>
        tpu.vector_store %arg13[%swap3A_418, %swap3A_419], %swap3A_422 {strides = array<i32>} : memref<128x64xf32, #tpu.memory_space<vmem>>, vector<1x16xf32>,
        %gather3A_423 = vector.shape_cast %broadcast_in_dim3A_19 : vector<16x1xi32> to vector<16xi32>
        %gather3A_424 = tpu.dynamic_gather %get3A_193[%gather3A_423] in [0] : vector<16xf32>, vector<16xi32> -> vector<16xf32>
        %mul3A_425 = arith.constant 16 : i32
        %mul3A_426 = arith.muli %scan3A_186, %mul3A_425 : i32
        %add3A_427 = arith.constant 5 : i32
        %add3A_428 = arith.addi %mul3A_426, %add3A_427 : i32
        %get3A_429 = arith.index_cast %add3A_428 : i32 to index
        %get3A_430 = arith.constant 0 : index
        %get3A_431 = tpu.vector_load %arg13[%get3A_429, %get3A_430] {strides = array<i32>} : memref<128x64xf32, #tpu.memory_space<vmem>>, vector<1x16xf32>,
        %get3A_432 = vector.shape_cast %get3A_431 : vector<1x16xf32> to vector<16xf32>
        %mul3A_433 = arith.mulf %get3A_432, %gather3A_424 : vector<16xf32>
        %swap3A_434 = arith.index_cast %add3A_428 : i32 to index
        %swap3A_435 = arith.constant 0 : index
        %swap3A_436 = tpu.vector_load %arg13[%swap3A_434, %swap3A_435] {strides = array<i32>} : memref<128x64xf32, #tpu.memory_space<vmem>>, vector<1x16xf32>,
        %swap3A_437 = vector.shape_cast %swap3A_436 : vector<1x16xf32> to vector<16xf32>
        %swap3A_438 = vector.shape_cast %mul3A_433 : vector<16xf32> to vector<1x16xf32>
        tpu.vector_store %arg13[%swap3A_434, %swap3A_435], %swap3A_438 {strides = array<i32>} : memref<128x64xf32, #tpu.memory_space<vmem>>, vector<1x16xf32>,
        %get3A_439 = arith.index_cast %add3A_428 : i32 to index
        %get3A_440 = arith.constant 16 : index
        %get3A_441 = tpu.vector_load %arg13[%get3A_439, %get3A_440] {strides = array<i32>} : memref<128x64xf32, #tpu.memory_space<vmem>>, vector<1x16xf32>,
        %get3A_442 = vector.shape_cast %get3A_441 : vector<1x16xf32> to vector<16xf32>
        %mul3A_443 = arith.mulf %get3A_442, %gather3A_424 : vector<16xf32>
        %swap3A_444 = arith.index_cast %add3A_428 : i32 to index
        %swap3A_445 = arith.constant 16 : index
        %swap3A_446 = tpu.vector_load %arg13[%swap3A_444, %swap3A_445] {strides = array<i32>} : memref<128x64xf32, #tpu.memory_space<vmem>>, vector<1x16xf32>,
        %swap3A_447 = vector.shape_cast %swap3A_446 : vector<1x16xf32> to vector<16xf32>
        %swap3A_448 = vector.shape_cast %mul3A_443 : vector<16xf32> to vector<1x16xf32>
        tpu.vector_store %arg13[%swap3A_444, %swap3A_445], %swap3A_448 {strides = array<i32>} : memref<128x64xf32, #tpu.memory_space<vmem>>, vector<1x16xf32>,
        %get3A_449 = arith.index_cast %add3A_428 : i32 to index
        %get3A_450 = arith.constant 32 : index
        %get3A_451 = tpu.vector_load %arg13[%get3A_449, %get3A_450] {strides = array<i32>} : memref<128x64xf32, #tpu.memory_space<vmem>>, vector<1x16xf32>,
        %get3A_452 = vector.shape_cast %get3A_451 : vector<1x16xf32> to vector<16xf32>
        %mul3A_453 = arith.mulf %get3A_452, %gather3A_424 : vector<16xf32>
        %swap3A_454 = arith.index_cast %add3A_428 : i32 to index
        %swap3A_455 = arith.constant 32 : index
        %swap3A_456 = tpu.vector_load %arg13[%swap3A_454, %swap3A_455] {strides = array<i32>} : memref<128x64xf32, #tpu.memory_space<vmem>>, vector<1x16xf32>,
        %swap3A_457 = vector.shape_cast %swap3A_456 : vector<1x16xf32> to vector<16xf32>
        %swap3A_458 = vector.shape_cast %mul3A_453 : vector<16xf32> to vector<1x16xf32>
        tpu.vector_store %arg13[%swap3A_454, %swap3A_455], %swap3A_458 {strides = array<i32>} : memref<128x64xf32, #tpu.memory_space<vmem>>, vector<1x16xf32>,
        %get3A_459 = arith.index_cast %add3A_428 : i32 to index
        %get3A_460 = arith.constant 48 : index
        %get3A_461 = tpu.vector_load %arg13[%get3A_459, %get3A_460] {strides = array<i32>} : memref<128x64xf32, #tpu.memory_space<vmem>>, vector<1x16xf32>,
        %get3A_462 = vector.shape_cast %get3A_461 : vector<1x16xf32> to vector<16xf32>
        %mul3A_463 = arith.mulf %get3A_462, %gather3A_424 : vector<16xf32>
        %swap3A_464 = arith.index_cast %add3A_428 : i32 to index
        %swap3A_465 = arith.constant 48 : index
        %swap3A_466 = tpu.vector_load %arg13[%swap3A_464, %swap3A_465] {strides = array<i32>} : memref<128x64xf32, #tpu.memory_space<vmem>>, vector<1x16xf32>,
        %swap3A_467 = vector.shape_cast %swap3A_466 : vector<1x16xf32> to vector<16xf32>
        %swap3A_468 = vector.shape_cast %mul3A_463 : vector<16xf32> to vector<1x16xf32>
        tpu.vector_store %arg13[%swap3A_464, %swap3A_465], %swap3A_468 {strides = array<i32>} : memref<128x64xf32, #tpu.memory_space<vmem>>, vector<1x16xf32>,
        %gather3A_469 = vector.shape_cast %broadcast_in_dim3A_21 : vector<16x1xi32> to vector<16xi32>
        %gather3A_470 = tpu.dynamic_gather %get3A_193[%gather3A_469] in [0] : vector<16xf32>, vector<16xi32> -> vector<16xf32>
        %mul3A_471 = arith.constant 16 : i32
        %mul3A_472 = arith.muli %scan3A_186, %mul3A_471 : i32
        %add3A_473 = arith.constant 6 : i32
        %add3A_474 = arith.addi %mul3A_472, %add3A_473 : i32
        %get3A_475 = arith.index_cast %add3A_474 : i32 to index
        %get3A_476 = arith.constant 0 : index
        %get3A_477 = tpu.vector_load %arg13[%get3A_475, %get3A_476] {strides = array<i32>} : memref<128x64xf32, #tpu.memory_space<vmem>>, vector<1x16xf32>,
        %get3A_478 = vector.shape_cast %get3A_477 : vector<1x16xf32> to vector<16xf32>
        %mul3A_479 = arith.mulf %get3A_478, %gather3A_470 : vector<16xf32>
        %swap3A_480 = arith.index_cast %add3A_474 : i32 to index
        %swap3A_481 = arith.constant 0 : index
        %swap3A_482 = tpu.vector_load %arg13[%swap3A_480, %swap3A_481] {strides = array<i32>} : memref<128x64xf32, #tpu.memory_space<vmem>>, vector<1x16xf32>,
        %swap3A_483 = vector.shape_cast %swap3A_482 : vector<1x16xf32> to vector<16xf32>
        %swap3A_484 = vector.shape_cast %mul3A_479 : vector<16xf32> to vector<1x16xf32>
        tpu.vector_store %arg13[%swap3A_480, %swap3A_481], %swap3A_484 {strides = array<i32>} : memref<128x64xf32, #tpu.memory_space<vmem>>, vector<1x16xf32>,
        %get3A_485 = arith.index_cast %add3A_474 : i32 to index
        %get3A_486 = arith.constant 16 : index
        %get3A_487 = tpu.vector_load %arg13[%get3A_485, %get3A_486] {strides = array<i32>} : memref<128x64xf32, #tpu.memory_space<vmem>>, vector<1x16xf32>,
        %get3A_488 = vector.shape_cast %get3A_487 : vector<1x16xf32> to vector<16xf32>
        %mul3A_489 = arith.mulf %get3A_488, %gather3A_470 : vector<16xf32>
        %swap3A_490 = arith.index_cast %add3A_474 : i32 to index
        %swap3A_491 = arith.constant 16 : index
        %swap3A_492 = tpu.vector_load %arg13[%swap3A_490, %swap3A_491] {strides = array<i32>} : memref<128x64xf32, #tpu.memory_space<vmem>>, vector<1x16xf32>,
        %swap3A_493 = vector.shape_cast %swap3A_492 : vector<1x16xf32> to vector<16xf32>
        %swap3A_494 = vector.shape_cast %mul3A_489 : vector<16xf32> to vector<1x16xf32>
        tpu.vector_store %arg13[%swap3A_490, %swap3A_491], %swap3A_494 {strides = array<i32>} : memref<128x64xf32, #tpu.memory_space<vmem>>, vector<1x16xf32>,
        %get3A_495 = arith.index_cast %add3A_474 : i32 to index
        %get3A_496 = arith.constant 32 : index
        %get3A_497 = tpu.vector_load %arg13[%get3A_495, %get3A_496] {strides = array<i32>} : memref<128x64xf32, #tpu.memory_space<vmem>>, vector<1x16xf32>,
        %get3A_498 = vector.shape_cast %get3A_497 : vector<1x16xf32> to vector<16xf32>
        %mul3A_499 = arith.mulf %get3A_498, %gather3A_470 : vector<16xf32>
        %swap3A_500 = arith.index_cast %add3A_474 : i32 to index
        %swap3A_501 = arith.constant 32 : index
        %swap3A_502 = tpu.vector_load %arg13[%swap3A_500, %swap3A_501] {strides = array<i32>} : memref<128x64xf32, #tpu.memory_space<vmem>>, vector<1x16xf32>,
        %swap3A_503 = vector.shape_cast %swap3A_502 : vector<1x16xf32> to vector<16xf32>
        %swap3A_504 = vector.shape_cast %mul3A_499 : vector<16xf32> to vector<1x16xf32>
        tpu.vector_store %arg13[%swap3A_500, %swap3A_501], %swap3A_504 {strides = array<i32>} : memref<128x64xf32, #tpu.memory_space<vmem>>, vector<1x16xf32>,
        %get3A_505 = arith.index_cast %add3A_474 : i32 to index
        %get3A_506 = arith.constant 48 : index
        %get3A_507 = tpu.vector_load %arg13[%get3A_505, %get3A_506] {strides = array<i32>} : memref<128x64xf32, #tpu.memory_space<vmem>>, vector<1x16xf32>,
        %get3A_508 = vector.shape_cast %get3A_507 : vector<1x16xf32> to vector<16xf32>
        %mul3A_509 = arith.mulf %get3A_508, %gather3A_470 : vector<16xf32>
        %swap3A_510 = arith.index_cast %add3A_474 : i32 to index
        %swap3A_511 = arith.constant 48 : index
        %swap3A_512 = tpu.vector_load %arg13[%swap3A_510, %swap3A_511] {strides = array<i32>} : memref<128x64xf32, #tpu.memory_space<vmem>>, vector<1x16xf32>,
        %swap3A_513 = vector.shape_cast %swap3A_512 : vector<1x16xf32> to vector<16xf32>
        %swap3A_514 = vector.shape_cast %mul3A_509 : vector<16xf32> to vector<1x16xf32>
        tpu.vector_store %arg13[%swap3A_510, %swap3A_511], %swap3A_514 {strides = array<i32>} : memref<128x64xf32, #tpu.memory_space<vmem>>, vector<1x16xf32>,
        %gather3A_515 = vector.shape_cast %broadcast_in_dim3A_23 : vector<16x1xi32> to vector<16xi32>
        %gather3A_516 = tpu.dynamic_gather %get3A_193[%gather3A_515] in [0] : vector<16xf32>, vector<16xi32> -> vector<16xf32>
        %mul3A_517 = arith.constant 16 : i32
        %mul3A_518 = arith.muli %scan3A_186, %mul3A_517 : i32
        %add3A_519 = arith.constant 7 : i32
        %add3A_520 = arith.addi %mul3A_518, %add3A_519 : i32
        %get3A_521 = arith.index_cast %add3A_520 : i32 to index
        %get3A_522 = arith.constant 0 : index
        %get3A_523 = tpu.vector_load %arg13[%get3A_521, %get3A_522] {strides = array<i32>} : memref<128x64xf32, #tpu.memory_space<vmem>>, vector<1x16xf32>,
        %get3A_524 = vector.shape_cast %get3A_523 : vector<1x16xf32> to vector<16xf32>
        %mul3A_525 = arith.mulf %get3A_524, %gather3A_516 : vector<16xf32>
        %swap3A_526 = arith.index_cast %add3A_520 : i32 to index
        %swap3A_527 = arith.constant 0 : index
        %swap3A_528 = tpu.vector_load %arg13[%swap3A_526, %swap3A_527] {strides = array<i32>} : memref<128x64xf32, #tpu.memory_space<vmem>>, vector<1x16xf32>,
        %swap3A_529 = vector.shape_cast %swap3A_528 : vector<1x16xf32> to vector<16xf32>
        %swap3A_530 = vector.shape_cast %mul3A_525 : vector<16xf32> to vector<1x16xf32>
        tpu.vector_store %arg13[%swap3A_526, %swap3A_527], %swap3A_530 {strides = array<i32>} : memref<128x64xf32, #tpu.memory_space<vmem>>, vector<1x16xf32>,
        %get3A_531 = arith.index_cast %add3A_520 : i32 to index
        %get3A_532 = arith.constant 16 : index
        %get3A_533 = tpu.vector_load %arg13[%get3A_531, %get3A_532] {strides = array<i32>} : memref<128x64xf32, #tpu.memory_space<vmem>>, vector<1x16xf32>,
        %get3A_534 = vector.shape_cast %get3A_533 : vector<1x16xf32> to vector<16xf32>
        %mul3A_535 = arith.mulf %get3A_534, %gather3A_516 : vector<16xf32>
        %swap3A_536 = arith.index_cast %add3A_520 : i32 to index
        %swap3A_537 = arith.constant 16 : index
        %swap3A_538 = tpu.vector_load %arg13[%swap3A_536, %swap3A_537] {strides = array<i32>} : memref<128x64xf32, #tpu.memory_space<vmem>>, vector<1x16xf32>,
        %swap3A_539 = vector.shape_cast %swap3A_538 : vector<1x16xf32> to vector<16xf32>
        %swap3A_540 = vector.shape_cast %mul3A_535 : vector<16xf32> to vector<1x16xf32>
        tpu.vector_store %arg13[%swap3A_536, %swap3A_537], %swap3A_540 {strides = array<i32>} : memref<128x64xf32, #tpu.memory_space<vmem>>, vector<1x16xf32>,
        %get3A_541 = arith.index_cast %add3A_520 : i32 to index
        %get3A_542 = arith.constant 32 : index
        %get3A_543 = tpu.vector_load %arg13[%get3A_541, %get3A_542] {strides = array<i32>} : memref<128x64xf32, #tpu.memory_space<vmem>>, vector<1x16xf32>,
        %get3A_544 = vector.shape_cast %get3A_543 : vector<1x16xf32> to vector<16xf32>
        %mul3A_545 = arith.mulf %get3A_544, %gather3A_516 : vector<16xf32>
        %swap3A_546 = arith.index_cast %add3A_520 : i32 to index
        %swap3A_547 = arith.constant 32 : index
        %swap3A_548 = tpu.vector_load %arg13[%swap3A_546, %swap3A_547] {strides = array<i32>} : memref<128x64xf32, #tpu.memory_space<vmem>>, vector<1x16xf32>,
        %swap3A_549 = vector.shape_cast %swap3A_548 : vector<1x16xf32> to vector<16xf32>
        %swap3A_550 = vector.shape_cast %mul3A_545 : vector<16xf32> to vector<1x16xf32>
        tpu.vector_store %arg13[%swap3A_546, %swap3A_547], %swap3A_550 {strides = array<i32>} : memref<128x64xf32, #tpu.memory_space<vmem>>, vector<1x16xf32>,
        %get3A_551 = arith.index_cast %add3A_520 : i32 to index
        %get3A_552 = arith.constant 48 : index
        %get3A_553 = tpu.vector_load %arg13[%get3A_551, %get3A_552] {strides = array<i32>} : memref<128x64xf32, #tpu.memory_space<vmem>>, vector<1x16xf32>,
        %get3A_554 = vector.shape_cast %get3A_553 : vector<1x16xf32> to vector<16xf32>
        %mul3A_555 = arith.mulf %get3A_554, %gather3A_516 : vector<16xf32>
        %swap3A_556 = arith.index_cast %add3A_520 : i32 to index
        %swap3A_557 = arith.constant 48 : index
        %swap3A_558 = tpu.vector_load %arg13[%swap3A_556, %swap3A_557] {strides = array<i32>} : memref<128x64xf32, #tpu.memory_space<vmem>>, vector<1x16xf32>,
        %swap3A_559 = vector.shape_cast %swap3A_558 : vector<1x16xf32> to vector<16xf32>
        %swap3A_560 = vector.shape_cast %mul3A_555 : vector<16xf32> to vector<1x16xf32>
        tpu.vector_store %arg13[%swap3A_556, %swap3A_557], %swap3A_560 {strides = array<i32>} : memref<128x64xf32, #tpu.memory_space<vmem>>, vector<1x16xf32>,
        %gather3A_561 = vector.shape_cast %broadcast_in_dim3A_25 : vector<16x1xi32> to vector<16xi32>
        %gather3A_562 = tpu.dynamic_gather %get3A_193[%gather3A_561] in [0] : vector<16xf32>, vector<16xi32> -> vector<16xf32>
        %mul3A_563 = arith.constant 16 : i32
        %mul3A_564 = arith.muli %scan3A_186, %mul3A_563 : i32
        %add3A_565 = arith.constant 8 : i32
        %add3A_566 = arith.addi %mul3A_564, %add3A_565 : i32
        %get3A_567 = arith.index_cast %add3A_566 : i32 to index
        %get3A_568 = arith.constant 0 : index
        %get3A_569 = tpu.vector_load %arg13[%get3A_567, %get3A_568] {strides = array<i32>} : memref<128x64xf32, #tpu.memory_space<vmem>>, vector<1x16xf32>,
        %get3A_570 = vector.shape_cast %get3A_569 : vector<1x16xf32> to vector<16xf32>
        %mul3A_571 = arith.mulf %get3A_570, %gather3A_562 : vector<16xf32>
        %swap3A_572 = arith.index_cast %add3A_566 : i32 to index
        %swap3A_573 = arith.constant 0 : index
        %swap3A_574 = tpu.vector_load %arg13[%swap3A_572, %swap3A_573] {strides = array<i32>} : memref<128x64xf32, #tpu.memory_space<vmem>>, vector<1x16xf32>,
        %swap3A_575 = vector.shape_cast %swap3A_574 : vector<1x16xf32> to vector<16xf32>
        %swap3A_576 = vector.shape_cast %mul3A_571 : vector<16xf32> to vector<1x16xf32>
        tpu.vector_store %arg13[%swap3A_572, %swap3A_573], %swap3A_576 {strides = array<i32>} : memref<128x64xf32, #tpu.memory_space<vmem>>, vector<1x16xf32>,
        %get3A_577 = arith.index_cast %add3A_566 : i32 to index
        %get3A_578 = arith.constant 16 : index
        %get3A_579 = tpu.vector_load %arg13[%get3A_577, %get3A_578] {strides = array<i32>} : memref<128x64xf32, #tpu.memory_space<vmem>>, vector<1x16xf32>,
        %get3A_580 = vector.shape_cast %get3A_579 : vector<1x16xf32> to vector<16xf32>
        %mul3A_581 = arith.mulf %get3A_580, %gather3A_562 : vector<16xf32>
        %swap3A_582 = arith.index_cast %add3A_566 : i32 to index
        %swap3A_583 = arith.constant 16 : index
        %swap3A_584 = tpu.vector_load %arg13[%swap3A_582, %swap3A_583] {strides = array<i32>} : memref<128x64xf32, #tpu.memory_space<vmem>>, vector<1x16xf32>,
        %swap3A_585 = vector.shape_cast %swap3A_584 : vector<1x16xf32> to vector<16xf32>
        %swap3A_586 = vector.shape_cast %mul3A_581 : vector<16xf32> to vector<1x16xf32>
        tpu.vector_store %arg13[%swap3A_582, %swap3A_583], %swap3A_586 {strides = array<i32>} : memref<128x64xf32, #tpu.memory_space<vmem>>, vector<1x16xf32>,
        %get3A_587 = arith.index_cast %add3A_566 : i32 to index
        %get3A_588 = arith.constant 32 : index
        %get3A_589 = tpu.vector_load %arg13[%get3A_587, %get3A_588] {strides = array<i32>} : memref<128x64xf32, #tpu.memory_space<vmem>>, vector<1x16xf32>,
        %get3A_590 = vector.shape_cast %get3A_589 : vector<1x16xf32> to vector<16xf32>
        %mul3A_591 = arith.mulf %get3A_590, %gather3A_562 : vector<16xf32>
        %swap3A_592 = arith.index_cast %add3A_566 : i32 to index
        %swap3A_593 = arith.constant 32 : index
        %swap3A_594 = tpu.vector_load %arg13[%swap3A_592, %swap3A_593] {strides = array<i32>} : memref<128x64xf32, #tpu.memory_space<vmem>>, vector<1x16xf32>,
        %swap3A_595 = vector.shape_cast %swap3A_594 : vector<1x16xf32> to vector<16xf32>
        %swap3A_596 = vector.shape_cast %mul3A_591 : vector<16xf32> to vector<1x16xf32>
        tpu.vector_store %arg13[%swap3A_592, %swap3A_593], %swap3A_596 {strides = array<i32>} : memref<128x64xf32, #tpu.memory_space<vmem>>, vector<1x16xf32>,
        %get3A_597 = arith.index_cast %add3A_566 : i32 to index
        %get3A_598 = arith.constant 48 : index
        %get3A_599 = tpu.vector_load %arg13[%get3A_597, %get3A_598] {strides = array<i32>} : memref<128x64xf32, #tpu.memory_space<vmem>>, vector<1x16xf32>,
        %get3A_600 = vector.shape_cast %get3A_599 : vector<1x16xf32> to vector<16xf32>
        %mul3A_601 = arith.mulf %get3A_600, %gather3A_562 : vector<16xf32>
        %swap3A_602 = arith.index_cast %add3A_566 : i32 to index
        %swap3A_603 = arith.constant 48 : index
        %swap3A_604 = tpu.vector_load %arg13[%swap3A_602, %swap3A_603] {strides = array<i32>} : memref<128x64xf32, #tpu.memory_space<vmem>>, vector<1x16xf32>,
        %swap3A_605 = vector.shape_cast %swap3A_604 : vector<1x16xf32> to vector<16xf32>
        %swap3A_606 = vector.shape_cast %mul3A_601 : vector<16xf32> to vector<1x16xf32>
        tpu.vector_store %arg13[%swap3A_602, %swap3A_603], %swap3A_606 {strides = array<i32>} : memref<128x64xf32, #tpu.memory_space<vmem>>, vector<1x16xf32>,
        %gather3A_607 = vector.shape_cast %broadcast_in_dim3A_27 : vector<16x1xi32> to vector<16xi32>
        %gather3A_608 = tpu.dynamic_gather %get3A_193[%gather3A_607] in [0] : vector<16xf32>, vector<16xi32> -> vector<16xf32>
        %mul3A_609 = arith.constant 16 : i32
        %mul3A_610 = arith.muli %scan3A_186, %mul3A_609 : i32
        %add3A_611 = arith.constant 9 : i32
        %add3A_612 = arith.addi %mul3A_610, %add3A_611 : i32
        %get3A_613 = arith.index_cast %add3A_612 : i32 to index
        %get3A_614 = arith.constant 0 : index
        %get3A_615 = tpu.vector_load %arg13[%get3A_613, %get3A_614] {strides = array<i32>} : memref<128x64xf32, #tpu.memory_space<vmem>>, vector<1x16xf32>,
        %get3A_616 = vector.shape_cast %get3A_615 : vector<1x16xf32> to vector<16xf32>
        %mul3A_617 = arith.mulf %get3A_616, %gather3A_608 : vector<16xf32>
        %swap3A_618 = arith.index_cast %add3A_612 : i32 to index
        %swap3A_619 = arith.constant 0 : index
        %swap3A_620 = tpu.vector_load %arg13[%swap3A_618, %swap3A_619] {strides = array<i32>} : memref<128x64xf32, #tpu.memory_space<vmem>>, vector<1x16xf32>,
        %swap3A_621 = vector.shape_cast %swap3A_620 : vector<1x16xf32> to vector<16xf32>
        %swap3A_622 = vector.shape_cast %mul3A_617 : vector<16xf32> to vector<1x16xf32>
        tpu.vector_store %arg13[%swap3A_618, %swap3A_619], %swap3A_622 {strides = array<i32>} : memref<128x64xf32, #tpu.memory_space<vmem>>, vector<1x16xf32>,
        %get3A_623 = arith.index_cast %add3A_612 : i32 to index
        %get3A_624 = arith.constant 16 : index
        %get3A_625 = tpu.vector_load %arg13[%get3A_623, %get3A_624] {strides = array<i32>} : memref<128x64xf32, #tpu.memory_space<vmem>>, vector<1x16xf32>,
        %get3A_626 = vector.shape_cast %get3A_625 : vector<1x16xf32> to vector<16xf32>
        %mul3A_627 = arith.mulf %get3A_626, %gather3A_608 : vector<16xf32>
        %swap3A_628 = arith.index_cast %add3A_612 : i32 to index
        %swap3A_629 = arith.constant 16 : index
        %swap3A_630 = tpu.vector_load %arg13[%swap3A_628, %swap3A_629] {strides = array<i32>} : memref<128x64xf32, #tpu.memory_space<vmem>>, vector<1x16xf32>,
        %swap3A_631 = vector.shape_cast %swap3A_630 : vector<1x16xf32> to vector<16xf32>
        %swap3A_632 = vector.shape_cast %mul3A_627 : vector<16xf32> to vector<1x16xf32>
        tpu.vector_store %arg13[%swap3A_628, %swap3A_629], %swap3A_632 {strides = array<i32>} : memref<128x64xf32, #tpu.memory_space<vmem>>, vector<1x16xf32>,
        %get3A_633 = arith.index_cast %add3A_612 : i32 to index
        %get3A_634 = arith.constant 32 : index
        %get3A_635 = tpu.vector_load %arg13[%get3A_633, %get3A_634] {strides = array<i32>} : memref<128x64xf32, #tpu.memory_space<vmem>>, vector<1x16xf32>,
        %get3A_636 = vector.shape_cast %get3A_635 : vector<1x16xf32> to vector<16xf32>
        %mul3A_637 = arith.mulf %get3A_636, %gather3A_608 : vector<16xf32>
        %swap3A_638 = arith.index_cast %add3A_612 : i32 to index
        %swap3A_639 = arith.constant 32 : index
        %swap3A_640 = tpu.vector_load %arg13[%swap3A_638, %swap3A_639] {strides = array<i32>} : memref<128x64xf32, #tpu.memory_space<vmem>>, vector<1x16xf32>,
        %swap3A_641 = vector.shape_cast %swap3A_640 : vector<1x16xf32> to vector<16xf32>
        %swap3A_642 = vector.shape_cast %mul3A_637 : vector<16xf32> to vector<1x16xf32>
        tpu.vector_store %arg13[%swap3A_638, %swap3A_639], %swap3A_642 {strides = array<i32>} : memref<128x64xf32, #tpu.memory_space<vmem>>, vector<1x16xf32>,
        %get3A_643 = arith.index_cast %add3A_612 : i32 to index
        %get3A_644 = arith.constant 48 : index
        %get3A_645 = tpu.vector_load %arg13[%get3A_643, %get3A_644] {strides = array<i32>} : memref<128x64xf32, #tpu.memory_space<vmem>>, vector<1x16xf32>,
        %get3A_646 = vector.shape_cast %get3A_645 : vector<1x16xf32> to vector<16xf32>
        %mul3A_647 = arith.mulf %get3A_646, %gather3A_608 : vector<16xf32>
        %swap3A_648 = arith.index_cast %add3A_612 : i32 to index
        %swap3A_649 = arith.constant 48 : index
        %swap3A_650 = tpu.vector_load %arg13[%swap3A_648, %swap3A_649] {strides = array<i32>} : memref<128x64xf32, #tpu.memory_space<vmem>>, vector<1x16xf32>,
        %swap3A_651 = vector.shape_cast %swap3A_650 : vector<1x16xf32> to vector<16xf32>
        %swap3A_652 = vector.shape_cast %mul3A_647 : vector<16xf32> to vector<1x16xf32>
        tpu.vector_store %arg13[%swap3A_648, %swap3A_649], %swap3A_652 {strides = array<i32>} : memref<128x64xf32, #tpu.memory_space<vmem>>, vector<1x16xf32>,
        %gather3A_653 = vector.shape_cast %broadcast_in_dim3A_29 : vector<16x1xi32> to vector<16xi32>
        %gather3A_654 = tpu.dynamic_gather %get3A_193[%gather3A_653] in [0] : vector<16xf32>, vector<16xi32> -> vector<16xf32>
        %mul3A_655 = arith.constant 16 : i32
        %mul3A_656 = arith.muli %scan3A_186, %mul3A_655 : i32
        %add3A_657 = arith.constant 10 : i32
        %add3A_658 = arith.addi %mul3A_656, %add3A_657 : i32
        %get3A_659 = arith.index_cast %add3A_658 : i32 to index
        %get3A_660 = arith.constant 0 : index
        %get3A_661 = tpu.vector_load %arg13[%get3A_659, %get3A_660] {strides = array<i32>} : memref<128x64xf32, #tpu.memory_space<vmem>>, vector<1x16xf32>,
        %get3A_662 = vector.shape_cast %get3A_661 : vector<1x16xf32> to vector<16xf32>
        %mul3A_663 = arith.mulf %get3A_662, %gather3A_654 : vector<16xf32>
        %swap3A_664 = arith.index_cast %add3A_658 : i32 to index
        %swap3A_665 = arith.constant 0 : index
        %swap3A_666 = tpu.vector_load %arg13[%swap3A_664, %swap3A_665] {strides = array<i32>} : memref<128x64xf32, #tpu.memory_space<vmem>>, vector<1x16xf32>,
        %swap3A_667 = vector.shape_cast %swap3A_666 : vector<1x16xf32> to vector<16xf32>
        %swap3A_668 = vector.shape_cast %mul3A_663 : vector<16xf32> to vector<1x16xf32>
        tpu.vector_store %arg13[%swap3A_664, %swap3A_665], %swap3A_668 {strides = array<i32>} : memref<128x64xf32, #tpu.memory_space<vmem>>, vector<1x16xf32>,
        %get3A_669 = arith.index_cast %add3A_658 : i32 to index
        %get3A_670 = arith.constant 16 : index
        %get3A_671 = tpu.vector_load %arg13[%get3A_669, %get3A_670] {strides = array<i32>} : memref<128x64xf32, #tpu.memory_space<vmem>>, vector<1x16xf32>,
        %get3A_672 = vector.shape_cast %get3A_671 : vector<1x16xf32> to vector<16xf32>
        %mul3A_673 = arith.mulf %get3A_672, %gather3A_654 : vector<16xf32>
        %swap3A_674 = arith.index_cast %add3A_658 : i32 to index
        %swap3A_675 = arith.constant 16 : index
        %swap3A_676 = tpu.vector_load %arg13[%swap3A_674, %swap3A_675] {strides = array<i32>} : memref<128x64xf32, #tpu.memory_space<vmem>>, vector<1x16xf32>,
        %swap3A_677 = vector.shape_cast %swap3A_676 : vector<1x16xf32> to vector<16xf32>
        %swap3A_678 = vector.shape_cast %mul3A_673 : vector<16xf32> to vector<1x16xf32>
        tpu.vector_store %arg13[%swap3A_674, %swap3A_675], %swap3A_678 {strides = array<i32>} : memref<128x64xf32, #tpu.memory_space<vmem>>, vector<1x16xf32>,
        %get3A_679 = arith.index_cast %add3A_658 : i32 to index
        %get3A_680 = arith.constant 32 : index
        %get3A_681 = tpu.vector_load %arg13[%get3A_679, %get3A_680] {strides = array<i32>} : memref<128x64xf32, #tpu.memory_space<vmem>>, vector<1x16xf32>,
        %get3A_682 = vector.shape_cast %get3A_681 : vector<1x16xf32> to vector<16xf32>
        %mul3A_683 = arith.mulf %get3A_682, %gather3A_654 : vector<16xf32>
        %swap3A_684 = arith.index_cast %add3A_658 : i32 to index
        %swap3A_685 = arith.constant 32 : index
        %swap3A_686 = tpu.vector_load %arg13[%swap3A_684, %swap3A_685] {strides = array<i32>} : memref<128x64xf32, #tpu.memory_space<vmem>>, vector<1x16xf32>,
        %swap3A_687 = vector.shape_cast %swap3A_686 : vector<1x16xf32> to vector<16xf32>
        %swap3A_688 = vector.shape_cast %mul3A_683 : vector<16xf32> to vector<1x16xf32>
        tpu.vector_store %arg13[%swap3A_684, %swap3A_685], %swap3A_688 {strides = array<i32>} : memref<128x64xf32, #tpu.memory_space<vmem>>, vector<1x16xf32>,
        %get3A_689 = arith.index_cast %add3A_658 : i32 to index
        %get3A_690 = arith.constant 48 : index
        %get3A_691 = tpu.vector_load %arg13[%get3A_689, %get3A_690] {strides = array<i32>} : memref<128x64xf32, #tpu.memory_space<vmem>>, vector<1x16xf32>,
        %get3A_692 = vector.shape_cast %get3A_691 : vector<1x16xf32> to vector<16xf32>
        %mul3A_693 = arith.mulf %get3A_692, %gather3A_654 : vector<16xf32>
        %swap3A_694 = arith.index_cast %add3A_658 : i32 to index
        %swap3A_695 = arith.constant 48 : index
        %swap3A_696 = tpu.vector_load %arg13[%swap3A_694, %swap3A_695] {strides = array<i32>} : memref<128x64xf32, #tpu.memory_space<vmem>>, vector<1x16xf32>,
        %swap3A_697 = vector.shape_cast %swap3A_696 : vector<1x16xf32> to vector<16xf32>
        %swap3A_698 = vector.shape_cast %mul3A_693 : vector<16xf32> to vector<1x16xf32>
        tpu.vector_store %arg13[%swap3A_694, %swap3A_695], %swap3A_698 {strides = array<i32>} : memref<128x64xf32, #tpu.memory_space<vmem>>, vector<1x16xf32>,
        %gather3A_699 = vector.shape_cast %broadcast_in_dim3A_31 : vector<16x1xi32> to vector<16xi32>
        %gather3A_700 = tpu.dynamic_gather %get3A_193[%gather3A_699] in [0] : vector<16xf32>, vector<16xi32> -> vector<16xf32>
        %mul3A_701 = arith.constant 16 : i32
        %mul3A_702 = arith.muli %scan3A_186, %mul3A_701 : i32
        %add3A_703 = arith.constant 11 : i32
        %add3A_704 = arith.addi %mul3A_702, %add3A_703 : i32
        %get3A_705 = arith.index_cast %add3A_704 : i32 to index
        %get3A_706 = arith.constant 0 : index
        %get3A_707 = tpu.vector_load %arg13[%get3A_705, %get3A_706] {strides = array<i32>} : memref<128x64xf32, #tpu.memory_space<vmem>>, vector<1x16xf32>,
        %get3A_708 = vector.shape_cast %get3A_707 : vector<1x16xf32> to vector<16xf32>
        %mul3A_709 = arith.mulf %get3A_708, %gather3A_700 : vector<16xf32>
        %swap3A_710 = arith.index_cast %add3A_704 : i32 to index
        %swap3A_711 = arith.constant 0 : index
        %swap3A_712 = tpu.vector_load %arg13[%swap3A_710, %swap3A_711] {strides = array<i32>} : memref<128x64xf32, #tpu.memory_space<vmem>>, vector<1x16xf32>,
        %swap3A_713 = vector.shape_cast %swap3A_712 : vector<1x16xf32> to vector<16xf32>
        %swap3A_714 = vector.shape_cast %mul3A_709 : vector<16xf32> to vector<1x16xf32>
        tpu.vector_store %arg13[%swap3A_710, %swap3A_711], %swap3A_714 {strides = array<i32>} : memref<128x64xf32, #tpu.memory_space<vmem>>, vector<1x16xf32>,
        %get3A_715 = arith.index_cast %add3A_704 : i32 to index
        %get3A_716 = arith.constant 16 : index
        %get3A_717 = tpu.vector_load %arg13[%get3A_715, %get3A_716] {strides = array<i32>} : memref<128x64xf32, #tpu.memory_space<vmem>>, vector<1x16xf32>,
        %get3A_718 = vector.shape_cast %get3A_717 : vector<1x16xf32> to vector<16xf32>
        %mul3A_719 = arith.mulf %get3A_718, %gather3A_700 : vector<16xf32>
        %swap3A_720 = arith.index_cast %add3A_704 : i32 to index
        %swap3A_721 = arith.constant 16 : index
        %swap3A_722 = tpu.vector_load %arg13[%swap3A_720, %swap3A_721] {strides = array<i32>} : memref<128x64xf32, #tpu.memory_space<vmem>>, vector<1x16xf32>,
        %swap3A_723 = vector.shape_cast %swap3A_722 : vector<1x16xf32> to vector<16xf32>
        %swap3A_724 = vector.shape_cast %mul3A_719 : vector<16xf32> to vector<1x16xf32>
        tpu.vector_store %arg13[%swap3A_720, %swap3A_721], %swap3A_724 {strides = array<i32>} : memref<128x64xf32, #tpu.memory_space<vmem>>, vector<1x16xf32>,
        %get3A_725 = arith.index_cast %add3A_704 : i32 to index
        %get3A_726 = arith.constant 32 : index
        %get3A_727 = tpu.vector_load %arg13[%get3A_725, %get3A_726] {strides = array<i32>} : memref<128x64xf32, #tpu.memory_space<vmem>>, vector<1x16xf32>,
        %get3A_728 = vector.shape_cast %get3A_727 : vector<1x16xf32> to vector<16xf32>
        %mul3A_729 = arith.mulf %get3A_728, %gather3A_700 : vector<16xf32>
        %swap3A_730 = arith.index_cast %add3A_704 : i32 to index
        %swap3A_731 = arith.constant 32 : index
        %swap3A_732 = tpu.vector_load %arg13[%swap3A_730, %swap3A_731] {strides = array<i32>} : memref<128x64xf32, #tpu.memory_space<vmem>>, vector<1x16xf32>,
        %swap3A_733 = vector.shape_cast %swap3A_732 : vector<1x16xf32> to vector<16xf32>
        %swap3A_734 = vector.shape_cast %mul3A_729 : vector<16xf32> to vector<1x16xf32>
        tpu.vector_store %arg13[%swap3A_730, %swap3A_731], %swap3A_734 {strides = array<i32>} : memref<128x64xf32, #tpu.memory_space<vmem>>, vector<1x16xf32>,
        %get3A_735 = arith.index_cast %add3A_704 : i32 to index
        %get3A_736 = arith.constant 48 : index
        %get3A_737 = tpu.vector_load %arg13[%get3A_735, %get3A_736] {strides = array<i32>} : memref<128x64xf32, #tpu.memory_space<vmem>>, vector<1x16xf32>,
        %get3A_738 = vector.shape_cast %get3A_737 : vector<1x16xf32> to vector<16xf32>
        %mul3A_739 = arith.mulf %get3A_738, %gather3A_700 : vector<16xf32>
        %swap3A_740 = arith.index_cast %add3A_704 : i32 to index
        %swap3A_741 = arith.constant 48 : index
        %swap3A_742 = tpu.vector_load %arg13[%swap3A_740, %swap3A_741] {strides = array<i32>} : memref<128x64xf32, #tpu.memory_space<vmem>>, vector<1x16xf32>,
        %swap3A_743 = vector.shape_cast %swap3A_742 : vector<1x16xf32> to vector<16xf32>
        %swap3A_744 = vector.shape_cast %mul3A_739 : vector<16xf32> to vector<1x16xf32>
        tpu.vector_store %arg13[%swap3A_740, %swap3A_741], %swap3A_744 {strides = array<i32>} : memref<128x64xf32, #tpu.memory_space<vmem>>, vector<1x16xf32>,
        %gather3A_745 = vector.shape_cast %broadcast_in_dim3A_33 : vector<16x1xi32> to vector<16xi32>
        %gather3A_746 = tpu.dynamic_gather %get3A_193[%gather3A_745] in [0] : vector<16xf32>, vector<16xi32> -> vector<16xf32>
        %mul3A_747 = arith.constant 16 : i32
        %mul3A_748 = arith.muli %scan3A_186, %mul3A_747 : i32
        %add3A_749 = arith.constant 12 : i32
        %add3A_750 = arith.addi %mul3A_748, %add3A_749 : i32
        %get3A_751 = arith.index_cast %add3A_750 : i32 to index
        %get3A_752 = arith.constant 0 : index
        %get3A_753 = tpu.vector_load %arg13[%get3A_751, %get3A_752] {strides = array<i32>} : memref<128x64xf32, #tpu.memory_space<vmem>>, vector<1x16xf32>,
        %get3A_754 = vector.shape_cast %get3A_753 : vector<1x16xf32> to vector<16xf32>
        %mul3A_755 = arith.mulf %get3A_754, %gather3A_746 : vector<16xf32>
        %swap3A_756 = arith.index_cast %add3A_750 : i32 to index
        %swap3A_757 = arith.constant 0 : index
        %swap3A_758 = tpu.vector_load %arg13[%swap3A_756, %swap3A_757] {strides = array<i32>} : memref<128x64xf32, #tpu.memory_space<vmem>>, vector<1x16xf32>,
        %swap3A_759 = vector.shape_cast %swap3A_758 : vector<1x16xf32> to vector<16xf32>
        %swap3A_760 = vector.shape_cast %mul3A_755 : vector<16xf32> to vector<1x16xf32>
        tpu.vector_store %arg13[%swap3A_756, %swap3A_757], %swap3A_760 {strides = array<i32>} : memref<128x64xf32, #tpu.memory_space<vmem>>, vector<1x16xf32>,
        %get3A_761 = arith.index_cast %add3A_750 : i32 to index
        %get3A_762 = arith.constant 16 : index
        %get3A_763 = tpu.vector_load %arg13[%get3A_761, %get3A_762] {strides = array<i32>} : memref<128x64xf32, #tpu.memory_space<vmem>>, vector<1x16xf32>,
        %get3A_764 = vector.shape_cast %get3A_763 : vector<1x16xf32> to vector<16xf32>
        %mul3A_765 = arith.mulf %get3A_764, %gather3A_746 : vector<16xf32>
        %swap3A_766 = arith.index_cast %add3A_750 : i32 to index
        %swap3A_767 = arith.constant 16 : index
        %swap3A_768 = tpu.vector_load %arg13[%swap3A_766, %swap3A_767] {strides = array<i32>} : memref<128x64xf32, #tpu.memory_space<vmem>>, vector<1x16xf32>,
        %swap3A_769 = vector.shape_cast %swap3A_768 : vector<1x16xf32> to vector<16xf32>
        %swap3A_770 = vector.shape_cast %mul3A_765 : vector<16xf32> to vector<1x16xf32>
        tpu.vector_store %arg13[%swap3A_766, %swap3A_767], %swap3A_770 {strides = array<i32>} : memref<128x64xf32, #tpu.memory_space<vmem>>, vector<1x16xf32>,
        %get3A_771 = arith.index_cast %add3A_750 : i32 to index
        %get3A_772 = arith.constant 32 : index
        %get3A_773 = tpu.vector_load %arg13[%get3A_771, %get3A_772] {strides = array<i32>} : memref<128x64xf32, #tpu.memory_space<vmem>>, vector<1x16xf32>,
        %get3A_774 = vector.shape_cast %get3A_773 : vector<1x16xf32> to vector<16xf32>
        %mul3A_775 = arith.mulf %get3A_774, %gather3A_746 : vector<16xf32>
        %swap3A_776 = arith.index_cast %add3A_750 : i32 to index
        %swap3A_777 = arith.constant 32 : index
        %swap3A_778 = tpu.vector_load %arg13[%swap3A_776, %swap3A_777] {strides = array<i32>} : memref<128x64xf32, #tpu.memory_space<vmem>>, vector<1x16xf32>,
        %swap3A_779 = vector.shape_cast %swap3A_778 : vector<1x16xf32> to vector<16xf32>
        %swap3A_780 = vector.shape_cast %mul3A_775 : vector<16xf32> to vector<1x16xf32>
        tpu.vector_store %arg13[%swap3A_776, %swap3A_777], %swap3A_780 {strides = array<i32>} : memref<128x64xf32, #tpu.memory_space<vmem>>, vector<1x16xf32>,
        %get3A_781 = arith.index_cast %add3A_750 : i32 to index
        %get3A_782 = arith.constant 48 : index
        %get3A_783 = tpu.vector_load %arg13[%get3A_781, %get3A_782] {strides = array<i32>} : memref<128x64xf32, #tpu.memory_space<vmem>>, vector<1x16xf32>,
        %get3A_784 = vector.shape_cast %get3A_783 : vector<1x16xf32> to vector<16xf32>
        %mul3A_785 = arith.mulf %get3A_784, %gather3A_746 : vector<16xf32>
        %swap3A_786 = arith.index_cast %add3A_750 : i32 to index
        %swap3A_787 = arith.constant 48 : index
        %swap3A_788 = tpu.vector_load %arg13[%swap3A_786, %swap3A_787] {strides = array<i32>} : memref<128x64xf32, #tpu.memory_space<vmem>>, vector<1x16xf32>,
        %swap3A_789 = vector.shape_cast %swap3A_788 : vector<1x16xf32> to vector<16xf32>
        %swap3A_790 = vector.shape_cast %mul3A_785 : vector<16xf32> to vector<1x16xf32>
        tpu.vector_store %arg13[%swap3A_786, %swap3A_787], %swap3A_790 {strides = array<i32>} : memref<128x64xf32, #tpu.memory_space<vmem>>, vector<1x16xf32>,
        %gather3A_791 = vector.shape_cast %broadcast_in_dim3A_35 : vector<16x1xi32> to vector<16xi32>
        %gather3A_792 = tpu.dynamic_gather %get3A_193[%gather3A_791] in [0] : vector<16xf32>, vector<16xi32> -> vector<16xf32>
        %mul3A_793 = arith.constant 16 : i32
        %mul3A_794 = arith.muli %scan3A_186, %mul3A_793 : i32
        %add3A_795 = arith.constant 13 : i32
        %add3A_796 = arith.addi %mul3A_794, %add3A_795 : i32
        %get3A_797 = arith.index_cast %add3A_796 : i32 to index
        %get3A_798 = arith.constant 0 : index
        %get3A_799 = tpu.vector_load %arg13[%get3A_797, %get3A_798] {strides = array<i32>} : memref<128x64xf32, #tpu.memory_space<vmem>>, vector<1x16xf32>,
        %get3A_800 = vector.shape_cast %get3A_799 : vector<1x16xf32> to vector<16xf32>
        %mul3A_801 = arith.mulf %get3A_800, %gather3A_792 : vector<16xf32>
        %swap3A_802 = arith.index_cast %add3A_796 : i32 to index
        %swap3A_803 = arith.constant 0 : index
        %swap3A_804 = tpu.vector_load %arg13[%swap3A_802, %swap3A_803] {strides = array<i32>} : memref<128x64xf32, #tpu.memory_space<vmem>>, vector<1x16xf32>,
        %swap3A_805 = vector.shape_cast %swap3A_804 : vector<1x16xf32> to vector<16xf32>
        %swap3A_806 = vector.shape_cast %mul3A_801 : vector<16xf32> to vector<1x16xf32>
        tpu.vector_store %arg13[%swap3A_802, %swap3A_803], %swap3A_806 {strides = array<i32>} : memref<128x64xf32, #tpu.memory_space<vmem>>, vector<1x16xf32>,
        %get3A_807 = arith.index_cast %add3A_796 : i32 to index
        %get3A_808 = arith.constant 16 : index
        %get3A_809 = tpu.vector_load %arg13[%get3A_807, %get3A_808] {strides = array<i32>} : memref<128x64xf32, #tpu.memory_space<vmem>>, vector<1x16xf32>,
        %get3A_810 = vector.shape_cast %get3A_809 : vector<1x16xf32> to vector<16xf32>
        %mul3A_811 = arith.mulf %get3A_810, %gather3A_792 : vector<16xf32>
        %swap3A_812 = arith.index_cast %add3A_796 : i32 to index
        %swap3A_813 = arith.constant 16 : index
        %swap3A_814 = tpu.vector_load %arg13[%swap3A_812, %swap3A_813] {strides = array<i32>} : memref<128x64xf32, #tpu.memory_space<vmem>>, vector<1x16xf32>,
        %swap3A_815 = vector.shape_cast %swap3A_814 : vector<1x16xf32> to vector<16xf32>
        %swap3A_816 = vector.shape_cast %mul3A_811 : vector<16xf32> to vector<1x16xf32>
        tpu.vector_store %arg13[%swap3A_812, %swap3A_813], %swap3A_816 {strides = array<i32>} : memref<128x64xf32, #tpu.memory_space<vmem>>, vector<1x16xf32>,
        %get3A_817 = arith.index_cast %add3A_796 : i32 to index
        %get3A_818 = arith.constant 32 : index
        %get3A_819 = tpu.vector_load %arg13[%get3A_817, %get3A_818] {strides = array<i32>} : memref<128x64xf32, #tpu.memory_space<vmem>>, vector<1x16xf32>,
        %get3A_820 = vector.shape_cast %get3A_819 : vector<1x16xf32> to vector<16xf32>
        %mul3A_821 = arith.mulf %get3A_820, %gather3A_792 : vector<16xf32>
        %swap3A_822 = arith.index_cast %add3A_796 : i32 to index
        %swap3A_823 = arith.constant 32 : index
        %swap3A_824 = tpu.vector_load %arg13[%swap3A_822, %swap3A_823] {strides = array<i32>} : memref<128x64xf32, #tpu.memory_space<vmem>>, vector<1x16xf32>,
        %swap3A_825 = vector.shape_cast %swap3A_824 : vector<1x16xf32> to vector<16xf32>
        %swap3A_826 = vector.shape_cast %mul3A_821 : vector<16xf32> to vector<1x16xf32>
        tpu.vector_store %arg13[%swap3A_822, %swap3A_823], %swap3A_826 {strides = array<i32>} : memref<128x64xf32, #tpu.memory_space<vmem>>, vector<1x16xf32>,
        %get3A_827 = arith.index_cast %add3A_796 : i32 to index
        %get3A_828 = arith.constant 48 : index
        %get3A_829 = tpu.vector_load %arg13[%get3A_827, %get3A_828] {strides = array<i32>} : memref<128x64xf32, #tpu.memory_space<vmem>>, vector<1x16xf32>,
        %get3A_830 = vector.shape_cast %get3A_829 : vector<1x16xf32> to vector<16xf32>
        %mul3A_831 = arith.mulf %get3A_830, %gather3A_792 : vector<16xf32>
        %swap3A_832 = arith.index_cast %add3A_796 : i32 to index
        %swap3A_833 = arith.constant 48 : index
        %swap3A_834 = tpu.vector_load %arg13[%swap3A_832, %swap3A_833] {strides = array<i32>} : memref<128x64xf32, #tpu.memory_space<vmem>>, vector<1x16xf32>,
        %swap3A_835 = vector.shape_cast %swap3A_834 : vector<1x16xf32> to vector<16xf32>
        %swap3A_836 = vector.shape_cast %mul3A_831 : vector<16xf32> to vector<1x16xf32>
        tpu.vector_store %arg13[%swap3A_832, %swap3A_833], %swap3A_836 {strides = array<i32>} : memref<128x64xf32, #tpu.memory_space<vmem>>, vector<1x16xf32>,
        %gather3A_837 = vector.shape_cast %broadcast_in_dim3A_37 : vector<16x1xi32> to vector<16xi32>
        %gather3A_838 = tpu.dynamic_gather %get3A_193[%gather3A_837] in [0] : vector<16xf32>, vector<16xi32> -> vector<16xf32>
        %mul3A_839 = arith.constant 16 : i32
        %mul3A_840 = arith.muli %scan3A_186, %mul3A_839 : i32
        %add3A_841 = arith.constant 14 : i32
        %add3A_842 = arith.addi %mul3A_840, %add3A_841 : i32
        %get3A_843 = arith.index_cast %add3A_842 : i32 to index
        %get3A_844 = arith.constant 0 : index
        %get3A_845 = tpu.vector_load %arg13[%get3A_843, %get3A_844] {strides = array<i32>} : memref<128x64xf32, #tpu.memory_space<vmem>>, vector<1x16xf32>,
        %get3A_846 = vector.shape_cast %get3A_845 : vector<1x16xf32> to vector<16xf32>
        %mul3A_847 = arith.mulf %get3A_846, %gather3A_838 : vector<16xf32>
        %swap3A_848 = arith.index_cast %add3A_842 : i32 to index
        %swap3A_849 = arith.constant 0 : index
        %swap3A_850 = tpu.vector_load %arg13[%swap3A_848, %swap3A_849] {strides = array<i32>} : memref<128x64xf32, #tpu.memory_space<vmem>>, vector<1x16xf32>,
        %swap3A_851 = vector.shape_cast %swap3A_850 : vector<1x16xf32> to vector<16xf32>
        %swap3A_852 = vector.shape_cast %mul3A_847 : vector<16xf32> to vector<1x16xf32>
        tpu.vector_store %arg13[%swap3A_848, %swap3A_849], %swap3A_852 {strides = array<i32>} : memref<128x64xf32, #tpu.memory_space<vmem>>, vector<1x16xf32>,
        %get3A_853 = arith.index_cast %add3A_842 : i32 to index
        %get3A_854 = arith.constant 16 : index
        %get3A_855 = tpu.vector_load %arg13[%get3A_853, %get3A_854] {strides = array<i32>} : memref<128x64xf32, #tpu.memory_space<vmem>>, vector<1x16xf32>,
        %get3A_856 = vector.shape_cast %get3A_855 : vector<1x16xf32> to vector<16xf32>
        %mul3A_857 = arith.mulf %get3A_856, %gather3A_838 : vector<16xf32>
        %swap3A_858 = arith.index_cast %add3A_842 : i32 to index
        %swap3A_859 = arith.constant 16 : index
        %swap3A_860 = tpu.vector_load %arg13[%swap3A_858, %swap3A_859] {strides = array<i32>} : memref<128x64xf32, #tpu.memory_space<vmem>>, vector<1x16xf32>,
        %swap3A_861 = vector.shape_cast %swap3A_860 : vector<1x16xf32> to vector<16xf32>
        %swap3A_862 = vector.shape_cast %mul3A_857 : vector<16xf32> to vector<1x16xf32>
        tpu.vector_store %arg13[%swap3A_858, %swap3A_859], %swap3A_862 {strides = array<i32>} : memref<128x64xf32, #tpu.memory_space<vmem>>, vector<1x16xf32>,
        %get3A_863 = arith.index_cast %add3A_842 : i32 to index
        %get3A_864 = arith.constant 32 : index
        %get3A_865 = tpu.vector_load %arg13[%get3A_863, %get3A_864] {strides = array<i32>} : memref<128x64xf32, #tpu.memory_space<vmem>>, vector<1x16xf32>,
        %get3A_866 = vector.shape_cast %get3A_865 : vector<1x16xf32> to vector<16xf32>
        %mul3A_867 = arith.mulf %get3A_866, %gather3A_838 : vector<16xf32>
        %swap3A_868 = arith.index_cast %add3A_842 : i32 to index
        %swap3A_869 = arith.constant 32 : index
        %swap3A_870 = tpu.vector_load %arg13[%swap3A_868, %swap3A_869] {strides = array<i32>} : memref<128x64xf32, #tpu.memory_space<vmem>>, vector<1x16xf32>,
        %swap3A_871 = vector.shape_cast %swap3A_870 : vector<1x16xf32> to vector<16xf32>
        %swap3A_872 = vector.shape_cast %mul3A_867 : vector<16xf32> to vector<1x16xf32>
        tpu.vector_store %arg13[%swap3A_868, %swap3A_869], %swap3A_872 {strides = array<i32>} : memref<128x64xf32, #tpu.memory_space<vmem>>, vector<1x16xf32>,
        %get3A_873 = arith.index_cast %add3A_842 : i32 to index
        %get3A_874 = arith.constant 48 : index
        %get3A_875 = tpu.vector_load %arg13[%get3A_873, %get3A_874] {strides = array<i32>} : memref<128x64xf32, #tpu.memory_space<vmem>>, vector<1x16xf32>,
        %get3A_876 = vector.shape_cast %get3A_875 : vector<1x16xf32> to vector<16xf32>
        %mul3A_877 = arith.mulf %get3A_876, %gather3A_838 : vector<16xf32>
        %swap3A_878 = arith.index_cast %add3A_842 : i32 to index
        %swap3A_879 = arith.constant 48 : index
        %swap3A_880 = tpu.vector_load %arg13[%swap3A_878, %swap3A_879] {strides = array<i32>} : memref<128x64xf32, #tpu.memory_space<vmem>>, vector<1x16xf32>,
        %swap3A_881 = vector.shape_cast %swap3A_880 : vector<1x16xf32> to vector<16xf32>
        %swap3A_882 = vector.shape_cast %mul3A_877 : vector<16xf32> to vector<1x16xf32>
        tpu.vector_store %arg13[%swap3A_878, %swap3A_879], %swap3A_882 {strides = array<i32>} : memref<128x64xf32, #tpu.memory_space<vmem>>, vector<1x16xf32>,
        %gather3A_883 = vector.shape_cast %broadcast_in_dim3A_39 : vector<16x1xi32> to vector<16xi32>
        %gather3A_884 = tpu.dynamic_gather %get3A_193[%gather3A_883] in [0] : vector<16xf32>, vector<16xi32> -> vector<16xf32>
        %mul3A_885 = arith.constant 16 : i32
        %mul3A_886 = arith.muli %scan3A_186, %mul3A_885 : i32
        %add3A_887 = arith.constant 15 : i32
        %add3A_888 = arith.addi %mul3A_886, %add3A_887 : i32
        %get3A_889 = arith.index_cast %add3A_888 : i32 to index
        %get3A_890 = arith.constant 0 : index
        %get3A_891 = tpu.vector_load %arg13[%get3A_889, %get3A_890] {strides = array<i32>} : memref<128x64xf32, #tpu.memory_space<vmem>>, vector<1x16xf32>,
        %get3A_892 = vector.shape_cast %get3A_891 : vector<1x16xf32> to vector<16xf32>
        %mul3A_893 = arith.mulf %get3A_892, %gather3A_884 : vector<16xf32>
        %swap3A_894 = arith.index_cast %add3A_888 : i32 to index
        %swap3A_895 = arith.constant 0 : index
        %swap3A_896 = tpu.vector_load %arg13[%swap3A_894, %swap3A_895] {strides = array<i32>} : memref<128x64xf32, #tpu.memory_space<vmem>>, vector<1x16xf32>,
        %swap3A_897 = vector.shape_cast %swap3A_896 : vector<1x16xf32> to vector<16xf32>
        %swap3A_898 = vector.shape_cast %mul3A_893 : vector<16xf32> to vector<1x16xf32>
        tpu.vector_store %arg13[%swap3A_894, %swap3A_895], %swap3A_898 {strides = array<i32>} : memref<128x64xf32, #tpu.memory_space<vmem>>, vector<1x16xf32>,
        %get3A_899 = arith.index_cast %add3A_888 : i32 to index
        %get3A_900 = arith.constant 16 : index
        %get3A_901 = tpu.vector_load %arg13[%get3A_899, %get3A_900] {strides = array<i32>} : memref<128x64xf32, #tpu.memory_space<vmem>>, vector<1x16xf32>,
        %get3A_902 = vector.shape_cast %get3A_901 : vector<1x16xf32> to vector<16xf32>
        %mul3A_903 = arith.mulf %get3A_902, %gather3A_884 : vector<16xf32>
        %swap3A_904 = arith.index_cast %add3A_888 : i32 to index
        %swap3A_905 = arith.constant 16 : index
        %swap3A_906 = tpu.vector_load %arg13[%swap3A_904, %swap3A_905] {strides = array<i32>} : memref<128x64xf32, #tpu.memory_space<vmem>>, vector<1x16xf32>,
        %swap3A_907 = vector.shape_cast %swap3A_906 : vector<1x16xf32> to vector<16xf32>
        %swap3A_908 = vector.shape_cast %mul3A_903 : vector<16xf32> to vector<1x16xf32>
        tpu.vector_store %arg13[%swap3A_904, %swap3A_905], %swap3A_908 {strides = array<i32>} : memref<128x64xf32, #tpu.memory_space<vmem>>, vector<1x16xf32>,
        %get3A_909 = arith.index_cast %add3A_888 : i32 to index
        %get3A_910 = arith.constant 32 : index
        %get3A_911 = tpu.vector_load %arg13[%get3A_909, %get3A_910] {strides = array<i32>} : memref<128x64xf32, #tpu.memory_space<vmem>>, vector<1x16xf32>,
        %get3A_912 = vector.shape_cast %get3A_911 : vector<1x16xf32> to vector<16xf32>
        %mul3A_913 = arith.mulf %get3A_912, %gather3A_884 : vector<16xf32>
        %swap3A_914 = arith.index_cast %add3A_888 : i32 to index
        %swap3A_915 = arith.constant 32 : index
        %swap3A_916 = tpu.vector_load %arg13[%swap3A_914, %swap3A_915] {strides = array<i32>} : memref<128x64xf32, #tpu.memory_space<vmem>>, vector<1x16xf32>,
        %swap3A_917 = vector.shape_cast %swap3A_916 : vector<1x16xf32> to vector<16xf32>
        %swap3A_918 = vector.shape_cast %mul3A_913 : vector<16xf32> to vector<1x16xf32>
        tpu.vector_store %arg13[%swap3A_914, %swap3A_915], %swap3A_918 {strides = array<i32>} : memref<128x64xf32, #tpu.memory_space<vmem>>, vector<1x16xf32>,
        %get3A_919 = arith.index_cast %add3A_888 : i32 to index
        %get3A_920 = arith.constant 48 : index
        %get3A_921 = tpu.vector_load %arg13[%get3A_919, %get3A_920] {strides = array<i32>} : memref<128x64xf32, #tpu.memory_space<vmem>>, vector<1x16xf32>,
        %get3A_922 = vector.shape_cast %get3A_921 : vector<1x16xf32> to vector<16xf32>
        %mul3A_923 = arith.mulf %get3A_922, %gather3A_884 : vector<16xf32>
        %swap3A_924 = arith.index_cast %add3A_888 : i32 to index
        %swap3A_925 = arith.constant 48 : index
        %swap3A_926 = tpu.vector_load %arg13[%swap3A_924, %swap3A_925] {strides = array<i32>} : memref<128x64xf32, #tpu.memory_space<vmem>>, vector<1x16xf32>,
        %swap3A_927 = vector.shape_cast %swap3A_926 : vector<1x16xf32> to vector<16xf32>
        %swap3A_928 = vector.shape_cast %mul3A_923 : vector<16xf32> to vector<1x16xf32>
        tpu.vector_store %arg13[%swap3A_924, %swap3A_925], %swap3A_928 {strides = array<i32>} : memref<128x64xf32, #tpu.memory_space<vmem>>, vector<1x16xf32>,
      }
      %scan3A_179 = arith.constant 8 : i32
      %mul3A_180 = arith.constant 20480 : i32
      %mul3A_181 = arith.muli %arg0, %mul3A_180 : i32
      %add3A_182 = arith.addi %mul3A_181, %mul3A_0 : i32
      %mul3A_183 = arith.constant 128 : i32
      %mul3A_184 = arith.muli %scan3A_170, %mul3A_183 : i32
      %add3A_185 = arith.addi %add3A_182, %mul3A_184 : i32
      "tpu.region"() ({
        %run_scoped3A = tpu.sem_alloc : memref<!tpu.dma_semaphore, #tpu.memory_space<semaphore_mem>>
        %dma_start3A_186 = arith.constant 0 : i32
        %dma_start3A_187 = tpu.memref_slice %arg5[%add3A_185, %dma_start3A_186] : memref<40960x64xf32, #tpu.memory_space<hbm>> -> memref<128x64xf32, #tpu.memory_space<hbm>>
        %dma_start3A_188 = arith.constant 0 : i32
        %dma_start3A_189 = tpu.memref_slice %arg5[%add3A_185, %dma_start3A_188] : memref<40960x64xf32, #tpu.memory_space<hbm>> -> memref<128x64xf32, #tpu.memory_space<hbm>>
        tpu.enqueue_dma source(%arg13 : memref<128x64xf32, #tpu.memory_space<vmem>>) target(%dma_start3A_189 : memref<128x64xf32, #tpu.memory_space<hbm>>) target_semaphore(%run_scoped3A : memref<!tpu.dma_semaphore, #tpu.memory_space<semaphore_mem>>)
        %dma_wait3A = arith.constant 0 : i32
        %dma_wait3A_190 = tpu.memref_slice %arg5[%add3A_185, %dma_wait3A] : memref<40960x64xf32, #tpu.memory_space<hbm>> -> memref<128x64xf32, #tpu.memory_space<hbm>>
        %dma_wait3A_191 = arith.constant 0 : i32
        %dma_wait3A_192 = tpu.memref_slice %arg5[%add3A_185, %dma_wait3A_191] : memref<40960x64xf32, #tpu.memory_space<hbm>> -> memref<128x64xf32, #tpu.memory_space<hbm>>
        tpu.wait_dma2 semaphore(%run_scoped3A : memref<!tpu.dma_semaphore, #tpu.memory_space<semaphore_mem>>) src(%arg13 : memref<128x64xf32, #tpu.memory_space<vmem>>) dst(%dma_wait3A_192 : memref<128x64xf32, #tpu.memory_space<hbm>>)
        tpu.yield
      }) : () -> ()
    }
    %scan3A_169 = arith.constant 10 : i32
    return
  }
}

module attributes {stable_mosaic.version = 14 : i64} {
  func.func @_dense_body(%arg0: i32, %arg1: memref<2000x256xf32, #tpu.memory_space<vmem>>, %arg2: memref<256x512xf32, #tpu.memory_space<vmem>>, %arg3: memref<1x512xf32, #tpu.memory_space<vmem>>, %arg4: memref<512x256xf32, #tpu.memory_space<vmem>>, %arg5: memref<1x256xf32, #tpu.memory_space<vmem>>, %arg6: memref<256x768xf32, #tpu.memory_space<vmem>>, %arg7: memref<1x768xf32, #tpu.memory_space<vmem>>, %arg8: memref<1x768xf32, #tpu.memory_space<vmem>>, %arg9: memref<256x256xf32, #tpu.memory_space<vmem>>, %arg10: memref<1x256xf32, #tpu.memory_space<vmem>>, %arg11: memref<2000x256xf32, #tpu.memory_space<vmem>>, %arg12: memref<2000x256xf32, #tpu.memory_space<vmem>>) attributes {dimension_semantics = [#tpu.dimension_semantics<arbitrary>], iteration_bounds = array<i64: 5>, scalar_prefetch = 0 : i64, scratch_operands = 0 : i64, tpu.core_type = #tpu.core_type<tc>, window_params = [{transform_indices = @transform_0, window_bounds = array<i64: 2000, 256>}, {pipeline_mode = #tpu.pipeline_mode<synchronous>, transform_indices = @transform_1, window_bounds = array<i64: 256, 512>}, {pipeline_mode = #tpu.pipeline_mode<synchronous>, transform_indices = @transform_2, window_bounds = array<i64: 1, 512>}, {pipeline_mode = #tpu.pipeline_mode<synchronous>, transform_indices = @transform_3, window_bounds = array<i64: 512, 256>}, {pipeline_mode = #tpu.pipeline_mode<synchronous>, transform_indices = @transform_4, window_bounds = array<i64: 1, 256>}, {pipeline_mode = #tpu.pipeline_mode<synchronous>, transform_indices = @transform_5, window_bounds = array<i64: 256, 768>}, {pipeline_mode = #tpu.pipeline_mode<synchronous>, transform_indices = @transform_6, window_bounds = array<i64: 1, 768>}, {pipeline_mode = #tpu.pipeline_mode<synchronous>, transform_indices = @transform_7, window_bounds = array<i64: 1, 768>}, {pipeline_mode = #tpu.pipeline_mode<synchronous>, transform_indices = @transform_8, window_bounds = array<i64: 256, 256>}, {pipeline_mode = #tpu.pipeline_mode<synchronous>, transform_indices = @transform_9, window_bounds = array<i64: 1, 256>}, {transform_indices = @transform_10, window_bounds = array<i64: 2000, 256>}, {transform_indices = @transform_11, window_bounds = array<i64: 2000, 256>}]} {
    %get3A = arith.constant 0 : index
    %get3A_0 = arith.constant 0 : index
    %get3A_1 = vector.load %arg1[%get3A, %get3A_0] : memref<2000x256xf32, #tpu.memory_space<vmem>>, vector<2000x256xf32>
    %get3A_2 = arith.constant 0 : index
    %get3A_3 = arith.constant 0 : index
    %get3A_4 = vector.load %arg2[%get3A_2, %get3A_3] : memref<256x512xf32, #tpu.memory_space<vmem>>, vector<256x512xf32>
    %dot_general3A = arith.constant dense<0.000000e+00> : vector<2000x512xf32>
    %dot_general3A_5 = tpu.matmul %get3A_1, %get3A_4, %dot_general3A {dimension_numbers = #tpu.dot_dimension_numbers<[1], [0], [0], [1], [0, 0, 1, 1], [], []>, transpose_lhs_hint = false} : vector<2000x256xf32>, vector<256x512xf32>, vector<2000x512xf32> -> vector<2000x512xf32>
    %get3A_6 = arith.constant 0 : index
    %get3A_7 = arith.constant 0 : index
    %get3A_8 = vector.load %arg3[%get3A_6, %get3A_7] : memref<1x512xf32, #tpu.memory_space<vmem>>, vector<1x512xf32>
    %add3A = vector.broadcast %get3A_8 : vector<1x512xf32> to vector<2000x512xf32>
    %add3A_9 = arith.addf %dot_general3A_5, %add3A : vector<2000x512xf32>
    %get3A_10 = arith.constant 0 : index
    %get3A_11 = arith.constant 0 : index
    %get3A_12 = vector.load %arg4[%get3A_10, %get3A_11] : memref<512x256xf32, #tpu.memory_space<vmem>>, vector<512x256xf32>
    %dot_general3A_13 = arith.constant dense<0.000000e+00> : vector<2000x256xf32>
    %dot_general3A_14 = tpu.matmul %add3A_9, %get3A_12, %dot_general3A_13 {dimension_numbers = #tpu.dot_dimension_numbers<[1], [0], [0], [1], [0, 0, 1, 1], [], []>, transpose_lhs_hint = false} : vector<2000x512xf32>, vector<512x256xf32>, vector<2000x256xf32> -> vector<2000x256xf32>
    %get3A_15 = arith.constant 0 : index
    %get3A_16 = arith.constant 0 : index
    %get3A_17 = vector.load %arg5[%get3A_15, %get3A_16] : memref<1x256xf32, #tpu.memory_space<vmem>>, vector<1x256xf32>
    %add3A_18 = vector.broadcast %get3A_17 : vector<1x256xf32> to vector<2000x256xf32>
    %add3A_19 = arith.addf %dot_general3A_14, %add3A_18 : vector<2000x256xf32>
    %max3A = arith.constant 0.000000e+00 : f32
    %max3A_20 = vector.broadcast %max3A : f32 to vector<2000x256xf32>
    %max3A_21 = arith.maximumf %add3A_19, %max3A_20 : vector<2000x256xf32>
    %get3A_22 = arith.constant 0 : index
    %get3A_23 = arith.constant 0 : index
    %get3A_24 = vector.load %arg6[%get3A_22, %get3A_23] : memref<256x768xf32, #tpu.memory_space<vmem>>, vector<256x768xf32>
    %dot_general3A_25 = arith.constant dense<0.000000e+00> : vector<2000x768xf32>
    %dot_general3A_26 = tpu.matmul %max3A_21, %get3A_24, %dot_general3A_25 {dimension_numbers = #tpu.dot_dimension_numbers<[1], [0], [0], [1], [0, 0, 1, 1], [], []>, transpose_lhs_hint = false} : vector<2000x256xf32>, vector<256x768xf32>, vector<2000x768xf32> -> vector<2000x768xf32>
    %get3A_27 = arith.constant 0 : index
    %get3A_28 = arith.constant 0 : index
    %get3A_29 = vector.load %arg7[%get3A_27, %get3A_28] : memref<1x768xf32, #tpu.memory_space<vmem>>, vector<1x768xf32>
    %add3A_30 = vector.broadcast %get3A_29 : vector<1x768xf32> to vector<2000x768xf32>
    %add3A_31 = arith.addf %dot_general3A_26, %add3A_30 : vector<2000x768xf32>
    %get3A_32 = arith.constant 0 : index
    %get3A_33 = arith.constant 0 : index
    %get3A_34 = vector.load %arg8[%get3A_32, %get3A_33] : memref<1x768xf32, #tpu.memory_space<vmem>>, vector<1x768xf32>
    %slice3A = vector.extract_strided_slice %add3A_31 {offsets = [0, 0], sizes = [2000, 256], strides = [1, 1]} : vector<2000x768xf32> to vector<2000x256xf32>
    %slice3A_35 = vector.extract_strided_slice %get3A_34 {offsets = [0, 0], sizes = [1, 256], strides = [1, 1]} : vector<1x768xf32> to vector<1x256xf32>
    %add3A_36 = vector.broadcast %slice3A_35 : vector<1x256xf32> to vector<2000x256xf32>
    %add3A_37 = arith.addf %slice3A, %add3A_36 : vector<2000x256xf32>
    %logistic3A = arith.negf %add3A_37 : vector<2000x256xf32>
    %logistic3A_38 = math.exp %logistic3A : vector<2000x256xf32>
    %logistic3A_39 = arith.constant 1.000000e+00 : f32
    %logistic3A_40 = vector.broadcast %logistic3A_39 : f32 to vector<2000x256xf32>
    %logistic3A_41 = arith.addf %logistic3A_40, %logistic3A_38 : vector<2000x256xf32>
    %logistic3A_42 = arith.divf %logistic3A_40, %logistic3A_41 : vector<2000x256xf32>
    %slice3A_43 = vector.extract_strided_slice %add3A_31 {offsets = [0, 256], sizes = [2000, 256], strides = [1, 1]} : vector<2000x768xf32> to vector<2000x256xf32>
    %slice3A_44 = vector.extract_strided_slice %get3A_34 {offsets = [0, 256], sizes = [1, 256], strides = [1, 1]} : vector<1x768xf32> to vector<1x256xf32>
    %add3A_45 = vector.broadcast %slice3A_44 : vector<1x256xf32> to vector<2000x256xf32>
    %add3A_46 = arith.addf %slice3A_43, %add3A_45 : vector<2000x256xf32>
    %logistic3A_47 = arith.negf %add3A_46 : vector<2000x256xf32>
    %logistic3A_48 = math.exp %logistic3A_47 : vector<2000x256xf32>
    %logistic3A_49 = arith.constant 1.000000e+00 : f32
    %logistic3A_50 = vector.broadcast %logistic3A_49 : f32 to vector<2000x256xf32>
    %logistic3A_51 = arith.addf %logistic3A_50, %logistic3A_48 : vector<2000x256xf32>
    %logistic3A_52 = arith.divf %logistic3A_50, %logistic3A_51 : vector<2000x256xf32>
    %slice3A_53 = vector.extract_strided_slice %add3A_31 {offsets = [0, 512], sizes = [2000, 256], strides = [1, 1]} : vector<2000x768xf32> to vector<2000x256xf32>
    %slice3A_54 = vector.extract_strided_slice %get3A_34 {offsets = [0, 512], sizes = [1, 256], strides = [1, 1]} : vector<1x768xf32> to vector<1x256xf32>
    %mul3A = vector.broadcast %slice3A_54 : vector<1x256xf32> to vector<2000x256xf32>
    %mul3A_55 = arith.mulf %logistic3A_42, %mul3A : vector<2000x256xf32>
    %add3A_56 = arith.addf %slice3A_53, %mul3A_55 : vector<2000x256xf32>
    %tanh3A = math.tanh %add3A_56 : vector<2000x256xf32>
    %sub3A = arith.constant 1.000000e+00 : f32
    %sub3A_57 = vector.broadcast %sub3A : f32 to vector<2000x256xf32>
    %sub3A_58 = arith.subf %sub3A_57, %logistic3A_52 : vector<2000x256xf32>
    %mul3A_59 = arith.mulf %sub3A_58, %tanh3A : vector<2000x256xf32>
    %swap3A = arith.constant 0 : index
    %swap3A_60 = arith.constant 0 : index
    %swap3A_61 = vector.load %arg11[%swap3A, %swap3A_60] : memref<2000x256xf32, #tpu.memory_space<vmem>>, vector<2000x256xf32>
    tpu.vector_store %arg11[%swap3A, %swap3A_60], %mul3A_59 {strides = array<i32>} : memref<2000x256xf32, #tpu.memory_space<vmem>>, vector<2000x256xf32>,
    %get3A_62 = arith.constant 0 : index
    %get3A_63 = arith.constant 0 : index
    %get3A_64 = vector.load %arg9[%get3A_62, %get3A_63] : memref<256x256xf32, #tpu.memory_space<vmem>>, vector<256x256xf32>
    %dot_general3A_65 = arith.constant dense<0.000000e+00> : vector<2000x256xf32>
    %dot_general3A_66 = tpu.matmul %mul3A_59, %get3A_64, %dot_general3A_65 {dimension_numbers = #tpu.dot_dimension_numbers<[1], [0], [0], [1], [0, 0, 1, 1], [], []>, transpose_lhs_hint = false} : vector<2000x256xf32>, vector<256x256xf32>, vector<2000x256xf32> -> vector<2000x256xf32>
    %get3A_67 = arith.constant 0 : index
    %get3A_68 = arith.constant 0 : index
    %get3A_69 = vector.load %arg10[%get3A_67, %get3A_68] : memref<1x256xf32, #tpu.memory_space<vmem>>, vector<1x256xf32>
    %add3A_70 = vector.broadcast %get3A_69 : vector<1x256xf32> to vector<2000x256xf32>
    %add3A_71 = arith.addf %dot_general3A_66, %add3A_70 : vector<2000x256xf32>
    %swap3A_72 = arith.constant 0 : index
    %swap3A_73 = arith.constant 0 : index
    %swap3A_74 = vector.load %arg12[%swap3A_72, %swap3A_73] : memref<2000x256xf32, #tpu.memory_space<vmem>>, vector<2000x256xf32>
    tpu.vector_store %arg12[%swap3A_72, %swap3A_73], %add3A_71 {strides = array<i32>} : memref<2000x256xf32, #tpu.memory_space<vmem>>, vector<2000x256xf32>,
    return
  }
  func.func @transform_0(%arg0: i32) -> (i32, i32) {
    %c0_i32 = arith.constant 0 : i32
    %c0_i32_0 = arith.constant 0 : i32
    return %arg0, %c0_i32 : i32, i32
  }
  func.func @transform_1(%arg0: i32) -> (i32, i32) {
    %c0_i32 = arith.constant 0 : i32
    %c0_i32_0 = arith.constant 0 : i32
    %c0_i32_1 = arith.constant 0 : i32
    return %c0_i32, %c0_i32_0 : i32, i32
  }
  func.func @transform_2(%arg0: i32) -> (i32, i32) {
    %c0_i32 = arith.constant 0 : i32
    %c0_i32_0 = arith.constant 0 : i32
    %c0_i32_1 = arith.constant 0 : i32
    return %c0_i32, %c0_i32_0 : i32, i32
  }
  func.func @transform_3(%arg0: i32) -> (i32, i32) {
    %c0_i32 = arith.constant 0 : i32
    %c0_i32_0 = arith.constant 0 : i32
    %c0_i32_1 = arith.constant 0 : i32
    return %c0_i32, %c0_i32_0 : i32, i32
  }
  func.func @transform_4(%arg0: i32) -> (i32, i32) {
    %c0_i32 = arith.constant 0 : i32
    %c0_i32_0 = arith.constant 0 : i32
    %c0_i32_1 = arith.constant 0 : i32
    return %c0_i32, %c0_i32_0 : i32, i32
  }
  func.func @transform_5(%arg0: i32) -> (i32, i32) {
    %c0_i32 = arith.constant 0 : i32
    %c0_i32_0 = arith.constant 0 : i32
    %c0_i32_1 = arith.constant 0 : i32
    return %c0_i32, %c0_i32_0 : i32, i32
  }
  func.func @transform_6(%arg0: i32) -> (i32, i32) {
    %c0_i32 = arith.constant 0 : i32
    %c0_i32_0 = arith.constant 0 : i32
    %c0_i32_1 = arith.constant 0 : i32
    return %c0_i32, %c0_i32_0 : i32, i32
  }
  func.func @transform_7(%arg0: i32) -> (i32, i32) {
    %c0_i32 = arith.constant 0 : i32
    %c0_i32_0 = arith.constant 0 : i32
    %c0_i32_1 = arith.constant 0 : i32
    return %c0_i32, %c0_i32_0 : i32, i32
  }
  func.func @transform_8(%arg0: i32) -> (i32, i32) {
    %c0_i32 = arith.constant 0 : i32
    %c0_i32_0 = arith.constant 0 : i32
    %c0_i32_1 = arith.constant 0 : i32
    return %c0_i32, %c0_i32_0 : i32, i32
  }
  func.func @transform_9(%arg0: i32) -> (i32, i32) {
    %c0_i32 = arith.constant 0 : i32
    %c0_i32_0 = arith.constant 0 : i32
    %c0_i32_1 = arith.constant 0 : i32
    return %c0_i32, %c0_i32_0 : i32, i32
  }
  func.func @transform_10(%arg0: i32) -> (i32, i32) {
    %c0_i32 = arith.constant 0 : i32
    %c0_i32_0 = arith.constant 0 : i32
    return %arg0, %c0_i32 : i32, i32
  }
  func.func @transform_11(%arg0: i32) -> (i32, i32) {
    %c0_i32 = arith.constant 0 : i32
    %c0_i32_0 = arith.constant 0 : i32
    return %arg0, %c0_i32 : i32, i32
  }
}

</mosaic_0001>

<sc_bundles>
// kernel: kernel.4.cloned.1.call-start
scs
__scs_entry_jumppad:
0x0: {  	(pc) =	sbr.rel $0x88, $3  }
0x1: {  	(tag) =	ssettag $0x0;
	lr =	simm.s32 $0x1  }
0x2: {  	[smem:$0x3F93] =	sst lr;
	_ =	strace $0xD0000000  }
0x3: {  	_ = 	snop  }
0x4: {  	_ = 	snop  }
0x5: {  	_ = 	snop  }
0x6: {  	_ = 	snop  }
0x7: {  	_ = 	snop  }
__scs_overlays_trampoline_lowered:
0x8: {  	[smem:$0x3FA2] =	sst s0  }
0x9: {  	[smem:$0x3FA3] =	sst s1  }
0xa: {  	[smem:$0x3FA4] =	sst s2  }
0xb: {  	[smem:$0x3FA5] =	sst s3  }
0xc: {  	[smem:$0x3FA6] =	sst s4  }
0xd: {  	[smem:$0x3FA7] =	sst s5  }
0xe: {  	[smem:$0x3FA8] =	sst s6  }
0xf: {  	[smem:$0x3FA9] =	sst s7  }
0x10: {  	[smem:$0x3FAA] =	sst s8  }
0x11: {  	[smem:$0x3FAB] =	sst s9;
	s0 =	simm.s32 @!p0 $0x0  }
0x12: {  	s1 =	sld [smem:$0x3F91];
	s0 =	simm.s32 @p0 $0x1  }
0x13: {  	[smem:$0x3FAC] =	sst s0;
	s0 =	simm.s32 @!p1 $0x0  }
0x14: {  	s2 =	sld [smem:$0x3F90];
	s0 =	simm.s32 @p1 $0x1  }
0x15: {  	[smem:$0x3FAD] =	sst s0;
	s0 =	simm.s32 @!p2 $0x0  }
0x16: {  	s3 =	sld [smem:$0x3FDB];
	s0 =	simm.s32 @p2 $0x1  }
0x17: {  	s4 =	simm.s32 $0x1BF5;
	[smem:$0x3FAF] =	sst s0  }
0x18: {  	s0 =	sld [smem:$0x3F92];
	_ =	swait.ge [sflag:s4], $0x0  }
0x19: {  	s7 =	sld [smem:$0x3F93]  }
0x1a: {  	s8 =	sadd.s32 $0xFFFFE003, lr  }
0x1b: {  	s9 =	sadd.s32 $0xFFFFFEF7, lr;
	s5 =	simm.s32 $0xFFFFFFFF;
	p2 =	slt.u32 s8, $0xFFFFF086  }
0x1c: {  	p1 =	slt.u32 s9, $0xF7A;
	s5 =	simm.s32 @!p2 $0x0  }
0x1d: {  	s5 =	simm.s32 @p1 $0x1;
	p0 =	seq.s32 s7, s2  }
0x1e: {  	s7 =	smul.u32 @!p0 $0xF7A, s2;
	p2 =	seq.s32 @!p0 s5, $0x0  }
0x1f: {  	s9 =	smul.u32 $0xF7A, s1;
	s8 =	simm.s32 @!p0 $0x1BF5;
	p2 =	por !p2, p0  }
0x20: {  	[sflag:s8] =	ssyncset.s32 @!p0 $0xFFFFF086;
	s6 =	sadd.s32 @!p0 s3, s7;
	s7 =	simm.s32 @!p0 $0x108  }
0x21: {  	s3 =	sadd.s32 s3, s9;
	s6 =	sadd.s32 @!p0 $0x88, s6;
	s7 =	simm.s32 @p2 $0x1082  }
0x22: {  	[simem:s7], [sflag:s8] =	dma.local @!p0 [hbm:s6], $0xF7A  }
0x23: {  	s9 =	sor.u32 $0xD0000000, s2;
	s6 =	simm.s32 $0x108;
	_ =	swait.ge @!p0 [sflag:s8], $0x0  }
0x24: {  	s3 =	sadd.s32 $0x88, s3;
	s6 =	simm.s32 @!p1 $0x1082;
	[sflag:s4] =	ssyncset.s32 $0xFFFFF086  }
0x25: {  	[simem:s6], [sflag:s4] =	dma.local [hbm:s3], $0xF7A  }
0x26: {  	[smem:$0x3F93] =	sst s1;
	(tag) =	ssettag s2;
	_ =	strace s9  }
0x27: {  	s1 =	sld [smem:$0x3FA3]  }
0x28: {  	s2 =	sld [smem:$0x3FA4]  }
0x29: {  	s4 =	sld [smem:$0x3FA6]  }
0x2a: {  	p0 =	seq.s32 s5, $0x0;
	s5 =	sld [smem:$0x3FA7]  }
0x2b: {  	s6 =	sld [smem:$0x3FA8]  }
0x2c: {  	s7 =	sld [smem:$0x3FA9]  }
0x2d: {  	s3 =	simm.s32 $0x108;
	s8 =	sld [smem:$0x3FAA]  }
0x2e: {  	s3 =	simm.s32 @!p0 $0x1082;
	s9 =	sld [smem:$0x3FAB]  }
0x2f: {  	lr =	sadd.s32 s0, s3;
	s0 =	sld [smem:$0x3FA2]  }
0x30: {  	s3 =	sld [smem:$0x3FA5]  }
0x31: {  	[smem:$0x3FAE] =	sst s10  }
0x32: {  	s10 =	sld [smem:$0x3FAC];
	_ =	sdelay $0x3  }
0x33: {  	p0 =	seq.s32 s10, $0x1;
	s10 =	sld [smem:$0x3FAE];
	_ =	sdelay $0x3  }
0x34: {  	[smem:$0x3FAE] =	sst s10  }
0x35: {  	s10 =	sld [smem:$0x3FAD];
	_ =	sdelay $0x3  }
0x36: {  	p1 =	seq.s32 s10, $0x1;
	s10 =	sld [smem:$0x3FAE];
	_ =	sdelay $0x3  }
0x37: {  	[smem:$0x3FAE] =	sst s10  }
0x38: {  	s10 =	sld [smem:$0x3FAF]  }
0x39: {  	_ = 	snop;
	(pc) =	sbr.ind lr, $3  }
0x3a: {  	_ = 	snop  }
0x3b: {  	_ = 	snop  }
0x3c: {  	p2 =	seq.s32 s10, $0x1;
	s10 =	sld [smem:$0x3FAE]  }
0x3d: {  	_ =	shalt  }
0x3e: {  	_ =	shalt  }
0x3f: {  	_ =	shalt  }
0x40: {  	_ =	shalt  }
0x41: {  	_ =	shalt  }
0x42: {  	_ =	shalt  }
0x43: {  	_ =	shalt  }
0x44: {  	_ =	shalt  }
0x45: {  	_ =	shalt  }
0x46: {  	_ =	shalt  }
0x47: {  	_ =	shalt  }
0x48: {  	_ =	shalt  }
0x49: {  	_ =	shalt  }
0x4a: {  	_ =	shalt  }
0x4b: {  	_ =	shalt  }
0x4c: {  	_ =	shalt  }
0x4d: {  	_ =	shalt  }
0x4e: {  	_ =	shalt  }
0x4f: {  	_ =	shalt  }
0x50: {  	_ =	shalt  }
0x51: {  	_ =	shalt  }
0x52: {  	_ =	shalt  }
0x53: {  	_ =	shalt  }
0x54: {  	_ =	shalt  }
0x55: {  	_ =	shalt  }
0x56: {  	_ =	shalt  }
0x57: {  	_ =	shalt  }
0x58: {  	_ =	shalt  }
0x59: {  	_ =	shalt  }
0x5a: {  	_ =	shalt  }
0x5b: {  	_ =	shalt  }
0x5c: {  	_ =	shalt  }
0x5d: {  	_ =	shalt  }
0x5e: {  	_ =	shalt  }
0x5f: {  	_ =	shalt  }
0x60: {  	_ =	shalt  }
0x61: {  	_ =	shalt  }
0x62: {  	_ =	shalt  }
0x63: {  	_ =	shalt  }
0x64: {  	_ =	shalt  }
0x65: {  	_ =	shalt  }
0x66: {  	_ =	shalt  }
0x67: {  	_ =	shalt  }
0x68: {  	_ =	shalt  }
0x69: {  	_ =	shalt  }
0x6a: {  	_ =	shalt  }
0x6b: {  	_ =	shalt  }
0x6c: {  	_ =	shalt  }
0x6d: {  	_ =	shalt  }
0x6e: {  	_ =	shalt  }
0x6f: {  	_ =	shalt  }
0x70: {  	_ =	shalt  }
0x71: {  	_ =	shalt  }
0x72: {  	_ =	shalt  }
0x73: {  	_ =	shalt  }
0x74: {  	_ =	shalt  }
0x75: {  	_ =	shalt  }
0x76: {  	_ =	shalt  }
0x77: {  	_ =	shalt  }
0x78: {  	_ =	shalt  }
0x79: {  	_ =	shalt  }
0x7a: {  	_ =	shalt  }
0x7b: {  	_ =	shalt  }
0x7c: {  	_ =	shalt  }
0x7d: {  	_ =	shalt  }
0x7e: {  	_ =	shalt  }
0x7f: {  	_ =	shalt  }
0x80: {  	_ =	shalt  }
0x81: {  	_ =	shalt  }
0x82: {  	_ =	shalt  }
0x83: {  	_ =	shalt  }
0x84: {  	_ =	shalt  }
0x85: {  	_ =	shalt  }
0x86: {  	_ =	shalt  }
0x87: {  	_ =	shalt  }
.Lfunc_end0:
.L_simem_size_0:
called_computation_lowered:
.L_overlay_start_0:
0x88: {  	s2 =	sld [smem:$0x3FD9]  }
0x89: {  	s3 =	sld [smem:$0x3FFE];
	_ =	sdelay $0x1  }
0x8a: {  	s1 =	srdreg.scid  }
0x8b: {  	s0 =	sand.u32 $0x1, s1  }
0x8c: {  	s14 =	sshll.u32 s0, $0xA;
	s2 =	sadd.s32 s3, s2  }
0x8d: {  	s2 =	sadd.s32 s2, s14  }
0x8e: {  	[smem:$0x3FBA] =	sst s2  }
0x8f: {  	_ = 	snop  }
0x90: {  	s2 =	sld [smem:$0x3FD0];
	_ =	sdelay $0x2  }
0x91: {  	s15 =	simm.s32 $0xA;
	s4 =	simm.s32 $0x10  }
0x92: {  	[smem:s4], [sflag:s15] =	dma.local [hbm:s2], $0x1  }
0x93: {  	_ =	swait.eq [sflag:s15], $0x1  }
0x94: {  	[sflag:s15] =	ssyncset.done $0x0  }
0x95: {  	[sflag:s15] =	ssyncadd.s32 $0xFFFFFFFF  }
0x96: {  	s16 =	sld [smem:$0x10];
	(tm) =	ssettm $0x1  }
0x97: {  	s17 =	sld [smem:$0x3FFB];
	_ =	sdelay $0x3  }
0x98: {  	_ =	strace s17  }
0x99: {  	s3 =	sld [smem:$0x3FFC];
	_ =	sdelay $0x3  }
0x9a: {  	_ =	strace s3  }
0x9b: {  	s3 =	sld [smem:$0x3FFD];
	_ =	sdelay $0x3  }
0x9c: {  	_ =	strace s3  }
0x9d: {  	_ =	strace $0x8FFFFFFF  }
0x9e: {  	s18 =	sld [smem:$0x3FDB];
	_ =	sdelay $0x1  }
0x9f: {  	s19 =	simm.s32 $_scs_section_size  }
0xa0: {  	s5 =	simm.s32 $_size__tile_overlayer_lowered;
	s6 =	simm.s32 $_tile_overlayer_lowered  }
0xa1: {  	s22 =	simm.s32 $0x1BFF;
	s21 =	sshll.u32 s6, $0x1;
	s3 =	sadd.s32 s19, s18  }
0xa2: {  	s7 =	simm.s32 $0x0;
	s20 =	sshll.u32 s5, $0x1;
	s5 =	sadd.s32 s21, s3  }
0xa3: {  	[timem:s7], [sflag:s22] =	dma.local [hbm:s5], s20  }
0xa4: {  	_ =	swait.ge [sflag:s22], s20  }
0xa5: {  	s4 =	ssub.s32 $0x0, s20;
	[sflag:s22] =	ssyncset.done $0x0  }
0xa6: {  	[sflag:s22] =	ssyncadd.s32 s4;
	_ =	sdelay $0x1  }
0xa7: {  	s23 =	simm.s32 $0x1B8B  }
0xa8: {  	_ =	swait.ge [sflag:s23], $0x1  }
0xa9: {  	[sflag:s23] =	ssyncset.done $0x0  }
0xaa: {  	s25 =	simm.s32 $0x1B8E;
	s24 =	sld [smem:$0x3FFE];
	[sflag:s23] =	ssyncadd.s32 $0xFFFFFFFF  }
0xab: {  	s26 =	simm.s32 $execute0_lowered;
	[smem:$0x3FD2] =	sst s25  }
0xac: {  	s5 =	sshll.u32 s26, $0x1;
	_ =	strace $0x80000046;
	[dreg:$0x1] =	wrdreg $0xFFFFFFFF  }
0xad: {  	s28 =	simm.s32 $_size_execute0_lowered;
	s3 =	sadd.s32 s3, s5;
	[dreg:$0x0] =	wrdreg $0x0  }
0xae: {  	s5 =	sshll.u32 s28, $0x1;
	[dreg:$0x2] =	wrdreg s3  }
0xaf: {  	[dreg:$0x3] =	wrdreg s5  }
0xb0: {  	[dreg:$0x4] =	wrdreg $0xC0  }
0xb1: {  	_ =	task [dreg:s7], $0x5FFFF  }
0xb2: {  	[dreg:$0x1] =	wrdreg $0xFFFFFFFF  }
0xb3: {  	[dreg:$0x0] =	wrdreg $0x60  }
0xb4: {  	[dreg:$0x2] =	wrdreg s24  }
0xb5: {  	[dreg:$0x3] =	wrdreg s16  }
0xb6: {  	[dreg:$0x4] =	wrdreg $0x0  }
0xb7: {  	[dreg:$0x5] =	wrdreg $0x140000  }
0xb8: {  	[dreg:$0x6] =	wrdreg $0x9  }
0xb9: {  	_ =	task.clear_ibuf [dreg:s7], $0x7FFFF;
	_ =	strace $0x90000046  }
0xba: {  	s29 =	simm.s32 $0x9;
	_ =	strace $0x80000048  }
0xbb: {  	_ =	swait.ge [sflag:s29], $0x1  }
0xbc: {  	[sflag:s29] =	ssyncadd.s32 $0xFFFFFFFF  }
0xbd: {  	_ =	strace $0x90000048  }
0xbe: {  	_ =	sfence  }
0xbf: {  	s30 =	sld [smem:$0x0];
	_ =	sdelay $0x2  }
0xc0: {  	s31 =	sshll.u32 s1, $0xD;
	s1 =	sshrl.u32 s1, $0x2  }
0xc1: {  	s3 =	sand.u32 $0x4000, s31;
	s1 =	sadd.s32 s1, s30  }
0xc2: {  	s0 =	sor.u32 s3, s0;
	s1 =	sshll.u32 s1, $0x11  }
0xc3: {  	s0 =	sor.u32 s1, s0  }
0xc4: {  	s0 =	sadd.s32 $0x8F2B, s0  }
0xc5: {  	[sflag:s0] =	ssyncadd.remote.s32 $0x1  }
0xc6: {  	_ =	sfence.sel $0xFFFF  }
0xc7: {  	[dreg:$0x0] =	wrdreg $0xFFFFFFFF;
	(pc) =	sbr.abs _section_cstart, $3  }
0xc8: {  	[dreg:$0x1] =	wrdreg $0xFFFFFFFF  }
0xc9: {  	_ =	task.clear_ibuf [dreg:s7], $0x2FFFF;
	_ =	strace $0x9FFFFFFF  }
0xca: {  	(tm) =	ssettm $0x7FFFFFFF  }
0xcb: {  	_ =	shalt  }
tec
execute0_lowered:
.L_overlay_start_1:
0x0: {  	(tag) =	ssettag $0x1  }
0x1: {  	s0 =	rddreg [dreg:$0x0]  }
0x2: {  	s4 =	rddreg [dreg:$0x1]  }
0x3: {  	s1 =	rddreg [dreg:$0x2]  }
0x4: {  	s2 =	rddreg [dreg:$0x3];
	s3 =	simm.s32 $0x0  }
0x5: {  	s6 =	srdreg.scid;
	s15 =	stileid.u32;
	s29 =	simm.s32 $0x14700  }
0x6: {  	s30 =	simm.s32 $0x3;
	s31 =	simm.s32 $0x1A700;
	[smem:$0x7FF] =	sst s3  }
0x7: {  	s5 =	sadd.s32 $0x2E00, s0;
	s9 =	sadd.s32 $0x2A000, s0;
	s12 =	smul.u32 $0x50000, s15  }
0x8: {  	s11 =	sand.u32 $0x1, s6;
	s6 =	sadd.s32 $0xA1800, s0;
	s21 =	smul.u32 $0x13C0, s15  }
0x9: {  	_ =	strace $0x80000047;
	s7 =	sshll.u32 s11, $0x4;
	s13 =	smul.u32 $0x5000, s11  }
0xa: {  	s8 =	ssub.s32 $0x2, s11;
	s18 =	smul.u32 $0x13C00, s11;
	s11 =	simm.s32 $0x14600  }
0xb: {  	s10 =	sor.u32 s15, s7;
	s24 =	sshrl.u32 s8, $0x1;
	s25 =	sshrl.u32 s12, $0x2  }
0xc: {  	s7 =	sadd.s32 $0x51800, s0;
	s0 =	ssub.s32 s8, s24;
	s16 =	sadd.s32 s25, s1  }
0xd: {  	s14 =	smul.u32 $0x13C0, s10;
	s0 =	smax.u32 s0, $0x1;
	[dreg:$0x5] =	wrdreg s16  }
0xe: {  	s8 =	smul.u32 $0x500, s15;
	s19 =	sadd.s32 $0x4000, s16;
	[dreg:$0xa] =	wrdreg s0  }
0xf: {  	s15 =	simm.s32 $0x14580;
	s20 =	sadd.s32 $0x6000, s16;
	[dreg:$0xc] =	wrdreg s19  }
0x10: {  	s22 =	sadd.s32 $0x8000, s16;
	s23 =	sadd.s32 $0xA000, s16;
	[dreg:$0xd] =	wrdreg s20  }
0x11: {  	s24 =	sadd.s32 $0xC000, s16;
	s25 =	sadd.s32 $0xE000, s16;
	[dreg:$0xe] =	wrdreg s22  }
0x12: {  	s26 =	sor.u32 $0x20, s14;
	s10 =	sadd.s32 s8, s2;
	[dreg:$0xf] =	wrdreg s23  }
0x13: {  	s17 =	sadd.s32 s4, s14;
	s13 =	sadd.s32 s8, s13;
	[dreg:$0x10] =	wrdreg s24  }
0x14: {  	s14 =	sadd.s32 s9, s14;
	s0 =	sadd.s32 s18, s9;
	[dreg:$0x11] =	wrdreg s25  }
0x15: {  	s19 =	simm.s32 $0x18700;
	s20 =	simm.s32 $0x0;
	[dreg:$0x6] =	wrdreg s17  }
0x16: {  	s28 =	sadd.s32 s4, s26;
	[dreg:$0x8] =	wrdreg s14;
	s12 =	sadd.s32 s9, s26  }
0x17: {  	v0 =	vimm.f32 $0.0e+00;
	v1 =	vimm.f32 $1.000000000e+00;
	v2 =	vimm.s32 $0x0;
	s17 =	sadd.s32 $0x2000, s16;
	s4 =	sadd.s32 s18, s4;
	[dreg:$0x7] =	wrdreg s28  }
0x18: {  	v3 =	vimm.s32 $0x1;
	v4 =	vimm.s32 $0x2;
	v5 =	vimm.s32 $0x3;
	s24 =	sadd.s32 s21, s0;
	s26 =	sadd.s32 $0x10000, s16;
	[dreg:$0x9] =	wrdreg s12  }
0x19: {  	v6 =	vimm.s32 $0x4;
	v7 =	vimm.s32 $0x5;
	v8 =	vimm.s32 $0x6;
	s0 =	simm.s32 $0x14500;
	s14 =	simm.s32 $0x1;
	[dreg:$0xb] =	wrdreg s17  }
0x1a: {  	v9 =	vimm.s32 $0x7;
	v10 =	vimm.s32 $0x8;
	v11 =	vimm.s32 $0x9;
	s18 =	simm.s32 $0x14680;
	s23 =	sadd.s32 s21, s4;
	[dreg:$0x12] =	wrdreg s26  }
0x1b: {  	v12 =	vimm.s32 $0xA;
	v13 =	vimm.s32 $0xB;
	v14 =	vimm.s32 $0xC;
	s28 =	sadd.s32 $0x12000, s16;
	s4 =	simm.s32 $0x80;
	s12 =	simm.s32 $0x16700  }
0x1c: {  	v15 =	vimm.s32 $0xD;
	v16 =	vimm.s32 $0xE;
	v17 =	vimm.s32 $0xF;
	s16 =	simm.s32 $0x1AC00;
	s17 =	simm.s32 $0x2;
	[dreg:$0x13] =	wrdreg s28  }
.LBB2_1:
0x1d: {  	s9 =	simm.s32 $0x0  }
.LBB2_2:
0x1e: {  	p0 =	sne.s32 s9, $0x7F00  }
.Ltmp0:
0x1f: {  	s21 =	sshra.s32 s9, $0x2;
	(pc) =	sbr.rel @p0 .LBB2_2-.Ltmp0, $4  }
0x20: {  	[tilespmem:s21+$0x14700] =	vst v0  }
0x21: {  	[tilespmem:s21+$0x14710] =	vst v0  }
0x22: {  	[tilespmem:s21+$0x14720] =	vst v0  }
0x23: {  	s9 =	sadd.s32 $0x100, s9;
	[tilespmem:s21+$0x14730] =	vst v0  }
0x24: {  	s9 =	simm.s32 $0x40;
	s21 =	simm.s32 $0x0  }
.LBB2_4:
0x25: {  	p0 =	sne.s32 s9, $0x13C0;
	[tilespmem:s21+$0x1A700] =	vst v0;
	s21 =	smov.u32 s9;
	s9 =	sadd.s32 $0x40, s9  }
.Ltmp1:
0x26: {  	(pc) =	sbr.rel @p0 .LBB2_4-.Ltmp1, $2  }
0x27: {  	_ =	sdelay $0x2  }
0x28: {  	s21 =	sshra.s32 s21, $0x2  }
0x29: {  	[tilespmem:s21+$0x1A700] =	vst v0  }
0x2a: {  	[tilespmem:$0x1AC00] =	vst v1  }
0x2b: {  	[tilespmem:$0x1AC10] =	vst v1  }
0x2c: {  	[tilespmem:$0x1AC20] =	vst v1  }
0x2d: {  	[tilespmem:$0x1AC30] =	vst v1  }
0x2e: {  	[tilespmem:$0x1AC40] =	vst v1  }
0x2f: {  	[tilespmem:$0x1AC50] =	vst v1  }
0x30: {  	[tilespmem:$0x1AC60] =	vst v1  }
0x31: {  	s9 =	rddreg [dreg:$0x5];
	[tilespmem:$0x1AC70] =	vst v1  }
0x32: {  	[spmem:s9] =	stream.linear.scatter [tilespmem:s29], [sflag:$0x3], $0x2000, $0x38;
	[tilespmem:$0x1AC80] =	vst v63  }
0x33: {  	_ =	swait.ge [sflag:s30], $0x2000  }
0x34: {  	[sflag:s30] =	ssyncset.done $0x0  }
0x35: {  	s25 =	rddreg [dreg:$0xb];
	[sflag:s30] =	ssyncadd.s32 $0xFFFFE000  }
0x36: {  	[spmem:s25] =	stream.linear.scatter [tilespmem:s29], [sflag:$0x3], $0x2000, $0x38;
	[tilespmem:$0x1AC80] =	vst v63  }
0x37: {  	_ =	swait.ge [sflag:s30], $0x2000  }
0x38: {  	[sflag:s30] =	ssyncset.done $0x0  }
0x39: {  	s26 =	rddreg [dreg:$0xc];
	[sflag:s30] =	ssyncadd.s32 $0xFFFFE000  }
0x3a: {  	[spmem:s26] =	stream.linear.scatter [tilespmem:s29], [sflag:$0x3], $0x2000, $0x38;
	[tilespmem:$0x1AC80] =	vst v63  }
0x3b: {  	_ =	swait.ge [sflag:s30], $0x2000  }
0x3c: {  	[sflag:s30] =	ssyncset.done $0x0  }
0x3d: {  	s28 =	rddreg [dreg:$0xd];
	[sflag:s30] =	ssyncadd.s32 $0xFFFFE000  }
0x3e: {  	[spmem:s28] =	stream.linear.scatter [tilespmem:s29], [sflag:$0x3], $0x2000, $0x38;
	[tilespmem:$0x1AC80] =	vst v63  }
0x3f: {  	_ =	swait.ge [sflag:s30], $0x2000  }
0x40: {  	[sflag:s30] =	ssyncset.done $0x0  }
0x41: {  	s21 =	rddreg [dreg:$0xe];
	[sflag:s30] =	ssyncadd.s32 $0xFFFFE000  }
0x42: {  	[spmem:s21] =	stream.linear.scatter [tilespmem:s29], [sflag:$0x3], $0x2000, $0x38;
	[tilespmem:$0x1AC80] =	vst v63  }
0x43: {  	_ =	swait.ge [sflag:s30], $0x2000  }
0x44: {  	[sflag:s30] =	ssyncset.done $0x0  }
0x45: {  	s22 =	rddreg [dreg:$0xf];
	[sflag:s30] =	ssyncadd.s32 $0xFFFFE000  }
0x46: {  	[spmem:s22] =	stream.linear.scatter [tilespmem:s29], [sflag:$0x3], $0x2000, $0x38;
	[tilespmem:$0x1AC80] =	vst v63  }
0x47: {  	_ =	swait.ge [sflag:s30], $0x2000  }
0x48: {  	[sflag:s30] =	ssyncset.done $0x0  }
0x49: {  	s25 =	rddreg [dreg:$0x10];
	[sflag:s30] =	ssyncadd.s32 $0xFFFFE000  }
0x4a: {  	[spmem:s25] =	stream.linear.scatter [tilespmem:s29], [sflag:$0x3], $0x2000, $0x38;
	[tilespmem:$0x1AC80] =	vst v63  }
0x4b: {  	_ =	swait.ge [sflag:s30], $0x2000  }
0x4c: {  	[sflag:s30] =	ssyncset.done $0x0  }
0x4d: {  	s26 =	rddreg [dreg:$0x11];
	[sflag:s30] =	ssyncadd.s32 $0xFFFFE000  }
0x4e: {  	[spmem:s26] =	stream.linear.scatter [tilespmem:s29], [sflag:$0x3], $0x2000, $0x38;
	[tilespmem:$0x1AC80] =	vst v63  }
0x4f: {  	_ =	swait.ge [sflag:s30], $0x2000  }
0x50: {  	[sflag:s30] =	ssyncset.done $0x0  }
0x51: {  	s28 =	rddreg [dreg:$0x12];
	[sflag:s30] =	ssyncadd.s32 $0xFFFFE000  }
0x52: {  	[spmem:s28] =	stream.linear.scatter [tilespmem:s29], [sflag:$0x3], $0x2000, $0x38;
	[tilespmem:$0x1AC80] =	vst v63  }
0x53: {  	_ =	swait.ge [sflag:s30], $0x2000  }
0x54: {  	[sflag:s30] =	ssyncset.done $0x0  }
0x55: {  	s21 =	rddreg [dreg:$0x13];
	[sflag:s30] =	ssyncadd.s32 $0xFFFFE000  }
0x56: {  	[spmem:s21] =	stream.linear.scatter [tilespmem:s29], [sflag:$0x3], $0x2000, $0x38;
	[tilespmem:$0x1AC80] =	vst v63  }
0x57: {  	_ =	swait.ge [sflag:s30], $0x2000  }
0x58: {  	[sflag:s30] =	ssyncset.done $0x0  }
0x59: {  	[sflag:s30] =	ssyncadd.s32 $0xFFFFE000  }
0x5a: {  	[spmem:s10] =	stream.linear.scatter [tilespmem:s31], [sflag:$0x3], $0x500, $0x38;
	[tilespmem:$0x1AC80] =	vst v63  }
0x5b: {  	_ =	swait.ge [sflag:s30], $0x500  }
0x5c: {  	[sflag:s30] =	ssyncset.done $0x0  }
0x5d: {  	[sflag:s30] =	ssyncadd.s32 $0xFFFFFB00  }
0x5e: {  	[bflag:$0x0] =	sbarrier.arrive $0xFFFF  }
0x5f: {  	s22 =	rddreg [dreg:$0x6]  }
0x60: {  	[tilespmem:s0], [sflag:$0x3] =	stream.linear.gather [hbm4b:s22+s3], $0x100, $0x38;
	[tilespmem:$0x1AC80] =	vst v63  }
0x61: {  	_ =	swait.ge [sflag:s30], $0x100  }
0x62: {  	[sflag:s30] =	ssyncset.done $0x0  }
0x63: {  	[sflag:s30] =	ssyncadd.s32 $0xFFFFFF00  }
0x64: {  	[tilespmem:s29], [sflag:$0x1] =	stream.indirect.gather [hbm4b:s5+s4], $0x40, s0, s4, $0xb8;
	[tilespmem:$0x1AC80] =	vst v63  }
0x65: {  	s25 =	rddreg [dreg:$0x7]  }
0x66: {  	[tilespmem:s11], [sflag:$0x3] =	stream.linear.gather [hbm4b:s25+s3], $0x100, $0x38;
	[tilespmem:$0x1AC80] =	vst v63  }
0x67: {  	_ =	swait.ge [sflag:s30], $0x100  }
0x68: {  	[sflag:s30] =	ssyncset.done $0x0  }
0x69: {  	[sflag:s30] =	ssyncadd.s32 $0xFFFFFF00  }
0x6a: {  	[tilespmem:s12], [sflag:$0x2] =	stream.indirect.gather [hbm4b:s5+s4], $0x40, s11, s4, $0xb8;
	[tilespmem:$0x1AC80] =	vst v63  }
0x6b: {  	_ =	swait.ge [sflag:s14], $0x2000  }
0x6c: {  	[sflag:s14] =	ssyncset.done $0x0  }
0x6d: {  	[sflag:s14] =	ssyncadd.s32 $0xFFFFE000  }
0x6e: {  	[spmem:s1] =	stream.indirect.scatter.add.f32 [tilespmem:s29], [sflag:$0x3], $0x40, s15, s4, $0xb8;
	[tilespmem:$0x1AC80] =	vst v63  }
0x6f: {  	_ =	swait.ge [sflag:s30], $0x2000  }
0x70: {  	[sflag:s30] =	ssyncset.done $0x0  }
0x71: {  	[sflag:s30] =	ssyncadd.s32 $0xFFFFE000  }
0x72: {  	[spmem:s2] =	stream.indirect.scatter.add.f32 [tilespmem:s16], [sflag:$0x3], $0x1, s15, s4, $0xb8;
	[tilespmem:$0x1AC80] =	vst v63  }
0x73: {  	_ =	swait.ge [sflag:s30], $0x80  }
0x74: {  	s26 =	sadd.s32 $0xFFFFEC80, s23;
	[sflag:s30] =	ssyncset.done $0x0  }
0x75: {  	s28 =	sadd.s32 $0x13C0, s26;
	[sflag:s30] =	ssyncadd.s32 $0xFFFFFF80  }
0x76: {  	[tilespmem:s0], [sflag:$0x3] =	stream.linear.gather [hbm4b:s28+s3], $0x100, $0x38;
	[tilespmem:$0x1AC80] =	vst v63  }
0x77: {  	_ =	swait.ge [sflag:s30], $0x100  }
0x78: {  	[sflag:s30] =	ssyncset.done $0x0  }
0x79: {  	[sflag:s30] =	ssyncadd.s32 $0xFFFFFF00  }
0x7a: {  	[tilespmem:s29], [sflag:$0x1] =	stream.indirect.gather [hbm4b:s5+s4], $0x40, s0, s4, $0xb8;
	[tilespmem:$0x1AC80] =	vst v63  }
0x7b: {  	_ =	swait.ge [sflag:s17], $0x2000  }
0x7c: {  	[sflag:s17] =	ssyncset.done $0x0  }
0x7d: {  	[sflag:s17] =	ssyncadd.s32 $0xFFFFE000  }
0x7e: {  	[spmem:s1] =	stream.indirect.scatter.add.f32 [tilespmem:s12], [sflag:$0x3], $0x40, s18, s4, $0xb8;
	[tilespmem:$0x1AC80] =	vst v63  }
0x7f: {  	_ =	swait.ge [sflag:s30], $0x2000  }
0x80: {  	[sflag:s30] =	ssyncset.done $0x0  }
0x81: {  	[sflag:s30] =	ssyncadd.s32 $0xFFFFE000  }
0x82: {  	[spmem:s2] =	stream.indirect.scatter.add.f32 [tilespmem:s16], [sflag:$0x3], $0x1, s18, s4, $0xb8;
	[tilespmem:$0x1AC80] =	vst v63  }
0x83: {  	_ =	swait.ge [sflag:s30], $0x80  }
0x84: {  	[sflag:s30] =	ssyncset.done $0x0  }
0x85: {  	s9 =	sadd.s32 $0x13E0, s26;
	[sflag:s30] =	ssyncadd.s32 $0xFFFFFF80  }
0x86: {  	[tilespmem:s11], [sflag:$0x3] =	stream.linear.gather [hbm4b:s9+s3], $0x100, $0x38;
	[tilespmem:$0x1AC80] =	vst v63  }
0x87: {  	_ =	swait.ge [sflag:s30], $0x100  }
0x88: {  	[sflag:s30] =	ssyncset.done $0x0  }
0x89: {  	s9 =	simm.s32 $0xFFFFECC0;
	[sflag:s30] =	ssyncadd.s32 $0xFFFFFF00  }
.LBB2_6:
0x8a: {  	[tilespmem:s12], [sflag:$0x2] =	stream.indirect.gather [hbm4b:s5+s4], $0x40, s11, s4, $0xb8;
	[tilespmem:$0x1AC80] =	vst v63  }
0x8b: {  	s21 =	smov.u32 s9  }
0x8c: {  	p0 =	sne.s32 s9, $0xFFFFFFC0;
	s9 =	sadd.s32 $0x40, s9;
	_ =	swait.ge [sflag:s14], $0x2000  }
0x8d: {  	[sflag:s14] =	ssyncset.done $0x0  }
0x8e: {  	[sflag:s14] =	ssyncadd.s32 $0xFFFFE000  }
0x8f: {  	[spmem:s1] =	stream.indirect.scatter.add.f32 [tilespmem:s29], [sflag:$0x3], $0x40, s15, s4, $0xb8;
	[tilespmem:$0x1AC80] =	vst v63  }
0x90: {  	_ =	swait.ge [sflag:s30], $0x2000  }
0x91: {  	[sflag:s30] =	ssyncset.done $0x0  }
0x92: {  	[sflag:s30] =	ssyncadd.s32 $0xFFFFE000  }
0x93: {  	[spmem:s2] =	stream.indirect.scatter.add.f32 [tilespmem:s16], [sflag:$0x3], $0x1, s15, s4, $0xb8;
	[tilespmem:$0x1AC80] =	vst v63  }
0x94: {  	_ =	swait.ge [sflag:s30], $0x80  }
0x95: {  	s21 =	sadd.s32 s21, s23;
	[sflag:s30] =	ssyncset.done $0x0  }
0x96: {  	s22 =	sadd.s32 $0x13C0, s21;
	[sflag:s30] =	ssyncadd.s32 $0xFFFFFF80  }
0x97: {  	[tilespmem:s0], [sflag:$0x3] =	stream.linear.gather [hbm4b:s22+s3], $0x100, $0x38;
	[tilespmem:$0x1AC80] =	vst v63  }
0x98: {  	_ =	swait.ge [sflag:s30], $0x100  }
0x99: {  	[sflag:s30] =	ssyncset.done $0x0  }
0x9a: {  	[sflag:s30] =	ssyncadd.s32 $0xFFFFFF00  }
0x9b: {  	[tilespmem:s29], [sflag:$0x1] =	stream.indirect.gather [hbm4b:s5+s4], $0x40, s0, s4, $0xb8;
	[tilespmem:$0x1AC80] =	vst v63  }
0x9c: {  	_ =	swait.ge [sflag:s17], $0x2000  }
0x9d: {  	[sflag:s17] =	ssyncset.done $0x0  }
0x9e: {  	[sflag:s17] =	ssyncadd.s32 $0xFFFFE000  }
0x9f: {  	[spmem:s1] =	stream.indirect.scatter.add.f32 [tilespmem:s12], [sflag:$0x3], $0x40, s18, s4, $0xb8;
	[tilespmem:$0x1AC80] =	vst v63  }
0xa0: {  	_ =	swait.ge [sflag:s30], $0x2000  }
0xa1: {  	[sflag:s30] =	ssyncset.done $0x0  }
0xa2: {  	[sflag:s30] =	ssyncadd.s32 $0xFFFFE000  }
0xa3: {  	[spmem:s2] =	stream.indirect.scatter.add.f32 [tilespmem:s16], [sflag:$0x3], $0x1, s18, s4, $0xb8;
	[tilespmem:$0x1AC80] =	vst v63  }
0xa4: {  	_ =	swait.ge [sflag:s30], $0x80  }
0xa5: {  	[sflag:s30] =	ssyncset.done $0x0  }
.Ltmp2:
0xa6: {  	s21 =	sadd.s32 $0x13E0, s21;
	[sflag:s30] =	ssyncadd.s32 $0xFFFFFF80;
	(pc) =	sbr.rel @p0 .LBB2_6-.Ltmp2, $4  }
0xa7: {  	[tilespmem:s11], [sflag:$0x3] =	stream.linear.gather [hbm4b:s21+s3], $0x100, $0x38;
	[tilespmem:$0x1AC80] =	vst v63  }
0xa8: {  	_ =	swait.ge [sflag:s30], $0x100  }
0xa9: {  	[sflag:s30] =	ssyncset.done $0x0  }
0xaa: {  	[sflag:s30] =	ssyncadd.s32 $0xFFFFFF00  }
0xab: {  	[tilespmem:s12], [sflag:$0x2] =	stream.indirect.gather [hbm4b:s5+s4], $0x40, s11, s4, $0xb8;
	[tilespmem:$0x1AC80] =	vst v63  }
0xac: {  	_ =	swait.ge [sflag:s14], $0x2000  }
0xad: {  	[sflag:s14] =	ssyncset.done $0x0  }
0xae: {  	[sflag:s14] =	ssyncadd.s32 $0xFFFFE000  }
0xaf: {  	[spmem:s1] =	stream.indirect.scatter.add.f32 [tilespmem:s29], [sflag:$0x3], $0x40, s15, s4, $0xb8;
	[tilespmem:$0x1AC80] =	vst v63  }
0xb0: {  	_ =	swait.ge [sflag:s30], $0x2000  }
0xb1: {  	[sflag:s30] =	ssyncset.done $0x0  }
0xb2: {  	[sflag:s30] =	ssyncadd.s32 $0xFFFFE000  }
0xb3: {  	[spmem:s2] =	stream.indirect.scatter.add.f32 [tilespmem:s16], [sflag:$0x3], $0x1, s15, s4, $0xb8;
	[tilespmem:$0x1AC80] =	vst v63  }
0xb4: {  	_ =	swait.ge [sflag:s30], $0x80  }
0xb5: {  	[sflag:s30] =	ssyncset.done $0x0  }
0xb6: {  	[sflag:s30] =	ssyncadd.s32 $0xFFFFFF80  }
0xb7: {  	_ =	swait.ge [sflag:s17], $0x2000  }
0xb8: {  	[sflag:s17] =	ssyncset.done $0x0  }
0xb9: {  	[sflag:s17] =	ssyncadd.s32 $0xFFFFE000  }
0xba: {  	[spmem:s1] =	stream.indirect.scatter.add.f32 [tilespmem:s12], [sflag:$0x3], $0x40, s18, s4, $0xb8;
	[tilespmem:$0x1AC80] =	vst v63  }
0xbb: {  	_ =	swait.ge [sflag:s30], $0x2000  }
0xbc: {  	[sflag:s30] =	ssyncset.done $0x0  }
0xbd: {  	[sflag:s30] =	ssyncadd.s32 $0xFFFFE000  }
0xbe: {  	[spmem:s2] =	stream.indirect.scatter.add.f32 [tilespmem:s16], [sflag:$0x3], $0x1, s18, s4, $0xb8;
	[tilespmem:$0x1AC80] =	vst v63  }
0xbf: {  	_ =	swait.ge [sflag:s30], $0x80  }
0xc0: {  	[sflag:s30] =	ssyncset.done $0x0  }
0xc1: {  	[sflag:s30] =	ssyncadd.s32 $0xFFFFFF80  }
0xc2: {  	s21 =	simm.s32 $0x100;
	s9 =	simm.s32 $0x0;
	[bflag:$0x0] =	sbarrier.arrive $0xFFFF  }
.LBB2_8:
0xc3: {  	p0 =	sne.s32 s21, $0x7F00;
	[tilespmem:s9+$0x14730] =	vst v0;
	s22 =	smov.u32 s21;
	s21 =	sadd.s32 $0x100, s21  }
.Ltmp3:
0xc4: {  	[tilespmem:s9+$0x14720] =	vst v0;
	(pc) =	sbr.rel @p0 .LBB2_8-.Ltmp3, $3  }
0xc5: {  	[tilespmem:s9+$0x14700] =	vst v0  }
0xc6: {  	[tilespmem:s9+$0x14710] =	vst v0;
	_ =	sdelay $0x1  }
0xc7: {  	s9 =	sshra.s32 s22, $0x2  }
0xc8: {  	[tilespmem:s9+$0x14730] =	vst v0  }
0xc9: {  	[tilespmem:s9+$0x14720] =	vst v0  }
0xca: {  	[tilespmem:s9+$0x14700] =	vst v0  }
0xcb: {  	[tilespmem:s9+$0x14710] =	vst v0  }
0xcc: {  	[tilespmem:s31], [sflag:$0x3] =	stream.linear.gather [spmem:s10], $0x500, $0x38;
	[tilespmem:$0x1AC80] =	vst v63  }
0xcd: {  	_ =	swait.ge [sflag:s30], $0x500  }
0xce: {  	s21 =	simm.s32 $0x0;
	[sflag:s30] =	ssyncset.done $0x0  }
0xcf: {  	s9 =	simm.s32 $0x0;
	s22 =	simm.s32 $0x40;
	[sflag:s30] =	ssyncadd.s32 $0xFFFFFB00  }
.LBB2_10:
0xd0: {  	p0 =	sne.s32 s22, $0x13C0;
	v18 =	vld [tilespmem:s9+$0x1A700];
	_ =	sdelay $0x4  }
0xd1: {  	(erf) = vrcp.f32 v18;
	_ =	sdelay $0x6  }
.Ltmp4:
0xd2: {  	(pc) =	sbr.rel @p0 .LBB2_10-.Ltmp4, $4  }
0xd3: {  	_ = 	snop  }
0xd4: {  	vm0 =	vgt.f32 v18, $0.0e+00;
	v18 =	vpop (erf)  }
0xd5: {  	v18 =	vnsel vm0, $0x0, v18  }
0xd6: {  	[tilespmem:s9+$0x1A700] =	vst v18;
	s9 =	sshra.s32 s22, $0x2;
	s22 =	sadd.s32 $0x40, s22  }
0xd7: {  	v18 =	vld [tilespmem:s9+$0x1A700];
	_ =	sdelay $0x4  }
0xd8: {  	(erf) = vrcp.f32 v18;
	_ =	sdelay $0x8  }
0xd9: {  	vm0 =	vgt.f32 v18, $0.0e+00;
	v18 =	vpop (erf)  }
0xda: {  	v18 =	vnsel vm0, $0x0, v18  }
0xdb: {  	s22 =	simm.s32 $0x1A700;
	[tilespmem:s9+$0x1A700] =	vst v18  }
.LBB2_12:
0xdc: {  	s26 =	sshll.u32 s21, $0x7  }
0xdd: {  	s9 =	sadd.s32 s8, s26  }
0xde: {  	s9 =	sshll.u32 s9, $0x6  }
0xdf: {  	s9 =	sand.u32 $0x3FFFFFC0, s9  }
0xe0: {  	s25 =	sadd.s32 s9, s1  }
0xe1: {  	v18 =	vmov s22;
	[tilespmem:s19], [sflag:$0x3] =	stream.linear.gather [spmem:s25], $0x2000, $0x38;
	[tilespmem:$0x1AC80] =	vst v63  }
0xe2: {  	_ =	swait.ge [sflag:s30], $0x2000  }
0xe3: {  	[sflag:s30] =	ssyncset.done $0x0  }
0xe4: {  	s28 =	simm.s32 $0x0;
	s9 =	simm.s32 $0x18900;
	[sflag:s30] =	ssyncadd.s32 $0xFFFFE000  }
.LBB2_13:
0xe5: {  	s31 =	sshra.s32 s28, $0x2  }
0xe6: {  	v19 =	vld.idx.msk [tilespmem:v18+s31+$0x0 ss:$0x1], $0xffff;
	_ =	sdelay $0x1  }
0xe7: {  	v20 =	vld [tilespmem:s9+$0xFFFFFE00];
	_ =	sdelay $0x2  }
0xe8: {  	v21 =	vperm.xlane v19, v2;
	_ =	sdelay $0x1  }
0xe9: {  	v20 =	vmul.f32 v20, v21;
	_ =	sdelay $0x1  }
0xea: {  	[tilespmem:s9+$0xFFFFFE00] =	vst v20;
	v20 =	vld [tilespmem:s9+$0xFFFFFE10];
	_ =	sdelay $0x4  }
0xeb: {  	v20 =	vmul.f32 v20, v21;
	_ =	sdelay $0x1  }
0xec: {  	[tilespmem:s9+$0xFFFFFE10] =	vst v20;
	v20 =	vld [tilespmem:s9+$0xFFFFFE20];
	_ =	sdelay $0x4  }
0xed: {  	v20 =	vmul.f32 v20, v21;
	_ =	sdelay $0x1  }
0xee: {  	[tilespmem:s9+$0xFFFFFE20] =	vst v20;
	v20 =	vld [tilespmem:s9+$0xFFFFFE30];
	_ =	sdelay $0x4  }
0xef: {  	v20 =	vmul.f32 v20, v21;
	_ =	sdelay $0x1  }
0xf0: {  	[tilespmem:s9+$0xFFFFFE30] =	vst v20;
	v20 =	vld [tilespmem:s9+$0xFFFFFE40];
	_ =	sdelay $0x2  }
0xf1: {  	v50 =	vperm.xlane v19, v3;
	_ =	sdelay $0x1  }
0xf2: {  	v20 =	vmul.f32 v20, v50;
	_ =	sdelay $0x1  }
0xf3: {  	[tilespmem:s9+$0xFFFFFE40] =	vst v20;
	v20 =	vld [tilespmem:s9+$0xFFFFFE50];
	_ =	sdelay $0x4  }
0xf4: {  	v20 =	vmul.f32 v20, v50;
	_ =	sdelay $0x1  }
0xf5: {  	[tilespmem:s9+$0xFFFFFE50] =	vst v20;
	v20 =	vld [tilespmem:s9+$0xFFFFFE60];
	_ =	sdelay $0x4  }
0xf6: {  	v20 =	vmul.f32 v20, v50;
	_ =	sdelay $0x1  }
0xf7: {  	[tilespmem:s9+$0xFFFFFE60] =	vst v20;
	v20 =	vld [tilespmem:s9+$0xFFFFFE70];
	_ =	sdelay $0x4  }
0xf8: {  	v20 =	vmul.f32 v20, v50;
	_ =	sdelay $0x1  }
0xf9: {  	[tilespmem:s9+$0xFFFFFE70] =	vst v20;
	v20 =	vld [tilespmem:s9+$0xFFFFFE80];
	_ =	sdelay $0x2  }
0xfa: {  	v51 =	vperm.xlane v19, v4;
	_ =	sdelay $0x1  }
0xfb: {  	v20 =	vmul.f32 v20, v51;
	_ =	sdelay $0x1  }
0xfc: {  	[tilespmem:s9+$0xFFFFFE80] =	vst v20;
	v20 =	vld [tilespmem:s9+$0xFFFFFE90];
	_ =	sdelay $0x4  }
0xfd: {  	v20 =	vmul.f32 v20, v51;
	_ =	sdelay $0x1  }
0xfe: {  	[tilespmem:s9+$0xFFFFFE90] =	vst v20;
	v20 =	vld [tilespmem:s9+$0xFFFFFEA0];
	_ =	sdelay $0x4  }
0xff: {  	v20 =	vmul.f32 v20, v51;
	_ =	sdelay $0x1  }
0x100: {  	[tilespmem:s9+$0xFFFFFEA0] =	vst v20;
	v20 =	vld [tilespmem:s9+$0xFFFFFEB0];
	_ =	sdelay $0x4  }
0x101: {  	v20 =	vmul.f32 v20, v51;
	_ =	sdelay $0x1  }
0x102: {  	[tilespmem:s9+$0xFFFFFEB0] =	vst v20;
	v20 =	vld [tilespmem:s9+$0xFFFFFEC0];
	_ =	sdelay $0x2  }
0x103: {  	v52 =	vperm.xlane v19, v5;
	_ =	sdelay $0x1  }
0x104: {  	v20 =	vmul.f32 v20, v52;
	_ =	sdelay $0x1  }
0x105: {  	[tilespmem:s9+$0xFFFFFEC0] =	vst v20;
	v20 =	vld [tilespmem:s9+$0xFFFFFED0];
	_ =	sdelay $0x4  }
0x106: {  	v20 =	vmul.f32 v20, v52;
	_ =	sdelay $0x1  }
0x107: {  	[tilespmem:s9+$0xFFFFFED0] =	vst v20;
	v20 =	vld [tilespmem:s9+$0xFFFFFEE0];
	_ =	sdelay $0x4  }
0x108: {  	v20 =	vmul.f32 v20, v52;
	_ =	sdelay $0x1  }
0x109: {  	[tilespmem:s9+$0xFFFFFEE0] =	vst v20;
	v20 =	vld [tilespmem:s9+$0xFFFFFEF0];
	_ =	sdelay $0x4  }
0x10a: {  	v20 =	vmul.f32 v20, v52;
	_ =	sdelay $0x1  }
0x10b: {  	[tilespmem:s9+$0xFFFFFEF0] =	vst v20;
	v20 =	vld [tilespmem:s9+$0xFFFFFF00];
	_ =	sdelay $0x2  }
0x10c: {  	v53 =	vperm.xlane v19, v6;
	_ =	sdelay $0x1  }
0x10d: {  	v20 =	vmul.f32 v20, v53;
	_ =	sdelay $0x1  }
0x10e: {  	[tilespmem:s9+$0xFFFFFF00] =	vst v20;
	v20 =	vld [tilespmem:s9+$0xFFFFFF10];
	_ =	sdelay $0x4  }
0x10f: {  	v20 =	vmul.f32 v20, v53;
	_ =	sdelay $0x1  }
0x110: {  	[tilespmem:s9+$0xFFFFFF10] =	vst v20;
	v20 =	vld [tilespmem:s9+$0xFFFFFF20];
	_ =	sdelay $0x4  }
0x111: {  	v20 =	vmul.f32 v20, v53;
	_ =	sdelay $0x1  }
0x112: {  	[tilespmem:s9+$0xFFFFFF20] =	vst v20;
	v20 =	vld [tilespmem:s9+$0xFFFFFF30];
	_ =	sdelay $0x4  }
0x113: {  	v20 =	vmul.f32 v20, v53;
	_ =	sdelay $0x1  }
0x114: {  	[tilespmem:s9+$0xFFFFFF30] =	vst v20;
	v20 =	vld [tilespmem:s9+$0xFFFFFF40];
	_ =	sdelay $0x2  }
0x115: {  	v54 =	vperm.xlane v19, v7;
	_ =	sdelay $0x1  }
0x116: {  	v20 =	vmul.f32 v20, v54;
	_ =	sdelay $0x1  }
0x117: {  	[tilespmem:s9+$0xFFFFFF40] =	vst v20;
	v20 =	vld [tilespmem:s9+$0xFFFFFF50];
	_ =	sdelay $0x4  }
0x118: {  	v20 =	vmul.f32 v20, v54;
	_ =	sdelay $0x1  }
0x119: {  	[tilespmem:s9+$0xFFFFFF50] =	vst v20;
	v20 =	vld [tilespmem:s9+$0xFFFFFF60];
	_ =	sdelay $0x4  }
0x11a: {  	v20 =	vmul.f32 v20, v54;
	_ =	sdelay $0x1  }
0x11b: {  	[tilespmem:s9+$0xFFFFFF60] =	vst v20;
	v20 =	vld [tilespmem:s9+$0xFFFFFF70];
	_ =	sdelay $0x4  }
0x11c: {  	v20 =	vmul.f32 v20, v54;
	_ =	sdelay $0x1  }
0x11d: {  	[tilespmem:s9+$0xFFFFFF70] =	vst v20;
	v20 =	vld [tilespmem:s9+$0xFFFFFF80];
	_ =	sdelay $0x2  }
0x11e: {  	v55 =	vperm.xlane v19, v8;
	_ =	sdelay $0x1  }
0x11f: {  	v20 =	vmul.f32 v20, v55;
	_ =	sdelay $0x1  }
0x120: {  	[tilespmem:s9+$0xFFFFFF80] =	vst v20;
	v20 =	vld [tilespmem:s9+$0xFFFFFF90];
	_ =	sdelay $0x4  }
0x121: {  	v20 =	vmul.f32 v20, v55;
	_ =	sdelay $0x1  }
0x122: {  	[tilespmem:s9+$0xFFFFFF90] =	vst v20;
	v20 =	vld [tilespmem:s9+$0xFFFFFFA0];
	_ =	sdelay $0x4  }
0x123: {  	v20 =	vmul.f32 v20, v55;
	_ =	sdelay $0x1  }
0x124: {  	[tilespmem:s9+$0xFFFFFFA0] =	vst v20;
	v20 =	vld [tilespmem:s9+$0xFFFFFFB0];
	_ =	sdelay $0x4  }
0x125: {  	v20 =	vmul.f32 v20, v55;
	_ =	sdelay $0x1  }
0x126: {  	[tilespmem:s9+$0xFFFFFFB0] =	vst v20;
	v20 =	vld [tilespmem:s9+$0xFFFFFFC0];
	_ =	sdelay $0x2  }
0x127: {  	v56 =	vperm.xlane v19, v9;
	_ =	sdelay $0x1  }
0x128: {  	v20 =	vmul.f32 v20, v56;
	_ =	sdelay $0x1  }
0x129: {  	[tilespmem:s9+$0xFFFFFFC0] =	vst v20;
	v20 =	vld [tilespmem:s9+$0xFFFFFFD0];
	_ =	sdelay $0x4  }
0x12a: {  	v20 =	vmul.f32 v20, v56;
	_ =	sdelay $0x1  }
0x12b: {  	[tilespmem:s9+$0xFFFFFFD0] =	vst v20;
	v20 =	vld [tilespmem:s9+$0xFFFFFFE0];
	_ =	sdelay $0x4  }
0x12c: {  	v20 =	vmul.f32 v20, v56;
	_ =	sdelay $0x1  }
0x12d: {  	[tilespmem:s9+$0xFFFFFFE0] =	vst v20;
	v20 =	vld [tilespmem:s9+$0xFFFFFFF0];
	_ =	sdelay $0x4  }
0x12e: {  	v20 =	vmul.f32 v20, v56;
	_ =	sdelay $0x1  }
0x12f: {  	[tilespmem:s9+$0xFFFFFFF0] =	vst v20;
	v20 =	vld [tilespmem:s9+$0x0];
	_ =	sdelay $0x2  }
0x130: {  	v57 =	vperm.xlane v19, v10;
	_ =	sdelay $0x1  }
0x131: {  	v20 =	vmul.f32 v20, v57;
	_ =	sdelay $0x1  }
0x132: {  	[tilespmem:s9+$0x0] =	vst v20;
	v20 =	vld [tilespmem:s9+$0x10];
	_ =	sdelay $0x4  }
0x133: {  	v20 =	vmul.f32 v20, v57;
	_ =	sdelay $0x1  }
0x134: {  	[tilespmem:s9+$0x10] =	vst v20;
	v20 =	vld [tilespmem:s9+$0x20];
	_ =	sdelay $0x4  }
0x135: {  	v20 =	vmul.f32 v20, v57;
	_ =	sdelay $0x1  }
0x136: {  	[tilespmem:s9+$0x20] =	vst v20;
	v20 =	vld [tilespmem:s9+$0x30];
	_ =	sdelay $0x4  }
0x137: {  	v20 =	vmul.f32 v20, v57;
	_ =	sdelay $0x1  }
0x138: {  	[tilespmem:s9+$0x30] =	vst v20;
	v20 =	vld [tilespmem:s9+$0x40];
	_ =	sdelay $0x2  }
0x139: {  	v58 =	vperm.xlane v19, v11;
	_ =	sdelay $0x1  }
0x13a: {  	v20 =	vmul.f32 v20, v58;
	_ =	sdelay $0x1  }
0x13b: {  	[tilespmem:s9+$0x40] =	vst v20;
	v20 =	vld [tilespmem:s9+$0x50];
	_ =	sdelay $0x4  }
0x13c: {  	v20 =	vmul.f32 v20, v58;
	_ =	sdelay $0x1  }
0x13d: {  	[tilespmem:s9+$0x50] =	vst v20;
	v20 =	vld [tilespmem:s9+$0x60];
	_ =	sdelay $0x4  }
0x13e: {  	v20 =	vmul.f32 v20, v58;
	_ =	sdelay $0x1  }
0x13f: {  	[tilespmem:s9+$0x60] =	vst v20;
	v20 =	vld [tilespmem:s9+$0x70];
	_ =	sdelay $0x4  }
0x140: {  	v20 =	vmul.f32 v20, v58;
	_ =	sdelay $0x1  }
0x141: {  	[tilespmem:s9+$0x70] =	vst v20;
	v20 =	vld [tilespmem:s9+$0x80];
	_ =	sdelay $0x2  }
0x142: {  	v59 =	vperm.xlane v19, v12;
	_ =	sdelay $0x1  }
0x143: {  	v20 =	vmul.f32 v20, v59;
	_ =	sdelay $0x1  }
0x144: {  	[tilespmem:s9+$0x80] =	vst v20;
	v20 =	vld [tilespmem:s9+$0x90];
	_ =	sdelay $0x4  }
0x145: {  	v20 =	vmul.f32 v20, v59;
	_ =	sdelay $0x1  }
0x146: {  	[tilespmem:s9+$0x90] =	vst v20;
	v20 =	vld [tilespmem:s9+$0xA0];
	_ =	sdelay $0x4  }
0x147: {  	v20 =	vmul.f32 v20, v59;
	_ =	sdelay $0x1  }
0x148: {  	[tilespmem:s9+$0xA0] =	vst v20;
	v20 =	vld [tilespmem:s9+$0xB0];
	_ =	sdelay $0x4  }
0x149: {  	v20 =	vmul.f32 v20, v59;
	_ =	sdelay $0x1  }
0x14a: {  	[tilespmem:s9+$0xB0] =	vst v20;
	v20 =	vld [tilespmem:s9+$0xC0];
	_ =	sdelay $0x2  }
0x14b: {  	v60 =	vperm.xlane v19, v13;
	_ =	sdelay $0x1  }
0x14c: {  	v20 =	vmul.f32 v20, v60;
	_ =	sdelay $0x1  }
0x14d: {  	[tilespmem:s9+$0xC0] =	vst v20;
	v20 =	vld [tilespmem:s9+$0xD0];
	_ =	sdelay $0x4  }
0x14e: {  	v20 =	vmul.f32 v20, v60;
	_ =	sdelay $0x1  }
0x14f: {  	[tilespmem:s9+$0xD0] =	vst v20;
	v20 =	vld [tilespmem:s9+$0xE0];
	_ =	sdelay $0x4  }
0x150: {  	v20 =	vmul.f32 v20, v60;
	_ =	sdelay $0x1  }
0x151: {  	[tilespmem:s9+$0xE0] =	vst v20;
	v20 =	vld [tilespmem:s9+$0xF0];
	_ =	sdelay $0x4  }
0x152: {  	v20 =	vmul.f32 v20, v60;
	_ =	sdelay $0x1  }
0x153: {  	[tilespmem:s9+$0xF0] =	vst v20;
	v20 =	vld [tilespmem:s9+$0x100];
	_ =	sdelay $0x2  }
0x154: {  	v61 =	vperm.xlane v19, v14;
	_ =	sdelay $0x1  }
0x155: {  	v20 =	vmul.f32 v20, v61;
	_ =	sdelay $0x1  }
0x156: {  	[tilespmem:s9+$0x100] =	vst v20;
	v20 =	vld [tilespmem:s9+$0x110];
	_ =	sdelay $0x4  }
0x157: {  	v20 =	vmul.f32 v20, v61;
	_ =	sdelay $0x1  }
0x158: {  	[tilespmem:s9+$0x110] =	vst v20;
	v20 =	vld [tilespmem:s9+$0x120];
	_ =	sdelay $0x4  }
0x159: {  	v20 =	vmul.f32 v20, v61;
	_ =	sdelay $0x1  }
0x15a: {  	[tilespmem:s9+$0x120] =	vst v20;
	v20 =	vld [tilespmem:s9+$0x130];
	_ =	sdelay $0x4  }
0x15b: {  	v20 =	vmul.f32 v20, v61;
	_ =	sdelay $0x1  }
0x15c: {  	[tilespmem:s9+$0x130] =	vst v20;
	v20 =	vld [tilespmem:s9+$0x140];
	_ =	sdelay $0x2  }
0x15d: {  	v62 =	vperm.xlane v19, v15;
	_ =	sdelay $0x1  }
0x15e: {  	v20 =	vmul.f32 v20, v62;
	_ =	sdelay $0x1  }
0x15f: {  	[tilespmem:s9+$0x140] =	vst v20;
	v20 =	vld [tilespmem:s9+$0x150];
	_ =	sdelay $0x4  }
0x160: {  	v20 =	vmul.f32 v20, v62;
	_ =	sdelay $0x1  }
0x161: {  	[tilespmem:s9+$0x150] =	vst v20;
	v20 =	vld [tilespmem:s9+$0x160];
	_ =	sdelay $0x4  }
0x162: {  	v20 =	vmul.f32 v20, v62;
	_ =	sdelay $0x1  }
0x163: {  	[tilespmem:s9+$0x160] =	vst v20;
	v20 =	vld [tilespmem:s9+$0x170];
	_ =	sdelay $0x4  }
0x164: {  	v20 =	vmul.f32 v20, v62;
	_ =	sdelay $0x1  }
0x165: {  	[tilespmem:s9+$0x170] =	vst v20;
	v20 =	vld [tilespmem:s9+$0x180];
	_ =	sdelay $0x2  }
0x166: {  	v63 =	vperm.xlane v19, v16;
	_ =	sdelay $0x1  }
0x167: {  	v20 =	vmul.f32 v20, v63;
	_ =	sdelay $0x1  }
0x168: {  	[tilespmem:s9+$0x180] =	vst v20;
	v20 =	vld [tilespmem:s9+$0x190];
	_ =	sdelay $0x4  }
0x169: {  	v20 =	vmul.f32 v20, v63;
	_ =	sdelay $0x1  }
0x16a: {  	[tilespmem:s9+$0x190] =	vst v20;
	v20 =	vld [tilespmem:s9+$0x1A0];
	_ =	sdelay $0x4  }
0x16b: {  	v20 =	vmul.f32 v20, v63;
	_ =	sdelay $0x1  }
0x16c: {  	[tilespmem:s9+$0x1A0] =	vst v20;
	v20 =	vld [tilespmem:s9+$0x1B0];
	_ =	sdelay $0x4  }
0x16d: {  	v20 =	vmul.f32 v20, v63;
	_ =	sdelay $0x1  }
0x16e: {  	[tilespmem:s9+$0x1B0] =	vst v20;
	v20 =	vld [tilespmem:s9+$0x1C0];
	_ =	sdelay $0x2  }
0x16f: {  	v19 =	vperm.xlane v19, v17;
	_ =	sdelay $0x1  }
0x170: {  	v20 =	vmul.f32 v20, v19;
	_ =	sdelay $0x1  }
0x171: {  	[tilespmem:s9+$0x1C0] =	vst v20;
	v20 =	vld [tilespmem:s9+$0x1D0];
	_ =	sdelay $0x4  }
0x172: {  	v20 =	vmul.f32 v20, v19;
	_ =	sdelay $0x1  }
0x173: {  	[tilespmem:s9+$0x1D0] =	vst v20;
	v20 =	vld [tilespmem:s9+$0x1E0];
	_ =	sdelay $0x4  }
0x174: {  	v20 =	vmul.f32 v20, v19;
	_ =	sdelay $0x1  }
0x175: {  	[tilespmem:s9+$0x1E0] =	vst v20;
	v20 =	vld [tilespmem:s9+$0x1F0];
	_ =	sdelay $0x1  }
0x176: {  	p0 =	sne.s32 s28, $0x1C0  }
.Ltmp5:
0x177: {  	_ = 	snop;
	(pc) =	sbr.rel @p0 .LBB2_13-.Ltmp5, $3  }
0x178: {  	_ = 	snop  }
0x179: {  	v19 =	vmul.f32 v20, v19;
	_ =	sdelay $0x1  }
0x17a: {  	s28 =	sadd.s32 $0x40, s28;
	[tilespmem:s9+$0x1F0] =	vst v19;
	s9 =	sadd.s32 $0x400, s9  }
0x17b: {  	s9 =	sadd.s32 s26, s13  }
0x17c: {  	s9 =	sshll.u32 s9, $0x3  }
0x17d: {  	s31 =	simm.s32 $0x0;
	s9 =	sadd.s32 s7, s9  }
0x17e: {  	[hbm4b:s9+s31] =	stream.linear.scatter [tilespmem:s19], [sflag:$0x3], $0x2000, $0x38;
	[tilespmem:$0x1AC80] =	vst v63  }
0x17f: {  	s21 =	sadd.s32 $0x1, s21;
	_ =	swait.ge [sflag:s30], $0x2000  }
0x180: {  	p0 =	sne.s32 s21, $0xA;
	[sflag:s30] =	ssyncset.done $0x0  }
.Ltmp6:
0x181: {  	[sflag:s30] =	ssyncadd.s32 $0xFFFFE000;
	(pc) =	sbr.rel @p0 .LBB2_12-.Ltmp6, $4  }
0x182: {  	[spmem:s25] =	stream.linear.scatter [tilespmem:s29], [sflag:$0x3], $0x2000, $0x38;
	[tilespmem:$0x1AC80] =	vst v63  }
0x183: {  	_ =	swait.ge [sflag:s30], $0x2000  }
0x184: {  	[sflag:s30] =	ssyncset.done $0x0  }
0x185: {  	s22 =	sadd.s32 $0x80, s22;
	[sflag:s30] =	ssyncadd.s32 $0xFFFFE000  }
0x186: {  	s9 =	simm.s32 $0x40;
	s21 =	simm.s32 $0x0  }
.LBB2_16:
0x187: {  	p0 =	sne.s32 s9, $0x13C0;
	[tilespmem:s21+$0x1A700] =	vst v0;
	s21 =	smov.u32 s9;
	s9 =	sadd.s32 $0x40, s9  }
.Ltmp7:
0x188: {  	(pc) =	sbr.rel @p0 .LBB2_16-.Ltmp7, $2  }
0x189: {  	_ =	sdelay $0x2  }
0x18a: {  	s21 =	sshra.s32 s21, $0x2  }
0x18b: {  	[tilespmem:s21+$0x1A700] =	vst v0;
	s31 =	simm.s32 $0x1A700  }
0x18c: {  	[spmem:s10] =	stream.linear.scatter [tilespmem:s31], [sflag:$0x3], $0x500, $0x38;
	[tilespmem:$0x1AC80] =	vst v63  }
0x18d: {  	_ =	swait.ge [sflag:s30], $0x500  }
0x18e: {  	[sflag:s30] =	ssyncset.done $0x0  }
0x18f: {  	[sflag:s30] =	ssyncadd.s32 $0xFFFFFB00  }
0x190: {  	[bflag:$0x0] =	sbarrier.arrive $0xFFFF  }
0x191: {  	s9 =	rddreg [dreg:$0x8]  }
0x192: {  	[tilespmem:s0], [sflag:$0x3] =	stream.linear.gather [hbm4b:s9+s3], $0x100, $0x38;
	[tilespmem:$0x1AC80] =	vst v63  }
0x193: {  	_ =	swait.ge [sflag:s30], $0x100  }
0x194: {  	[sflag:s30] =	ssyncset.done $0x0  }
0x195: {  	[sflag:s30] =	ssyncadd.s32 $0xFFFFFF00  }
0x196: {  	[tilespmem:s29], [sflag:$0x1] =	stream.indirect.gather [hbm4b:s7+s4], $0x40, s0, s4, $0xb8;
	[tilespmem:$0x1AC80] =	vst v63  }
0x197: {  	s25 =	rddreg [dreg:$0x9]  }
0x198: {  	[tilespmem:s11], [sflag:$0x3] =	stream.linear.gather [hbm4b:s25+s3], $0x100, $0x38;
	[tilespmem:$0x1AC80] =	vst v63  }
0x199: {  	_ =	swait.ge [sflag:s30], $0x100  }
0x19a: {  	[sflag:s30] =	ssyncset.done $0x0  }
0x19b: {  	[sflag:s30] =	ssyncadd.s32 $0xFFFFFF00  }
0x19c: {  	[tilespmem:s12], [sflag:$0x2] =	stream.indirect.gather [hbm4b:s7+s4], $0x40, s11, s4, $0xb8;
	[tilespmem:$0x1AC80] =	vst v63  }
0x19d: {  	_ =	swait.ge [sflag:s14], $0x2000  }
0x19e: {  	[sflag:s14] =	ssyncset.done $0x0  }
0x19f: {  	[sflag:s14] =	ssyncadd.s32 $0xFFFFE000  }
0x1a0: {  	[spmem:s1] =	stream.indirect.scatter.add.f32 [tilespmem:s29], [sflag:$0x3], $0x40, s15, s4, $0xb8;
	[tilespmem:$0x1AC80] =	vst v63  }
0x1a1: {  	_ =	swait.ge [sflag:s30], $0x2000  }
0x1a2: {  	[sflag:s30] =	ssyncset.done $0x0  }
0x1a3: {  	[sflag:s30] =	ssyncadd.s32 $0xFFFFE000  }
0x1a4: {  	[spmem:s2] =	stream.indirect.scatter.add.f32 [tilespmem:s16], [sflag:$0x3], $0x1, s15, s4, $0xb8;
	[tilespmem:$0x1AC80] =	vst v63  }
0x1a5: {  	_ =	swait.ge [sflag:s30], $0x80  }
0x1a6: {  	s26 =	sadd.s32 $0xFFFFEC80, s24;
	[sflag:s30] =	ssyncset.done $0x0  }
0x1a7: {  	s28 =	sadd.s32 $0x13C0, s26;
	[sflag:s30] =	ssyncadd.s32 $0xFFFFFF80  }
0x1a8: {  	[tilespmem:s0], [sflag:$0x3] =	stream.linear.gather [hbm4b:s28+s3], $0x100, $0x38;
	[tilespmem:$0x1AC80] =	vst v63  }
0x1a9: {  	_ =	swait.ge [sflag:s30], $0x100  }
0x1aa: {  	[sflag:s30] =	ssyncset.done $0x0  }
0x1ab: {  	[sflag:s30] =	ssyncadd.s32 $0xFFFFFF00  }
0x1ac: {  	[tilespmem:s29], [sflag:$0x1] =	stream.indirect.gather [hbm4b:s7+s4], $0x40, s0, s4, $0xb8;
	[tilespmem:$0x1AC80] =	vst v63  }
0x1ad: {  	_ =	swait.ge [sflag:s17], $0x2000  }
0x1ae: {  	[sflag:s17] =	ssyncset.done $0x0  }
0x1af: {  	[sflag:s17] =	ssyncadd.s32 $0xFFFFE000  }
0x1b0: {  	[spmem:s1] =	stream.indirect.scatter.add.f32 [tilespmem:s12], [sflag:$0x3], $0x40, s18, s4, $0xb8;
	[tilespmem:$0x1AC80] =	vst v63  }
0x1b1: {  	_ =	swait.ge [sflag:s30], $0x2000  }
0x1b2: {  	[sflag:s30] =	ssyncset.done $0x0  }
0x1b3: {  	[sflag:s30] =	ssyncadd.s32 $0xFFFFE000  }
0x1b4: {  	[spmem:s2] =	stream.indirect.scatter.add.f32 [tilespmem:s16], [sflag:$0x3], $0x1, s18, s4, $0xb8;
	[tilespmem:$0x1AC80] =	vst v63  }
0x1b5: {  	_ =	swait.ge [sflag:s30], $0x80  }
0x1b6: {  	[sflag:s30] =	ssyncset.done $0x0  }
0x1b7: {  	s9 =	sadd.s32 $0x13E0, s26;
	[sflag:s30] =	ssyncadd.s32 $0xFFFFFF80  }
0x1b8: {  	[tilespmem:s11], [sflag:$0x3] =	stream.linear.gather [hbm4b:s9+s3], $0x100, $0x38;
	[tilespmem:$0x1AC80] =	vst v63  }
0x1b9: {  	_ =	swait.ge [sflag:s30], $0x100  }
0x1ba: {  	[sflag:s30] =	ssyncset.done $0x0  }
0x1bb: {  	s9 =	simm.s32 $0xFFFFECC0;
	[sflag:s30] =	ssyncadd.s32 $0xFFFFFF00  }
.LBB2_18:
0x1bc: {  	[tilespmem:s12], [sflag:$0x2] =	stream.indirect.gather [hbm4b:s7+s4], $0x40, s11, s4, $0xb8;
	[tilespmem:$0x1AC80] =	vst v63  }
0x1bd: {  	s21 =	smov.u32 s9  }
0x1be: {  	p0 =	sne.s32 s9, $0xFFFFFFC0;
	s9 =	sadd.s32 $0x40, s9;
	_ =	swait.ge [sflag:s14], $0x2000  }
0x1bf: {  	[sflag:s14] =	ssyncset.done $0x0  }
0x1c0: {  	[sflag:s14] =	ssyncadd.s32 $0xFFFFE000  }
0x1c1: {  	[spmem:s1] =	stream.indirect.scatter.add.f32 [tilespmem:s29], [sflag:$0x3], $0x40, s15, s4, $0xb8;
	[tilespmem:$0x1AC80] =	vst v63  }
0x1c2: {  	_ =	swait.ge [sflag:s30], $0x2000  }
0x1c3: {  	[sflag:s30] =	ssyncset.done $0x0  }
0x1c4: {  	[sflag:s30] =	ssyncadd.s32 $0xFFFFE000  }
0x1c5: {  	[spmem:s2] =	stream.indirect.scatter.add.f32 [tilespmem:s16], [sflag:$0x3], $0x1, s15, s4, $0xb8;
	[tilespmem:$0x1AC80] =	vst v63  }
0x1c6: {  	_ =	swait.ge [sflag:s30], $0x80  }
0x1c7: {  	s21 =	sadd.s32 s21, s24;
	[sflag:s30] =	ssyncset.done $0x0  }
0x1c8: {  	s22 =	sadd.s32 $0x13C0, s21;
	[sflag:s30] =	ssyncadd.s32 $0xFFFFFF80  }
0x1c9: {  	[tilespmem:s0], [sflag:$0x3] =	stream.linear.gather [hbm4b:s22+s3], $0x100, $0x38;
	[tilespmem:$0x1AC80] =	vst v63  }
0x1ca: {  	_ =	swait.ge [sflag:s30], $0x100  }
0x1cb: {  	[sflag:s30] =	ssyncset.done $0x0  }
0x1cc: {  	[sflag:s30] =	ssyncadd.s32 $0xFFFFFF00  }
0x1cd: {  	[tilespmem:s29], [sflag:$0x1] =	stream.indirect.gather [hbm4b:s7+s4], $0x40, s0, s4, $0xb8;
	[tilespmem:$0x1AC80] =	vst v63  }
0x1ce: {  	_ =	swait.ge [sflag:s17], $0x2000  }
0x1cf: {  	[sflag:s17] =	ssyncset.done $0x0  }
0x1d0: {  	[sflag:s17] =	ssyncadd.s32 $0xFFFFE000  }
0x1d1: {  	[spmem:s1] =	stream.indirect.scatter.add.f32 [tilespmem:s12], [sflag:$0x3], $0x40, s18, s4, $0xb8;
	[tilespmem:$0x1AC80] =	vst v63  }
0x1d2: {  	_ =	swait.ge [sflag:s30], $0x2000  }
0x1d3: {  	[sflag:s30] =	ssyncset.done $0x0  }
0x1d4: {  	[sflag:s30] =	ssyncadd.s32 $0xFFFFE000  }
0x1d5: {  	[spmem:s2] =	stream.indirect.scatter.add.f32 [tilespmem:s16], [sflag:$0x3], $0x1, s18, s4, $0xb8;
	[tilespmem:$0x1AC80] =	vst v63  }
0x1d6: {  	_ =	swait.ge [sflag:s30], $0x80  }
0x1d7: {  	[sflag:s30] =	ssyncset.done $0x0  }
.Ltmp8:
0x1d8: {  	s21 =	sadd.s32 $0x13E0, s21;
	[sflag:s30] =	ssyncadd.s32 $0xFFFFFF80;
	(pc) =	sbr.rel @p0 .LBB2_18-.Ltmp8, $4  }
0x1d9: {  	[tilespmem:s11], [sflag:$0x3] =	stream.linear.gather [hbm4b:s21+s3], $0x100, $0x38;
	[tilespmem:$0x1AC80] =	vst v63  }
0x1da: {  	_ =	swait.ge [sflag:s30], $0x100  }
0x1db: {  	[sflag:s30] =	ssyncset.done $0x0  }
0x1dc: {  	[sflag:s30] =	ssyncadd.s32 $0xFFFFFF00  }
0x1dd: {  	[tilespmem:s12], [sflag:$0x2] =	stream.indirect.gather [hbm4b:s7+s4], $0x40, s11, s4, $0xb8;
	[tilespmem:$0x1AC80] =	vst v63  }
0x1de: {  	_ =	swait.ge [sflag:s14], $0x2000  }
0x1df: {  	[sflag:s14] =	ssyncset.done $0x0  }
0x1e0: {  	[sflag:s14] =	ssyncadd.s32 $0xFFFFE000  }
0x1e1: {  	[spmem:s1] =	stream.indirect.scatter.add.f32 [tilespmem:s29], [sflag:$0x3], $0x40, s15, s4, $0xb8;
	[tilespmem:$0x1AC80] =	vst v63  }
0x1e2: {  	_ =	swait.ge [sflag:s30], $0x2000  }
0x1e3: {  	[sflag:s30] =	ssyncset.done $0x0  }
0x1e4: {  	[sflag:s30] =	ssyncadd.s32 $0xFFFFE000  }
0x1e5: {  	[spmem:s2] =	stream.indirect.scatter.add.f32 [tilespmem:s16], [sflag:$0x3], $0x1, s15, s4, $0xb8;
	[tilespmem:$0x1AC80] =	vst v63  }
0x1e6: {  	_ =	swait.ge [sflag:s30], $0x80  }
0x1e7: {  	[sflag:s30] =	ssyncset.done $0x0  }
0x1e8: {  	[sflag:s30] =	ssyncadd.s32 $0xFFFFFF80  }
0x1e9: {  	_ =	swait.ge [sflag:s17], $0x2000  }
0x1ea: {  	[sflag:s17] =	ssyncset.done $0x0  }
0x1eb: {  	[sflag:s17] =	ssyncadd.s32 $0xFFFFE000  }
0x1ec: {  	[spmem:s1] =	stream.indirect.scatter.add.f32 [tilespmem:s12], [sflag:$0x3], $0x40, s18, s4, $0xb8;
	[tilespmem:$0x1AC80] =	vst v63  }
0x1ed: {  	_ =	swait.ge [sflag:s30], $0x2000  }
0x1ee: {  	[sflag:s30] =	ssyncset.done $0x0  }
0x1ef: {  	[sflag:s30] =	ssyncadd.s32 $0xFFFFE000  }
0x1f0: {  	[spmem:s2] =	stream.indirect.scatter.add.f32 [tilespmem:s16], [sflag:$0x3], $0x1, s18, s4, $0xb8;
	[tilespmem:$0x1AC80] =	vst v63  }
0x1f1: {  	_ =	swait.ge [sflag:s30], $0x80  }
0x1f2: {  	[sflag:s30] =	ssyncset.done $0x0  }
0x1f3: {  	[sflag:s30] =	ssyncadd.s32 $0xFFFFFF80  }
0x1f4: {  	[bflag:$0x0] =	sbarrier.arrive $0xFFFF  }
0x1f5: {  	[tilespmem:s31], [sflag:$0x3] =	stream.linear.gather [spmem:s10], $0x500, $0x38;
	[tilespmem:$0x1AC80] =	vst v63  }
0x1f6: {  	_ =	swait.ge [sflag:s30], $0x500  }
0x1f7: {  	s21 =	simm.s32 $0x0;
	[sflag:s30] =	ssyncset.done $0x0  }
0x1f8: {  	s9 =	simm.s32 $0x0;
	s22 =	simm.s32 $0x40;
	[sflag:s30] =	ssyncadd.s32 $0xFFFFFB00  }
.LBB2_20:
0x1f9: {  	p0 =	sne.s32 s22, $0x13C0;
	v18 =	vld [tilespmem:s9+$0x1A700];
	_ =	sdelay $0x4  }
0x1fa: {  	(erf) = vrcp.f32 v18;
	_ =	sdelay $0x6  }
.Ltmp9:
0x1fb: {  	(pc) =	sbr.rel @p0 .LBB2_20-.Ltmp9, $4  }
0x1fc: {  	_ = 	snop  }
0x1fd: {  	vm0 =	vgt.f32 v18, $0.0e+00;
	v18 =	vpop (erf)  }
0x1fe: {  	v18 =	vnsel vm0, $0x0, v18  }
0x1ff: {  	[tilespmem:s9+$0x1A700] =	vst v18;
	s9 =	sshra.s32 s22, $0x2;
	s22 =	sadd.s32 $0x40, s22  }
0x200: {  	v18 =	vld [tilespmem:s9+$0x1A700];
	_ =	sdelay $0x4  }
0x201: {  	(erf) = vrcp.f32 v18;
	_ =	sdelay $0x8  }
0x202: {  	vm0 =	vgt.f32 v18, $0.0e+00;
	v18 =	vpop (erf)  }
0x203: {  	v18 =	vnsel vm0, $0x0, v18  }
0x204: {  	s22 =	simm.s32 $0x1A700;
	[tilespmem:s9+$0x1A700] =	vst v18  }
.LBB2_22:
0x205: {  	s25 =	sshll.u32 s21, $0x7  }
0x206: {  	s9 =	sadd.s32 s8, s25  }
0x207: {  	s9 =	sshll.u32 s9, $0x6  }
0x208: {  	s9 =	sand.u32 $0x3FFFFFC0, s9  }
0x209: {  	s9 =	sadd.s32 s9, s1  }
0x20a: {  	v18 =	vmov s22;
	[tilespmem:s19], [sflag:$0x3] =	stream.linear.gather [spmem:s9], $0x2000, $0x38;
	[tilespmem:$0x1AC80] =	vst v63  }
0x20b: {  	_ =	swait.ge [sflag:s30], $0x2000  }
0x20c: {  	[sflag:s30] =	ssyncset.done $0x0  }
0x20d: {  	s26 =	simm.s32 $0x0;
	s9 =	simm.s32 $0x18900;
	[sflag:s30] =	ssyncadd.s32 $0xFFFFE000  }
.LBB2_23:
0x20e: {  	s28 =	sshra.s32 s26, $0x2  }
0x20f: {  	v19 =	vld.idx.msk [tilespmem:v18+s28+$0x0 ss:$0x1], $0xffff;
	_ =	sdelay $0x1  }
0x210: {  	v20 =	vld [tilespmem:s9+$0xFFFFFE00];
	_ =	sdelay $0x2  }
0x211: {  	v21 =	vperm.xlane v19, v2;
	_ =	sdelay $0x1  }
0x212: {  	v20 =	vmul.f32 v20, v21;
	_ =	sdelay $0x1  }
0x213: {  	[tilespmem:s9+$0xFFFFFE00] =	vst v20;
	v20 =	vld [tilespmem:s9+$0xFFFFFE10];
	_ =	sdelay $0x4  }
0x214: {  	v20 =	vmul.f32 v20, v21;
	_ =	sdelay $0x1  }
0x215: {  	[tilespmem:s9+$0xFFFFFE10] =	vst v20;
	v20 =	vld [tilespmem:s9+$0xFFFFFE20];
	_ =	sdelay $0x4  }
0x216: {  	v20 =	vmul.f32 v20, v21;
	_ =	sdelay $0x1  }
0x217: {  	[tilespmem:s9+$0xFFFFFE20] =	vst v20;
	v20 =	vld [tilespmem:s9+$0xFFFFFE30];
	_ =	sdelay $0x4  }
0x218: {  	v20 =	vmul.f32 v20, v21;
	_ =	sdelay $0x1  }
0x219: {  	[tilespmem:s9+$0xFFFFFE30] =	vst v20;
	v20 =	vld [tilespmem:s9+$0xFFFFFE40];
	_ =	sdelay $0x2  }
0x21a: {  	v50 =	vperm.xlane v19, v3;
	_ =	sdelay $0x1  }
0x21b: {  	v20 =	vmul.f32 v20, v50;
	_ =	sdelay $0x1  }
0x21c: {  	[tilespmem:s9+$0xFFFFFE40] =	vst v20;
	v20 =	vld [tilespmem:s9+$0xFFFFFE50];
	_ =	sdelay $0x4  }
0x21d: {  	v20 =	vmul.f32 v20, v50;
	_ =	sdelay $0x1  }
0x21e: {  	[tilespmem:s9+$0xFFFFFE50] =	vst v20;
	v20 =	vld [tilespmem:s9+$0xFFFFFE60];
	_ =	sdelay $0x4  }
0x21f: {  	v20 =	vmul.f32 v20, v50;
	_ =	sdelay $0x1  }
0x220: {  	[tilespmem:s9+$0xFFFFFE60] =	vst v20;
	v20 =	vld [tilespmem:s9+$0xFFFFFE70];
	_ =	sdelay $0x4  }
0x221: {  	v20 =	vmul.f32 v20, v50;
	_ =	sdelay $0x1  }
0x222: {  	[tilespmem:s9+$0xFFFFFE70] =	vst v20;
	v20 =	vld [tilespmem:s9+$0xFFFFFE80];
	_ =	sdelay $0x2  }
0x223: {  	v51 =	vperm.xlane v19, v4;
	_ =	sdelay $0x1  }
0x224: {  	v20 =	vmul.f32 v20, v51;
	_ =	sdelay $0x1  }
0x225: {  	[tilespmem:s9+$0xFFFFFE80] =	vst v20;
	v20 =	vld [tilespmem:s9+$0xFFFFFE90];
	_ =	sdelay $0x4  }
0x226: {  	v20 =	vmul.f32 v20, v51;
	_ =	sdelay $0x1  }
0x227: {  	[tilespmem:s9+$0xFFFFFE90] =	vst v20;
	v20 =	vld [tilespmem:s9+$0xFFFFFEA0];
	_ =	sdelay $0x4  }
0x228: {  	v20 =	vmul.f32 v20, v51;
	_ =	sdelay $0x1  }
0x229: {  	[tilespmem:s9+$0xFFFFFEA0] =	vst v20;
	v20 =	vld [tilespmem:s9+$0xFFFFFEB0];
	_ =	sdelay $0x4  }
0x22a: {  	v20 =	vmul.f32 v20, v51;
	_ =	sdelay $0x1  }
0x22b: {  	[tilespmem:s9+$0xFFFFFEB0] =	vst v20;
	v20 =	vld [tilespmem:s9+$0xFFFFFEC0];
	_ =	sdelay $0x2  }
0x22c: {  	v52 =	vperm.xlane v19, v5;
	_ =	sdelay $0x1  }
0x22d: {  	v20 =	vmul.f32 v20, v52;
	_ =	sdelay $0x1  }
0x22e: {  	[tilespmem:s9+$0xFFFFFEC0] =	vst v20;
	v20 =	vld [tilespmem:s9+$0xFFFFFED0];
	_ =	sdelay $0x4  }
0x22f: {  	v20 =	vmul.f32 v20, v52;
	_ =	sdelay $0x1  }
0x230: {  	[tilespmem:s9+$0xFFFFFED0] =	vst v20;
	v20 =	vld [tilespmem:s9+$0xFFFFFEE0];
	_ =	sdelay $0x4  }
0x231: {  	v20 =	vmul.f32 v20, v52;
	_ =	sdelay $0x1  }
0x232: {  	[tilespmem:s9+$0xFFFFFEE0] =	vst v20;
	v20 =	vld [tilespmem:s9+$0xFFFFFEF0];
	_ =	sdelay $0x4  }
0x233: {  	v20 =	vmul.f32 v20, v52;
	_ =	sdelay $0x1  }
0x234: {  	[tilespmem:s9+$0xFFFFFEF0] =	vst v20;
	v20 =	vld [tilespmem:s9+$0xFFFFFF00];
	_ =	sdelay $0x2  }
0x235: {  	v53 =	vperm.xlane v19, v6;
	_ =	sdelay $0x1  }
0x236: {  	v20 =	vmul.f32 v20, v53;
	_ =	sdelay $0x1  }
0x237: {  	[tilespmem:s9+$0xFFFFFF00] =	vst v20;
	v20 =	vld [tilespmem:s9+$0xFFFFFF10];
	_ =	sdelay $0x4  }
0x238: {  	v20 =	vmul.f32 v20, v53;
	_ =	sdelay $0x1  }
0x239: {  	[tilespmem:s9+$0xFFFFFF10] =	vst v20;
	v20 =	vld [tilespmem:s9+$0xFFFFFF20];
	_ =	sdelay $0x4  }
0x23a: {  	v20 =	vmul.f32 v20, v53;
	_ =	sdelay $0x1  }
0x23b: {  	[tilespmem:s9+$0xFFFFFF20] =	vst v20;
	v20 =	vld [tilespmem:s9+$0xFFFFFF30];
	_ =	sdelay $0x4  }
0x23c: {  	v20 =	vmul.f32 v20, v53;
	_ =	sdelay $0x1  }
0x23d: {  	[tilespmem:s9+$0xFFFFFF30] =	vst v20;
	v20 =	vld [tilespmem:s9+$0xFFFFFF40];
	_ =	sdelay $0x2  }
0x23e: {  	v54 =	vperm.xlane v19, v7;
	_ =	sdelay $0x1  }
0x23f: {  	v20 =	vmul.f32 v20, v54;
	_ =	sdelay $0x1  }
0x240: {  	[tilespmem:s9+$0xFFFFFF40] =	vst v20;
	v20 =	vld [tilespmem:s9+$0xFFFFFF50];
	_ =	sdelay $0x4  }
0x241: {  	v20 =	vmul.f32 v20, v54;
	_ =	sdelay $0x1  }
0x242: {  	[tilespmem:s9+$0xFFFFFF50] =	vst v20;
	v20 =	vld [tilespmem:s9+$0xFFFFFF60];
	_ =	sdelay $0x4  }
0x243: {  	v20 =	vmul.f32 v20, v54;
	_ =	sdelay $0x1  }
0x244: {  	[tilespmem:s9+$0xFFFFFF60] =	vst v20;
	v20 =	vld [tilespmem:s9+$0xFFFFFF70];
	_ =	sdelay $0x4  }
0x245: {  	v20 =	vmul.f32 v20, v54;
	_ =	sdelay $0x1  }
0x246: {  	[tilespmem:s9+$0xFFFFFF70] =	vst v20;
	v20 =	vld [tilespmem:s9+$0xFFFFFF80];
	_ =	sdelay $0x2  }
0x247: {  	v55 =	vperm.xlane v19, v8;
	_ =	sdelay $0x1  }
0x248: {  	v20 =	vmul.f32 v20, v55;
	_ =	sdelay $0x1  }
0x249: {  	[tilespmem:s9+$0xFFFFFF80] =	vst v20;
	v20 =	vld [tilespmem:s9+$0xFFFFFF90];
	_ =	sdelay $0x4  }
0x24a: {  	v20 =	vmul.f32 v20, v55;
	_ =	sdelay $0x1  }
0x24b: {  	[tilespmem:s9+$0xFFFFFF90] =	vst v20;
	v20 =	vld [tilespmem:s9+$0xFFFFFFA0];
	_ =	sdelay $0x4  }
0x24c: {  	v20 =	vmul.f32 v20, v55;
	_ =	sdelay $0x1  }
0x24d: {  	[tilespmem:s9+$0xFFFFFFA0] =	vst v20;
	v20 =	vld [tilespmem:s9+$0xFFFFFFB0];
	_ =	sdelay $0x4  }
0x24e: {  	v20 =	vmul.f32 v20, v55;
	_ =	sdelay $0x1  }
0x24f: {  	[tilespmem:s9+$0xFFFFFFB0] =	vst v20;
	v20 =	vld [tilespmem:s9+$0xFFFFFFC0];
	_ =	sdelay $0x2  }
0x250: {  	v56 =	vperm.xlane v19, v9;
	_ =	sdelay $0x1  }
0x251: {  	v20 =	vmul.f32 v20, v56;
	_ =	sdelay $0x1  }
0x252: {  	[tilespmem:s9+$0xFFFFFFC0] =	vst v20;
	v20 =	vld [tilespmem:s9+$0xFFFFFFD0];
	_ =	sdelay $0x4  }
0x253: {  	v20 =	vmul.f32 v20, v56;
	_ =	sdelay $0x1  }
0x254: {  	[tilespmem:s9+$0xFFFFFFD0] =	vst v20;
	v20 =	vld [tilespmem:s9+$0xFFFFFFE0];
	_ =	sdelay $0x4  }
0x255: {  	v20 =	vmul.f32 v20, v56;
	_ =	sdelay $0x1  }
0x256: {  	[tilespmem:s9+$0xFFFFFFE0] =	vst v20;
	v20 =	vld [tilespmem:s9+$0xFFFFFFF0];
	_ =	sdelay $0x4  }
0x257: {  	v20 =	vmul.f32 v20, v56;
	_ =	sdelay $0x1  }
0x258: {  	[tilespmem:s9+$0xFFFFFFF0] =	vst v20;
	v20 =	vld [tilespmem:s9+$0x0];
	_ =	sdelay $0x2  }
0x259: {  	v57 =	vperm.xlane v19, v10;
	_ =	sdelay $0x1  }
0x25a: {  	v20 =	vmul.f32 v20, v57;
	_ =	sdelay $0x1  }
0x25b: {  	[tilespmem:s9+$0x0] =	vst v20;
	v20 =	vld [tilespmem:s9+$0x10];
	_ =	sdelay $0x4  }
0x25c: {  	v20 =	vmul.f32 v20, v57;
	_ =	sdelay $0x1  }
0x25d: {  	[tilespmem:s9+$0x10] =	vst v20;
	v20 =	vld [tilespmem:s9+$0x20];
	_ =	sdelay $0x4  }
0x25e: {  	v20 =	vmul.f32 v20, v57;
	_ =	sdelay $0x1  }
0x25f: {  	[tilespmem:s9+$0x20] =	vst v20;
	v20 =	vld [tilespmem:s9+$0x30];
	_ =	sdelay $0x4  }
0x260: {  	v20 =	vmul.f32 v20, v57;
	_ =	sdelay $0x1  }
0x261: {  	[tilespmem:s9+$0x30] =	vst v20;
	v20 =	vld [tilespmem:s9+$0x40];
	_ =	sdelay $0x2  }
0x262: {  	v58 =	vperm.xlane v19, v11;
	_ =	sdelay $0x1  }
0x263: {  	v20 =	vmul.f32 v20, v58;
	_ =	sdelay $0x1  }
0x264: {  	[tilespmem:s9+$0x40] =	vst v20;
	v20 =	vld [tilespmem:s9+$0x50];
	_ =	sdelay $0x4  }
0x265: {  	v20 =	vmul.f32 v20, v58;
	_ =	sdelay $0x1  }
0x266: {  	[tilespmem:s9+$0x50] =	vst v20;
	v20 =	vld [tilespmem:s9+$0x60];
	_ =	sdelay $0x4  }
0x267: {  	v20 =	vmul.f32 v20, v58;
	_ =	sdelay $0x1  }
0x268: {  	[tilespmem:s9+$0x60] =	vst v20;
	v20 =	vld [tilespmem:s9+$0x70];
	_ =	sdelay $0x4  }
0x269: {  	v20 =	vmul.f32 v20, v58;
	_ =	sdelay $0x1  }
0x26a: {  	[tilespmem:s9+$0x70] =	vst v20;
	v20 =	vld [tilespmem:s9+$0x80];
	_ =	sdelay $0x2  }
0x26b: {  	v59 =	vperm.xlane v19, v12;
	_ =	sdelay $0x1  }
0x26c: {  	v20 =	vmul.f32 v20, v59;
	_ =	sdelay $0x1  }
0x26d: {  	[tilespmem:s9+$0x80] =	vst v20;
	v20 =	vld [tilespmem:s9+$0x90];
	_ =	sdelay $0x4  }
0x26e: {  	v20 =	vmul.f32 v20, v59;
	_ =	sdelay $0x1  }
0x26f: {  	[tilespmem:s9+$0x90] =	vst v20;
	v20 =	vld [tilespmem:s9+$0xA0];
	_ =	sdelay $0x4  }
0x270: {  	v20 =	vmul.f32 v20, v59;
	_ =	sdelay $0x1  }
0x271: {  	[tilespmem:s9+$0xA0] =	vst v20;
	v20 =	vld [tilespmem:s9+$0xB0];
	_ =	sdelay $0x4  }
0x272: {  	v20 =	vmul.f32 v20, v59;
	_ =	sdelay $0x1  }
0x273: {  	[tilespmem:s9+$0xB0] =	vst v20;
	v20 =	vld [tilespmem:s9+$0xC0];
	_ =	sdelay $0x2  }
0x274: {  	v60 =	vperm.xlane v19, v13;
	_ =	sdelay $0x1  }
0x275: {  	v20 =	vmul.f32 v20, v60;
	_ =	sdelay $0x1  }
0x276: {  	[tilespmem:s9+$0xC0] =	vst v20;
	v20 =	vld [tilespmem:s9+$0xD0];
	_ =	sdelay $0x4  }
0x277: {  	v20 =	vmul.f32 v20, v60;
	_ =	sdelay $0x1  }
0x278: {  	[tilespmem:s9+$0xD0] =	vst v20;
	v20 =	vld [tilespmem:s9+$0xE0];
	_ =	sdelay $0x4  }
0x279: {  	v20 =	vmul.f32 v20, v60;
	_ =	sdelay $0x1  }
0x27a: {  	[tilespmem:s9+$0xE0] =	vst v20;
	v20 =	vld [tilespmem:s9+$0xF0];
	_ =	sdelay $0x4  }
0x27b: {  	v20 =	vmul.f32 v20, v60;
	_ =	sdelay $0x1  }
0x27c: {  	[tilespmem:s9+$0xF0] =	vst v20;
	v20 =	vld [tilespmem:s9+$0x100];
	_ =	sdelay $0x2  }
0x27d: {  	v61 =	vperm.xlane v19, v14;
	_ =	sdelay $0x1  }
0x27e: {  	v20 =	vmul.f32 v20, v61;
	_ =	sdelay $0x1  }
0x27f: {  	[tilespmem:s9+$0x100] =	vst v20;
	v20 =	vld [tilespmem:s9+$0x110];
	_ =	sdelay $0x4  }
0x280: {  	v20 =	vmul.f32 v20, v61;
	_ =	sdelay $0x1  }
0x281: {  	[tilespmem:s9+$0x110] =	vst v20;
	v20 =	vld [tilespmem:s9+$0x120];
	_ =	sdelay $0x4  }
0x282: {  	v20 =	vmul.f32 v20, v61;
	_ =	sdelay $0x1  }
0x283: {  	[tilespmem:s9+$0x120] =	vst v20;
	v20 =	vld [tilespmem:s9+$0x130];
	_ =	sdelay $0x4  }
0x284: {  	v20 =	vmul.f32 v20, v61;
	_ =	sdelay $0x1  }
0x285: {  	[tilespmem:s9+$0x130] =	vst v20;
	v20 =	vld [tilespmem:s9+$0x140];
	_ =	sdelay $0x2  }
0x286: {  	v62 =	vperm.xlane v19, v15;
	_ =	sdelay $0x1  }
0x287: {  	v20 =	vmul.f32 v20, v62;
	_ =	sdelay $0x1  }
0x288: {  	[tilespmem:s9+$0x140] =	vst v20;
	v20 =	vld [tilespmem:s9+$0x150];
	_ =	sdelay $0x4  }
0x289: {  	v20 =	vmul.f32 v20, v62;
	_ =	sdelay $0x1  }
0x28a: {  	[tilespmem:s9+$0x150] =	vst v20;
	v20 =	vld [tilespmem:s9+$0x160];
	_ =	sdelay $0x4  }
0x28b: {  	v20 =	vmul.f32 v20, v62;
	_ =	sdelay $0x1  }
0x28c: {  	[tilespmem:s9+$0x160] =	vst v20;
	v20 =	vld [tilespmem:s9+$0x170];
	_ =	sdelay $0x4  }
0x28d: {  	v20 =	vmul.f32 v20, v62;
	_ =	sdelay $0x1  }
0x28e: {  	[tilespmem:s9+$0x170] =	vst v20;
	v20 =	vld [tilespmem:s9+$0x180];
	_ =	sdelay $0x2  }
0x28f: {  	v63 =	vperm.xlane v19, v16;
	_ =	sdelay $0x1  }
0x290: {  	v20 =	vmul.f32 v20, v63;
	_ =	sdelay $0x1  }
0x291: {  	[tilespmem:s9+$0x180] =	vst v20;
	v20 =	vld [tilespmem:s9+$0x190];
	_ =	sdelay $0x4  }
0x292: {  	v20 =	vmul.f32 v20, v63;
	_ =	sdelay $0x1  }
0x293: {  	[tilespmem:s9+$0x190] =	vst v20;
	v20 =	vld [tilespmem:s9+$0x1A0];
	_ =	sdelay $0x4  }
0x294: {  	v20 =	vmul.f32 v20, v63;
	_ =	sdelay $0x1  }
0x295: {  	[tilespmem:s9+$0x1A0] =	vst v20;
	v20 =	vld [tilespmem:s9+$0x1B0];
	_ =	sdelay $0x4  }
0x296: {  	v20 =	vmul.f32 v20, v63;
	_ =	sdelay $0x1  }
0x297: {  	[tilespmem:s9+$0x1B0] =	vst v20;
	v20 =	vld [tilespmem:s9+$0x1C0];
	_ =	sdelay $0x2  }
0x298: {  	v19 =	vperm.xlane v19, v17;
	_ =	sdelay $0x1  }
0x299: {  	v20 =	vmul.f32 v20, v19;
	_ =	sdelay $0x1  }
0x29a: {  	[tilespmem:s9+$0x1C0] =	vst v20;
	v20 =	vld [tilespmem:s9+$0x1D0];
	_ =	sdelay $0x4  }
0x29b: {  	v20 =	vmul.f32 v20, v19;
	_ =	sdelay $0x1  }
0x29c: {  	[tilespmem:s9+$0x1D0] =	vst v20;
	v20 =	vld [tilespmem:s9+$0x1E0];
	_ =	sdelay $0x4  }
0x29d: {  	v20 =	vmul.f32 v20, v19;
	_ =	sdelay $0x1  }
0x29e: {  	[tilespmem:s9+$0x1E0] =	vst v20;
	v20 =	vld [tilespmem:s9+$0x1F0];
	_ =	sdelay $0x1  }
0x29f: {  	p0 =	sne.s32 s26, $0x1C0  }
.Ltmp10:
0x2a0: {  	_ = 	snop;
	(pc) =	sbr.rel @p0 .LBB2_23-.Ltmp10, $3  }
0x2a1: {  	_ = 	snop  }
0x2a2: {  	v19 =	vmul.f32 v20, v19;
	_ =	sdelay $0x1  }
0x2a3: {  	s26 =	sadd.s32 $0x40, s26;
	[tilespmem:s9+$0x1F0] =	vst v19;
	s9 =	sadd.s32 $0x400, s9  }
0x2a4: {  	s9 =	sadd.s32 s25, s13;
	s21 =	sadd.s32 $0x1, s21  }
0x2a5: {  	s9 =	sshll.u32 s9, $0x3;
	p0 =	sne.s32 s21, $0xA  }
.Ltmp11:
0x2a6: {  	s9 =	sadd.s32 s6, s9;
	(pc) =	sbr.rel @p0 .LBB2_22-.Ltmp11, $4  }
0x2a7: {  	[hbm4b:s9+s3] =	stream.linear.scatter [tilespmem:s19], [sflag:$0x3], $0x2000, $0x38;
	[tilespmem:$0x1AC80] =	vst v63  }
0x2a8: {  	_ =	swait.ge [sflag:s30], $0x2000  }
0x2a9: {  	[sflag:s30] =	ssyncset.done $0x0  }
0x2aa: {  	s22 =	sadd.s32 $0x80, s22;
	[sflag:s30] =	ssyncadd.s32 $0xFFFFE000  }
0x2ab: {  	s20 =	sadd.s32 $0x1, s20;
	s9 =	rddreg [dreg:$0xa]  }
0x2ac: {  	p0 =	sne.s32 s20, s9  }
.Ltmp12:
0x2ad: {  	_ = 	snop;
	(pc) =	sbr.rel @p0 .LBB2_1-.Ltmp12, $1  }
0x2ae: {  	_ =	sdelay $0x3  }
0x2af: {  	_ =	sfence.sel $0x180000  }
0x2b0: {  	[bflag:$0x0] =	sbarrier.arrive $0xFFFF  }
0x2b1: {  	_ =	strace $0x90000047  }
0x2b2: {  	s0 =	stileid.u32;
	[bflag:$0x2] =	sbarrier.arrive $0xFFFF  }
0x2b3: {  	p0 =	sne.s32 s0, $0x0;
	s0 =	rddreg [dreg:$0x4]  }
0x2b4: {  	s0 =	sadd.s32 @!p0 $0x100000, s0  }
0x2b5: {  	[sflag:s0] =	ssyncadd.tile.s32 @!p0 $0x1;
	_ =	shalt  }
.Lfunc_end2:
_tile_overlayer_lowered:
.L_overlay_start_2:
0x2b6: {  	(tag) =	ssettag $0x2  }
0x2b7: {  	s0 =	rddreg [dreg:$0x0];
	s2 =	stileid.u32  }
0x2b8: {  	s1 =	rddreg [dreg:$0x1];
	p0 =	sne.s32 s2, $0x0  }
0x2b9: {  	s3 =	rddreg [dreg:$0x2];
	[bflag:$0x3] =	sbarrier.arrive $0xFFFF;
	s2 =	simm.s32 @!p0 $0x1C03  }
0x2ba: {  	[timem:s3], [sflag:s2] =	dma.local @!p0 [hbm:s0], s1  }
0x2bb: {  	s0 =	simm.s32 @!p0 $0x3  }
0x2bc: {  	_ =	swait.ge @!p0 [sflag:s0], s1  }
0x2bd: {  	s1 =	ssub.s32 @!p0 $0x0, s1;
	[sflag:s0] =	ssyncset.done @!p0 $0x0  }
0x2be: {  	[sflag:s0] =	ssyncadd.s32 @!p0 s1  }
0x2bf: {  	[bflag:$0x3] =	sbarrier.arrive $0xFFFF  }
0x2c0: {  	_ =	shalt  }

</sc_bundles>
